<compile_context>
chip_gen: v7x
topology: tpu7x:2x2x1
jax: 0.10.2.dev20260603
libtpu: 0.0.44.dev20260713+nightly
codegen_flags: <defaults>
</compile_context>

<pallas_src>
import functools

import jax
import jax.numpy as jnp
from jax import lax
from jax.experimental import pallas as pl
from jax.experimental.pallas import tpu as pltpu
from jax.experimental.pallas import tpu_sc as plsc

_NC, _NS, _L = 2, 16, 16
_NW = _NC * _NS


@functools.partial(jax.jit, static_argnums=(3, 4, 5))
def _sc_symmetry_loss(sp_flat, cp_flat, params, N, G3, G):
    B = sp_flat.size // (3 * N)
    CH = 4096
    NCHUNK = N // CH

    mesh = plsc.VectorSubcoreMesh(
        core_axis_name="c", subcore_axis_name="s",
        num_cores=_NC, num_subcores=_NS)

    @functools.partial(
        pl.kernel,
        out_type=(jax.ShapeDtypeStruct((_NW * _L,), jnp.float32),
                  jax.ShapeDtypeStruct((_NW * _L,), jnp.float32)),
        mesh=mesh,
        compiler_params=pltpu.CompilerParams(needs_layout_passes=False),
        scratch_types=[
            pltpu.VMEM((3 * G3,), jnp.float32),
            pltpu.VMEM((2 * 3 * CH,), jnp.float32),
            pltpu.VMEM((24,), jnp.float32),
            pltpu.VMEM((_L,), jnp.float32),
            pltpu.VMEM((_L,), jnp.float32),
            pltpu.SemaphoreType.DMA,
            pltpu.SemaphoreType.DMA,
            pltpu.SemaphoreType.DMA,
        ],
    )
    def launch(sp_ref, cp_ref, par_ref, oref_ref, orot_ref,
               tab, pbuf, pvm, obuf_r, obuf_o, sem_t, sem_c0, sem_c1):
        wid = lax.axis_index("s") * _NC + lax.axis_index("c")
        b = wid // 8
        csem = (sem_c0, sem_c1)

        def start_chunk(ch):
            buf = ch % 2
            cps = []
            for c in range(3):
                cps.append(pltpu.async_copy(
                    sp_ref.at[pl.ds((c * B + b) * N + ch * CH, CH)],
                    pbuf.at[pl.ds((3 * buf + c) * CH, CH)], csem[buf]))
            return cps

        tcps = [pltpu.async_copy(cp_ref.at[pl.ds((c * B + b) * G3, G3)],
                                 tab.at[pl.ds(c * G3, G3)], sem_t)
                for c in range(3)]
        tcps.append(pltpu.async_copy(
            par_ref.at[pl.ds(wid * 16, 16)], pvm.at[pl.ds(8, 16)], sem_t))
        chunk_cps = start_chunk(0)
        for cp_ in tcps:
            cp_.wait()

        def bc(i):
            return plsc.load_gather(pvm, [jnp.full((_L,), 8 + i, jnp.int32)])

        n0, n1, n2 = bc(0), bc(1), bc(2)
        w0, w1, w2 = bc(3), bc(4), bc(5)
        e = bc(6)
        s0, s1, s2 = bc(7), bc(8), bc(9)
        bnd, gsf, gmax = bc(10), bc(11), bc(12)
        lane = lax.broadcasted_iota(jnp.int32, (_L,), 0)

        def vox(t):
            v = (t + bnd) * gsf
            v = jnp.maximum(v, 0.0)
            v = jnp.minimum(v, gmax)
            return v.astype(jnp.int32)

        def body(bufref, j, acc_r, acc_o):
            base = lane + j * _L
            px = plsc.load_gather(bufref, [base])
            py = plsc.load_gather(bufref, [base + CH])
            pz = plsc.load_gather(bufref, [base + 2 * CH])

            dst = px * w0 + py * w1 + pz * w2 + e
            tx = px - dst * n0
            ty = py - dst * n1
            tz = pz - dst * n2
            f = (vox(tx) * G + vox(ty)) * G + vox(tz)
            cx = plsc.load_gather(tab, [f])
            cy = plsc.load_gather(tab, [f + G3])
            cz = plsc.load_gather(tab, [f + 2 * G3])
            dx, dy, dz = tx - cx, ty - cy, tz - cz
            acc_r = acc_r + ((dx * dx + dy * dy) + dz * dz)

            ux = s0 * px
            uy = s1 * py
            uz = s2 * pz
            g = (vox(ux) * G + vox(uy)) * G + vox(uz)
            qx = plsc.load_gather(tab, [g])
            qy = plsc.load_gather(tab, [g + G3])
            qz = plsc.load_gather(tab, [g + 2 * G3])
            ex, ey, ez = ux - qx, uy - qy, uz - qz
            acc_o = acc_o + ((ex * ex + ey * ey) + ez * ez)
            return acc_r, acc_o

        UN = 4
        zero = jnp.zeros((_L,), jnp.float32)
        accs = (zero,) * (2 * UN)
        for ch in range(NCHUNK):
            for cp_ in chunk_cps:
                cp_.wait()
            if ch + 1 < NCHUNK:
                next_cps = start_chunk(ch + 1)
            else:
                next_cps = []
            bufref = pbuf.at[pl.ds((ch % 2) * 3 * CH, 3 * CH)]

            def step(i, accs, bufref=bufref):
                out = []
                for k in range(UN):
                    out.extend(
                        body(bufref, i + k, accs[2 * k], accs[2 * k + 1]))
                return tuple(out)

            accs = plsc.parallel_loop(
                0, CH // _L, step=UN, carry=accs)(step)
            chunk_cps = next_cps

        acc_r = (accs[0] + accs[2]) + (accs[4] + accs[6])
        acc_o = (accs[1] + accs[3]) + (accs[5] + accs[7])
        obuf_r[...] = acc_r
        obuf_o[...] = acc_o
        pltpu.sync_copy(obuf_r, oref_ref.at[pl.ds(wid * _L, _L)])
        pltpu.sync_copy(obuf_o, orot_ref.at[pl.ds(wid * _L, _L)])

    return launch(sp_flat, cp_flat, params)


def kernel(sample_points, closest_points, bound, grid_size, planes, axes):
    B, N, _ = sample_points.shape
    G3 = closest_points.shape[1]
    G = round(G3 ** (1.0 / 3.0))
    T = planes.shape[0]

    n = planes[:, :, :3]
    d = planes[:, :, 3]
    s = jnp.sum(n * n, axis=2) + 1e-12
    inv = 2.0 / s
    w = inv[:, :, None] * n
    e = inv * d
    srot = -(axes[:, :, 1:] ** 2)

    bnd = bound[0].astype(jnp.float32)
    gsf = jnp.asarray(grid_size, jnp.float32)
    scal = jnp.stack([bnd, gsf, gsf - 1.0])

    def tb(x):
        return jnp.transpose(x, (1, 0, 2)).reshape(B * T, -1)

    params = jnp.concatenate([
        tb(n), tb(w), tb(e[:, :, None]), tb(srot),
        jnp.broadcast_to(scal, (B * T, 3)),
        jnp.zeros((B * T, 3), jnp.float32),
    ], axis=1).astype(jnp.float32)

    spT = jnp.transpose(sample_points, (2, 0, 1)).reshape(-1)
    cpT = jnp.transpose(closest_points, (2, 0, 1)).reshape(-1)

    oref, orot = _sc_symmetry_loss(spT, cpT, params.reshape(-1), N, G3, G)
    denom = jnp.float32(B * 3)
    return ((jnp.sum(oref) / denom).reshape(1),
            (jnp.sum(orot) / denom).reshape(1))

# --- scband reference (transcript-rebuilt; emitter-appended) ---
"""Pipeline reference for scband-symmetry-loss-24507083391600 (READ-ONLY COPY).

The authoritative reference and input builder live on the scoring server;
editing this copy changes nothing except your own understanding.
"""

import jax, jax.numpy as jnp
import numpy as np


def setup_inputs(seed: int = 0) -> dict:
    key = jax.random.key(seed)
    k1, k2, k3, k4 = jax.random.split(key, 4)
    B, N, G = 4, 16384, 32
    sample_points = jax.random.normal(k1, (B, N, 3), dtype=jnp.float32)
    closest_points = jax.random.normal(k2, (B, G * G * G, 3), dtype=jnp.float32)
    bound = jnp.ones((1,), dtype=jnp.float32)
    planes = jax.random.normal(k3, (8, B, 4), dtype=jnp.float32)
    axes = jax.random.normal(k4, (8, B, 4), dtype=jnp.float32)
    return {"sample_points": sample_points, "closest_points": closest_points, "bound": bound, "grid_size": G, "planes": planes, "axes": axes}


def _dist_count(points, closest_points, bound, grid_size, weight=1.0):
    G_static = round(closest_points.shape[1] ** (1.0 / 3.0))
    cp = closest_points.reshape(-1, G_static, G_static, G_static, 3)
    indices = jnp.floor((points + bound) * grid_size).astype(jnp.int32)
    indices = jnp.clip(indices, 0, grid_size - 1)
    b = jnp.arange(points.shape[0])[:, None]
    closest = cp[b, indices[..., 0], indices[..., 1], indices[..., 2]]
    dist = points - closest
    norm_dist = jnp.power(dist, 2)
    return jnp.mean(jnp.sum(norm_dist, axis=1)) * weight


def _acc_reflect(plane, sample_points, closest_points, bound, grid_size):
    points = sample_points
    plane_u = plane[:, None, :]
    n = plane_u[:, :, :3]
    d = plane_u[:, :, 3]
    dst = 2 * (jnp.sum(points * n, axis=2) + d) / (jnp.sum(n * n, axis=2) + 1e-12)
    dst = dst[:, :, None]
    points_t = points - dst * n
    return _dist_count(points_t, closest_points, bound, grid_size)


def _acc_rotate(quat, sample_points, closest_points, bound, grid_size):
    points = sample_points
    B, N, _ = points.shape
    points_h = jnp.concatenate((jnp.zeros((B, N, 1), dtype=points.dtype), points), axis=2)
    quat_u = quat[:, None, :]
    quat_inv = quat_u * jnp.array([1.0, -1.0, -1.0, -1.0], dtype=quat.dtype)
    points_t = quat_u * points_h * quat_inv
    points_t = points_t[:, :, 1:]
    return _dist_count(points_t, closest_points, bound, grid_size)


def reference(sample_points, closest_points, bound, grid_size, planes, axes):
    b0 = bound[0]
    ref_loss = jnp.zeros((1,), dtype=jnp.float32)
    rot_loss = jnp.zeros((1,), dtype=jnp.float32)
    for i in range(planes.shape[0]):
        ref_loss = ref_loss + _acc_reflect(planes[i], sample_points, closest_points, b0, grid_size)
    for i in range(axes.shape[0]):
        rot_loss = rot_loss + _acc_rotate(axes[i], sample_points, closest_points, b0, grid_size)
    return (ref_loss, rot_loss)

if __name__ == "__main__":
    import jax
    _d = setup_inputs()
    print(jax.jit(kernel)(*tuple(_d.values())))

</pallas_src>

<mosaic_0001>
#map = affine_map<(d0, d1) -> (0)>
module attributes {stable_mosaic.version = 14 : i64} {
  func.func @launch(%arg0: i32, %arg1: i32, %arg2: memref<196608xf32, #tpu.memory_space<hbm>>, %arg3: memref<393216xf32, #tpu.memory_space<hbm>>, %arg4: memref<512xf32, #tpu.memory_space<hbm>>, %arg5: memref<512xf32, #tpu.memory_space<hbm>>, %arg6: memref<512xf32, #tpu.memory_space<hbm>>, %arg7: memref<98304xf32, #tpu.memory_space<vmem>>, %arg8: memref<24576xf32, #tpu.memory_space<vmem>>, %arg9: memref<24xf32, #tpu.memory_space<vmem>>, %arg10: memref<16xf32, #tpu.memory_space<vmem>>, %arg11: memref<16xf32, #tpu.memory_space<vmem>>, %arg12: memref<!tpu.dma_semaphore, #tpu.memory_space<semaphore_mem>>, %arg13: memref<!tpu.dma_semaphore, #tpu.memory_space<semaphore_mem>>, %arg14: memref<!tpu.dma_semaphore, #tpu.memory_space<semaphore_mem>>) attributes {dimension_semantics = [#tpu.dimension_semantics<core_parallel>, #tpu.dimension_semantics<subcore_parallel>], iteration_bounds = array<i64: 2, 16>, scalar_prefetch = 0 : i64, scratch_operands = 8 : i64, tpu.core_type = #tpu.core_type<sc_vector_subcore>, window_params = [{transform_indices = #map}, {transform_indices = #map}, {transform_indices = #map}, {transform_indices = #map}, {transform_indices = #map}]} {
    %mul3A = arith.constant 2 : i32
    %mul3A_0 = arith.muli %arg1, %mul3A : i32
    %add3A = arith.addi %mul3A_0, %arg0 : i32
    %jit3A = arith.constant 8 : i32
    %div3A = arith.divsi %add3A, %jit3A : i32
    %sign3A = arith.constant 0 : i32
    %sign3A_1 = arith.cmpi sgt, %add3A, %sign3A : i32
    %sign3A_2 = arith.extui %sign3A_1 : i1 to i32
    %sign3A_3 = arith.constant 0 : i32
    %sign3A_4 = arith.cmpi slt, %add3A, %sign3A_3 : i32
    %sign3A_5 = arith.extui %sign3A_4 : i1 to i32
    %sign3A_6 = arith.subi %sign3A_2, %sign3A_5 : i32
    %sign3A_7 = arith.constant 0 : i32
    %sign3A_8 = arith.cmpi sgt, %jit3A, %sign3A_7 : i32
    %sign3A_9 = arith.extui %sign3A_8 : i1 to i32
    %sign3A_10 = arith.constant 0 : i32
    %sign3A_11 = arith.cmpi slt, %jit3A, %sign3A_10 : i32
    %sign3A_12 = arith.extui %sign3A_11 : i1 to i32
    %sign3A_13 = arith.subi %sign3A_9, %sign3A_12 : i32
    %ne3A = arith.cmpi ne, %sign3A_6, %sign3A_13 : i32
    %rem3A = arith.remsi %add3A, %jit3A : i32
    %ne3A_14 = arith.constant 0 : i32
    %ne3A_15 = arith.cmpi ne, %rem3A, %ne3A_14 : i32
    %and3A = arith.andi %ne3A, %ne3A_15 : i1
    %sub3A = arith.constant 1 : i32
    %sub3A_16 = arith.subi %div3A, %sub3A : i32
    %select_n3A = arith.select %and3A, %sub3A_16, %div3A : i32
    %add3A_17 = arith.constant 0 : i32
    %add3A_18 = arith.addi %add3A_17, %select_n3A : i32
    %mul3A_19 = arith.constant 32768 : i32
    %mul3A_20 = arith.muli %add3A_18, %mul3A_19 : i32
    %dma_start3A = arith.constant 0 : i32
    %dma_start3A_21 = tpu.memref_slice %arg7[%dma_start3A] : memref<98304xf32, #tpu.memory_space<vmem>> -> memref<32768xf32, #tpu.memory_space<vmem>>
    %dma_start3A_22 = tpu.memref_slice %arg3[%mul3A_20] : memref<393216xf32, #tpu.memory_space<hbm>> -> memref<32768xf32, #tpu.memory_space<hbm>>
    %dma_start3A_23 = arith.constant 0 : i32
    %dma_start3A_24 = tpu.memref_slice %arg7[%dma_start3A_23] : memref<98304xf32, #tpu.memory_space<vmem>> -> memref<32768xf32, #tpu.memory_space<vmem>>
    %dma_start3A_25 = tpu.memref_slice %arg3[%mul3A_20] : memref<393216xf32, #tpu.memory_space<hbm>> -> memref<32768xf32, #tpu.memory_space<hbm>>
    tpu.enqueue_dma source(%dma_start3A_25 : memref<32768xf32, #tpu.memory_space<hbm>>) target(%dma_start3A_24 : memref<32768xf32, #tpu.memory_space<vmem>>) target_semaphore(%arg12 : memref<!tpu.dma_semaphore, #tpu.memory_space<semaphore_mem>>)
    %add3A_26 = arith.constant 4 : i32
    %add3A_27 = arith.addi %add3A_26, %select_n3A : i32
    %mul3A_28 = arith.constant 32768 : i32
    %mul3A_29 = arith.muli %add3A_27, %mul3A_28 : i32
    %dma_start3A_30 = arith.constant 32768 : i32
    %dma_start3A_31 = tpu.memref_slice %arg7[%dma_start3A_30] : memref<98304xf32, #tpu.memory_space<vmem>> -> memref<32768xf32, #tpu.memory_space<vmem>>
    %dma_start3A_32 = tpu.memref_slice %arg3[%mul3A_29] : memref<393216xf32, #tpu.memory_space<hbm>> -> memref<32768xf32, #tpu.memory_space<hbm>>
    %dma_start3A_33 = arith.constant 32768 : i32
    %dma_start3A_34 = tpu.memref_slice %arg7[%dma_start3A_33] : memref<98304xf32, #tpu.memory_space<vmem>> -> memref<32768xf32, #tpu.memory_space<vmem>>
    %dma_start3A_35 = tpu.memref_slice %arg3[%mul3A_29] : memref<393216xf32, #tpu.memory_space<hbm>> -> memref<32768xf32, #tpu.memory_space<hbm>>
    tpu.enqueue_dma source(%dma_start3A_35 : memref<32768xf32, #tpu.memory_space<hbm>>) target(%dma_start3A_34 : memref<32768xf32, #tpu.memory_space<vmem>>) target_semaphore(%arg12 : memref<!tpu.dma_semaphore, #tpu.memory_space<semaphore_mem>>)
    %add3A_36 = arith.constant 8 : i32
    %add3A_37 = arith.addi %add3A_36, %select_n3A : i32
    %mul3A_38 = arith.constant 32768 : i32
    %mul3A_39 = arith.muli %add3A_37, %mul3A_38 : i32
    %dma_start3A_40 = arith.constant 65536 : i32
    %dma_start3A_41 = tpu.memref_slice %arg7[%dma_start3A_40] : memref<98304xf32, #tpu.memory_space<vmem>> -> memref<32768xf32, #tpu.memory_space<vmem>>
    %dma_start3A_42 = tpu.memref_slice %arg3[%mul3A_39] : memref<393216xf32, #tpu.memory_space<hbm>> -> memref<32768xf32, #tpu.memory_space<hbm>>
    %dma_start3A_43 = arith.constant 65536 : i32
    %dma_start3A_44 = tpu.memref_slice %arg7[%dma_start3A_43] : memref<98304xf32, #tpu.memory_space<vmem>> -> memref<32768xf32, #tpu.memory_space<vmem>>
    %dma_start3A_45 = tpu.memref_slice %arg3[%mul3A_39] : memref<393216xf32, #tpu.memory_space<hbm>> -> memref<32768xf32, #tpu.memory_space<hbm>>
    tpu.enqueue_dma source(%dma_start3A_45 : memref<32768xf32, #tpu.memory_space<hbm>>) target(%dma_start3A_44 : memref<32768xf32, #tpu.memory_space<vmem>>) target_semaphore(%arg12 : memref<!tpu.dma_semaphore, #tpu.memory_space<semaphore_mem>>)
    %mul3A_46 = arith.constant 16 : i32
    %mul3A_47 = arith.muli %add3A, %mul3A_46 : i32
    %dma_start3A_48 = arith.constant 8 : i32
    %dma_start3A_49 = tpu.memref_slice %arg9[%dma_start3A_48] : memref<24xf32, #tpu.memory_space<vmem>> -> memref<16xf32, #tpu.memory_space<vmem>>
    %dma_start3A_50 = tpu.memref_slice %arg4[%mul3A_47] : memref<512xf32, #tpu.memory_space<hbm>> -> memref<16xf32, #tpu.memory_space<hbm>>
    %dma_start3A_51 = arith.constant 8 : i32
    %dma_start3A_52 = tpu.memref_slice %arg9[%dma_start3A_51] : memref<24xf32, #tpu.memory_space<vmem>> -> memref<16xf32, #tpu.memory_space<vmem>>
    %dma_start3A_53 = tpu.memref_slice %arg4[%mul3A_47] : memref<512xf32, #tpu.memory_space<hbm>> -> memref<16xf32, #tpu.memory_space<hbm>>
    tpu.enqueue_dma source(%dma_start3A_53 : memref<16xf32, #tpu.memory_space<hbm>>) target(%dma_start3A_52 : memref<16xf32, #tpu.memory_space<vmem>>) target_semaphore(%arg12 : memref<!tpu.dma_semaphore, #tpu.memory_space<semaphore_mem>>)
    %add3A_54 = arith.constant 0 : i32
    %add3A_55 = arith.addi %add3A_54, %select_n3A : i32
    %mul3A_56 = arith.constant 16384 : i32
    %mul3A_57 = arith.muli %add3A_55, %mul3A_56 : i32
    %add3A_58 = arith.constant 0 : i32
    %add3A_59 = arith.addi %mul3A_57, %add3A_58 : i32
    %dma_start3A_60 = arith.constant 0 : i32
    %dma_start3A_61 = tpu.memref_slice %arg8[%dma_start3A_60] : memref<24576xf32, #tpu.memory_space<vmem>> -> memref<4096xf32, #tpu.memory_space<vmem>>
    %dma_start3A_62 = tpu.memref_slice %arg2[%add3A_59] : memref<196608xf32, #tpu.memory_space<hbm>> -> memref<4096xf32, #tpu.memory_space<hbm>>
    %dma_start3A_63 = arith.constant 0 : i32
    %dma_start3A_64 = tpu.memref_slice %arg8[%dma_start3A_63] : memref<24576xf32, #tpu.memory_space<vmem>> -> memref<4096xf32, #tpu.memory_space<vmem>>
    %dma_start3A_65 = tpu.memref_slice %arg2[%add3A_59] : memref<196608xf32, #tpu.memory_space<hbm>> -> memref<4096xf32, #tpu.memory_space<hbm>>
    tpu.enqueue_dma source(%dma_start3A_65 : memref<4096xf32, #tpu.memory_space<hbm>>) target(%dma_start3A_64 : memref<4096xf32, #tpu.memory_space<vmem>>) target_semaphore(%arg13 : memref<!tpu.dma_semaphore, #tpu.memory_space<semaphore_mem>>)
    %add3A_66 = arith.constant 4 : i32
    %add3A_67 = arith.addi %add3A_66, %select_n3A : i32
    %mul3A_68 = arith.constant 16384 : i32
    %mul3A_69 = arith.muli %add3A_67, %mul3A_68 : i32
    %add3A_70 = arith.constant 0 : i32
    %add3A_71 = arith.addi %mul3A_69, %add3A_70 : i32
    %dma_start3A_72 = arith.constant 4096 : i32
    %dma_start3A_73 = tpu.memref_slice %arg8[%dma_start3A_72] : memref<24576xf32, #tpu.memory_space<vmem>> -> memref<4096xf32, #tpu.memory_space<vmem>>
    %dma_start3A_74 = tpu.memref_slice %arg2[%add3A_71] : memref<196608xf32, #tpu.memory_space<hbm>> -> memref<4096xf32, #tpu.memory_space<hbm>>
    %dma_start3A_75 = arith.constant 4096 : i32
    %dma_start3A_76 = tpu.memref_slice %arg8[%dma_start3A_75] : memref<24576xf32, #tpu.memory_space<vmem>> -> memref<4096xf32, #tpu.memory_space<vmem>>
    %dma_start3A_77 = tpu.memref_slice %arg2[%add3A_71] : memref<196608xf32, #tpu.memory_space<hbm>> -> memref<4096xf32, #tpu.memory_space<hbm>>
    tpu.enqueue_dma source(%dma_start3A_77 : memref<4096xf32, #tpu.memory_space<hbm>>) target(%dma_start3A_76 : memref<4096xf32, #tpu.memory_space<vmem>>) target_semaphore(%arg13 : memref<!tpu.dma_semaphore, #tpu.memory_space<semaphore_mem>>)
    %add3A_78 = arith.constant 8 : i32
    %add3A_79 = arith.addi %add3A_78, %select_n3A : i32
    %mul3A_80 = arith.constant 16384 : i32
    %mul3A_81 = arith.muli %add3A_79, %mul3A_80 : i32
    %add3A_82 = arith.constant 0 : i32
    %add3A_83 = arith.addi %mul3A_81, %add3A_82 : i32
    %dma_start3A_84 = arith.constant 8192 : i32
    %dma_start3A_85 = tpu.memref_slice %arg8[%dma_start3A_84] : memref<24576xf32, #tpu.memory_space<vmem>> -> memref<4096xf32, #tpu.memory_space<vmem>>
    %dma_start3A_86 = tpu.memref_slice %arg2[%add3A_83] : memref<196608xf32, #tpu.memory_space<hbm>> -> memref<4096xf32, #tpu.memory_space<hbm>>
    %dma_start3A_87 = arith.constant 8192 : i32
    %dma_start3A_88 = tpu.memref_slice %arg8[%dma_start3A_87] : memref<24576xf32, #tpu.memory_space<vmem>> -> memref<4096xf32, #tpu.memory_space<vmem>>
    %dma_start3A_89 = tpu.memref_slice %arg2[%add3A_83] : memref<196608xf32, #tpu.memory_space<hbm>> -> memref<4096xf32, #tpu.memory_space<hbm>>
    tpu.enqueue_dma source(%dma_start3A_89 : memref<4096xf32, #tpu.memory_space<hbm>>) target(%dma_start3A_88 : memref<4096xf32, #tpu.memory_space<vmem>>) target_semaphore(%arg13 : memref<!tpu.dma_semaphore, #tpu.memory_space<semaphore_mem>>)
    %dma_wait3A = arith.constant 0 : i32
    %dma_wait3A_90 = tpu.memref_slice %arg7[%dma_wait3A] : memref<98304xf32, #tpu.memory_space<vmem>> -> memref<32768xf32, #tpu.memory_space<vmem>>
    %dma_wait3A_91 = tpu.memref_slice %arg3[%mul3A_20] : memref<393216xf32, #tpu.memory_space<hbm>> -> memref<32768xf32, #tpu.memory_space<hbm>>
    %dma_wait3A_92 = arith.constant 0 : i32
    %dma_wait3A_93 = tpu.memref_slice %arg7[%dma_wait3A_92] : memref<98304xf32, #tpu.memory_space<vmem>> -> memref<32768xf32, #tpu.memory_space<vmem>>
    %dma_wait3A_94 = tpu.memref_slice %arg3[%mul3A_20] : memref<393216xf32, #tpu.memory_space<hbm>> -> memref<32768xf32, #tpu.memory_space<hbm>>
    tpu.wait_dma2 semaphore(%arg12 : memref<!tpu.dma_semaphore, #tpu.memory_space<semaphore_mem>>) src(%dma_wait3A_94 : memref<32768xf32, #tpu.memory_space<hbm>>) dst(%dma_wait3A_93 : memref<32768xf32, #tpu.memory_space<vmem>>)
    %dma_wait3A_95 = arith.constant 32768 : i32
    %dma_wait3A_96 = tpu.memref_slice %arg7[%dma_wait3A_95] : memref<98304xf32, #tpu.memory_space<vmem>> -> memref<32768xf32, #tpu.memory_space<vmem>>
    %dma_wait3A_97 = tpu.memref_slice %arg3[%mul3A_29] : memref<393216xf32, #tpu.memory_space<hbm>> -> memref<32768xf32, #tpu.memory_space<hbm>>
    %dma_wait3A_98 = arith.constant 32768 : i32
    %dma_wait3A_99 = tpu.memref_slice %arg7[%dma_wait3A_98] : memref<98304xf32, #tpu.memory_space<vmem>> -> memref<32768xf32, #tpu.memory_space<vmem>>
    %dma_wait3A_100 = tpu.memref_slice %arg3[%mul3A_29] : memref<393216xf32, #tpu.memory_space<hbm>> -> memref<32768xf32, #tpu.memory_space<hbm>>
    tpu.wait_dma2 semaphore(%arg12 : memref<!tpu.dma_semaphore, #tpu.memory_space<semaphore_mem>>) src(%dma_wait3A_100 : memref<32768xf32, #tpu.memory_space<hbm>>) dst(%dma_wait3A_99 : memref<32768xf32, #tpu.memory_space<vmem>>)
    %dma_wait3A_101 = arith.constant 65536 : i32
    %dma_wait3A_102 = tpu.memref_slice %arg7[%dma_wait3A_101] : memref<98304xf32, #tpu.memory_space<vmem>> -> memref<32768xf32, #tpu.memory_space<vmem>>
    %dma_wait3A_103 = tpu.memref_slice %arg3[%mul3A_39] : memref<393216xf32, #tpu.memory_space<hbm>> -> memref<32768xf32, #tpu.memory_space<hbm>>
    %dma_wait3A_104 = arith.constant 65536 : i32
    %dma_wait3A_105 = tpu.memref_slice %arg7[%dma_wait3A_104] : memref<98304xf32, #tpu.memory_space<vmem>> -> memref<32768xf32, #tpu.memory_space<vmem>>
    %dma_wait3A_106 = tpu.memref_slice %arg3[%mul3A_39] : memref<393216xf32, #tpu.memory_space<hbm>> -> memref<32768xf32, #tpu.memory_space<hbm>>
    tpu.wait_dma2 semaphore(%arg12 : memref<!tpu.dma_semaphore, #tpu.memory_space<semaphore_mem>>) src(%dma_wait3A_106 : memref<32768xf32, #tpu.memory_space<hbm>>) dst(%dma_wait3A_105 : memref<32768xf32, #tpu.memory_space<vmem>>)
    %dma_wait3A_107 = arith.constant 8 : i32
    %dma_wait3A_108 = tpu.memref_slice %arg9[%dma_wait3A_107] : memref<24xf32, #tpu.memory_space<vmem>> -> memref<16xf32, #tpu.memory_space<vmem>>
    %dma_wait3A_109 = tpu.memref_slice %arg4[%mul3A_47] : memref<512xf32, #tpu.memory_space<hbm>> -> memref<16xf32, #tpu.memory_space<hbm>>
    %dma_wait3A_110 = arith.constant 8 : i32
    %dma_wait3A_111 = tpu.memref_slice %arg9[%dma_wait3A_110] : memref<24xf32, #tpu.memory_space<vmem>> -> memref<16xf32, #tpu.memory_space<vmem>>
    %dma_wait3A_112 = tpu.memref_slice %arg4[%mul3A_47] : memref<512xf32, #tpu.memory_space<hbm>> -> memref<16xf32, #tpu.memory_space<hbm>>
    tpu.wait_dma2 semaphore(%arg12 : memref<!tpu.dma_semaphore, #tpu.memory_space<semaphore_mem>>) src(%dma_wait3A_112 : memref<16xf32, #tpu.memory_space<hbm>>) dst(%dma_wait3A_111 : memref<16xf32, #tpu.memory_space<vmem>>)
    %broadcast_in_dim3A = arith.constant 8 : i32
    %broadcast_in_dim3A_113 = vector.broadcast %broadcast_in_dim3A : i32 to vector<16xi32>
    %gather3A = tpu.vector_load_idx %arg9[%broadcast_in_dim3A_113] : memref<24xf32, #tpu.memory_space<vmem>>[vector<16xi32>], vector<16xf32>,
    %broadcast_in_dim3A_114 = arith.constant 9 : i32
    %broadcast_in_dim3A_115 = vector.broadcast %broadcast_in_dim3A_114 : i32 to vector<16xi32>
    %gather3A_116 = tpu.vector_load_idx %arg9[%broadcast_in_dim3A_115] : memref<24xf32, #tpu.memory_space<vmem>>[vector<16xi32>], vector<16xf32>,
    %broadcast_in_dim3A_117 = arith.constant 10 : i32
    %broadcast_in_dim3A_118 = vector.broadcast %broadcast_in_dim3A_117 : i32 to vector<16xi32>
    %gather3A_119 = tpu.vector_load_idx %arg9[%broadcast_in_dim3A_118] : memref<24xf32, #tpu.memory_space<vmem>>[vector<16xi32>], vector<16xf32>,
    %broadcast_in_dim3A_120 = arith.constant 11 : i32
    %broadcast_in_dim3A_121 = vector.broadcast %broadcast_in_dim3A_120 : i32 to vector<16xi32>
    %gather3A_122 = tpu.vector_load_idx %arg9[%broadcast_in_dim3A_121] : memref<24xf32, #tpu.memory_space<vmem>>[vector<16xi32>], vector<16xf32>,
    %broadcast_in_dim3A_123 = arith.constant 12 : i32
    %broadcast_in_dim3A_124 = vector.broadcast %broadcast_in_dim3A_123 : i32 to vector<16xi32>
    %gather3A_125 = tpu.vector_load_idx %arg9[%broadcast_in_dim3A_124] : memref<24xf32, #tpu.memory_space<vmem>>[vector<16xi32>], vector<16xf32>,
    %broadcast_in_dim3A_126 = arith.constant 13 : i32
    %broadcast_in_dim3A_127 = vector.broadcast %broadcast_in_dim3A_126 : i32 to vector<16xi32>
    %gather3A_128 = tpu.vector_load_idx %arg9[%broadcast_in_dim3A_127] : memref<24xf32, #tpu.memory_space<vmem>>[vector<16xi32>], vector<16xf32>,
    %broadcast_in_dim3A_129 = arith.constant 14 : i32
    %broadcast_in_dim3A_130 = vector.broadcast %broadcast_in_dim3A_129 : i32 to vector<16xi32>
    %gather3A_131 = tpu.vector_load_idx %arg9[%broadcast_in_dim3A_130] : memref<24xf32, #tpu.memory_space<vmem>>[vector<16xi32>], vector<16xf32>,
    %broadcast_in_dim3A_132 = arith.constant 15 : i32
    %broadcast_in_dim3A_133 = vector.broadcast %broadcast_in_dim3A_132 : i32 to vector<16xi32>
    %gather3A_134 = tpu.vector_load_idx %arg9[%broadcast_in_dim3A_133] : memref<24xf32, #tpu.memory_space<vmem>>[vector<16xi32>], vector<16xf32>,
    %broadcast_in_dim3A_135 = arith.constant 16 : i32
    %broadcast_in_dim3A_136 = vector.broadcast %broadcast_in_dim3A_135 : i32 to vector<16xi32>
    %gather3A_137 = tpu.vector_load_idx %arg9[%broadcast_in_dim3A_136] : memref<24xf32, #tpu.memory_space<vmem>>[vector<16xi32>], vector<16xf32>,
    %broadcast_in_dim3A_138 = arith.constant 17 : i32
    %broadcast_in_dim3A_139 = vector.broadcast %broadcast_in_dim3A_138 : i32 to vector<16xi32>
    %gather3A_140 = tpu.vector_load_idx %arg9[%broadcast_in_dim3A_139] : memref<24xf32, #tpu.memory_space<vmem>>[vector<16xi32>], vector<16xf32>,
    %broadcast_in_dim3A_141 = arith.constant 18 : i32
    %broadcast_in_dim3A_142 = vector.broadcast %broadcast_in_dim3A_141 : i32 to vector<16xi32>
    %gather3A_143 = tpu.vector_load_idx %arg9[%broadcast_in_dim3A_142] : memref<24xf32, #tpu.memory_space<vmem>>[vector<16xi32>], vector<16xf32>,
    %broadcast_in_dim3A_144 = arith.constant 19 : i32
    %broadcast_in_dim3A_145 = vector.broadcast %broadcast_in_dim3A_144 : i32 to vector<16xi32>
    %gather3A_146 = tpu.vector_load_idx %arg9[%broadcast_in_dim3A_145] : memref<24xf32, #tpu.memory_space<vmem>>[vector<16xi32>], vector<16xf32>,
    %broadcast_in_dim3A_147 = arith.constant 20 : i32
    %broadcast_in_dim3A_148 = vector.broadcast %broadcast_in_dim3A_147 : i32 to vector<16xi32>
    %gather3A_149 = tpu.vector_load_idx %arg9[%broadcast_in_dim3A_148] : memref<24xf32, #tpu.memory_space<vmem>>[vector<16xi32>], vector<16xf32>,
    %iota3A = tpu.iota {dimensions = array<i32: 0>} : vector<16xi32>
    %broadcast_in_dim3A_150 = arith.constant 0.000000e+00 : f32
    %broadcast_in_dim3A_151 = vector.broadcast %broadcast_in_dim3A_150 : f32 to vector<16xf32>
    %dma_wait3A_152 = arith.constant 0 : i32
    %dma_wait3A_153 = tpu.memref_slice %arg8[%dma_wait3A_152] : memref<24576xf32, #tpu.memory_space<vmem>> -> memref<4096xf32, #tpu.memory_space<vmem>>
    %dma_wait3A_154 = tpu.memref_slice %arg2[%add3A_59] : memref<196608xf32, #tpu.memory_space<hbm>> -> memref<4096xf32, #tpu.memory_space<hbm>>
    %dma_wait3A_155 = arith.constant 0 : i32
    %dma_wait3A_156 = tpu.memref_slice %arg8[%dma_wait3A_155] : memref<24576xf32, #tpu.memory_space<vmem>> -> memref<4096xf32, #tpu.memory_space<vmem>>
    %dma_wait3A_157 = tpu.memref_slice %arg2[%add3A_59] : memref<196608xf32, #tpu.memory_space<hbm>> -> memref<4096xf32, #tpu.memory_space<hbm>>
    tpu.wait_dma2 semaphore(%arg13 : memref<!tpu.dma_semaphore, #tpu.memory_space<semaphore_mem>>) src(%dma_wait3A_157 : memref<4096xf32, #tpu.memory_space<hbm>>) dst(%dma_wait3A_156 : memref<4096xf32, #tpu.memory_space<vmem>>)
    %dma_wait3A_158 = arith.constant 4096 : i32
    %dma_wait3A_159 = tpu.memref_slice %arg8[%dma_wait3A_158] : memref<24576xf32, #tpu.memory_space<vmem>> -> memref<4096xf32, #tpu.memory_space<vmem>>
    %dma_wait3A_160 = tpu.memref_slice %arg2[%add3A_71] : memref<196608xf32, #tpu.memory_space<hbm>> -> memref<4096xf32, #tpu.memory_space<hbm>>
    %dma_wait3A_161 = arith.constant 4096 : i32
    %dma_wait3A_162 = tpu.memref_slice %arg8[%dma_wait3A_161] : memref<24576xf32, #tpu.memory_space<vmem>> -> memref<4096xf32, #tpu.memory_space<vmem>>
    %dma_wait3A_163 = tpu.memref_slice %arg2[%add3A_71] : memref<196608xf32, #tpu.memory_space<hbm>> -> memref<4096xf32, #tpu.memory_space<hbm>>
    tpu.wait_dma2 semaphore(%arg13 : memref<!tpu.dma_semaphore, #tpu.memory_space<semaphore_mem>>) src(%dma_wait3A_163 : memref<4096xf32, #tpu.memory_space<hbm>>) dst(%dma_wait3A_162 : memref<4096xf32, #tpu.memory_space<vmem>>)
    %dma_wait3A_164 = arith.constant 8192 : i32
    %dma_wait3A_165 = tpu.memref_slice %arg8[%dma_wait3A_164] : memref<24576xf32, #tpu.memory_space<vmem>> -> memref<4096xf32, #tpu.memory_space<vmem>>
    %dma_wait3A_166 = tpu.memref_slice %arg2[%add3A_83] : memref<196608xf32, #tpu.memory_space<hbm>> -> memref<4096xf32, #tpu.memory_space<hbm>>
    %dma_wait3A_167 = arith.constant 8192 : i32
    %dma_wait3A_168 = tpu.memref_slice %arg8[%dma_wait3A_167] : memref<24576xf32, #tpu.memory_space<vmem>> -> memref<4096xf32, #tpu.memory_space<vmem>>
    %dma_wait3A_169 = tpu.memref_slice %arg2[%add3A_83] : memref<196608xf32, #tpu.memory_space<hbm>> -> memref<4096xf32, #tpu.memory_space<hbm>>
    tpu.wait_dma2 semaphore(%arg13 : memref<!tpu.dma_semaphore, #tpu.memory_space<semaphore_mem>>) src(%dma_wait3A_169 : memref<4096xf32, #tpu.memory_space<hbm>>) dst(%dma_wait3A_168 : memref<4096xf32, #tpu.memory_space<vmem>>)
    %add3A_170 = arith.constant 0 : i32
    %add3A_171 = arith.addi %add3A_170, %select_n3A : i32
    %mul3A_172 = arith.constant 16384 : i32
    %mul3A_173 = arith.muli %add3A_171, %mul3A_172 : i32
    %add3A_174 = arith.constant 4096 : i32
    %add3A_175 = arith.addi %mul3A_173, %add3A_174 : i32
    %dma_start3A_176 = arith.constant 12288 : i32
    %dma_start3A_177 = tpu.memref_slice %arg8[%dma_start3A_176] : memref<24576xf32, #tpu.memory_space<vmem>> -> memref<4096xf32, #tpu.memory_space<vmem>>
    %dma_start3A_178 = tpu.memref_slice %arg2[%add3A_175] : memref<196608xf32, #tpu.memory_space<hbm>> -> memref<4096xf32, #tpu.memory_space<hbm>>
    %dma_start3A_179 = arith.constant 12288 : i32
    %dma_start3A_180 = tpu.memref_slice %arg8[%dma_start3A_179] : memref<24576xf32, #tpu.memory_space<vmem>> -> memref<4096xf32, #tpu.memory_space<vmem>>
    %dma_start3A_181 = tpu.memref_slice %arg2[%add3A_175] : memref<196608xf32, #tpu.memory_space<hbm>> -> memref<4096xf32, #tpu.memory_space<hbm>>
    tpu.enqueue_dma source(%dma_start3A_181 : memref<4096xf32, #tpu.memory_space<hbm>>) target(%dma_start3A_180 : memref<4096xf32, #tpu.memory_space<vmem>>) target_semaphore(%arg14 : memref<!tpu.dma_semaphore, #tpu.memory_space<semaphore_mem>>)
    %add3A_182 = arith.constant 4 : i32
    %add3A_183 = arith.addi %add3A_182, %select_n3A : i32
    %mul3A_184 = arith.constant 16384 : i32
    %mul3A_185 = arith.muli %add3A_183, %mul3A_184 : i32
    %add3A_186 = arith.constant 4096 : i32
    %add3A_187 = arith.addi %mul3A_185, %add3A_186 : i32
    %dma_start3A_188 = arith.constant 16384 : i32
    %dma_start3A_189 = tpu.memref_slice %arg8[%dma_start3A_188] : memref<24576xf32, #tpu.memory_space<vmem>> -> memref<4096xf32, #tpu.memory_space<vmem>>
    %dma_start3A_190 = tpu.memref_slice %arg2[%add3A_187] : memref<196608xf32, #tpu.memory_space<hbm>> -> memref<4096xf32, #tpu.memory_space<hbm>>
    %dma_start3A_191 = arith.constant 16384 : i32
    %dma_start3A_192 = tpu.memref_slice %arg8[%dma_start3A_191] : memref<24576xf32, #tpu.memory_space<vmem>> -> memref<4096xf32, #tpu.memory_space<vmem>>
    %dma_start3A_193 = tpu.memref_slice %arg2[%add3A_187] : memref<196608xf32, #tpu.memory_space<hbm>> -> memref<4096xf32, #tpu.memory_space<hbm>>
    tpu.enqueue_dma source(%dma_start3A_193 : memref<4096xf32, #tpu.memory_space<hbm>>) target(%dma_start3A_192 : memref<4096xf32, #tpu.memory_space<vmem>>) target_semaphore(%arg14 : memref<!tpu.dma_semaphore, #tpu.memory_space<semaphore_mem>>)
    %add3A_194 = arith.constant 8 : i32
    %add3A_195 = arith.addi %add3A_194, %select_n3A : i32
    %mul3A_196 = arith.constant 16384 : i32
    %mul3A_197 = arith.muli %add3A_195, %mul3A_196 : i32
    %add3A_198 = arith.constant 4096 : i32
    %add3A_199 = arith.addi %mul3A_197, %add3A_198 : i32
    %dma_start3A_200 = arith.constant 20480 : i32
    %dma_start3A_201 = tpu.memref_slice %arg8[%dma_start3A_200] : memref<24576xf32, #tpu.memory_space<vmem>> -> memref<4096xf32, #tpu.memory_space<vmem>>
    %dma_start3A_202 = tpu.memref_slice %arg2[%add3A_199] : memref<196608xf32, #tpu.memory_space<hbm>> -> memref<4096xf32, #tpu.memory_space<hbm>>
    %dma_start3A_203 = arith.constant 20480 : i32
    %dma_start3A_204 = tpu.memref_slice %arg8[%dma_start3A_203] : memref<24576xf32, #tpu.memory_space<vmem>> -> memref<4096xf32, #tpu.memory_space<vmem>>
    %dma_start3A_205 = tpu.memref_slice %arg2[%add3A_199] : memref<196608xf32, #tpu.memory_space<hbm>> -> memref<4096xf32, #tpu.memory_space<hbm>>
    tpu.enqueue_dma source(%dma_start3A_205 : memref<4096xf32, #tpu.memory_space<hbm>>) target(%dma_start3A_204 : memref<4096xf32, #tpu.memory_space<vmem>>) target_semaphore(%arg14 : memref<!tpu.dma_semaphore, #tpu.memory_space<semaphore_mem>>)
    %parallel_loop3A = arith.constant 0 : i32
    %parallel_loop3A_206 = arith.constant 256 : i32
    %parallel_loop3A_207 = arith.constant 4 : i32
    %parallel_loop3A_208:8 = scf.for %parallel_loop3A_360 = %parallel_loop3A to %parallel_loop3A_206 step %parallel_loop3A_207 iter_args(%parallel_loop3A_361 = %broadcast_in_dim3A_151, %parallel_loop3A_362 = %broadcast_in_dim3A_151, %parallel_loop3A_363 = %broadcast_in_dim3A_151, %parallel_loop3A_364 = %broadcast_in_dim3A_151, %parallel_loop3A_365 = %broadcast_in_dim3A_151, %parallel_loop3A_366 = %broadcast_in_dim3A_151, %parallel_loop3A_367 = %broadcast_in_dim3A_151, %parallel_loop3A_368 = %broadcast_in_dim3A_151) -> (vector<16xf32>, vector<16xf32>, vector<16xf32>, vector<16xf32>, vector<16xf32>, vector<16xf32>, vector<16xf32>, vector<16xf32>)  : i32 {
      %parallel_loop3A_369 = arith.constant 0 : i32
      %parallel_loop3A_370 = arith.addi %parallel_loop3A_360, %parallel_loop3A_369 : i32
      %parallel_loop3A_371 = arith.constant 16 : i32
      %parallel_loop3A_372 = arith.muli %parallel_loop3A_370, %parallel_loop3A_371 : i32
      %parallel_loop3A_373 = vector.broadcast %parallel_loop3A_372 : i32 to vector<16xi32>
      %parallel_loop3A_374 = arith.addi %iota3A, %parallel_loop3A_373 : vector<16xi32>
      %parallel_loop3A_375 = arith.constant 0 : i32
      %parallel_loop3A_376 = tpu.memref_slice %arg8[%parallel_loop3A_375] : memref<24576xf32, #tpu.memory_space<vmem>> -> memref<12288xf32, #tpu.memory_space<vmem>>
      %parallel_loop3A_377 = tpu.vector_load_idx %parallel_loop3A_376[%parallel_loop3A_374] : memref<12288xf32, #tpu.memory_space<vmem>>[vector<16xi32>], vector<16xf32>,
      %parallel_loop3A_378 = arith.constant 4096 : i32
      %parallel_loop3A_379 = vector.broadcast %parallel_loop3A_378 : i32 to vector<16xi32>
      %parallel_loop3A_380 = arith.addi %parallel_loop3A_374, %parallel_loop3A_379 : vector<16xi32>
      %parallel_loop3A_381 = arith.constant 0 : i32
      %parallel_loop3A_382 = tpu.memref_slice %arg8[%parallel_loop3A_381] : memref<24576xf32, #tpu.memory_space<vmem>> -> memref<12288xf32, #tpu.memory_space<vmem>>
      %parallel_loop3A_383 = tpu.vector_load_idx %parallel_loop3A_382[%parallel_loop3A_380] : memref<12288xf32, #tpu.memory_space<vmem>>[vector<16xi32>], vector<16xf32>,
      %parallel_loop3A_384 = arith.constant 8192 : i32
      %parallel_loop3A_385 = vector.broadcast %parallel_loop3A_384 : i32 to vector<16xi32>
      %parallel_loop3A_386 = arith.addi %parallel_loop3A_374, %parallel_loop3A_385 : vector<16xi32>
      %parallel_loop3A_387 = arith.constant 0 : i32
      %parallel_loop3A_388 = tpu.memref_slice %arg8[%parallel_loop3A_387] : memref<24576xf32, #tpu.memory_space<vmem>> -> memref<12288xf32, #tpu.memory_space<vmem>>
      %parallel_loop3A_389 = tpu.vector_load_idx %parallel_loop3A_388[%parallel_loop3A_386] : memref<12288xf32, #tpu.memory_space<vmem>>[vector<16xi32>], vector<16xf32>,
      %parallel_loop3A_390 = arith.mulf %parallel_loop3A_377, %gather3A_122 : vector<16xf32>
      %parallel_loop3A_391 = arith.mulf %parallel_loop3A_383, %gather3A_125 : vector<16xf32>
      %parallel_loop3A_392 = arith.addf %parallel_loop3A_390, %parallel_loop3A_391 : vector<16xf32>
      %parallel_loop3A_393 = arith.mulf %parallel_loop3A_389, %gather3A_128 : vector<16xf32>
      %parallel_loop3A_394 = arith.addf %parallel_loop3A_392, %parallel_loop3A_393 : vector<16xf32>
      %parallel_loop3A_395 = arith.addf %parallel_loop3A_394, %gather3A_131 : vector<16xf32>
      %parallel_loop3A_396 = arith.mulf %parallel_loop3A_395, %gather3A : vector<16xf32>
      %parallel_loop3A_397 = arith.subf %parallel_loop3A_377, %parallel_loop3A_396 : vector<16xf32>
      %parallel_loop3A_398 = arith.mulf %parallel_loop3A_395, %gather3A_116 : vector<16xf32>
      %parallel_loop3A_399 = arith.subf %parallel_loop3A_383, %parallel_loop3A_398 : vector<16xf32>
      %parallel_loop3A_400 = arith.mulf %parallel_loop3A_395, %gather3A_119 : vector<16xf32>
      %parallel_loop3A_401 = arith.subf %parallel_loop3A_389, %parallel_loop3A_400 : vector<16xf32>
      %parallel_loop3A_402 = arith.addf %parallel_loop3A_397, %gather3A_143 : vector<16xf32>
      %parallel_loop3A_403 = arith.mulf %parallel_loop3A_402, %gather3A_146 : vector<16xf32>
      %parallel_loop3A_404 = arith.constant 0.000000e+00 : f32
      %parallel_loop3A_405 = vector.broadcast %parallel_loop3A_404 : f32 to vector<16xf32>
      %parallel_loop3A_406 = arith.maximumf %parallel_loop3A_403, %parallel_loop3A_405 : vector<16xf32>
      %parallel_loop3A_407 = arith.minimumf %parallel_loop3A_406, %gather3A_149 : vector<16xf32>
      %parallel_loop3A_408 = arith.fptosi %parallel_loop3A_407 : vector<16xf32> to vector<16xi32>
      %parallel_loop3A_409 = arith.constant 32 : i32
      %parallel_loop3A_410 = vector.broadcast %parallel_loop3A_409 : i32 to vector<16xi32>
      %parallel_loop3A_411 = arith.muli %parallel_loop3A_408, %parallel_loop3A_410 : vector<16xi32>
      %parallel_loop3A_412 = arith.addf %parallel_loop3A_399, %gather3A_143 : vector<16xf32>
      %parallel_loop3A_413 = arith.mulf %parallel_loop3A_412, %gather3A_146 : vector<16xf32>
      %parallel_loop3A_414 = arith.constant 0.000000e+00 : f32
      %parallel_loop3A_415 = vector.broadcast %parallel_loop3A_414 : f32 to vector<16xf32>
      %parallel_loop3A_416 = arith.maximumf %parallel_loop3A_413, %parallel_loop3A_415 : vector<16xf32>
      %parallel_loop3A_417 = arith.minimumf %parallel_loop3A_416, %gather3A_149 : vector<16xf32>
      %parallel_loop3A_418 = arith.fptosi %parallel_loop3A_417 : vector<16xf32> to vector<16xi32>
      %parallel_loop3A_419 = arith.addi %parallel_loop3A_411, %parallel_loop3A_418 : vector<16xi32>
      %parallel_loop3A_420 = arith.constant 32 : i32
      %parallel_loop3A_421 = vector.broadcast %parallel_loop3A_420 : i32 to vector<16xi32>
      %parallel_loop3A_422 = arith.muli %parallel_loop3A_419, %parallel_loop3A_421 : vector<16xi32>
      %parallel_loop3A_423 = arith.addf %parallel_loop3A_401, %gather3A_143 : vector<16xf32>
      %parallel_loop3A_424 = arith.mulf %parallel_loop3A_423, %gather3A_146 : vector<16xf32>
      %parallel_loop3A_425 = arith.constant 0.000000e+00 : f32
      %parallel_loop3A_426 = vector.broadcast %parallel_loop3A_425 : f32 to vector<16xf32>
      %parallel_loop3A_427 = arith.maximumf %parallel_loop3A_424, %parallel_loop3A_426 : vector<16xf32>
      %parallel_loop3A_428 = arith.minimumf %parallel_loop3A_427, %gather3A_149 : vector<16xf32>
      %parallel_loop3A_429 = arith.fptosi %parallel_loop3A_428 : vector<16xf32> to vector<16xi32>
      %parallel_loop3A_430 = arith.addi %parallel_loop3A_422, %parallel_loop3A_429 : vector<16xi32>
      %parallel_loop3A_431 = tpu.vector_load_idx %arg7[%parallel_loop3A_430] : memref<98304xf32, #tpu.memory_space<vmem>>[vector<16xi32>], vector<16xf32>,
      %parallel_loop3A_432 = arith.constant 32768 : i32
      %parallel_loop3A_433 = vector.broadcast %parallel_loop3A_432 : i32 to vector<16xi32>
      %parallel_loop3A_434 = arith.addi %parallel_loop3A_430, %parallel_loop3A_433 : vector<16xi32>
      %parallel_loop3A_435 = tpu.vector_load_idx %arg7[%parallel_loop3A_434] : memref<98304xf32, #tpu.memory_space<vmem>>[vector<16xi32>], vector<16xf32>,
      %parallel_loop3A_436 = arith.constant 65536 : i32
      %parallel_loop3A_437 = vector.broadcast %parallel_loop3A_436 : i32 to vector<16xi32>
      %parallel_loop3A_438 = arith.addi %parallel_loop3A_430, %parallel_loop3A_437 : vector<16xi32>
      %parallel_loop3A_439 = tpu.vector_load_idx %arg7[%parallel_loop3A_438] : memref<98304xf32, #tpu.memory_space<vmem>>[vector<16xi32>], vector<16xf32>,
      %parallel_loop3A_440 = arith.subf %parallel_loop3A_397, %parallel_loop3A_431 : vector<16xf32>
      %parallel_loop3A_441 = arith.subf %parallel_loop3A_399, %parallel_loop3A_435 : vector<16xf32>
      %parallel_loop3A_442 = arith.subf %parallel_loop3A_401, %parallel_loop3A_439 : vector<16xf32>
      %parallel_loop3A_443 = arith.mulf %parallel_loop3A_440, %parallel_loop3A_440 : vector<16xf32>
      %parallel_loop3A_444 = arith.mulf %parallel_loop3A_441, %parallel_loop3A_441 : vector<16xf32>
      %parallel_loop3A_445 = arith.addf %parallel_loop3A_443, %parallel_loop3A_444 : vector<16xf32>
      %parallel_loop3A_446 = arith.mulf %parallel_loop3A_442, %parallel_loop3A_442 : vector<16xf32>
      %parallel_loop3A_447 = arith.addf %parallel_loop3A_445, %parallel_loop3A_446 : vector<16xf32>
      %parallel_loop3A_448 = arith.addf %parallel_loop3A_361, %parallel_loop3A_447 : vector<16xf32>
      %parallel_loop3A_449 = arith.mulf %gather3A_134, %parallel_loop3A_377 : vector<16xf32>
      %parallel_loop3A_450 = arith.mulf %gather3A_137, %parallel_loop3A_383 : vector<16xf32>
      %parallel_loop3A_451 = arith.mulf %gather3A_140, %parallel_loop3A_389 : vector<16xf32>
      %parallel_loop3A_452 = arith.addf %parallel_loop3A_449, %gather3A_143 : vector<16xf32>
      %parallel_loop3A_453 = arith.mulf %parallel_loop3A_452, %gather3A_146 : vector<16xf32>
      %parallel_loop3A_454 = arith.constant 0.000000e+00 : f32
      %parallel_loop3A_455 = vector.broadcast %parallel_loop3A_454 : f32 to vector<16xf32>
      %parallel_loop3A_456 = arith.maximumf %parallel_loop3A_453, %parallel_loop3A_455 : vector<16xf32>
      %parallel_loop3A_457 = arith.minimumf %parallel_loop3A_456, %gather3A_149 : vector<16xf32>
      %parallel_loop3A_458 = arith.fptosi %parallel_loop3A_457 : vector<16xf32> to vector<16xi32>
      %parallel_loop3A_459 = arith.constant 32 : i32
      %parallel_loop3A_460 = vector.broadcast %parallel_loop3A_459 : i32 to vector<16xi32>
      %parallel_loop3A_461 = arith.muli %parallel_loop3A_458, %parallel_loop3A_460 : vector<16xi32>
      %parallel_loop3A_462 = arith.addf %parallel_loop3A_450, %gather3A_143 : vector<16xf32>
      %parallel_loop3A_463 = arith.mulf %parallel_loop3A_462, %gather3A_146 : vector<16xf32>
      %parallel_loop3A_464 = arith.constant 0.000000e+00 : f32
      %parallel_loop3A_465 = vector.broadcast %parallel_loop3A_464 : f32 to vector<16xf32>
      %parallel_loop3A_466 = arith.maximumf %parallel_loop3A_463, %parallel_loop3A_465 : vector<16xf32>
      %parallel_loop3A_467 = arith.minimumf %parallel_loop3A_466, %gather3A_149 : vector<16xf32>
      %parallel_loop3A_468 = arith.fptosi %parallel_loop3A_467 : vector<16xf32> to vector<16xi32>
      %parallel_loop3A_469 = arith.addi %parallel_loop3A_461, %parallel_loop3A_468 : vector<16xi32>
      %parallel_loop3A_470 = arith.constant 32 : i32
      %parallel_loop3A_471 = vector.broadcast %parallel_loop3A_470 : i32 to vector<16xi32>
      %parallel_loop3A_472 = arith.muli %parallel_loop3A_469, %parallel_loop3A_471 : vector<16xi32>
      %parallel_loop3A_473 = arith.addf %parallel_loop3A_451, %gather3A_143 : vector<16xf32>
      %parallel_loop3A_474 = arith.mulf %parallel_loop3A_473, %gather3A_146 : vector<16xf32>
      %parallel_loop3A_475 = arith.constant 0.000000e+00 : f32
      %parallel_loop3A_476 = vector.broadcast %parallel_loop3A_475 : f32 to vector<16xf32>
      %parallel_loop3A_477 = arith.maximumf %parallel_loop3A_474, %parallel_loop3A_476 : vector<16xf32>
      %parallel_loop3A_478 = arith.minimumf %parallel_loop3A_477, %gather3A_149 : vector<16xf32>
      %parallel_loop3A_479 = arith.fptosi %parallel_loop3A_478 : vector<16xf32> to vector<16xi32>
      %parallel_loop3A_480 = arith.addi %parallel_loop3A_472, %parallel_loop3A_479 : vector<16xi32>
      %parallel_loop3A_481 = tpu.vector_load_idx %arg7[%parallel_loop3A_480] : memref<98304xf32, #tpu.memory_space<vmem>>[vector<16xi32>], vector<16xf32>,
      %parallel_loop3A_482 = arith.constant 32768 : i32
      %parallel_loop3A_483 = vector.broadcast %parallel_loop3A_482 : i32 to vector<16xi32>
      %parallel_loop3A_484 = arith.addi %parallel_loop3A_480, %parallel_loop3A_483 : vector<16xi32>
      %parallel_loop3A_485 = tpu.vector_load_idx %arg7[%parallel_loop3A_484] : memref<98304xf32, #tpu.memory_space<vmem>>[vector<16xi32>], vector<16xf32>,
      %parallel_loop3A_486 = arith.constant 65536 : i32
      %parallel_loop3A_487 = vector.broadcast %parallel_loop3A_486 : i32 to vector<16xi32>
      %parallel_loop3A_488 = arith.addi %parallel_loop3A_480, %parallel_loop3A_487 : vector<16xi32>
      %parallel_loop3A_489 = tpu.vector_load_idx %arg7[%parallel_loop3A_488] : memref<98304xf32, #tpu.memory_space<vmem>>[vector<16xi32>], vector<16xf32>,
      %parallel_loop3A_490 = arith.subf %parallel_loop3A_449, %parallel_loop3A_481 : vector<16xf32>
      %parallel_loop3A_491 = arith.subf %parallel_loop3A_450, %parallel_loop3A_485 : vector<16xf32>
      %parallel_loop3A_492 = arith.subf %parallel_loop3A_451, %parallel_loop3A_489 : vector<16xf32>
      %parallel_loop3A_493 = arith.mulf %parallel_loop3A_490, %parallel_loop3A_490 : vector<16xf32>
      %parallel_loop3A_494 = arith.mulf %parallel_loop3A_491, %parallel_loop3A_491 : vector<16xf32>
      %parallel_loop3A_495 = arith.addf %parallel_loop3A_493, %parallel_loop3A_494 : vector<16xf32>
      %parallel_loop3A_496 = arith.mulf %parallel_loop3A_492, %parallel_loop3A_492 : vector<16xf32>
      %parallel_loop3A_497 = arith.addf %parallel_loop3A_495, %parallel_loop3A_496 : vector<16xf32>
      %parallel_loop3A_498 = arith.addf %parallel_loop3A_362, %parallel_loop3A_497 : vector<16xf32>
      %parallel_loop3A_499 = arith.constant 1 : i32
      %parallel_loop3A_500 = arith.addi %parallel_loop3A_360, %parallel_loop3A_499 : i32
      %parallel_loop3A_501 = arith.constant 16 : i32
      %parallel_loop3A_502 = arith.muli %parallel_loop3A_500, %parallel_loop3A_501 : i32
      %parallel_loop3A_503 = vector.broadcast %parallel_loop3A_502 : i32 to vector<16xi32>
      %parallel_loop3A_504 = arith.addi %iota3A, %parallel_loop3A_503 : vector<16xi32>
      %parallel_loop3A_505 = arith.constant 0 : i32
      %parallel_loop3A_506 = tpu.memref_slice %arg8[%parallel_loop3A_505] : memref<24576xf32, #tpu.memory_space<vmem>> -> memref<12288xf32, #tpu.memory_space<vmem>>
      %parallel_loop3A_507 = tpu.vector_load_idx %parallel_loop3A_506[%parallel_loop3A_504] : memref<12288xf32, #tpu.memory_space<vmem>>[vector<16xi32>], vector<16xf32>,
      %parallel_loop3A_508 = arith.constant 4096 : i32
      %parallel_loop3A_509 = vector.broadcast %parallel_loop3A_508 : i32 to vector<16xi32>
      %parallel_loop3A_510 = arith.addi %parallel_loop3A_504, %parallel_loop3A_509 : vector<16xi32>
      %parallel_loop3A_511 = arith.constant 0 : i32
      %parallel_loop3A_512 = tpu.memref_slice %arg8[%parallel_loop3A_511] : memref<24576xf32, #tpu.memory_space<vmem>> -> memref<12288xf32, #tpu.memory_space<vmem>>
      %parallel_loop3A_513 = tpu.vector_load_idx %parallel_loop3A_512[%parallel_loop3A_510] : memref<12288xf32, #tpu.memory_space<vmem>>[vector<16xi32>], vector<16xf32>,
      %parallel_loop3A_514 = arith.constant 8192 : i32
      %parallel_loop3A_515 = vector.broadcast %parallel_loop3A_514 : i32 to vector<16xi32>
      %parallel_loop3A_516 = arith.addi %parallel_loop3A_504, %parallel_loop3A_515 : vector<16xi32>
      %parallel_loop3A_517 = arith.constant 0 : i32
      %parallel_loop3A_518 = tpu.memref_slice %arg8[%parallel_loop3A_517] : memref<24576xf32, #tpu.memory_space<vmem>> -> memref<12288xf32, #tpu.memory_space<vmem>>
      %parallel_loop3A_519 = tpu.vector_load_idx %parallel_loop3A_518[%parallel_loop3A_516] : memref<12288xf32, #tpu.memory_space<vmem>>[vector<16xi32>], vector<16xf32>,
      %parallel_loop3A_520 = arith.mulf %parallel_loop3A_507, %gather3A_122 : vector<16xf32>
      %parallel_loop3A_521 = arith.mulf %parallel_loop3A_513, %gather3A_125 : vector<16xf32>
      %parallel_loop3A_522 = arith.addf %parallel_loop3A_520, %parallel_loop3A_521 : vector<16xf32>
      %parallel_loop3A_523 = arith.mulf %parallel_loop3A_519, %gather3A_128 : vector<16xf32>
      %parallel_loop3A_524 = arith.addf %parallel_loop3A_522, %parallel_loop3A_523 : vector<16xf32>
      %parallel_loop3A_525 = arith.addf %parallel_loop3A_524, %gather3A_131 : vector<16xf32>
      %parallel_loop3A_526 = arith.mulf %parallel_loop3A_525, %gather3A : vector<16xf32>
      %parallel_loop3A_527 = arith.subf %parallel_loop3A_507, %parallel_loop3A_526 : vector<16xf32>
      %parallel_loop3A_528 = arith.mulf %parallel_loop3A_525, %gather3A_116 : vector<16xf32>
      %parallel_loop3A_529 = arith.subf %parallel_loop3A_513, %parallel_loop3A_528 : vector<16xf32>
      %parallel_loop3A_530 = arith.mulf %parallel_loop3A_525, %gather3A_119 : vector<16xf32>
      %parallel_loop3A_531 = arith.subf %parallel_loop3A_519, %parallel_loop3A_530 : vector<16xf32>
      %parallel_loop3A_532 = arith.addf %parallel_loop3A_527, %gather3A_143 : vector<16xf32>
      %parallel_loop3A_533 = arith.mulf %parallel_loop3A_532, %gather3A_146 : vector<16xf32>
      %parallel_loop3A_534 = arith.constant 0.000000e+00 : f32
      %parallel_loop3A_535 = vector.broadcast %parallel_loop3A_534 : f32 to vector<16xf32>
      %parallel_loop3A_536 = arith.maximumf %parallel_loop3A_533, %parallel_loop3A_535 : vector<16xf32>
      %parallel_loop3A_537 = arith.minimumf %parallel_loop3A_536, %gather3A_149 : vector<16xf32>
      %parallel_loop3A_538 = arith.fptosi %parallel_loop3A_537 : vector<16xf32> to vector<16xi32>
      %parallel_loop3A_539 = arith.constant 32 : i32
      %parallel_loop3A_540 = vector.broadcast %parallel_loop3A_539 : i32 to vector<16xi32>
      %parallel_loop3A_541 = arith.muli %parallel_loop3A_538, %parallel_loop3A_540 : vector<16xi32>
      %parallel_loop3A_542 = arith.addf %parallel_loop3A_529, %gather3A_143 : vector<16xf32>
      %parallel_loop3A_543 = arith.mulf %parallel_loop3A_542, %gather3A_146 : vector<16xf32>
      %parallel_loop3A_544 = arith.constant 0.000000e+00 : f32
      %parallel_loop3A_545 = vector.broadcast %parallel_loop3A_544 : f32 to vector<16xf32>
      %parallel_loop3A_546 = arith.maximumf %parallel_loop3A_543, %parallel_loop3A_545 : vector<16xf32>
      %parallel_loop3A_547 = arith.minimumf %parallel_loop3A_546, %gather3A_149 : vector<16xf32>
      %parallel_loop3A_548 = arith.fptosi %parallel_loop3A_547 : vector<16xf32> to vector<16xi32>
      %parallel_loop3A_549 = arith.addi %parallel_loop3A_541, %parallel_loop3A_548 : vector<16xi32>
      %parallel_loop3A_550 = arith.constant 32 : i32
      %parallel_loop3A_551 = vector.broadcast %parallel_loop3A_550 : i32 to vector<16xi32>
      %parallel_loop3A_552 = arith.muli %parallel_loop3A_549, %parallel_loop3A_551 : vector<16xi32>
      %parallel_loop3A_553 = arith.addf %parallel_loop3A_531, %gather3A_143 : vector<16xf32>
      %parallel_loop3A_554 = arith.mulf %parallel_loop3A_553, %gather3A_146 : vector<16xf32>
      %parallel_loop3A_555 = arith.constant 0.000000e+00 : f32
      %parallel_loop3A_556 = vector.broadcast %parallel_loop3A_555 : f32 to vector<16xf32>
      %parallel_loop3A_557 = arith.maximumf %parallel_loop3A_554, %parallel_loop3A_556 : vector<16xf32>
      %parallel_loop3A_558 = arith.minimumf %parallel_loop3A_557, %gather3A_149 : vector<16xf32>
      %parallel_loop3A_559 = arith.fptosi %parallel_loop3A_558 : vector<16xf32> to vector<16xi32>
      %parallel_loop3A_560 = arith.addi %parallel_loop3A_552, %parallel_loop3A_559 : vector<16xi32>
      %parallel_loop3A_561 = tpu.vector_load_idx %arg7[%parallel_loop3A_560] : memref<98304xf32, #tpu.memory_space<vmem>>[vector<16xi32>], vector<16xf32>,
      %parallel_loop3A_562 = arith.constant 32768 : i32
      %parallel_loop3A_563 = vector.broadcast %parallel_loop3A_562 : i32 to vector<16xi32>
      %parallel_loop3A_564 = arith.addi %parallel_loop3A_560, %parallel_loop3A_563 : vector<16xi32>
      %parallel_loop3A_565 = tpu.vector_load_idx %arg7[%parallel_loop3A_564] : memref<98304xf32, #tpu.memory_space<vmem>>[vector<16xi32>], vector<16xf32>,
      %parallel_loop3A_566 = arith.constant 65536 : i32
      %parallel_loop3A_567 = vector.broadcast %parallel_loop3A_566 : i32 to vector<16xi32>
      %parallel_loop3A_568 = arith.addi %parallel_loop3A_560, %parallel_loop3A_567 : vector<16xi32>
      %parallel_loop3A_569 = tpu.vector_load_idx %arg7[%parallel_loop3A_568] : memref<98304xf32, #tpu.memory_space<vmem>>[vector<16xi32>], vector<16xf32>,
      %parallel_loop3A_570 = arith.subf %parallel_loop3A_527, %parallel_loop3A_561 : vector<16xf32>
      %parallel_loop3A_571 = arith.subf %parallel_loop3A_529, %parallel_loop3A_565 : vector<16xf32>
      %parallel_loop3A_572 = arith.subf %parallel_loop3A_531, %parallel_loop3A_569 : vector<16xf32>
      %parallel_loop3A_573 = arith.mulf %parallel_loop3A_570, %parallel_loop3A_570 : vector<16xf32>
      %parallel_loop3A_574 = arith.mulf %parallel_loop3A_571, %parallel_loop3A_571 : vector<16xf32>
      %parallel_loop3A_575 = arith.addf %parallel_loop3A_573, %parallel_loop3A_574 : vector<16xf32>
      %parallel_loop3A_576 = arith.mulf %parallel_loop3A_572, %parallel_loop3A_572 : vector<16xf32>
      %parallel_loop3A_577 = arith.addf %parallel_loop3A_575, %parallel_loop3A_576 : vector<16xf32>
      %parallel_loop3A_578 = arith.addf %parallel_loop3A_363, %parallel_loop3A_577 : vector<16xf32>
      %parallel_loop3A_579 = arith.mulf %gather3A_134, %parallel_loop3A_507 : vector<16xf32>
      %parallel_loop3A_580 = arith.mulf %gather3A_137, %parallel_loop3A_513 : vector<16xf32>
      %parallel_loop3A_581 = arith.mulf %gather3A_140, %parallel_loop3A_519 : vector<16xf32>
      %parallel_loop3A_582 = arith.addf %parallel_loop3A_579, %gather3A_143 : vector<16xf32>
      %parallel_loop3A_583 = arith.mulf %parallel_loop3A_582, %gather3A_146 : vector<16xf32>
      %parallel_loop3A_584 = arith.constant 0.000000e+00 : f32
      %parallel_loop3A_585 = vector.broadcast %parallel_loop3A_584 : f32 to vector<16xf32>
      %parallel_loop3A_586 = arith.maximumf %parallel_loop3A_583, %parallel_loop3A_585 : vector<16xf32>
      %parallel_loop3A_587 = arith.minimumf %parallel_loop3A_586, %gather3A_149 : vector<16xf32>
      %parallel_loop3A_588 = arith.fptosi %parallel_loop3A_587 : vector<16xf32> to vector<16xi32>
      %parallel_loop3A_589 = arith.constant 32 : i32
      %parallel_loop3A_590 = vector.broadcast %parallel_loop3A_589 : i32 to vector<16xi32>
      %parallel_loop3A_591 = arith.muli %parallel_loop3A_588, %parallel_loop3A_590 : vector<16xi32>
      %parallel_loop3A_592 = arith.addf %parallel_loop3A_580, %gather3A_143 : vector<16xf32>
      %parallel_loop3A_593 = arith.mulf %parallel_loop3A_592, %gather3A_146 : vector<16xf32>
      %parallel_loop3A_594 = arith.constant 0.000000e+00 : f32
      %parallel_loop3A_595 = vector.broadcast %parallel_loop3A_594 : f32 to vector<16xf32>
      %parallel_loop3A_596 = arith.maximumf %parallel_loop3A_593, %parallel_loop3A_595 : vector<16xf32>
      %parallel_loop3A_597 = arith.minimumf %parallel_loop3A_596, %gather3A_149 : vector<16xf32>
      %parallel_loop3A_598 = arith.fptosi %parallel_loop3A_597 : vector<16xf32> to vector<16xi32>
      %parallel_loop3A_599 = arith.addi %parallel_loop3A_591, %parallel_loop3A_598 : vector<16xi32>
      %parallel_loop3A_600 = arith.constant 32 : i32
      %parallel_loop3A_601 = vector.broadcast %parallel_loop3A_600 : i32 to vector<16xi32>
      %parallel_loop3A_602 = arith.muli %parallel_loop3A_599, %parallel_loop3A_601 : vector<16xi32>
      %parallel_loop3A_603 = arith.addf %parallel_loop3A_581, %gather3A_143 : vector<16xf32>
      %parallel_loop3A_604 = arith.mulf %parallel_loop3A_603, %gather3A_146 : vector<16xf32>
      %parallel_loop3A_605 = arith.constant 0.000000e+00 : f32
      %parallel_loop3A_606 = vector.broadcast %parallel_loop3A_605 : f32 to vector<16xf32>
      %parallel_loop3A_607 = arith.maximumf %parallel_loop3A_604, %parallel_loop3A_606 : vector<16xf32>
      %parallel_loop3A_608 = arith.minimumf %parallel_loop3A_607, %gather3A_149 : vector<16xf32>
      %parallel_loop3A_609 = arith.fptosi %parallel_loop3A_608 : vector<16xf32> to vector<16xi32>
      %parallel_loop3A_610 = arith.addi %parallel_loop3A_602, %parallel_loop3A_609 : vector<16xi32>
      %parallel_loop3A_611 = tpu.vector_load_idx %arg7[%parallel_loop3A_610] : memref<98304xf32, #tpu.memory_space<vmem>>[vector<16xi32>], vector<16xf32>,
      %parallel_loop3A_612 = arith.constant 32768 : i32
      %parallel_loop3A_613 = vector.broadcast %parallel_loop3A_612 : i32 to vector<16xi32>
      %parallel_loop3A_614 = arith.addi %parallel_loop3A_610, %parallel_loop3A_613 : vector<16xi32>
      %parallel_loop3A_615 = tpu.vector_load_idx %arg7[%parallel_loop3A_614] : memref<98304xf32, #tpu.memory_space<vmem>>[vector<16xi32>], vector<16xf32>,
      %parallel_loop3A_616 = arith.constant 65536 : i32
      %parallel_loop3A_617 = vector.broadcast %parallel_loop3A_616 : i32 to vector<16xi32>
      %parallel_loop3A_618 = arith.addi %parallel_loop3A_610, %parallel_loop3A_617 : vector<16xi32>
      %parallel_loop3A_619 = tpu.vector_load_idx %arg7[%parallel_loop3A_618] : memref<98304xf32, #tpu.memory_space<vmem>>[vector<16xi32>], vector<16xf32>,
      %parallel_loop3A_620 = arith.subf %parallel_loop3A_579, %parallel_loop3A_611 : vector<16xf32>
      %parallel_loop3A_621 = arith.subf %parallel_loop3A_580, %parallel_loop3A_615 : vector<16xf32>
      %parallel_loop3A_622 = arith.subf %parallel_loop3A_581, %parallel_loop3A_619 : vector<16xf32>
      %parallel_loop3A_623 = arith.mulf %parallel_loop3A_620, %parallel_loop3A_620 : vector<16xf32>
      %parallel_loop3A_624 = arith.mulf %parallel_loop3A_621, %parallel_loop3A_621 : vector<16xf32>
      %parallel_loop3A_625 = arith.addf %parallel_loop3A_623, %parallel_loop3A_624 : vector<16xf32>
      %parallel_loop3A_626 = arith.mulf %parallel_loop3A_622, %parallel_loop3A_622 : vector<16xf32>
      %parallel_loop3A_627 = arith.addf %parallel_loop3A_625, %parallel_loop3A_626 : vector<16xf32>
      %parallel_loop3A_628 = arith.addf %parallel_loop3A_364, %parallel_loop3A_627 : vector<16xf32>
      %parallel_loop3A_629 = arith.constant 2 : i32
      %parallel_loop3A_630 = arith.addi %parallel_loop3A_360, %parallel_loop3A_629 : i32
      %parallel_loop3A_631 = arith.constant 16 : i32
      %parallel_loop3A_632 = arith.muli %parallel_loop3A_630, %parallel_loop3A_631 : i32
      %parallel_loop3A_633 = vector.broadcast %parallel_loop3A_632 : i32 to vector<16xi32>
      %parallel_loop3A_634 = arith.addi %iota3A, %parallel_loop3A_633 : vector<16xi32>
      %parallel_loop3A_635 = arith.constant 0 : i32
      %parallel_loop3A_636 = tpu.memref_slice %arg8[%parallel_loop3A_635] : memref<24576xf32, #tpu.memory_space<vmem>> -> memref<12288xf32, #tpu.memory_space<vmem>>
      %parallel_loop3A_637 = tpu.vector_load_idx %parallel_loop3A_636[%parallel_loop3A_634] : memref<12288xf32, #tpu.memory_space<vmem>>[vector<16xi32>], vector<16xf32>,
      %parallel_loop3A_638 = arith.constant 4096 : i32
      %parallel_loop3A_639 = vector.broadcast %parallel_loop3A_638 : i32 to vector<16xi32>
      %parallel_loop3A_640 = arith.addi %parallel_loop3A_634, %parallel_loop3A_639 : vector<16xi32>
      %parallel_loop3A_641 = arith.constant 0 : i32
      %parallel_loop3A_642 = tpu.memref_slice %arg8[%parallel_loop3A_641] : memref<24576xf32, #tpu.memory_space<vmem>> -> memref<12288xf32, #tpu.memory_space<vmem>>
      %parallel_loop3A_643 = tpu.vector_load_idx %parallel_loop3A_642[%parallel_loop3A_640] : memref<12288xf32, #tpu.memory_space<vmem>>[vector<16xi32>], vector<16xf32>,
      %parallel_loop3A_644 = arith.constant 8192 : i32
      %parallel_loop3A_645 = vector.broadcast %parallel_loop3A_644 : i32 to vector<16xi32>
      %parallel_loop3A_646 = arith.addi %parallel_loop3A_634, %parallel_loop3A_645 : vector<16xi32>
      %parallel_loop3A_647 = arith.constant 0 : i32
      %parallel_loop3A_648 = tpu.memref_slice %arg8[%parallel_loop3A_647] : memref<24576xf32, #tpu.memory_space<vmem>> -> memref<12288xf32, #tpu.memory_space<vmem>>
      %parallel_loop3A_649 = tpu.vector_load_idx %parallel_loop3A_648[%parallel_loop3A_646] : memref<12288xf32, #tpu.memory_space<vmem>>[vector<16xi32>], vector<16xf32>,
      %parallel_loop3A_650 = arith.mulf %parallel_loop3A_637, %gather3A_122 : vector<16xf32>
      %parallel_loop3A_651 = arith.mulf %parallel_loop3A_643, %gather3A_125 : vector<16xf32>
      %parallel_loop3A_652 = arith.addf %parallel_loop3A_650, %parallel_loop3A_651 : vector<16xf32>
      %parallel_loop3A_653 = arith.mulf %parallel_loop3A_649, %gather3A_128 : vector<16xf32>
      %parallel_loop3A_654 = arith.addf %parallel_loop3A_652, %parallel_loop3A_653 : vector<16xf32>
      %parallel_loop3A_655 = arith.addf %parallel_loop3A_654, %gather3A_131 : vector<16xf32>
      %parallel_loop3A_656 = arith.mulf %parallel_loop3A_655, %gather3A : vector<16xf32>
      %parallel_loop3A_657 = arith.subf %parallel_loop3A_637, %parallel_loop3A_656 : vector<16xf32>
      %parallel_loop3A_658 = arith.mulf %parallel_loop3A_655, %gather3A_116 : vector<16xf32>
      %parallel_loop3A_659 = arith.subf %parallel_loop3A_643, %parallel_loop3A_658 : vector<16xf32>
      %parallel_loop3A_660 = arith.mulf %parallel_loop3A_655, %gather3A_119 : vector<16xf32>
      %parallel_loop3A_661 = arith.subf %parallel_loop3A_649, %parallel_loop3A_660 : vector<16xf32>
      %parallel_loop3A_662 = arith.addf %parallel_loop3A_657, %gather3A_143 : vector<16xf32>
      %parallel_loop3A_663 = arith.mulf %parallel_loop3A_662, %gather3A_146 : vector<16xf32>
      %parallel_loop3A_664 = arith.constant 0.000000e+00 : f32
      %parallel_loop3A_665 = vector.broadcast %parallel_loop3A_664 : f32 to vector<16xf32>
      %parallel_loop3A_666 = arith.maximumf %parallel_loop3A_663, %parallel_loop3A_665 : vector<16xf32>
      %parallel_loop3A_667 = arith.minimumf %parallel_loop3A_666, %gather3A_149 : vector<16xf32>
      %parallel_loop3A_668 = arith.fptosi %parallel_loop3A_667 : vector<16xf32> to vector<16xi32>
      %parallel_loop3A_669 = arith.constant 32 : i32
      %parallel_loop3A_670 = vector.broadcast %parallel_loop3A_669 : i32 to vector<16xi32>
      %parallel_loop3A_671 = arith.muli %parallel_loop3A_668, %parallel_loop3A_670 : vector<16xi32>
      %parallel_loop3A_672 = arith.addf %parallel_loop3A_659, %gather3A_143 : vector<16xf32>
      %parallel_loop3A_673 = arith.mulf %parallel_loop3A_672, %gather3A_146 : vector<16xf32>
      %parallel_loop3A_674 = arith.constant 0.000000e+00 : f32
      %parallel_loop3A_675 = vector.broadcast %parallel_loop3A_674 : f32 to vector<16xf32>
      %parallel_loop3A_676 = arith.maximumf %parallel_loop3A_673, %parallel_loop3A_675 : vector<16xf32>
      %parallel_loop3A_677 = arith.minimumf %parallel_loop3A_676, %gather3A_149 : vector<16xf32>
      %parallel_loop3A_678 = arith.fptosi %parallel_loop3A_677 : vector<16xf32> to vector<16xi32>
      %parallel_loop3A_679 = arith.addi %parallel_loop3A_671, %parallel_loop3A_678 : vector<16xi32>
      %parallel_loop3A_680 = arith.constant 32 : i32
      %parallel_loop3A_681 = vector.broadcast %parallel_loop3A_680 : i32 to vector<16xi32>
      %parallel_loop3A_682 = arith.muli %parallel_loop3A_679, %parallel_loop3A_681 : vector<16xi32>
      %parallel_loop3A_683 = arith.addf %parallel_loop3A_661, %gather3A_143 : vector<16xf32>
      %parallel_loop3A_684 = arith.mulf %parallel_loop3A_683, %gather3A_146 : vector<16xf32>
      %parallel_loop3A_685 = arith.constant 0.000000e+00 : f32
      %parallel_loop3A_686 = vector.broadcast %parallel_loop3A_685 : f32 to vector<16xf32>
      %parallel_loop3A_687 = arith.maximumf %parallel_loop3A_684, %parallel_loop3A_686 : vector<16xf32>
      %parallel_loop3A_688 = arith.minimumf %parallel_loop3A_687, %gather3A_149 : vector<16xf32>
      %parallel_loop3A_689 = arith.fptosi %parallel_loop3A_688 : vector<16xf32> to vector<16xi32>
      %parallel_loop3A_690 = arith.addi %parallel_loop3A_682, %parallel_loop3A_689 : vector<16xi32>
      %parallel_loop3A_691 = tpu.vector_load_idx %arg7[%parallel_loop3A_690] : memref<98304xf32, #tpu.memory_space<vmem>>[vector<16xi32>], vector<16xf32>,
      %parallel_loop3A_692 = arith.constant 32768 : i32
      %parallel_loop3A_693 = vector.broadcast %parallel_loop3A_692 : i32 to vector<16xi32>
      %parallel_loop3A_694 = arith.addi %parallel_loop3A_690, %parallel_loop3A_693 : vector<16xi32>
      %parallel_loop3A_695 = tpu.vector_load_idx %arg7[%parallel_loop3A_694] : memref<98304xf32, #tpu.memory_space<vmem>>[vector<16xi32>], vector<16xf32>,
      %parallel_loop3A_696 = arith.constant 65536 : i32
      %parallel_loop3A_697 = vector.broadcast %parallel_loop3A_696 : i32 to vector<16xi32>
      %parallel_loop3A_698 = arith.addi %parallel_loop3A_690, %parallel_loop3A_697 : vector<16xi32>
      %parallel_loop3A_699 = tpu.vector_load_idx %arg7[%parallel_loop3A_698] : memref<98304xf32, #tpu.memory_space<vmem>>[vector<16xi32>], vector<16xf32>,
      %parallel_loop3A_700 = arith.subf %parallel_loop3A_657, %parallel_loop3A_691 : vector<16xf32>
      %parallel_loop3A_701 = arith.subf %parallel_loop3A_659, %parallel_loop3A_695 : vector<16xf32>
      %parallel_loop3A_702 = arith.subf %parallel_loop3A_661, %parallel_loop3A_699 : vector<16xf32>
      %parallel_loop3A_703 = arith.mulf %parallel_loop3A_700, %parallel_loop3A_700 : vector<16xf32>
      %parallel_loop3A_704 = arith.mulf %parallel_loop3A_701, %parallel_loop3A_701 : vector<16xf32>
      %parallel_loop3A_705 = arith.addf %parallel_loop3A_703, %parallel_loop3A_704 : vector<16xf32>
      %parallel_loop3A_706 = arith.mulf %parallel_loop3A_702, %parallel_loop3A_702 : vector<16xf32>
      %parallel_loop3A_707 = arith.addf %parallel_loop3A_705, %parallel_loop3A_706 : vector<16xf32>
      %parallel_loop3A_708 = arith.addf %parallel_loop3A_365, %parallel_loop3A_707 : vector<16xf32>
      %parallel_loop3A_709 = arith.mulf %gather3A_134, %parallel_loop3A_637 : vector<16xf32>
      %parallel_loop3A_710 = arith.mulf %gather3A_137, %parallel_loop3A_643 : vector<16xf32>
      %parallel_loop3A_711 = arith.mulf %gather3A_140, %parallel_loop3A_649 : vector<16xf32>
      %parallel_loop3A_712 = arith.addf %parallel_loop3A_709, %gather3A_143 : vector<16xf32>
      %parallel_loop3A_713 = arith.mulf %parallel_loop3A_712, %gather3A_146 : vector<16xf32>
      %parallel_loop3A_714 = arith.constant 0.000000e+00 : f32
      %parallel_loop3A_715 = vector.broadcast %parallel_loop3A_714 : f32 to vector<16xf32>
      %parallel_loop3A_716 = arith.maximumf %parallel_loop3A_713, %parallel_loop3A_715 : vector<16xf32>
      %parallel_loop3A_717 = arith.minimumf %parallel_loop3A_716, %gather3A_149 : vector<16xf32>
      %parallel_loop3A_718 = arith.fptosi %parallel_loop3A_717 : vector<16xf32> to vector<16xi32>
      %parallel_loop3A_719 = arith.constant 32 : i32
      %parallel_loop3A_720 = vector.broadcast %parallel_loop3A_719 : i32 to vector<16xi32>
      %parallel_loop3A_721 = arith.muli %parallel_loop3A_718, %parallel_loop3A_720 : vector<16xi32>
      %parallel_loop3A_722 = arith.addf %parallel_loop3A_710, %gather3A_143 : vector<16xf32>
      %parallel_loop3A_723 = arith.mulf %parallel_loop3A_722, %gather3A_146 : vector<16xf32>
      %parallel_loop3A_724 = arith.constant 0.000000e+00 : f32
      %parallel_loop3A_725 = vector.broadcast %parallel_loop3A_724 : f32 to vector<16xf32>
      %parallel_loop3A_726 = arith.maximumf %parallel_loop3A_723, %parallel_loop3A_725 : vector<16xf32>
      %parallel_loop3A_727 = arith.minimumf %parallel_loop3A_726, %gather3A_149 : vector<16xf32>
      %parallel_loop3A_728 = arith.fptosi %parallel_loop3A_727 : vector<16xf32> to vector<16xi32>
      %parallel_loop3A_729 = arith.addi %parallel_loop3A_721, %parallel_loop3A_728 : vector<16xi32>
      %parallel_loop3A_730 = arith.constant 32 : i32
      %parallel_loop3A_731 = vector.broadcast %parallel_loop3A_730 : i32 to vector<16xi32>
      %parallel_loop3A_732 = arith.muli %parallel_loop3A_729, %parallel_loop3A_731 : vector<16xi32>
      %parallel_loop3A_733 = arith.addf %parallel_loop3A_711, %gather3A_143 : vector<16xf32>
      %parallel_loop3A_734 = arith.mulf %parallel_loop3A_733, %gather3A_146 : vector<16xf32>
      %parallel_loop3A_735 = arith.constant 0.000000e+00 : f32
      %parallel_loop3A_736 = vector.broadcast %parallel_loop3A_735 : f32 to vector<16xf32>
      %parallel_loop3A_737 = arith.maximumf %parallel_loop3A_734, %parallel_loop3A_736 : vector<16xf32>
      %parallel_loop3A_738 = arith.minimumf %parallel_loop3A_737, %gather3A_149 : vector<16xf32>
      %parallel_loop3A_739 = arith.fptosi %parallel_loop3A_738 : vector<16xf32> to vector<16xi32>
      %parallel_loop3A_740 = arith.addi %parallel_loop3A_732, %parallel_loop3A_739 : vector<16xi32>
      %parallel_loop3A_741 = tpu.vector_load_idx %arg7[%parallel_loop3A_740] : memref<98304xf32, #tpu.memory_space<vmem>>[vector<16xi32>], vector<16xf32>,
      %parallel_loop3A_742 = arith.constant 32768 : i32
      %parallel_loop3A_743 = vector.broadcast %parallel_loop3A_742 : i32 to vector<16xi32>
      %parallel_loop3A_744 = arith.addi %parallel_loop3A_740, %parallel_loop3A_743 : vector<16xi32>
      %parallel_loop3A_745 = tpu.vector_load_idx %arg7[%parallel_loop3A_744] : memref<98304xf32, #tpu.memory_space<vmem>>[vector<16xi32>], vector<16xf32>,
      %parallel_loop3A_746 = arith.constant 65536 : i32
      %parallel_loop3A_747 = vector.broadcast %parallel_loop3A_746 : i32 to vector<16xi32>
      %parallel_loop3A_748 = arith.addi %parallel_loop3A_740, %parallel_loop3A_747 : vector<16xi32>
      %parallel_loop3A_749 = tpu.vector_load_idx %arg7[%parallel_loop3A_748] : memref<98304xf32, #tpu.memory_space<vmem>>[vector<16xi32>], vector<16xf32>,
      %parallel_loop3A_750 = arith.subf %parallel_loop3A_709, %parallel_loop3A_741 : vector<16xf32>
      %parallel_loop3A_751 = arith.subf %parallel_loop3A_710, %parallel_loop3A_745 : vector<16xf32>
      %parallel_loop3A_752 = arith.subf %parallel_loop3A_711, %parallel_loop3A_749 : vector<16xf32>
      %parallel_loop3A_753 = arith.mulf %parallel_loop3A_750, %parallel_loop3A_750 : vector<16xf32>
      %parallel_loop3A_754 = arith.mulf %parallel_loop3A_751, %parallel_loop3A_751 : vector<16xf32>
      %parallel_loop3A_755 = arith.addf %parallel_loop3A_753, %parallel_loop3A_754 : vector<16xf32>
      %parallel_loop3A_756 = arith.mulf %parallel_loop3A_752, %parallel_loop3A_752 : vector<16xf32>
      %parallel_loop3A_757 = arith.addf %parallel_loop3A_755, %parallel_loop3A_756 : vector<16xf32>
      %parallel_loop3A_758 = arith.addf %parallel_loop3A_366, %parallel_loop3A_757 : vector<16xf32>
      %parallel_loop3A_759 = arith.constant 3 : i32
      %parallel_loop3A_760 = arith.addi %parallel_loop3A_360, %parallel_loop3A_759 : i32
      %parallel_loop3A_761 = arith.constant 16 : i32
      %parallel_loop3A_762 = arith.muli %parallel_loop3A_760, %parallel_loop3A_761 : i32
      %parallel_loop3A_763 = vector.broadcast %parallel_loop3A_762 : i32 to vector<16xi32>
      %parallel_loop3A_764 = arith.addi %iota3A, %parallel_loop3A_763 : vector<16xi32>
      %parallel_loop3A_765 = arith.constant 0 : i32
      %parallel_loop3A_766 = tpu.memref_slice %arg8[%parallel_loop3A_765] : memref<24576xf32, #tpu.memory_space<vmem>> -> memref<12288xf32, #tpu.memory_space<vmem>>
      %parallel_loop3A_767 = tpu.vector_load_idx %parallel_loop3A_766[%parallel_loop3A_764] : memref<12288xf32, #tpu.memory_space<vmem>>[vector<16xi32>], vector<16xf32>,
      %parallel_loop3A_768 = arith.constant 4096 : i32
      %parallel_loop3A_769 = vector.broadcast %parallel_loop3A_768 : i32 to vector<16xi32>
      %parallel_loop3A_770 = arith.addi %parallel_loop3A_764, %parallel_loop3A_769 : vector<16xi32>
      %parallel_loop3A_771 = arith.constant 0 : i32
      %parallel_loop3A_772 = tpu.memref_slice %arg8[%parallel_loop3A_771] : memref<24576xf32, #tpu.memory_space<vmem>> -> memref<12288xf32, #tpu.memory_space<vmem>>
      %parallel_loop3A_773 = tpu.vector_load_idx %parallel_loop3A_772[%parallel_loop3A_770] : memref<12288xf32, #tpu.memory_space<vmem>>[vector<16xi32>], vector<16xf32>,
      %parallel_loop3A_774 = arith.constant 8192 : i32
      %parallel_loop3A_775 = vector.broadcast %parallel_loop3A_774 : i32 to vector<16xi32>
      %parallel_loop3A_776 = arith.addi %parallel_loop3A_764, %parallel_loop3A_775 : vector<16xi32>
      %parallel_loop3A_777 = arith.constant 0 : i32
      %parallel_loop3A_778 = tpu.memref_slice %arg8[%parallel_loop3A_777] : memref<24576xf32, #tpu.memory_space<vmem>> -> memref<12288xf32, #tpu.memory_space<vmem>>
      %parallel_loop3A_779 = tpu.vector_load_idx %parallel_loop3A_778[%parallel_loop3A_776] : memref<12288xf32, #tpu.memory_space<vmem>>[vector<16xi32>], vector<16xf32>,
      %parallel_loop3A_780 = arith.mulf %parallel_loop3A_767, %gather3A_122 : vector<16xf32>
      %parallel_loop3A_781 = arith.mulf %parallel_loop3A_773, %gather3A_125 : vector<16xf32>
      %parallel_loop3A_782 = arith.addf %parallel_loop3A_780, %parallel_loop3A_781 : vector<16xf32>
      %parallel_loop3A_783 = arith.mulf %parallel_loop3A_779, %gather3A_128 : vector<16xf32>
      %parallel_loop3A_784 = arith.addf %parallel_loop3A_782, %parallel_loop3A_783 : vector<16xf32>
      %parallel_loop3A_785 = arith.addf %parallel_loop3A_784, %gather3A_131 : vector<16xf32>
      %parallel_loop3A_786 = arith.mulf %parallel_loop3A_785, %gather3A : vector<16xf32>
      %parallel_loop3A_787 = arith.subf %parallel_loop3A_767, %parallel_loop3A_786 : vector<16xf32>
      %parallel_loop3A_788 = arith.mulf %parallel_loop3A_785, %gather3A_116 : vector<16xf32>
      %parallel_loop3A_789 = arith.subf %parallel_loop3A_773, %parallel_loop3A_788 : vector<16xf32>
      %parallel_loop3A_790 = arith.mulf %parallel_loop3A_785, %gather3A_119 : vector<16xf32>
      %parallel_loop3A_791 = arith.subf %parallel_loop3A_779, %parallel_loop3A_790 : vector<16xf32>
      %parallel_loop3A_792 = arith.addf %parallel_loop3A_787, %gather3A_143 : vector<16xf32>
      %parallel_loop3A_793 = arith.mulf %parallel_loop3A_792, %gather3A_146 : vector<16xf32>
      %parallel_loop3A_794 = arith.constant 0.000000e+00 : f32
      %parallel_loop3A_795 = vector.broadcast %parallel_loop3A_794 : f32 to vector<16xf32>
      %parallel_loop3A_796 = arith.maximumf %parallel_loop3A_793, %parallel_loop3A_795 : vector<16xf32>
      %parallel_loop3A_797 = arith.minimumf %parallel_loop3A_796, %gather3A_149 : vector<16xf32>
      %parallel_loop3A_798 = arith.fptosi %parallel_loop3A_797 : vector<16xf32> to vector<16xi32>
      %parallel_loop3A_799 = arith.constant 32 : i32
      %parallel_loop3A_800 = vector.broadcast %parallel_loop3A_799 : i32 to vector<16xi32>
      %parallel_loop3A_801 = arith.muli %parallel_loop3A_798, %parallel_loop3A_800 : vector<16xi32>
      %parallel_loop3A_802 = arith.addf %parallel_loop3A_789, %gather3A_143 : vector<16xf32>
      %parallel_loop3A_803 = arith.mulf %parallel_loop3A_802, %gather3A_146 : vector<16xf32>
      %parallel_loop3A_804 = arith.constant 0.000000e+00 : f32
      %parallel_loop3A_805 = vector.broadcast %parallel_loop3A_804 : f32 to vector<16xf32>
      %parallel_loop3A_806 = arith.maximumf %parallel_loop3A_803, %parallel_loop3A_805 : vector<16xf32>
      %parallel_loop3A_807 = arith.minimumf %parallel_loop3A_806, %gather3A_149 : vector<16xf32>
      %parallel_loop3A_808 = arith.fptosi %parallel_loop3A_807 : vector<16xf32> to vector<16xi32>
      %parallel_loop3A_809 = arith.addi %parallel_loop3A_801, %parallel_loop3A_808 : vector<16xi32>
      %parallel_loop3A_810 = arith.constant 32 : i32
      %parallel_loop3A_811 = vector.broadcast %parallel_loop3A_810 : i32 to vector<16xi32>
      %parallel_loop3A_812 = arith.muli %parallel_loop3A_809, %parallel_loop3A_811 : vector<16xi32>
      %parallel_loop3A_813 = arith.addf %parallel_loop3A_791, %gather3A_143 : vector<16xf32>
      %parallel_loop3A_814 = arith.mulf %parallel_loop3A_813, %gather3A_146 : vector<16xf32>
      %parallel_loop3A_815 = arith.constant 0.000000e+00 : f32
      %parallel_loop3A_816 = vector.broadcast %parallel_loop3A_815 : f32 to vector<16xf32>
      %parallel_loop3A_817 = arith.maximumf %parallel_loop3A_814, %parallel_loop3A_816 : vector<16xf32>
      %parallel_loop3A_818 = arith.minimumf %parallel_loop3A_817, %gather3A_149 : vector<16xf32>
      %parallel_loop3A_819 = arith.fptosi %parallel_loop3A_818 : vector<16xf32> to vector<16xi32>
      %parallel_loop3A_820 = arith.addi %parallel_loop3A_812, %parallel_loop3A_819 : vector<16xi32>
      %parallel_loop3A_821 = tpu.vector_load_idx %arg7[%parallel_loop3A_820] : memref<98304xf32, #tpu.memory_space<vmem>>[vector<16xi32>], vector<16xf32>,
      %parallel_loop3A_822 = arith.constant 32768 : i32
      %parallel_loop3A_823 = vector.broadcast %parallel_loop3A_822 : i32 to vector<16xi32>
      %parallel_loop3A_824 = arith.addi %parallel_loop3A_820, %parallel_loop3A_823 : vector<16xi32>
      %parallel_loop3A_825 = tpu.vector_load_idx %arg7[%parallel_loop3A_824] : memref<98304xf32, #tpu.memory_space<vmem>>[vector<16xi32>], vector<16xf32>,
      %parallel_loop3A_826 = arith.constant 65536 : i32
      %parallel_loop3A_827 = vector.broadcast %parallel_loop3A_826 : i32 to vector<16xi32>
      %parallel_loop3A_828 = arith.addi %parallel_loop3A_820, %parallel_loop3A_827 : vector<16xi32>
      %parallel_loop3A_829 = tpu.vector_load_idx %arg7[%parallel_loop3A_828] : memref<98304xf32, #tpu.memory_space<vmem>>[vector<16xi32>], vector<16xf32>,
      %parallel_loop3A_830 = arith.subf %parallel_loop3A_787, %parallel_loop3A_821 : vector<16xf32>
      %parallel_loop3A_831 = arith.subf %parallel_loop3A_789, %parallel_loop3A_825 : vector<16xf32>
      %parallel_loop3A_832 = arith.subf %parallel_loop3A_791, %parallel_loop3A_829 : vector<16xf32>
      %parallel_loop3A_833 = arith.mulf %parallel_loop3A_830, %parallel_loop3A_830 : vector<16xf32>
      %parallel_loop3A_834 = arith.mulf %parallel_loop3A_831, %parallel_loop3A_831 : vector<16xf32>
      %parallel_loop3A_835 = arith.addf %parallel_loop3A_833, %parallel_loop3A_834 : vector<16xf32>
      %parallel_loop3A_836 = arith.mulf %parallel_loop3A_832, %parallel_loop3A_832 : vector<16xf32>
      %parallel_loop3A_837 = arith.addf %parallel_loop3A_835, %parallel_loop3A_836 : vector<16xf32>
      %parallel_loop3A_838 = arith.addf %parallel_loop3A_367, %parallel_loop3A_837 : vector<16xf32>
      %parallel_loop3A_839 = arith.mulf %gather3A_134, %parallel_loop3A_767 : vector<16xf32>
      %parallel_loop3A_840 = arith.mulf %gather3A_137, %parallel_loop3A_773 : vector<16xf32>
      %parallel_loop3A_841 = arith.mulf %gather3A_140, %parallel_loop3A_779 : vector<16xf32>
      %parallel_loop3A_842 = arith.addf %parallel_loop3A_839, %gather3A_143 : vector<16xf32>
      %parallel_loop3A_843 = arith.mulf %parallel_loop3A_842, %gather3A_146 : vector<16xf32>
      %parallel_loop3A_844 = arith.constant 0.000000e+00 : f32
      %parallel_loop3A_845 = vector.broadcast %parallel_loop3A_844 : f32 to vector<16xf32>
      %parallel_loop3A_846 = arith.maximumf %parallel_loop3A_843, %parallel_loop3A_845 : vector<16xf32>
      %parallel_loop3A_847 = arith.minimumf %parallel_loop3A_846, %gather3A_149 : vector<16xf32>
      %parallel_loop3A_848 = arith.fptosi %parallel_loop3A_847 : vector<16xf32> to vector<16xi32>
      %parallel_loop3A_849 = arith.constant 32 : i32
      %parallel_loop3A_850 = vector.broadcast %parallel_loop3A_849 : i32 to vector<16xi32>
      %parallel_loop3A_851 = arith.muli %parallel_loop3A_848, %parallel_loop3A_850 : vector<16xi32>
      %parallel_loop3A_852 = arith.addf %parallel_loop3A_840, %gather3A_143 : vector<16xf32>
      %parallel_loop3A_853 = arith.mulf %parallel_loop3A_852, %gather3A_146 : vector<16xf32>
      %parallel_loop3A_854 = arith.constant 0.000000e+00 : f32
      %parallel_loop3A_855 = vector.broadcast %parallel_loop3A_854 : f32 to vector<16xf32>
      %parallel_loop3A_856 = arith.maximumf %parallel_loop3A_853, %parallel_loop3A_855 : vector<16xf32>
      %parallel_loop3A_857 = arith.minimumf %parallel_loop3A_856, %gather3A_149 : vector<16xf32>
      %parallel_loop3A_858 = arith.fptosi %parallel_loop3A_857 : vector<16xf32> to vector<16xi32>
      %parallel_loop3A_859 = arith.addi %parallel_loop3A_851, %parallel_loop3A_858 : vector<16xi32>
      %parallel_loop3A_860 = arith.constant 32 : i32
      %parallel_loop3A_861 = vector.broadcast %parallel_loop3A_860 : i32 to vector<16xi32>
      %parallel_loop3A_862 = arith.muli %parallel_loop3A_859, %parallel_loop3A_861 : vector<16xi32>
      %parallel_loop3A_863 = arith.addf %parallel_loop3A_841, %gather3A_143 : vector<16xf32>
      %parallel_loop3A_864 = arith.mulf %parallel_loop3A_863, %gather3A_146 : vector<16xf32>
      %parallel_loop3A_865 = arith.constant 0.000000e+00 : f32
      %parallel_loop3A_866 = vector.broadcast %parallel_loop3A_865 : f32 to vector<16xf32>
      %parallel_loop3A_867 = arith.maximumf %parallel_loop3A_864, %parallel_loop3A_866 : vector<16xf32>
      %parallel_loop3A_868 = arith.minimumf %parallel_loop3A_867, %gather3A_149 : vector<16xf32>
      %parallel_loop3A_869 = arith.fptosi %parallel_loop3A_868 : vector<16xf32> to vector<16xi32>
      %parallel_loop3A_870 = arith.addi %parallel_loop3A_862, %parallel_loop3A_869 : vector<16xi32>
      %parallel_loop3A_871 = tpu.vector_load_idx %arg7[%parallel_loop3A_870] : memref<98304xf32, #tpu.memory_space<vmem>>[vector<16xi32>], vector<16xf32>,
      %parallel_loop3A_872 = arith.constant 32768 : i32
      %parallel_loop3A_873 = vector.broadcast %parallel_loop3A_872 : i32 to vector<16xi32>
      %parallel_loop3A_874 = arith.addi %parallel_loop3A_870, %parallel_loop3A_873 : vector<16xi32>
      %parallel_loop3A_875 = tpu.vector_load_idx %arg7[%parallel_loop3A_874] : memref<98304xf32, #tpu.memory_space<vmem>>[vector<16xi32>], vector<16xf32>,
      %parallel_loop3A_876 = arith.constant 65536 : i32
      %parallel_loop3A_877 = vector.broadcast %parallel_loop3A_876 : i32 to vector<16xi32>
      %parallel_loop3A_878 = arith.addi %parallel_loop3A_870, %parallel_loop3A_877 : vector<16xi32>
      %parallel_loop3A_879 = tpu.vector_load_idx %arg7[%parallel_loop3A_878] : memref<98304xf32, #tpu.memory_space<vmem>>[vector<16xi32>], vector<16xf32>,
      %parallel_loop3A_880 = arith.subf %parallel_loop3A_839, %parallel_loop3A_871 : vector<16xf32>
      %parallel_loop3A_881 = arith.subf %parallel_loop3A_840, %parallel_loop3A_875 : vector<16xf32>
      %parallel_loop3A_882 = arith.subf %parallel_loop3A_841, %parallel_loop3A_879 : vector<16xf32>
      %parallel_loop3A_883 = arith.mulf %parallel_loop3A_880, %parallel_loop3A_880 : vector<16xf32>
      %parallel_loop3A_884 = arith.mulf %parallel_loop3A_881, %parallel_loop3A_881 : vector<16xf32>
      %parallel_loop3A_885 = arith.addf %parallel_loop3A_883, %parallel_loop3A_884 : vector<16xf32>
      %parallel_loop3A_886 = arith.mulf %parallel_loop3A_882, %parallel_loop3A_882 : vector<16xf32>
      %parallel_loop3A_887 = arith.addf %parallel_loop3A_885, %parallel_loop3A_886 : vector<16xf32>
      %parallel_loop3A_888 = arith.addf %parallel_loop3A_368, %parallel_loop3A_887 : vector<16xf32>
      scf.yield %parallel_loop3A_448, %parallel_loop3A_498, %parallel_loop3A_578, %parallel_loop3A_628, %parallel_loop3A_708, %parallel_loop3A_758, %parallel_loop3A_838, %parallel_loop3A_888 : vector<16xf32>, vector<16xf32>, vector<16xf32>, vector<16xf32>, vector<16xf32>, vector<16xf32>, vector<16xf32>, vector<16xf32>
    } {sc.loop_unroll_factor = 1 : i64, sc.parallel_access}
    %dma_wait3A_209 = arith.constant 12288 : i32
    %dma_wait3A_210 = tpu.memref_slice %arg8[%dma_wait3A_209] : memref<24576xf32, #tpu.memory_space<vmem>> -> memref<4096xf32, #tpu.memory_space<vmem>>
    %dma_wait3A_211 = tpu.memref_slice %arg2[%add3A_175] : memref<196608xf32, #tpu.memory_space<hbm>> -> memref<4096xf32, #tpu.memory_space<hbm>>
    %dma_wait3A_212 = arith.constant 12288 : i32
    %dma_wait3A_213 = tpu.memref_slice %arg8[%dma_wait3A_212] : memref<24576xf32, #tpu.memory_space<vmem>> -> memref<4096xf32, #tpu.memory_space<vmem>>
    %dma_wait3A_214 = tpu.memref_slice %arg2[%add3A_175] : memref<196608xf32, #tpu.memory_space<hbm>> -> memref<4096xf32, #tpu.memory_space<hbm>>
    tpu.wait_dma2 semaphore(%arg14 : memref<!tpu.dma_semaphore, #tpu.memory_space<semaphore_mem>>) src(%dma_wait3A_214 : memref<4096xf32, #tpu.memory_space<hbm>>) dst(%dma_wait3A_213 : memref<4096xf32, #tpu.memory_space<vmem>>)
    %dma_wait3A_215 = arith.constant 16384 : i32
    %dma_wait3A_216 = tpu.memref_slice %arg8[%dma_wait3A_215] : memref<24576xf32, #tpu.memory_space<vmem>> -> memref<4096xf32, #tpu.memory_space<vmem>>
    %dma_wait3A_217 = tpu.memref_slice %arg2[%add3A_187] : memref<196608xf32, #tpu.memory_space<hbm>> -> memref<4096xf32, #tpu.memory_space<hbm>>
    %dma_wait3A_218 = arith.constant 16384 : i32
    %dma_wait3A_219 = tpu.memref_slice %arg8[%dma_wait3A_218] : memref<24576xf32, #tpu.memory_space<vmem>> -> memref<4096xf32, #tpu.memory_space<vmem>>
    %dma_wait3A_220 = tpu.memref_slice %arg2[%add3A_187] : memref<196608xf32, #tpu.memory_space<hbm>> -> memref<4096xf32, #tpu.memory_space<hbm>>
    tpu.wait_dma2 semaphore(%arg14 : memref<!tpu.dma_semaphore, #tpu.memory_space<semaphore_mem>>) src(%dma_wait3A_220 : memref<4096xf32, #tpu.memory_space<hbm>>) dst(%dma_wait3A_219 : memref<4096xf32, #tpu.memory_space<vmem>>)
    %dma_wait3A_221 = arith.constant 20480 : i32
    %dma_wait3A_222 = tpu.memref_slice %arg8[%dma_wait3A_221] : memref<24576xf32, #tpu.memory_space<vmem>> -> memref<4096xf32, #tpu.memory_space<vmem>>
    %dma_wait3A_223 = tpu.memref_slice %arg2[%add3A_199] : memref<196608xf32, #tpu.memory_space<hbm>> -> memref<4096xf32, #tpu.memory_space<hbm>>
    %dma_wait3A_224 = arith.constant 20480 : i32
    %dma_wait3A_225 = tpu.memref_slice %arg8[%dma_wait3A_224] : memref<24576xf32, #tpu.memory_space<vmem>> -> memref<4096xf32, #tpu.memory_space<vmem>>
    %dma_wait3A_226 = tpu.memref_slice %arg2[%add3A_199] : memref<196608xf32, #tpu.memory_space<hbm>> -> memref<4096xf32, #tpu.memory_space<hbm>>
    tpu.wait_dma2 semaphore(%arg14 : memref<!tpu.dma_semaphore, #tpu.memory_space<semaphore_mem>>) src(%dma_wait3A_226 : memref<4096xf32, #tpu.memory_space<hbm>>) dst(%dma_wait3A_225 : memref<4096xf32, #tpu.memory_space<vmem>>)
    %add3A_227 = arith.constant 0 : i32
    %add3A_228 = arith.addi %add3A_227, %select_n3A : i32
    %mul3A_229 = arith.constant 16384 : i32
    %mul3A_230 = arith.muli %add3A_228, %mul3A_229 : i32
    %add3A_231 = arith.constant 8192 : i32
    %add3A_232 = arith.addi %mul3A_230, %add3A_231 : i32
    %dma_start3A_233 = arith.constant 0 : i32
    %dma_start3A_234 = tpu.memref_slice %arg8[%dma_start3A_233] : memref<24576xf32, #tpu.memory_space<vmem>> -> memref<4096xf32, #tpu.memory_space<vmem>>
    %dma_start3A_235 = tpu.memref_slice %arg2[%add3A_232] : memref<196608xf32, #tpu.memory_space<hbm>> -> memref<4096xf32, #tpu.memory_space<hbm>>
    %dma_start3A_236 = arith.constant 0 : i32
    %dma_start3A_237 = tpu.memref_slice %arg8[%dma_start3A_236] : memref<24576xf32, #tpu.memory_space<vmem>> -> memref<4096xf32, #tpu.memory_space<vmem>>
    %dma_start3A_238 = tpu.memref_slice %arg2[%add3A_232] : memref<196608xf32, #tpu.memory_space<hbm>> -> memref<4096xf32, #tpu.memory_space<hbm>>
    tpu.enqueue_dma source(%dma_start3A_238 : memref<4096xf32, #tpu.memory_space<hbm>>) target(%dma_start3A_237 : memref<4096xf32, #tpu.memory_space<vmem>>) target_semaphore(%arg13 : memref<!tpu.dma_semaphore, #tpu.memory_space<semaphore_mem>>)
    %add3A_239 = arith.constant 4 : i32
    %add3A_240 = arith.addi %add3A_239, %select_n3A : i32
    %mul3A_241 = arith.constant 16384 : i32
    %mul3A_242 = arith.muli %add3A_240, %mul3A_241 : i32
    %add3A_243 = arith.constant 8192 : i32
    %add3A_244 = arith.addi %mul3A_242, %add3A_243 : i32
    %dma_start3A_245 = arith.constant 4096 : i32
    %dma_start3A_246 = tpu.memref_slice %arg8[%dma_start3A_245] : memref<24576xf32, #tpu.memory_space<vmem>> -> memref<4096xf32, #tpu.memory_space<vmem>>
    %dma_start3A_247 = tpu.memref_slice %arg2[%add3A_244] : memref<196608xf32, #tpu.memory_space<hbm>> -> memref<4096xf32, #tpu.memory_space<hbm>>
    %dma_start3A_248 = arith.constant 4096 : i32
    %dma_start3A_249 = tpu.memref_slice %arg8[%dma_start3A_248] : memref<24576xf32, #tpu.memory_space<vmem>> -> memref<4096xf32, #tpu.memory_space<vmem>>
    %dma_start3A_250 = tpu.memref_slice %arg2[%add3A_244] : memref<196608xf32, #tpu.memory_space<hbm>> -> memref<4096xf32, #tpu.memory_space<hbm>>
    tpu.enqueue_dma source(%dma_start3A_250 : memref<4096xf32, #tpu.memory_space<hbm>>) target(%dma_start3A_249 : memref<4096xf32, #tpu.memory_space<vmem>>) target_semaphore(%arg13 : memref<!tpu.dma_semaphore, #tpu.memory_space<semaphore_mem>>)
    %add3A_251 = arith.constant 8 : i32
    %add3A_252 = arith.addi %add3A_251, %select_n3A : i32
    %mul3A_253 = arith.constant 16384 : i32
    %mul3A_254 = arith.muli %add3A_252, %mul3A_253 : i32
    %add3A_255 = arith.constant 8192 : i32
    %add3A_256 = arith.addi %mul3A_254, %add3A_255 : i32
    %dma_start3A_257 = arith.constant 8192 : i32
    %dma_start3A_258 = tpu.memref_slice %arg8[%dma_start3A_257] : memref<24576xf32, #tpu.memory_space<vmem>> -> memref<4096xf32, #tpu.memory_space<vmem>>
    %dma_start3A_259 = tpu.memref_slice %arg2[%add3A_256] : memref<196608xf32, #tpu.memory_space<hbm>> -> memref<4096xf32, #tpu.memory_space<hbm>>
    %dma_start3A_260 = arith.constant 8192 : i32
    %dma_start3A_261 = tpu.memref_slice %arg8[%dma_start3A_260] : memref<24576xf32, #tpu.memory_space<vmem>> -> memref<4096xf32, #tpu.memory_space<vmem>>
    %dma_start3A_262 = tpu.memref_slice %arg2[%add3A_256] : memref<196608xf32, #tpu.memory_space<hbm>> -> memref<4096xf32, #tpu.memory_space<hbm>>
    tpu.enqueue_dma source(%dma_start3A_262 : memref<4096xf32, #tpu.memory_space<hbm>>) target(%dma_start3A_261 : memref<4096xf32, #tpu.memory_space<vmem>>) target_semaphore(%arg13 : memref<!tpu.dma_semaphore, #tpu.memory_space<semaphore_mem>>)
    %parallel_loop3A_263 = arith.constant 0 : i32
    %parallel_loop3A_264 = arith.constant 256 : i32
    %parallel_loop3A_265 = arith.constant 4 : i32
    %parallel_loop3A_266:8 = scf.for %parallel_loop3A_360 = %parallel_loop3A_263 to %parallel_loop3A_264 step %parallel_loop3A_265 iter_args(%parallel_loop3A_361 = %parallel_loop3A_208#0, %parallel_loop3A_362 = %parallel_loop3A_208#1, %parallel_loop3A_363 = %parallel_loop3A_208#2, %parallel_loop3A_364 = %parallel_loop3A_208#3, %parallel_loop3A_365 = %parallel_loop3A_208#4, %parallel_loop3A_366 = %parallel_loop3A_208#5, %parallel_loop3A_367 = %parallel_loop3A_208#6, %parallel_loop3A_368 = %parallel_loop3A_208#7) -> (vector<16xf32>, vector<16xf32>, vector<16xf32>, vector<16xf32>, vector<16xf32>, vector<16xf32>, vector<16xf32>, vector<16xf32>)  : i32 {
      %parallel_loop3A_369 = arith.constant 0 : i32
      %parallel_loop3A_370 = arith.addi %parallel_loop3A_360, %parallel_loop3A_369 : i32
      %parallel_loop3A_371 = arith.constant 16 : i32
      %parallel_loop3A_372 = arith.muli %parallel_loop3A_370, %parallel_loop3A_371 : i32
      %parallel_loop3A_373 = vector.broadcast %parallel_loop3A_372 : i32 to vector<16xi32>
      %parallel_loop3A_374 = arith.addi %iota3A, %parallel_loop3A_373 : vector<16xi32>
      %parallel_loop3A_375 = arith.constant 12288 : i32
      %parallel_loop3A_376 = tpu.memref_slice %arg8[%parallel_loop3A_375] : memref<24576xf32, #tpu.memory_space<vmem>> -> memref<12288xf32, #tpu.memory_space<vmem>>
      %parallel_loop3A_377 = tpu.vector_load_idx %parallel_loop3A_376[%parallel_loop3A_374] : memref<12288xf32, #tpu.memory_space<vmem>>[vector<16xi32>], vector<16xf32>,
      %parallel_loop3A_378 = arith.constant 4096 : i32
      %parallel_loop3A_379 = vector.broadcast %parallel_loop3A_378 : i32 to vector<16xi32>
      %parallel_loop3A_380 = arith.addi %parallel_loop3A_374, %parallel_loop3A_379 : vector<16xi32>
      %parallel_loop3A_381 = arith.constant 12288 : i32
      %parallel_loop3A_382 = tpu.memref_slice %arg8[%parallel_loop3A_381] : memref<24576xf32, #tpu.memory_space<vmem>> -> memref<12288xf32, #tpu.memory_space<vmem>>
      %parallel_loop3A_383 = tpu.vector_load_idx %parallel_loop3A_382[%parallel_loop3A_380] : memref<12288xf32, #tpu.memory_space<vmem>>[vector<16xi32>], vector<16xf32>,
      %parallel_loop3A_384 = arith.constant 8192 : i32
      %parallel_loop3A_385 = vector.broadcast %parallel_loop3A_384 : i32 to vector<16xi32>
      %parallel_loop3A_386 = arith.addi %parallel_loop3A_374, %parallel_loop3A_385 : vector<16xi32>
      %parallel_loop3A_387 = arith.constant 12288 : i32
      %parallel_loop3A_388 = tpu.memref_slice %arg8[%parallel_loop3A_387] : memref<24576xf32, #tpu.memory_space<vmem>> -> memref<12288xf32, #tpu.memory_space<vmem>>
      %parallel_loop3A_389 = tpu.vector_load_idx %parallel_loop3A_388[%parallel_loop3A_386] : memref<12288xf32, #tpu.memory_space<vmem>>[vector<16xi32>], vector<16xf32>,
      %parallel_loop3A_390 = arith.mulf %parallel_loop3A_377, %gather3A_122 : vector<16xf32>
      %parallel_loop3A_391 = arith.mulf %parallel_loop3A_383, %gather3A_125 : vector<16xf32>
      %parallel_loop3A_392 = arith.addf %parallel_loop3A_390, %parallel_loop3A_391 : vector<16xf32>
      %parallel_loop3A_393 = arith.mulf %parallel_loop3A_389, %gather3A_128 : vector<16xf32>
      %parallel_loop3A_394 = arith.addf %parallel_loop3A_392, %parallel_loop3A_393 : vector<16xf32>
      %parallel_loop3A_395 = arith.addf %parallel_loop3A_394, %gather3A_131 : vector<16xf32>
      %parallel_loop3A_396 = arith.mulf %parallel_loop3A_395, %gather3A : vector<16xf32>
      %parallel_loop3A_397 = arith.subf %parallel_loop3A_377, %parallel_loop3A_396 : vector<16xf32>
      %parallel_loop3A_398 = arith.mulf %parallel_loop3A_395, %gather3A_116 : vector<16xf32>
      %parallel_loop3A_399 = arith.subf %parallel_loop3A_383, %parallel_loop3A_398 : vector<16xf32>
      %parallel_loop3A_400 = arith.mulf %parallel_loop3A_395, %gather3A_119 : vector<16xf32>
      %parallel_loop3A_401 = arith.subf %parallel_loop3A_389, %parallel_loop3A_400 : vector<16xf32>
      %parallel_loop3A_402 = arith.addf %parallel_loop3A_397, %gather3A_143 : vector<16xf32>
      %parallel_loop3A_403 = arith.mulf %parallel_loop3A_402, %gather3A_146 : vector<16xf32>
      %parallel_loop3A_404 = arith.constant 0.000000e+00 : f32
      %parallel_loop3A_405 = vector.broadcast %parallel_loop3A_404 : f32 to vector<16xf32>
      %parallel_loop3A_406 = arith.maximumf %parallel_loop3A_403, %parallel_loop3A_405 : vector<16xf32>
      %parallel_loop3A_407 = arith.minimumf %parallel_loop3A_406, %gather3A_149 : vector<16xf32>
      %parallel_loop3A_408 = arith.fptosi %parallel_loop3A_407 : vector<16xf32> to vector<16xi32>
      %parallel_loop3A_409 = arith.constant 32 : i32
      %parallel_loop3A_410 = vector.broadcast %parallel_loop3A_409 : i32 to vector<16xi32>
      %parallel_loop3A_411 = arith.muli %parallel_loop3A_408, %parallel_loop3A_410 : vector<16xi32>
      %parallel_loop3A_412 = arith.addf %parallel_loop3A_399, %gather3A_143 : vector<16xf32>
      %parallel_loop3A_413 = arith.mulf %parallel_loop3A_412, %gather3A_146 : vector<16xf32>
      %parallel_loop3A_414 = arith.constant 0.000000e+00 : f32
      %parallel_loop3A_415 = vector.broadcast %parallel_loop3A_414 : f32 to vector<16xf32>
      %parallel_loop3A_416 = arith.maximumf %parallel_loop3A_413, %parallel_loop3A_415 : vector<16xf32>
      %parallel_loop3A_417 = arith.minimumf %parallel_loop3A_416, %gather3A_149 : vector<16xf32>
      %parallel_loop3A_418 = arith.fptosi %parallel_loop3A_417 : vector<16xf32> to vector<16xi32>
      %parallel_loop3A_419 = arith.addi %parallel_loop3A_411, %parallel_loop3A_418 : vector<16xi32>
      %parallel_loop3A_420 = arith.constant 32 : i32
      %parallel_loop3A_421 = vector.broadcast %parallel_loop3A_420 : i32 to vector<16xi32>
      %parallel_loop3A_422 = arith.muli %parallel_loop3A_419, %parallel_loop3A_421 : vector<16xi32>
      %parallel_loop3A_423 = arith.addf %parallel_loop3A_401, %gather3A_143 : vector<16xf32>
      %parallel_loop3A_424 = arith.mulf %parallel_loop3A_423, %gather3A_146 : vector<16xf32>
      %parallel_loop3A_425 = arith.constant 0.000000e+00 : f32
      %parallel_loop3A_426 = vector.broadcast %parallel_loop3A_425 : f32 to vector<16xf32>
      %parallel_loop3A_427 = arith.maximumf %parallel_loop3A_424, %parallel_loop3A_426 : vector<16xf32>
      %parallel_loop3A_428 = arith.minimumf %parallel_loop3A_427, %gather3A_149 : vector<16xf32>
      %parallel_loop3A_429 = arith.fptosi %parallel_loop3A_428 : vector<16xf32> to vector<16xi32>
      %parallel_loop3A_430 = arith.addi %parallel_loop3A_422, %parallel_loop3A_429 : vector<16xi32>
      %parallel_loop3A_431 = tpu.vector_load_idx %arg7[%parallel_loop3A_430] : memref<98304xf32, #tpu.memory_space<vmem>>[vector<16xi32>], vector<16xf32>,
      %parallel_loop3A_432 = arith.constant 32768 : i32
      %parallel_loop3A_433 = vector.broadcast %parallel_loop3A_432 : i32 to vector<16xi32>
      %parallel_loop3A_434 = arith.addi %parallel_loop3A_430, %parallel_loop3A_433 : vector<16xi32>
      %parallel_loop3A_435 = tpu.vector_load_idx %arg7[%parallel_loop3A_434] : memref<98304xf32, #tpu.memory_space<vmem>>[vector<16xi32>], vector<16xf32>,
      %parallel_loop3A_436 = arith.constant 65536 : i32
      %parallel_loop3A_437 = vector.broadcast %parallel_loop3A_436 : i32 to vector<16xi32>
      %parallel_loop3A_438 = arith.addi %parallel_loop3A_430, %parallel_loop3A_437 : vector<16xi32>
      %parallel_loop3A_439 = tpu.vector_load_idx %arg7[%parallel_loop3A_438] : memref<98304xf32, #tpu.memory_space<vmem>>[vector<16xi32>], vector<16xf32>,
      %parallel_loop3A_440 = arith.subf %parallel_loop3A_397, %parallel_loop3A_431 : vector<16xf32>
      %parallel_loop3A_441 = arith.subf %parallel_loop3A_399, %parallel_loop3A_435 : vector<16xf32>
      %parallel_loop3A_442 = arith.subf %parallel_loop3A_401, %parallel_loop3A_439 : vector<16xf32>
      %parallel_loop3A_443 = arith.mulf %parallel_loop3A_440, %parallel_loop3A_440 : vector<16xf32>
      %parallel_loop3A_444 = arith.mulf %parallel_loop3A_441, %parallel_loop3A_441 : vector<16xf32>
      %parallel_loop3A_445 = arith.addf %parallel_loop3A_443, %parallel_loop3A_444 : vector<16xf32>
      %parallel_loop3A_446 = arith.mulf %parallel_loop3A_442, %parallel_loop3A_442 : vector<16xf32>
      %parallel_loop3A_447 = arith.addf %parallel_loop3A_445, %parallel_loop3A_446 : vector<16xf32>
      %parallel_loop3A_448 = arith.addf %parallel_loop3A_361, %parallel_loop3A_447 : vector<16xf32>
      %parallel_loop3A_449 = arith.mulf %gather3A_134, %parallel_loop3A_377 : vector<16xf32>
      %parallel_loop3A_450 = arith.mulf %gather3A_137, %parallel_loop3A_383 : vector<16xf32>
      %parallel_loop3A_451 = arith.mulf %gather3A_140, %parallel_loop3A_389 : vector<16xf32>
      %parallel_loop3A_452 = arith.addf %parallel_loop3A_449, %gather3A_143 : vector<16xf32>
      %parallel_loop3A_453 = arith.mulf %parallel_loop3A_452, %gather3A_146 : vector<16xf32>
      %parallel_loop3A_454 = arith.constant 0.000000e+00 : f32
      %parallel_loop3A_455 = vector.broadcast %parallel_loop3A_454 : f32 to vector<16xf32>
      %parallel_loop3A_456 = arith.maximumf %parallel_loop3A_453, %parallel_loop3A_455 : vector<16xf32>
      %parallel_loop3A_457 = arith.minimumf %parallel_loop3A_456, %gather3A_149 : vector<16xf32>
      %parallel_loop3A_458 = arith.fptosi %parallel_loop3A_457 : vector<16xf32> to vector<16xi32>
      %parallel_loop3A_459 = arith.constant 32 : i32
      %parallel_loop3A_460 = vector.broadcast %parallel_loop3A_459 : i32 to vector<16xi32>
      %parallel_loop3A_461 = arith.muli %parallel_loop3A_458, %parallel_loop3A_460 : vector<16xi32>
      %parallel_loop3A_462 = arith.addf %parallel_loop3A_450, %gather3A_143 : vector<16xf32>
      %parallel_loop3A_463 = arith.mulf %parallel_loop3A_462, %gather3A_146 : vector<16xf32>
      %parallel_loop3A_464 = arith.constant 0.000000e+00 : f32
      %parallel_loop3A_465 = vector.broadcast %parallel_loop3A_464 : f32 to vector<16xf32>
      %parallel_loop3A_466 = arith.maximumf %parallel_loop3A_463, %parallel_loop3A_465 : vector<16xf32>
      %parallel_loop3A_467 = arith.minimumf %parallel_loop3A_466, %gather3A_149 : vector<16xf32>
      %parallel_loop3A_468 = arith.fptosi %parallel_loop3A_467 : vector<16xf32> to vector<16xi32>
      %parallel_loop3A_469 = arith.addi %parallel_loop3A_461, %parallel_loop3A_468 : vector<16xi32>
      %parallel_loop3A_470 = arith.constant 32 : i32
      %parallel_loop3A_471 = vector.broadcast %parallel_loop3A_470 : i32 to vector<16xi32>
      %parallel_loop3A_472 = arith.muli %parallel_loop3A_469, %parallel_loop3A_471 : vector<16xi32>
      %parallel_loop3A_473 = arith.addf %parallel_loop3A_451, %gather3A_143 : vector<16xf32>
      %parallel_loop3A_474 = arith.mulf %parallel_loop3A_473, %gather3A_146 : vector<16xf32>
      %parallel_loop3A_475 = arith.constant 0.000000e+00 : f32
      %parallel_loop3A_476 = vector.broadcast %parallel_loop3A_475 : f32 to vector<16xf32>
      %parallel_loop3A_477 = arith.maximumf %parallel_loop3A_474, %parallel_loop3A_476 : vector<16xf32>
      %parallel_loop3A_478 = arith.minimumf %parallel_loop3A_477, %gather3A_149 : vector<16xf32>
      %parallel_loop3A_479 = arith.fptosi %parallel_loop3A_478 : vector<16xf32> to vector<16xi32>
      %parallel_loop3A_480 = arith.addi %parallel_loop3A_472, %parallel_loop3A_479 : vector<16xi32>
      %parallel_loop3A_481 = tpu.vector_load_idx %arg7[%parallel_loop3A_480] : memref<98304xf32, #tpu.memory_space<vmem>>[vector<16xi32>], vector<16xf32>,
      %parallel_loop3A_482 = arith.constant 32768 : i32
      %parallel_loop3A_483 = vector.broadcast %parallel_loop3A_482 : i32 to vector<16xi32>
      %parallel_loop3A_484 = arith.addi %parallel_loop3A_480, %parallel_loop3A_483 : vector<16xi32>
      %parallel_loop3A_485 = tpu.vector_load_idx %arg7[%parallel_loop3A_484] : memref<98304xf32, #tpu.memory_space<vmem>>[vector<16xi32>], vector<16xf32>,
      %parallel_loop3A_486 = arith.constant 65536 : i32
      %parallel_loop3A_487 = vector.broadcast %parallel_loop3A_486 : i32 to vector<16xi32>
      %parallel_loop3A_488 = arith.addi %parallel_loop3A_480, %parallel_loop3A_487 : vector<16xi32>
      %parallel_loop3A_489 = tpu.vector_load_idx %arg7[%parallel_loop3A_488] : memref<98304xf32, #tpu.memory_space<vmem>>[vector<16xi32>], vector<16xf32>,
      %parallel_loop3A_490 = arith.subf %parallel_loop3A_449, %parallel_loop3A_481 : vector<16xf32>
      %parallel_loop3A_491 = arith.subf %parallel_loop3A_450, %parallel_loop3A_485 : vector<16xf32>
      %parallel_loop3A_492 = arith.subf %parallel_loop3A_451, %parallel_loop3A_489 : vector<16xf32>
      %parallel_loop3A_493 = arith.mulf %parallel_loop3A_490, %parallel_loop3A_490 : vector<16xf32>
      %parallel_loop3A_494 = arith.mulf %parallel_loop3A_491, %parallel_loop3A_491 : vector<16xf32>
      %parallel_loop3A_495 = arith.addf %parallel_loop3A_493, %parallel_loop3A_494 : vector<16xf32>
      %parallel_loop3A_496 = arith.mulf %parallel_loop3A_492, %parallel_loop3A_492 : vector<16xf32>
      %parallel_loop3A_497 = arith.addf %parallel_loop3A_495, %parallel_loop3A_496 : vector<16xf32>
      %parallel_loop3A_498 = arith.addf %parallel_loop3A_362, %parallel_loop3A_497 : vector<16xf32>
      %parallel_loop3A_499 = arith.constant 1 : i32
      %parallel_loop3A_500 = arith.addi %parallel_loop3A_360, %parallel_loop3A_499 : i32
      %parallel_loop3A_501 = arith.constant 16 : i32
      %parallel_loop3A_502 = arith.muli %parallel_loop3A_500, %parallel_loop3A_501 : i32
      %parallel_loop3A_503 = vector.broadcast %parallel_loop3A_502 : i32 to vector<16xi32>
      %parallel_loop3A_504 = arith.addi %iota3A, %parallel_loop3A_503 : vector<16xi32>
      %parallel_loop3A_505 = arith.constant 12288 : i32
      %parallel_loop3A_506 = tpu.memref_slice %arg8[%parallel_loop3A_505] : memref<24576xf32, #tpu.memory_space<vmem>> -> memref<12288xf32, #tpu.memory_space<vmem>>
      %parallel_loop3A_507 = tpu.vector_load_idx %parallel_loop3A_506[%parallel_loop3A_504] : memref<12288xf32, #tpu.memory_space<vmem>>[vector<16xi32>], vector<16xf32>,
      %parallel_loop3A_508 = arith.constant 4096 : i32
      %parallel_loop3A_509 = vector.broadcast %parallel_loop3A_508 : i32 to vector<16xi32>
      %parallel_loop3A_510 = arith.addi %parallel_loop3A_504, %parallel_loop3A_509 : vector<16xi32>
      %parallel_loop3A_511 = arith.constant 12288 : i32
      %parallel_loop3A_512 = tpu.memref_slice %arg8[%parallel_loop3A_511] : memref<24576xf32, #tpu.memory_space<vmem>> -> memref<12288xf32, #tpu.memory_space<vmem>>
      %parallel_loop3A_513 = tpu.vector_load_idx %parallel_loop3A_512[%parallel_loop3A_510] : memref<12288xf32, #tpu.memory_space<vmem>>[vector<16xi32>], vector<16xf32>,
      %parallel_loop3A_514 = arith.constant 8192 : i32
      %parallel_loop3A_515 = vector.broadcast %parallel_loop3A_514 : i32 to vector<16xi32>
      %parallel_loop3A_516 = arith.addi %parallel_loop3A_504, %parallel_loop3A_515 : vector<16xi32>
      %parallel_loop3A_517 = arith.constant 12288 : i32
      %parallel_loop3A_518 = tpu.memref_slice %arg8[%parallel_loop3A_517] : memref<24576xf32, #tpu.memory_space<vmem>> -> memref<12288xf32, #tpu.memory_space<vmem>>
      %parallel_loop3A_519 = tpu.vector_load_idx %parallel_loop3A_518[%parallel_loop3A_516] : memref<12288xf32, #tpu.memory_space<vmem>>[vector<16xi32>], vector<16xf32>,
      %parallel_loop3A_520 = arith.mulf %parallel_loop3A_507, %gather3A_122 : vector<16xf32>
      %parallel_loop3A_521 = arith.mulf %parallel_loop3A_513, %gather3A_125 : vector<16xf32>
      %parallel_loop3A_522 = arith.addf %parallel_loop3A_520, %parallel_loop3A_521 : vector<16xf32>
      %parallel_loop3A_523 = arith.mulf %parallel_loop3A_519, %gather3A_128 : vector<16xf32>
      %parallel_loop3A_524 = arith.addf %parallel_loop3A_522, %parallel_loop3A_523 : vector<16xf32>
      %parallel_loop3A_525 = arith.addf %parallel_loop3A_524, %gather3A_131 : vector<16xf32>
      %parallel_loop3A_526 = arith.mulf %parallel_loop3A_525, %gather3A : vector<16xf32>
      %parallel_loop3A_527 = arith.subf %parallel_loop3A_507, %parallel_loop3A_526 : vector<16xf32>
      %parallel_loop3A_528 = arith.mulf %parallel_loop3A_525, %gather3A_116 : vector<16xf32>
      %parallel_loop3A_529 = arith.subf %parallel_loop3A_513, %parallel_loop3A_528 : vector<16xf32>
      %parallel_loop3A_530 = arith.mulf %parallel_loop3A_525, %gather3A_119 : vector<16xf32>
      %parallel_loop3A_531 = arith.subf %parallel_loop3A_519, %parallel_loop3A_530 : vector<16xf32>
      %parallel_loop3A_532 = arith.addf %parallel_loop3A_527, %gather3A_143 : vector<16xf32>
      %parallel_loop3A_533 = arith.mulf %parallel_loop3A_532, %gather3A_146 : vector<16xf32>
      %parallel_loop3A_534 = arith.constant 0.000000e+00 : f32
      %parallel_loop3A_535 = vector.broadcast %parallel_loop3A_534 : f32 to vector<16xf32>
      %parallel_loop3A_536 = arith.maximumf %parallel_loop3A_533, %parallel_loop3A_535 : vector<16xf32>
      %parallel_loop3A_537 = arith.minimumf %parallel_loop3A_536, %gather3A_149 : vector<16xf32>
      %parallel_loop3A_538 = arith.fptosi %parallel_loop3A_537 : vector<16xf32> to vector<16xi32>
      %parallel_loop3A_539 = arith.constant 32 : i32
      %parallel_loop3A_540 = vector.broadcast %parallel_loop3A_539 : i32 to vector<16xi32>
      %parallel_loop3A_541 = arith.muli %parallel_loop3A_538, %parallel_loop3A_540 : vector<16xi32>
      %parallel_loop3A_542 = arith.addf %parallel_loop3A_529, %gather3A_143 : vector<16xf32>
      %parallel_loop3A_543 = arith.mulf %parallel_loop3A_542, %gather3A_146 : vector<16xf32>
      %parallel_loop3A_544 = arith.constant 0.000000e+00 : f32
      %parallel_loop3A_545 = vector.broadcast %parallel_loop3A_544 : f32 to vector<16xf32>
      %parallel_loop3A_546 = arith.maximumf %parallel_loop3A_543, %parallel_loop3A_545 : vector<16xf32>
      %parallel_loop3A_547 = arith.minimumf %parallel_loop3A_546, %gather3A_149 : vector<16xf32>
      %parallel_loop3A_548 = arith.fptosi %parallel_loop3A_547 : vector<16xf32> to vector<16xi32>
      %parallel_loop3A_549 = arith.addi %parallel_loop3A_541, %parallel_loop3A_548 : vector<16xi32>
      %parallel_loop3A_550 = arith.constant 32 : i32
      %parallel_loop3A_551 = vector.broadcast %parallel_loop3A_550 : i32 to vector<16xi32>
      %parallel_loop3A_552 = arith.muli %parallel_loop3A_549, %parallel_loop3A_551 : vector<16xi32>
      %parallel_loop3A_553 = arith.addf %parallel_loop3A_531, %gather3A_143 : vector<16xf32>
      %parallel_loop3A_554 = arith.mulf %parallel_loop3A_553, %gather3A_146 : vector<16xf32>
      %parallel_loop3A_555 = arith.constant 0.000000e+00 : f32
      %parallel_loop3A_556 = vector.broadcast %parallel_loop3A_555 : f32 to vector<16xf32>
      %parallel_loop3A_557 = arith.maximumf %parallel_loop3A_554, %parallel_loop3A_556 : vector<16xf32>
      %parallel_loop3A_558 = arith.minimumf %parallel_loop3A_557, %gather3A_149 : vector<16xf32>
      %parallel_loop3A_559 = arith.fptosi %parallel_loop3A_558 : vector<16xf32> to vector<16xi32>
      %parallel_loop3A_560 = arith.addi %parallel_loop3A_552, %parallel_loop3A_559 : vector<16xi32>
      %parallel_loop3A_561 = tpu.vector_load_idx %arg7[%parallel_loop3A_560] : memref<98304xf32, #tpu.memory_space<vmem>>[vector<16xi32>], vector<16xf32>,
      %parallel_loop3A_562 = arith.constant 32768 : i32
      %parallel_loop3A_563 = vector.broadcast %parallel_loop3A_562 : i32 to vector<16xi32>
      %parallel_loop3A_564 = arith.addi %parallel_loop3A_560, %parallel_loop3A_563 : vector<16xi32>
      %parallel_loop3A_565 = tpu.vector_load_idx %arg7[%parallel_loop3A_564] : memref<98304xf32, #tpu.memory_space<vmem>>[vector<16xi32>], vector<16xf32>,
      %parallel_loop3A_566 = arith.constant 65536 : i32
      %parallel_loop3A_567 = vector.broadcast %parallel_loop3A_566 : i32 to vector<16xi32>
      %parallel_loop3A_568 = arith.addi %parallel_loop3A_560, %parallel_loop3A_567 : vector<16xi32>
      %parallel_loop3A_569 = tpu.vector_load_idx %arg7[%parallel_loop3A_568] : memref<98304xf32, #tpu.memory_space<vmem>>[vector<16xi32>], vector<16xf32>,
      %parallel_loop3A_570 = arith.subf %parallel_loop3A_527, %parallel_loop3A_561 : vector<16xf32>
      %parallel_loop3A_571 = arith.subf %parallel_loop3A_529, %parallel_loop3A_565 : vector<16xf32>
      %parallel_loop3A_572 = arith.subf %parallel_loop3A_531, %parallel_loop3A_569 : vector<16xf32>
      %parallel_loop3A_573 = arith.mulf %parallel_loop3A_570, %parallel_loop3A_570 : vector<16xf32>
      %parallel_loop3A_574 = arith.mulf %parallel_loop3A_571, %parallel_loop3A_571 : vector<16xf32>
      %parallel_loop3A_575 = arith.addf %parallel_loop3A_573, %parallel_loop3A_574 : vector<16xf32>
      %parallel_loop3A_576 = arith.mulf %parallel_loop3A_572, %parallel_loop3A_572 : vector<16xf32>
      %parallel_loop3A_577 = arith.addf %parallel_loop3A_575, %parallel_loop3A_576 : vector<16xf32>
      %parallel_loop3A_578 = arith.addf %parallel_loop3A_363, %parallel_loop3A_577 : vector<16xf32>
      %parallel_loop3A_579 = arith.mulf %gather3A_134, %parallel_loop3A_507 : vector<16xf32>
      %parallel_loop3A_580 = arith.mulf %gather3A_137, %parallel_loop3A_513 : vector<16xf32>
      %parallel_loop3A_581 = arith.mulf %gather3A_140, %parallel_loop3A_519 : vector<16xf32>
      %parallel_loop3A_582 = arith.addf %parallel_loop3A_579, %gather3A_143 : vector<16xf32>
      %parallel_loop3A_583 = arith.mulf %parallel_loop3A_582, %gather3A_146 : vector<16xf32>
      %parallel_loop3A_584 = arith.constant 0.000000e+00 : f32
      %parallel_loop3A_585 = vector.broadcast %parallel_loop3A_584 : f32 to vector<16xf32>
      %parallel_loop3A_586 = arith.maximumf %parallel_loop3A_583, %parallel_loop3A_585 : vector<16xf32>
      %parallel_loop3A_587 = arith.minimumf %parallel_loop3A_586, %gather3A_149 : vector<16xf32>
      %parallel_loop3A_588 = arith.fptosi %parallel_loop3A_587 : vector<16xf32> to vector<16xi32>
      %parallel_loop3A_589 = arith.constant 32 : i32
      %parallel_loop3A_590 = vector.broadcast %parallel_loop3A_589 : i32 to vector<16xi32>
      %parallel_loop3A_591 = arith.muli %parallel_loop3A_588, %parallel_loop3A_590 : vector<16xi32>
      %parallel_loop3A_592 = arith.addf %parallel_loop3A_580, %gather3A_143 : vector<16xf32>
      %parallel_loop3A_593 = arith.mulf %parallel_loop3A_592, %gather3A_146 : vector<16xf32>
      %parallel_loop3A_594 = arith.constant 0.000000e+00 : f32
      %parallel_loop3A_595 = vector.broadcast %parallel_loop3A_594 : f32 to vector<16xf32>
      %parallel_loop3A_596 = arith.maximumf %parallel_loop3A_593, %parallel_loop3A_595 : vector<16xf32>
      %parallel_loop3A_597 = arith.minimumf %parallel_loop3A_596, %gather3A_149 : vector<16xf32>
      %parallel_loop3A_598 = arith.fptosi %parallel_loop3A_597 : vector<16xf32> to vector<16xi32>
      %parallel_loop3A_599 = arith.addi %parallel_loop3A_591, %parallel_loop3A_598 : vector<16xi32>
      %parallel_loop3A_600 = arith.constant 32 : i32
      %parallel_loop3A_601 = vector.broadcast %parallel_loop3A_600 : i32 to vector<16xi32>
      %parallel_loop3A_602 = arith.muli %parallel_loop3A_599, %parallel_loop3A_601 : vector<16xi32>
      %parallel_loop3A_603 = arith.addf %parallel_loop3A_581, %gather3A_143 : vector<16xf32>
      %parallel_loop3A_604 = arith.mulf %parallel_loop3A_603, %gather3A_146 : vector<16xf32>
      %parallel_loop3A_605 = arith.constant 0.000000e+00 : f32
      %parallel_loop3A_606 = vector.broadcast %parallel_loop3A_605 : f32 to vector<16xf32>
      %parallel_loop3A_607 = arith.maximumf %parallel_loop3A_604, %parallel_loop3A_606 : vector<16xf32>
      %parallel_loop3A_608 = arith.minimumf %parallel_loop3A_607, %gather3A_149 : vector<16xf32>
      %parallel_loop3A_609 = arith.fptosi %parallel_loop3A_608 : vector<16xf32> to vector<16xi32>
      %parallel_loop3A_610 = arith.addi %parallel_loop3A_602, %parallel_loop3A_609 : vector<16xi32>
      %parallel_loop3A_611 = tpu.vector_load_idx %arg7[%parallel_loop3A_610] : memref<98304xf32, #tpu.memory_space<vmem>>[vector<16xi32>], vector<16xf32>,
      %parallel_loop3A_612 = arith.constant 32768 : i32
      %parallel_loop3A_613 = vector.broadcast %parallel_loop3A_612 : i32 to vector<16xi32>
      %parallel_loop3A_614 = arith.addi %parallel_loop3A_610, %parallel_loop3A_613 : vector<16xi32>
      %parallel_loop3A_615 = tpu.vector_load_idx %arg7[%parallel_loop3A_614] : memref<98304xf32, #tpu.memory_space<vmem>>[vector<16xi32>], vector<16xf32>,
      %parallel_loop3A_616 = arith.constant 65536 : i32
      %parallel_loop3A_617 = vector.broadcast %parallel_loop3A_616 : i32 to vector<16xi32>
      %parallel_loop3A_618 = arith.addi %parallel_loop3A_610, %parallel_loop3A_617 : vector<16xi32>
      %parallel_loop3A_619 = tpu.vector_load_idx %arg7[%parallel_loop3A_618] : memref<98304xf32, #tpu.memory_space<vmem>>[vector<16xi32>], vector<16xf32>,
      %parallel_loop3A_620 = arith.subf %parallel_loop3A_579, %parallel_loop3A_611 : vector<16xf32>
      %parallel_loop3A_621 = arith.subf %parallel_loop3A_580, %parallel_loop3A_615 : vector<16xf32>
      %parallel_loop3A_622 = arith.subf %parallel_loop3A_581, %parallel_loop3A_619 : vector<16xf32>
      %parallel_loop3A_623 = arith.mulf %parallel_loop3A_620, %parallel_loop3A_620 : vector<16xf32>
      %parallel_loop3A_624 = arith.mulf %parallel_loop3A_621, %parallel_loop3A_621 : vector<16xf32>
      %parallel_loop3A_625 = arith.addf %parallel_loop3A_623, %parallel_loop3A_624 : vector<16xf32>
      %parallel_loop3A_626 = arith.mulf %parallel_loop3A_622, %parallel_loop3A_622 : vector<16xf32>
      %parallel_loop3A_627 = arith.addf %parallel_loop3A_625, %parallel_loop3A_626 : vector<16xf32>
      %parallel_loop3A_628 = arith.addf %parallel_loop3A_364, %parallel_loop3A_627 : vector<16xf32>
      %parallel_loop3A_629 = arith.constant 2 : i32
      %parallel_loop3A_630 = arith.addi %parallel_loop3A_360, %parallel_loop3A_629 : i32
      %parallel_loop3A_631 = arith.constant 16 : i32
      %parallel_loop3A_632 = arith.muli %parallel_loop3A_630, %parallel_loop3A_631 : i32
      %parallel_loop3A_633 = vector.broadcast %parallel_loop3A_632 : i32 to vector<16xi32>
      %parallel_loop3A_634 = arith.addi %iota3A, %parallel_loop3A_633 : vector<16xi32>
      %parallel_loop3A_635 = arith.constant 12288 : i32
      %parallel_loop3A_636 = tpu.memref_slice %arg8[%parallel_loop3A_635] : memref<24576xf32, #tpu.memory_space<vmem>> -> memref<12288xf32, #tpu.memory_space<vmem>>
      %parallel_loop3A_637 = tpu.vector_load_idx %parallel_loop3A_636[%parallel_loop3A_634] : memref<12288xf32, #tpu.memory_space<vmem>>[vector<16xi32>], vector<16xf32>,
      %parallel_loop3A_638 = arith.constant 4096 : i32
      %parallel_loop3A_639 = vector.broadcast %parallel_loop3A_638 : i32 to vector<16xi32>
      %parallel_loop3A_640 = arith.addi %parallel_loop3A_634, %parallel_loop3A_639 : vector<16xi32>
      %parallel_loop3A_641 = arith.constant 12288 : i32
      %parallel_loop3A_642 = tpu.memref_slice %arg8[%parallel_loop3A_641] : memref<24576xf32, #tpu.memory_space<vmem>> -> memref<12288xf32, #tpu.memory_space<vmem>>
      %parallel_loop3A_643 = tpu.vector_load_idx %parallel_loop3A_642[%parallel_loop3A_640] : memref<12288xf32, #tpu.memory_space<vmem>>[vector<16xi32>], vector<16xf32>,
      %parallel_loop3A_644 = arith.constant 8192 : i32
      %parallel_loop3A_645 = vector.broadcast %parallel_loop3A_644 : i32 to vector<16xi32>
      %parallel_loop3A_646 = arith.addi %parallel_loop3A_634, %parallel_loop3A_645 : vector<16xi32>
      %parallel_loop3A_647 = arith.constant 12288 : i32
      %parallel_loop3A_648 = tpu.memref_slice %arg8[%parallel_loop3A_647] : memref<24576xf32, #tpu.memory_space<vmem>> -> memref<12288xf32, #tpu.memory_space<vmem>>
      %parallel_loop3A_649 = tpu.vector_load_idx %parallel_loop3A_648[%parallel_loop3A_646] : memref<12288xf32, #tpu.memory_space<vmem>>[vector<16xi32>], vector<16xf32>,
      %parallel_loop3A_650 = arith.mulf %parallel_loop3A_637, %gather3A_122 : vector<16xf32>
      %parallel_loop3A_651 = arith.mulf %parallel_loop3A_643, %gather3A_125 : vector<16xf32>
      %parallel_loop3A_652 = arith.addf %parallel_loop3A_650, %parallel_loop3A_651 : vector<16xf32>
      %parallel_loop3A_653 = arith.mulf %parallel_loop3A_649, %gather3A_128 : vector<16xf32>
      %parallel_loop3A_654 = arith.addf %parallel_loop3A_652, %parallel_loop3A_653 : vector<16xf32>
      %parallel_loop3A_655 = arith.addf %parallel_loop3A_654, %gather3A_131 : vector<16xf32>
      %parallel_loop3A_656 = arith.mulf %parallel_loop3A_655, %gather3A : vector<16xf32>
      %parallel_loop3A_657 = arith.subf %parallel_loop3A_637, %parallel_loop3A_656 : vector<16xf32>
      %parallel_loop3A_658 = arith.mulf %parallel_loop3A_655, %gather3A_116 : vector<16xf32>
      %parallel_loop3A_659 = arith.subf %parallel_loop3A_643, %parallel_loop3A_658 : vector<16xf32>
      %parallel_loop3A_660 = arith.mulf %parallel_loop3A_655, %gather3A_119 : vector<16xf32>
      %parallel_loop3A_661 = arith.subf %parallel_loop3A_649, %parallel_loop3A_660 : vector<16xf32>
      %parallel_loop3A_662 = arith.addf %parallel_loop3A_657, %gather3A_143 : vector<16xf32>
      %parallel_loop3A_663 = arith.mulf %parallel_loop3A_662, %gather3A_146 : vector<16xf32>
      %parallel_loop3A_664 = arith.constant 0.000000e+00 : f32
      %parallel_loop3A_665 = vector.broadcast %parallel_loop3A_664 : f32 to vector<16xf32>
      %parallel_loop3A_666 = arith.maximumf %parallel_loop3A_663, %parallel_loop3A_665 : vector<16xf32>
      %parallel_loop3A_667 = arith.minimumf %parallel_loop3A_666, %gather3A_149 : vector<16xf32>
      %parallel_loop3A_668 = arith.fptosi %parallel_loop3A_667 : vector<16xf32> to vector<16xi32>
      %parallel_loop3A_669 = arith.constant 32 : i32
      %parallel_loop3A_670 = vector.broadcast %parallel_loop3A_669 : i32 to vector<16xi32>
      %parallel_loop3A_671 = arith.muli %parallel_loop3A_668, %parallel_loop3A_670 : vector<16xi32>
      %parallel_loop3A_672 = arith.addf %parallel_loop3A_659, %gather3A_143 : vector<16xf32>
      %parallel_loop3A_673 = arith.mulf %parallel_loop3A_672, %gather3A_146 : vector<16xf32>
      %parallel_loop3A_674 = arith.constant 0.000000e+00 : f32
      %parallel_loop3A_675 = vector.broadcast %parallel_loop3A_674 : f32 to vector<16xf32>
      %parallel_loop3A_676 = arith.maximumf %parallel_loop3A_673, %parallel_loop3A_675 : vector<16xf32>
      %parallel_loop3A_677 = arith.minimumf %parallel_loop3A_676, %gather3A_149 : vector<16xf32>
      %parallel_loop3A_678 = arith.fptosi %parallel_loop3A_677 : vector<16xf32> to vector<16xi32>
      %parallel_loop3A_679 = arith.addi %parallel_loop3A_671, %parallel_loop3A_678 : vector<16xi32>
      %parallel_loop3A_680 = arith.constant 32 : i32
      %parallel_loop3A_681 = vector.broadcast %parallel_loop3A_680 : i32 to vector<16xi32>
      %parallel_loop3A_682 = arith.muli %parallel_loop3A_679, %parallel_loop3A_681 : vector<16xi32>
      %parallel_loop3A_683 = arith.addf %parallel_loop3A_661, %gather3A_143 : vector<16xf32>
      %parallel_loop3A_684 = arith.mulf %parallel_loop3A_683, %gather3A_146 : vector<16xf32>
      %parallel_loop3A_685 = arith.constant 0.000000e+00 : f32
      %parallel_loop3A_686 = vector.broadcast %parallel_loop3A_685 : f32 to vector<16xf32>
      %parallel_loop3A_687 = arith.maximumf %parallel_loop3A_684, %parallel_loop3A_686 : vector<16xf32>
      %parallel_loop3A_688 = arith.minimumf %parallel_loop3A_687, %gather3A_149 : vector<16xf32>
      %parallel_loop3A_689 = arith.fptosi %parallel_loop3A_688 : vector<16xf32> to vector<16xi32>
      %parallel_loop3A_690 = arith.addi %parallel_loop3A_682, %parallel_loop3A_689 : vector<16xi32>
      %parallel_loop3A_691 = tpu.vector_load_idx %arg7[%parallel_loop3A_690] : memref<98304xf32, #tpu.memory_space<vmem>>[vector<16xi32>], vector<16xf32>,
      %parallel_loop3A_692 = arith.constant 32768 : i32
      %parallel_loop3A_693 = vector.broadcast %parallel_loop3A_692 : i32 to vector<16xi32>
      %parallel_loop3A_694 = arith.addi %parallel_loop3A_690, %parallel_loop3A_693 : vector<16xi32>
      %parallel_loop3A_695 = tpu.vector_load_idx %arg7[%parallel_loop3A_694] : memref<98304xf32, #tpu.memory_space<vmem>>[vector<16xi32>], vector<16xf32>,
      %parallel_loop3A_696 = arith.constant 65536 : i32
      %parallel_loop3A_697 = vector.broadcast %parallel_loop3A_696 : i32 to vector<16xi32>
      %parallel_loop3A_698 = arith.addi %parallel_loop3A_690, %parallel_loop3A_697 : vector<16xi32>
      %parallel_loop3A_699 = tpu.vector_load_idx %arg7[%parallel_loop3A_698] : memref<98304xf32, #tpu.memory_space<vmem>>[vector<16xi32>], vector<16xf32>,
      %parallel_loop3A_700 = arith.subf %parallel_loop3A_657, %parallel_loop3A_691 : vector<16xf32>
      %parallel_loop3A_701 = arith.subf %parallel_loop3A_659, %parallel_loop3A_695 : vector<16xf32>
      %parallel_loop3A_702 = arith.subf %parallel_loop3A_661, %parallel_loop3A_699 : vector<16xf32>
      %parallel_loop3A_703 = arith.mulf %parallel_loop3A_700, %parallel_loop3A_700 : vector<16xf32>
      %parallel_loop3A_704 = arith.mulf %parallel_loop3A_701, %parallel_loop3A_701 : vector<16xf32>
      %parallel_loop3A_705 = arith.addf %parallel_loop3A_703, %parallel_loop3A_704 : vector<16xf32>
      %parallel_loop3A_706 = arith.mulf %parallel_loop3A_702, %parallel_loop3A_702 : vector<16xf32>
      %parallel_loop3A_707 = arith.addf %parallel_loop3A_705, %parallel_loop3A_706 : vector<16xf32>
      %parallel_loop3A_708 = arith.addf %parallel_loop3A_365, %parallel_loop3A_707 : vector<16xf32>
      %parallel_loop3A_709 = arith.mulf %gather3A_134, %parallel_loop3A_637 : vector<16xf32>
      %parallel_loop3A_710 = arith.mulf %gather3A_137, %parallel_loop3A_643 : vector<16xf32>
      %parallel_loop3A_711 = arith.mulf %gather3A_140, %parallel_loop3A_649 : vector<16xf32>
      %parallel_loop3A_712 = arith.addf %parallel_loop3A_709, %gather3A_143 : vector<16xf32>
      %parallel_loop3A_713 = arith.mulf %parallel_loop3A_712, %gather3A_146 : vector<16xf32>
      %parallel_loop3A_714 = arith.constant 0.000000e+00 : f32
      %parallel_loop3A_715 = vector.broadcast %parallel_loop3A_714 : f32 to vector<16xf32>
      %parallel_loop3A_716 = arith.maximumf %parallel_loop3A_713, %parallel_loop3A_715 : vector<16xf32>
      %parallel_loop3A_717 = arith.minimumf %parallel_loop3A_716, %gather3A_149 : vector<16xf32>
      %parallel_loop3A_718 = arith.fptosi %parallel_loop3A_717 : vector<16xf32> to vector<16xi32>
      %parallel_loop3A_719 = arith.constant 32 : i32
      %parallel_loop3A_720 = vector.broadcast %parallel_loop3A_719 : i32 to vector<16xi32>
      %parallel_loop3A_721 = arith.muli %parallel_loop3A_718, %parallel_loop3A_720 : vector<16xi32>
      %parallel_loop3A_722 = arith.addf %parallel_loop3A_710, %gather3A_143 : vector<16xf32>
      %parallel_loop3A_723 = arith.mulf %parallel_loop3A_722, %gather3A_146 : vector<16xf32>
      %parallel_loop3A_724 = arith.constant 0.000000e+00 : f32
      %parallel_loop3A_725 = vector.broadcast %parallel_loop3A_724 : f32 to vector<16xf32>
      %parallel_loop3A_726 = arith.maximumf %parallel_loop3A_723, %parallel_loop3A_725 : vector<16xf32>
      %parallel_loop3A_727 = arith.minimumf %parallel_loop3A_726, %gather3A_149 : vector<16xf32>
      %parallel_loop3A_728 = arith.fptosi %parallel_loop3A_727 : vector<16xf32> to vector<16xi32>
      %parallel_loop3A_729 = arith.addi %parallel_loop3A_721, %parallel_loop3A_728 : vector<16xi32>
      %parallel_loop3A_730 = arith.constant 32 : i32
      %parallel_loop3A_731 = vector.broadcast %parallel_loop3A_730 : i32 to vector<16xi32>
      %parallel_loop3A_732 = arith.muli %parallel_loop3A_729, %parallel_loop3A_731 : vector<16xi32>
      %parallel_loop3A_733 = arith.addf %parallel_loop3A_711, %gather3A_143 : vector<16xf32>
      %parallel_loop3A_734 = arith.mulf %parallel_loop3A_733, %gather3A_146 : vector<16xf32>
      %parallel_loop3A_735 = arith.constant 0.000000e+00 : f32
      %parallel_loop3A_736 = vector.broadcast %parallel_loop3A_735 : f32 to vector<16xf32>
      %parallel_loop3A_737 = arith.maximumf %parallel_loop3A_734, %parallel_loop3A_736 : vector<16xf32>
      %parallel_loop3A_738 = arith.minimumf %parallel_loop3A_737, %gather3A_149 : vector<16xf32>
      %parallel_loop3A_739 = arith.fptosi %parallel_loop3A_738 : vector<16xf32> to vector<16xi32>
      %parallel_loop3A_740 = arith.addi %parallel_loop3A_732, %parallel_loop3A_739 : vector<16xi32>
      %parallel_loop3A_741 = tpu.vector_load_idx %arg7[%parallel_loop3A_740] : memref<98304xf32, #tpu.memory_space<vmem>>[vector<16xi32>], vector<16xf32>,
      %parallel_loop3A_742 = arith.constant 32768 : i32
      %parallel_loop3A_743 = vector.broadcast %parallel_loop3A_742 : i32 to vector<16xi32>
      %parallel_loop3A_744 = arith.addi %parallel_loop3A_740, %parallel_loop3A_743 : vector<16xi32>
      %parallel_loop3A_745 = tpu.vector_load_idx %arg7[%parallel_loop3A_744] : memref<98304xf32, #tpu.memory_space<vmem>>[vector<16xi32>], vector<16xf32>,
      %parallel_loop3A_746 = arith.constant 65536 : i32
      %parallel_loop3A_747 = vector.broadcast %parallel_loop3A_746 : i32 to vector<16xi32>
      %parallel_loop3A_748 = arith.addi %parallel_loop3A_740, %parallel_loop3A_747 : vector<16xi32>
      %parallel_loop3A_749 = tpu.vector_load_idx %arg7[%parallel_loop3A_748] : memref<98304xf32, #tpu.memory_space<vmem>>[vector<16xi32>], vector<16xf32>,
      %parallel_loop3A_750 = arith.subf %parallel_loop3A_709, %parallel_loop3A_741 : vector<16xf32>
      %parallel_loop3A_751 = arith.subf %parallel_loop3A_710, %parallel_loop3A_745 : vector<16xf32>
      %parallel_loop3A_752 = arith.subf %parallel_loop3A_711, %parallel_loop3A_749 : vector<16xf32>
      %parallel_loop3A_753 = arith.mulf %parallel_loop3A_750, %parallel_loop3A_750 : vector<16xf32>
      %parallel_loop3A_754 = arith.mulf %parallel_loop3A_751, %parallel_loop3A_751 : vector<16xf32>
      %parallel_loop3A_755 = arith.addf %parallel_loop3A_753, %parallel_loop3A_754 : vector<16xf32>
      %parallel_loop3A_756 = arith.mulf %parallel_loop3A_752, %parallel_loop3A_752 : vector<16xf32>
      %parallel_loop3A_757 = arith.addf %parallel_loop3A_755, %parallel_loop3A_756 : vector<16xf32>
      %parallel_loop3A_758 = arith.addf %parallel_loop3A_366, %parallel_loop3A_757 : vector<16xf32>
      %parallel_loop3A_759 = arith.constant 3 : i32
      %parallel_loop3A_760 = arith.addi %parallel_loop3A_360, %parallel_loop3A_759 : i32
      %parallel_loop3A_761 = arith.constant 16 : i32
      %parallel_loop3A_762 = arith.muli %parallel_loop3A_760, %parallel_loop3A_761 : i32
      %parallel_loop3A_763 = vector.broadcast %parallel_loop3A_762 : i32 to vector<16xi32>
      %parallel_loop3A_764 = arith.addi %iota3A, %parallel_loop3A_763 : vector<16xi32>
      %parallel_loop3A_765 = arith.constant 12288 : i32
      %parallel_loop3A_766 = tpu.memref_slice %arg8[%parallel_loop3A_765] : memref<24576xf32, #tpu.memory_space<vmem>> -> memref<12288xf32, #tpu.memory_space<vmem>>
      %parallel_loop3A_767 = tpu.vector_load_idx %parallel_loop3A_766[%parallel_loop3A_764] : memref<12288xf32, #tpu.memory_space<vmem>>[vector<16xi32>], vector<16xf32>,
      %parallel_loop3A_768 = arith.constant 4096 : i32
      %parallel_loop3A_769 = vector.broadcast %parallel_loop3A_768 : i32 to vector<16xi32>
      %parallel_loop3A_770 = arith.addi %parallel_loop3A_764, %parallel_loop3A_769 : vector<16xi32>
      %parallel_loop3A_771 = arith.constant 12288 : i32
      %parallel_loop3A_772 = tpu.memref_slice %arg8[%parallel_loop3A_771] : memref<24576xf32, #tpu.memory_space<vmem>> -> memref<12288xf32, #tpu.memory_space<vmem>>
      %parallel_loop3A_773 = tpu.vector_load_idx %parallel_loop3A_772[%parallel_loop3A_770] : memref<12288xf32, #tpu.memory_space<vmem>>[vector<16xi32>], vector<16xf32>,
      %parallel_loop3A_774 = arith.constant 8192 : i32
      %parallel_loop3A_775 = vector.broadcast %parallel_loop3A_774 : i32 to vector<16xi32>
      %parallel_loop3A_776 = arith.addi %parallel_loop3A_764, %parallel_loop3A_775 : vector<16xi32>
      %parallel_loop3A_777 = arith.constant 12288 : i32
      %parallel_loop3A_778 = tpu.memref_slice %arg8[%parallel_loop3A_777] : memref<24576xf32, #tpu.memory_space<vmem>> -> memref<12288xf32, #tpu.memory_space<vmem>>
      %parallel_loop3A_779 = tpu.vector_load_idx %parallel_loop3A_778[%parallel_loop3A_776] : memref<12288xf32, #tpu.memory_space<vmem>>[vector<16xi32>], vector<16xf32>,
      %parallel_loop3A_780 = arith.mulf %parallel_loop3A_767, %gather3A_122 : vector<16xf32>
      %parallel_loop3A_781 = arith.mulf %parallel_loop3A_773, %gather3A_125 : vector<16xf32>
      %parallel_loop3A_782 = arith.addf %parallel_loop3A_780, %parallel_loop3A_781 : vector<16xf32>
      %parallel_loop3A_783 = arith.mulf %parallel_loop3A_779, %gather3A_128 : vector<16xf32>
      %parallel_loop3A_784 = arith.addf %parallel_loop3A_782, %parallel_loop3A_783 : vector<16xf32>
      %parallel_loop3A_785 = arith.addf %parallel_loop3A_784, %gather3A_131 : vector<16xf32>
      %parallel_loop3A_786 = arith.mulf %parallel_loop3A_785, %gather3A : vector<16xf32>
      %parallel_loop3A_787 = arith.subf %parallel_loop3A_767, %parallel_loop3A_786 : vector<16xf32>
      %parallel_loop3A_788 = arith.mulf %parallel_loop3A_785, %gather3A_116 : vector<16xf32>
      %parallel_loop3A_789 = arith.subf %parallel_loop3A_773, %parallel_loop3A_788 : vector<16xf32>
      %parallel_loop3A_790 = arith.mulf %parallel_loop3A_785, %gather3A_119 : vector<16xf32>
      %parallel_loop3A_791 = arith.subf %parallel_loop3A_779, %parallel_loop3A_790 : vector<16xf32>
      %parallel_loop3A_792 = arith.addf %parallel_loop3A_787, %gather3A_143 : vector<16xf32>
      %parallel_loop3A_793 = arith.mulf %parallel_loop3A_792, %gather3A_146 : vector<16xf32>
      %parallel_loop3A_794 = arith.constant 0.000000e+00 : f32
      %parallel_loop3A_795 = vector.broadcast %parallel_loop3A_794 : f32 to vector<16xf32>
      %parallel_loop3A_796 = arith.maximumf %parallel_loop3A_793, %parallel_loop3A_795 : vector<16xf32>
      %parallel_loop3A_797 = arith.minimumf %parallel_loop3A_796, %gather3A_149 : vector<16xf32>
      %parallel_loop3A_798 = arith.fptosi %parallel_loop3A_797 : vector<16xf32> to vector<16xi32>
      %parallel_loop3A_799 = arith.constant 32 : i32
      %parallel_loop3A_800 = vector.broadcast %parallel_loop3A_799 : i32 to vector<16xi32>
      %parallel_loop3A_801 = arith.muli %parallel_loop3A_798, %parallel_loop3A_800 : vector<16xi32>
      %parallel_loop3A_802 = arith.addf %parallel_loop3A_789, %gather3A_143 : vector<16xf32>
      %parallel_loop3A_803 = arith.mulf %parallel_loop3A_802, %gather3A_146 : vector<16xf32>
      %parallel_loop3A_804 = arith.constant 0.000000e+00 : f32
      %parallel_loop3A_805 = vector.broadcast %parallel_loop3A_804 : f32 to vector<16xf32>
      %parallel_loop3A_806 = arith.maximumf %parallel_loop3A_803, %parallel_loop3A_805 : vector<16xf32>
      %parallel_loop3A_807 = arith.minimumf %parallel_loop3A_806, %gather3A_149 : vector<16xf32>
      %parallel_loop3A_808 = arith.fptosi %parallel_loop3A_807 : vector<16xf32> to vector<16xi32>
      %parallel_loop3A_809 = arith.addi %parallel_loop3A_801, %parallel_loop3A_808 : vector<16xi32>
      %parallel_loop3A_810 = arith.constant 32 : i32
      %parallel_loop3A_811 = vector.broadcast %parallel_loop3A_810 : i32 to vector<16xi32>
      %parallel_loop3A_812 = arith.muli %parallel_loop3A_809, %parallel_loop3A_811 : vector<16xi32>
      %parallel_loop3A_813 = arith.addf %parallel_loop3A_791, %gather3A_143 : vector<16xf32>
      %parallel_loop3A_814 = arith.mulf %parallel_loop3A_813, %gather3A_146 : vector<16xf32>
      %parallel_loop3A_815 = arith.constant 0.000000e+00 : f32
      %parallel_loop3A_816 = vector.broadcast %parallel_loop3A_815 : f32 to vector<16xf32>
      %parallel_loop3A_817 = arith.maximumf %parallel_loop3A_814, %parallel_loop3A_816 : vector<16xf32>
      %parallel_loop3A_818 = arith.minimumf %parallel_loop3A_817, %gather3A_149 : vector<16xf32>
      %parallel_loop3A_819 = arith.fptosi %parallel_loop3A_818 : vector<16xf32> to vector<16xi32>
      %parallel_loop3A_820 = arith.addi %parallel_loop3A_812, %parallel_loop3A_819 : vector<16xi32>
      %parallel_loop3A_821 = tpu.vector_load_idx %arg7[%parallel_loop3A_820] : memref<98304xf32, #tpu.memory_space<vmem>>[vector<16xi32>], vector<16xf32>,
      %parallel_loop3A_822 = arith.constant 32768 : i32
      %parallel_loop3A_823 = vector.broadcast %parallel_loop3A_822 : i32 to vector<16xi32>
      %parallel_loop3A_824 = arith.addi %parallel_loop3A_820, %parallel_loop3A_823 : vector<16xi32>
      %parallel_loop3A_825 = tpu.vector_load_idx %arg7[%parallel_loop3A_824] : memref<98304xf32, #tpu.memory_space<vmem>>[vector<16xi32>], vector<16xf32>,
      %parallel_loop3A_826 = arith.constant 65536 : i32
      %parallel_loop3A_827 = vector.broadcast %parallel_loop3A_826 : i32 to vector<16xi32>
      %parallel_loop3A_828 = arith.addi %parallel_loop3A_820, %parallel_loop3A_827 : vector<16xi32>
      %parallel_loop3A_829 = tpu.vector_load_idx %arg7[%parallel_loop3A_828] : memref<98304xf32, #tpu.memory_space<vmem>>[vector<16xi32>], vector<16xf32>,
      %parallel_loop3A_830 = arith.subf %parallel_loop3A_787, %parallel_loop3A_821 : vector<16xf32>
      %parallel_loop3A_831 = arith.subf %parallel_loop3A_789, %parallel_loop3A_825 : vector<16xf32>
      %parallel_loop3A_832 = arith.subf %parallel_loop3A_791, %parallel_loop3A_829 : vector<16xf32>
      %parallel_loop3A_833 = arith.mulf %parallel_loop3A_830, %parallel_loop3A_830 : vector<16xf32>
      %parallel_loop3A_834 = arith.mulf %parallel_loop3A_831, %parallel_loop3A_831 : vector<16xf32>
      %parallel_loop3A_835 = arith.addf %parallel_loop3A_833, %parallel_loop3A_834 : vector<16xf32>
      %parallel_loop3A_836 = arith.mulf %parallel_loop3A_832, %parallel_loop3A_832 : vector<16xf32>
      %parallel_loop3A_837 = arith.addf %parallel_loop3A_835, %parallel_loop3A_836 : vector<16xf32>
      %parallel_loop3A_838 = arith.addf %parallel_loop3A_367, %parallel_loop3A_837 : vector<16xf32>
      %parallel_loop3A_839 = arith.mulf %gather3A_134, %parallel_loop3A_767 : vector<16xf32>
      %parallel_loop3A_840 = arith.mulf %gather3A_137, %parallel_loop3A_773 : vector<16xf32>
      %parallel_loop3A_841 = arith.mulf %gather3A_140, %parallel_loop3A_779 : vector<16xf32>
      %parallel_loop3A_842 = arith.addf %parallel_loop3A_839, %gather3A_143 : vector<16xf32>
      %parallel_loop3A_843 = arith.mulf %parallel_loop3A_842, %gather3A_146 : vector<16xf32>
      %parallel_loop3A_844 = arith.constant 0.000000e+00 : f32
      %parallel_loop3A_845 = vector.broadcast %parallel_loop3A_844 : f32 to vector<16xf32>
      %parallel_loop3A_846 = arith.maximumf %parallel_loop3A_843, %parallel_loop3A_845 : vector<16xf32>
      %parallel_loop3A_847 = arith.minimumf %parallel_loop3A_846, %gather3A_149 : vector<16xf32>
      %parallel_loop3A_848 = arith.fptosi %parallel_loop3A_847 : vector<16xf32> to vector<16xi32>
      %parallel_loop3A_849 = arith.constant 32 : i32
      %parallel_loop3A_850 = vector.broadcast %parallel_loop3A_849 : i32 to vector<16xi32>
      %parallel_loop3A_851 = arith.muli %parallel_loop3A_848, %parallel_loop3A_850 : vector<16xi32>
      %parallel_loop3A_852 = arith.addf %parallel_loop3A_840, %gather3A_143 : vector<16xf32>
      %parallel_loop3A_853 = arith.mulf %parallel_loop3A_852, %gather3A_146 : vector<16xf32>
      %parallel_loop3A_854 = arith.constant 0.000000e+00 : f32
      %parallel_loop3A_855 = vector.broadcast %parallel_loop3A_854 : f32 to vector<16xf32>
      %parallel_loop3A_856 = arith.maximumf %parallel_loop3A_853, %parallel_loop3A_855 : vector<16xf32>
      %parallel_loop3A_857 = arith.minimumf %parallel_loop3A_856, %gather3A_149 : vector<16xf32>
      %parallel_loop3A_858 = arith.fptosi %parallel_loop3A_857 : vector<16xf32> to vector<16xi32>
      %parallel_loop3A_859 = arith.addi %parallel_loop3A_851, %parallel_loop3A_858 : vector<16xi32>
      %parallel_loop3A_860 = arith.constant 32 : i32
      %parallel_loop3A_861 = vector.broadcast %parallel_loop3A_860 : i32 to vector<16xi32>
      %parallel_loop3A_862 = arith.muli %parallel_loop3A_859, %parallel_loop3A_861 : vector<16xi32>
      %parallel_loop3A_863 = arith.addf %parallel_loop3A_841, %gather3A_143 : vector<16xf32>
      %parallel_loop3A_864 = arith.mulf %parallel_loop3A_863, %gather3A_146 : vector<16xf32>
      %parallel_loop3A_865 = arith.constant 0.000000e+00 : f32
      %parallel_loop3A_866 = vector.broadcast %parallel_loop3A_865 : f32 to vector<16xf32>
      %parallel_loop3A_867 = arith.maximumf %parallel_loop3A_864, %parallel_loop3A_866 : vector<16xf32>
      %parallel_loop3A_868 = arith.minimumf %parallel_loop3A_867, %gather3A_149 : vector<16xf32>
      %parallel_loop3A_869 = arith.fptosi %parallel_loop3A_868 : vector<16xf32> to vector<16xi32>
      %parallel_loop3A_870 = arith.addi %parallel_loop3A_862, %parallel_loop3A_869 : vector<16xi32>
      %parallel_loop3A_871 = tpu.vector_load_idx %arg7[%parallel_loop3A_870] : memref<98304xf32, #tpu.memory_space<vmem>>[vector<16xi32>], vector<16xf32>,
      %parallel_loop3A_872 = arith.constant 32768 : i32
      %parallel_loop3A_873 = vector.broadcast %parallel_loop3A_872 : i32 to vector<16xi32>
      %parallel_loop3A_874 = arith.addi %parallel_loop3A_870, %parallel_loop3A_873 : vector<16xi32>
      %parallel_loop3A_875 = tpu.vector_load_idx %arg7[%parallel_loop3A_874] : memref<98304xf32, #tpu.memory_space<vmem>>[vector<16xi32>], vector<16xf32>,
      %parallel_loop3A_876 = arith.constant 65536 : i32
      %parallel_loop3A_877 = vector.broadcast %parallel_loop3A_876 : i32 to vector<16xi32>
      %parallel_loop3A_878 = arith.addi %parallel_loop3A_870, %parallel_loop3A_877 : vector<16xi32>
      %parallel_loop3A_879 = tpu.vector_load_idx %arg7[%parallel_loop3A_878] : memref<98304xf32, #tpu.memory_space<vmem>>[vector<16xi32>], vector<16xf32>,
      %parallel_loop3A_880 = arith.subf %parallel_loop3A_839, %parallel_loop3A_871 : vector<16xf32>
      %parallel_loop3A_881 = arith.subf %parallel_loop3A_840, %parallel_loop3A_875 : vector<16xf32>
      %parallel_loop3A_882 = arith.subf %parallel_loop3A_841, %parallel_loop3A_879 : vector<16xf32>
      %parallel_loop3A_883 = arith.mulf %parallel_loop3A_880, %parallel_loop3A_880 : vector<16xf32>
      %parallel_loop3A_884 = arith.mulf %parallel_loop3A_881, %parallel_loop3A_881 : vector<16xf32>
      %parallel_loop3A_885 = arith.addf %parallel_loop3A_883, %parallel_loop3A_884 : vector<16xf32>
      %parallel_loop3A_886 = arith.mulf %parallel_loop3A_882, %parallel_loop3A_882 : vector<16xf32>
      %parallel_loop3A_887 = arith.addf %parallel_loop3A_885, %parallel_loop3A_886 : vector<16xf32>
      %parallel_loop3A_888 = arith.addf %parallel_loop3A_368, %parallel_loop3A_887 : vector<16xf32>
      scf.yield %parallel_loop3A_448, %parallel_loop3A_498, %parallel_loop3A_578, %parallel_loop3A_628, %parallel_loop3A_708, %parallel_loop3A_758, %parallel_loop3A_838, %parallel_loop3A_888 : vector<16xf32>, vector<16xf32>, vector<16xf32>, vector<16xf32>, vector<16xf32>, vector<16xf32>, vector<16xf32>, vector<16xf32>
    } {sc.loop_unroll_factor = 1 : i64, sc.parallel_access}
    %dma_wait3A_267 = arith.constant 0 : i32
    %dma_wait3A_268 = tpu.memref_slice %arg8[%dma_wait3A_267] : memref<24576xf32, #tpu.memory_space<vmem>> -> memref<4096xf32, #tpu.memory_space<vmem>>
    %dma_wait3A_269 = tpu.memref_slice %arg2[%add3A_232] : memref<196608xf32, #tpu.memory_space<hbm>> -> memref<4096xf32, #tpu.memory_space<hbm>>
    %dma_wait3A_270 = arith.constant 0 : i32
    %dma_wait3A_271 = tpu.memref_slice %arg8[%dma_wait3A_270] : memref<24576xf32, #tpu.memory_space<vmem>> -> memref<4096xf32, #tpu.memory_space<vmem>>
    %dma_wait3A_272 = tpu.memref_slice %arg2[%add3A_232] : memref<196608xf32, #tpu.memory_space<hbm>> -> memref<4096xf32, #tpu.memory_space<hbm>>
    tpu.wait_dma2 semaphore(%arg13 : memref<!tpu.dma_semaphore, #tpu.memory_space<semaphore_mem>>) src(%dma_wait3A_272 : memref<4096xf32, #tpu.memory_space<hbm>>) dst(%dma_wait3A_271 : memref<4096xf32, #tpu.memory_space<vmem>>)
    %dma_wait3A_273 = arith.constant 4096 : i32
    %dma_wait3A_274 = tpu.memref_slice %arg8[%dma_wait3A_273] : memref<24576xf32, #tpu.memory_space<vmem>> -> memref<4096xf32, #tpu.memory_space<vmem>>
    %dma_wait3A_275 = tpu.memref_slice %arg2[%add3A_244] : memref<196608xf32, #tpu.memory_space<hbm>> -> memref<4096xf32, #tpu.memory_space<hbm>>
    %dma_wait3A_276 = arith.constant 4096 : i32
    %dma_wait3A_277 = tpu.memref_slice %arg8[%dma_wait3A_276] : memref<24576xf32, #tpu.memory_space<vmem>> -> memref<4096xf32, #tpu.memory_space<vmem>>
    %dma_wait3A_278 = tpu.memref_slice %arg2[%add3A_244] : memref<196608xf32, #tpu.memory_space<hbm>> -> memref<4096xf32, #tpu.memory_space<hbm>>
    tpu.wait_dma2 semaphore(%arg13 : memref<!tpu.dma_semaphore, #tpu.memory_space<semaphore_mem>>) src(%dma_wait3A_278 : memref<4096xf32, #tpu.memory_space<hbm>>) dst(%dma_wait3A_277 : memref<4096xf32, #tpu.memory_space<vmem>>)
    %dma_wait3A_279 = arith.constant 8192 : i32
    %dma_wait3A_280 = tpu.memref_slice %arg8[%dma_wait3A_279] : memref<24576xf32, #tpu.memory_space<vmem>> -> memref<4096xf32, #tpu.memory_space<vmem>>
    %dma_wait3A_281 = tpu.memref_slice %arg2[%add3A_256] : memref<196608xf32, #tpu.memory_space<hbm>> -> memref<4096xf32, #tpu.memory_space<hbm>>
    %dma_wait3A_282 = arith.constant 8192 : i32
    %dma_wait3A_283 = tpu.memref_slice %arg8[%dma_wait3A_282] : memref<24576xf32, #tpu.memory_space<vmem>> -> memref<4096xf32, #tpu.memory_space<vmem>>
    %dma_wait3A_284 = tpu.memref_slice %arg2[%add3A_256] : memref<196608xf32, #tpu.memory_space<hbm>> -> memref<4096xf32, #tpu.memory_space<hbm>>
    tpu.wait_dma2 semaphore(%arg13 : memref<!tpu.dma_semaphore, #tpu.memory_space<semaphore_mem>>) src(%dma_wait3A_284 : memref<4096xf32, #tpu.memory_space<hbm>>) dst(%dma_wait3A_283 : memref<4096xf32, #tpu.memory_space<vmem>>)
    %add3A_285 = arith.constant 0 : i32
    %add3A_286 = arith.addi %add3A_285, %select_n3A : i32
    %mul3A_287 = arith.constant 16384 : i32
    %mul3A_288 = arith.muli %add3A_286, %mul3A_287 : i32
    %add3A_289 = arith.constant 12288 : i32
    %add3A_290 = arith.addi %mul3A_288, %add3A_289 : i32
    %dma_start3A_291 = arith.constant 12288 : i32
    %dma_start3A_292 = tpu.memref_slice %arg8[%dma_start3A_291] : memref<24576xf32, #tpu.memory_space<vmem>> -> memref<4096xf32, #tpu.memory_space<vmem>>
    %dma_start3A_293 = tpu.memref_slice %arg2[%add3A_290] : memref<196608xf32, #tpu.memory_space<hbm>> -> memref<4096xf32, #tpu.memory_space<hbm>>
    %dma_start3A_294 = arith.constant 12288 : i32
    %dma_start3A_295 = tpu.memref_slice %arg8[%dma_start3A_294] : memref<24576xf32, #tpu.memory_space<vmem>> -> memref<4096xf32, #tpu.memory_space<vmem>>
    %dma_start3A_296 = tpu.memref_slice %arg2[%add3A_290] : memref<196608xf32, #tpu.memory_space<hbm>> -> memref<4096xf32, #tpu.memory_space<hbm>>
    tpu.enqueue_dma source(%dma_start3A_296 : memref<4096xf32, #tpu.memory_space<hbm>>) target(%dma_start3A_295 : memref<4096xf32, #tpu.memory_space<vmem>>) target_semaphore(%arg14 : memref<!tpu.dma_semaphore, #tpu.memory_space<semaphore_mem>>)
    %add3A_297 = arith.constant 4 : i32
    %add3A_298 = arith.addi %add3A_297, %select_n3A : i32
    %mul3A_299 = arith.constant 16384 : i32
    %mul3A_300 = arith.muli %add3A_298, %mul3A_299 : i32
    %add3A_301 = arith.constant 12288 : i32
    %add3A_302 = arith.addi %mul3A_300, %add3A_301 : i32
    %dma_start3A_303 = arith.constant 16384 : i32
    %dma_start3A_304 = tpu.memref_slice %arg8[%dma_start3A_303] : memref<24576xf32, #tpu.memory_space<vmem>> -> memref<4096xf32, #tpu.memory_space<vmem>>
    %dma_start3A_305 = tpu.memref_slice %arg2[%add3A_302] : memref<196608xf32, #tpu.memory_space<hbm>> -> memref<4096xf32, #tpu.memory_space<hbm>>
    %dma_start3A_306 = arith.constant 16384 : i32
    %dma_start3A_307 = tpu.memref_slice %arg8[%dma_start3A_306] : memref<24576xf32, #tpu.memory_space<vmem>> -> memref<4096xf32, #tpu.memory_space<vmem>>
    %dma_start3A_308 = tpu.memref_slice %arg2[%add3A_302] : memref<196608xf32, #tpu.memory_space<hbm>> -> memref<4096xf32, #tpu.memory_space<hbm>>
    tpu.enqueue_dma source(%dma_start3A_308 : memref<4096xf32, #tpu.memory_space<hbm>>) target(%dma_start3A_307 : memref<4096xf32, #tpu.memory_space<vmem>>) target_semaphore(%arg14 : memref<!tpu.dma_semaphore, #tpu.memory_space<semaphore_mem>>)
    %add3A_309 = arith.constant 8 : i32
    %add3A_310 = arith.addi %add3A_309, %select_n3A : i32
    %mul3A_311 = arith.constant 16384 : i32
    %mul3A_312 = arith.muli %add3A_310, %mul3A_311 : i32
    %add3A_313 = arith.constant 12288 : i32
    %add3A_314 = arith.addi %mul3A_312, %add3A_313 : i32
    %dma_start3A_315 = arith.constant 20480 : i32
    %dma_start3A_316 = tpu.memref_slice %arg8[%dma_start3A_315] : memref<24576xf32, #tpu.memory_space<vmem>> -> memref<4096xf32, #tpu.memory_space<vmem>>
    %dma_start3A_317 = tpu.memref_slice %arg2[%add3A_314] : memref<196608xf32, #tpu.memory_space<hbm>> -> memref<4096xf32, #tpu.memory_space<hbm>>
    %dma_start3A_318 = arith.constant 20480 : i32
    %dma_start3A_319 = tpu.memref_slice %arg8[%dma_start3A_318] : memref<24576xf32, #tpu.memory_space<vmem>> -> memref<4096xf32, #tpu.memory_space<vmem>>
    %dma_start3A_320 = tpu.memref_slice %arg2[%add3A_314] : memref<196608xf32, #tpu.memory_space<hbm>> -> memref<4096xf32, #tpu.memory_space<hbm>>
    tpu.enqueue_dma source(%dma_start3A_320 : memref<4096xf32, #tpu.memory_space<hbm>>) target(%dma_start3A_319 : memref<4096xf32, #tpu.memory_space<vmem>>) target_semaphore(%arg14 : memref<!tpu.dma_semaphore, #tpu.memory_space<semaphore_mem>>)
    %parallel_loop3A_321 = arith.constant 0 : i32
    %parallel_loop3A_322 = arith.constant 256 : i32
    %parallel_loop3A_323 = arith.constant 4 : i32
    %parallel_loop3A_324:8 = scf.for %parallel_loop3A_360 = %parallel_loop3A_321 to %parallel_loop3A_322 step %parallel_loop3A_323 iter_args(%parallel_loop3A_361 = %parallel_loop3A_266#0, %parallel_loop3A_362 = %parallel_loop3A_266#1, %parallel_loop3A_363 = %parallel_loop3A_266#2, %parallel_loop3A_364 = %parallel_loop3A_266#3, %parallel_loop3A_365 = %parallel_loop3A_266#4, %parallel_loop3A_366 = %parallel_loop3A_266#5, %parallel_loop3A_367 = %parallel_loop3A_266#6, %parallel_loop3A_368 = %parallel_loop3A_266#7) -> (vector<16xf32>, vector<16xf32>, vector<16xf32>, vector<16xf32>, vector<16xf32>, vector<16xf32>, vector<16xf32>, vector<16xf32>)  : i32 {
      %parallel_loop3A_369 = arith.constant 0 : i32
      %parallel_loop3A_370 = arith.addi %parallel_loop3A_360, %parallel_loop3A_369 : i32
      %parallel_loop3A_371 = arith.constant 16 : i32
      %parallel_loop3A_372 = arith.muli %parallel_loop3A_370, %parallel_loop3A_371 : i32
      %parallel_loop3A_373 = vector.broadcast %parallel_loop3A_372 : i32 to vector<16xi32>
      %parallel_loop3A_374 = arith.addi %iota3A, %parallel_loop3A_373 : vector<16xi32>
      %parallel_loop3A_375 = arith.constant 0 : i32
      %parallel_loop3A_376 = tpu.memref_slice %arg8[%parallel_loop3A_375] : memref<24576xf32, #tpu.memory_space<vmem>> -> memref<12288xf32, #tpu.memory_space<vmem>>
      %parallel_loop3A_377 = tpu.vector_load_idx %parallel_loop3A_376[%parallel_loop3A_374] : memref<12288xf32, #tpu.memory_space<vmem>>[vector<16xi32>], vector<16xf32>,
      %parallel_loop3A_378 = arith.constant 4096 : i32
      %parallel_loop3A_379 = vector.broadcast %parallel_loop3A_378 : i32 to vector<16xi32>
      %parallel_loop3A_380 = arith.addi %parallel_loop3A_374, %parallel_loop3A_379 : vector<16xi32>
      %parallel_loop3A_381 = arith.constant 0 : i32
      %parallel_loop3A_382 = tpu.memref_slice %arg8[%parallel_loop3A_381] : memref<24576xf32, #tpu.memory_space<vmem>> -> memref<12288xf32, #tpu.memory_space<vmem>>
      %parallel_loop3A_383 = tpu.vector_load_idx %parallel_loop3A_382[%parallel_loop3A_380] : memref<12288xf32, #tpu.memory_space<vmem>>[vector<16xi32>], vector<16xf32>,
      %parallel_loop3A_384 = arith.constant 8192 : i32
      %parallel_loop3A_385 = vector.broadcast %parallel_loop3A_384 : i32 to vector<16xi32>
      %parallel_loop3A_386 = arith.addi %parallel_loop3A_374, %parallel_loop3A_385 : vector<16xi32>
      %parallel_loop3A_387 = arith.constant 0 : i32
      %parallel_loop3A_388 = tpu.memref_slice %arg8[%parallel_loop3A_387] : memref<24576xf32, #tpu.memory_space<vmem>> -> memref<12288xf32, #tpu.memory_space<vmem>>
      %parallel_loop3A_389 = tpu.vector_load_idx %parallel_loop3A_388[%parallel_loop3A_386] : memref<12288xf32, #tpu.memory_space<vmem>>[vector<16xi32>], vector<16xf32>,
      %parallel_loop3A_390 = arith.mulf %parallel_loop3A_377, %gather3A_122 : vector<16xf32>
      %parallel_loop3A_391 = arith.mulf %parallel_loop3A_383, %gather3A_125 : vector<16xf32>
      %parallel_loop3A_392 = arith.addf %parallel_loop3A_390, %parallel_loop3A_391 : vector<16xf32>
      %parallel_loop3A_393 = arith.mulf %parallel_loop3A_389, %gather3A_128 : vector<16xf32>
      %parallel_loop3A_394 = arith.addf %parallel_loop3A_392, %parallel_loop3A_393 : vector<16xf32>
      %parallel_loop3A_395 = arith.addf %parallel_loop3A_394, %gather3A_131 : vector<16xf32>
      %parallel_loop3A_396 = arith.mulf %parallel_loop3A_395, %gather3A : vector<16xf32>
      %parallel_loop3A_397 = arith.subf %parallel_loop3A_377, %parallel_loop3A_396 : vector<16xf32>
      %parallel_loop3A_398 = arith.mulf %parallel_loop3A_395, %gather3A_116 : vector<16xf32>
      %parallel_loop3A_399 = arith.subf %parallel_loop3A_383, %parallel_loop3A_398 : vector<16xf32>
      %parallel_loop3A_400 = arith.mulf %parallel_loop3A_395, %gather3A_119 : vector<16xf32>
      %parallel_loop3A_401 = arith.subf %parallel_loop3A_389, %parallel_loop3A_400 : vector<16xf32>
      %parallel_loop3A_402 = arith.addf %parallel_loop3A_397, %gather3A_143 : vector<16xf32>
      %parallel_loop3A_403 = arith.mulf %parallel_loop3A_402, %gather3A_146 : vector<16xf32>
      %parallel_loop3A_404 = arith.constant 0.000000e+00 : f32
      %parallel_loop3A_405 = vector.broadcast %parallel_loop3A_404 : f32 to vector<16xf32>
      %parallel_loop3A_406 = arith.maximumf %parallel_loop3A_403, %parallel_loop3A_405 : vector<16xf32>
      %parallel_loop3A_407 = arith.minimumf %parallel_loop3A_406, %gather3A_149 : vector<16xf32>
      %parallel_loop3A_408 = arith.fptosi %parallel_loop3A_407 : vector<16xf32> to vector<16xi32>
      %parallel_loop3A_409 = arith.constant 32 : i32
      %parallel_loop3A_410 = vector.broadcast %parallel_loop3A_409 : i32 to vector<16xi32>
      %parallel_loop3A_411 = arith.muli %parallel_loop3A_408, %parallel_loop3A_410 : vector<16xi32>
      %parallel_loop3A_412 = arith.addf %parallel_loop3A_399, %gather3A_143 : vector<16xf32>
      %parallel_loop3A_413 = arith.mulf %parallel_loop3A_412, %gather3A_146 : vector<16xf32>
      %parallel_loop3A_414 = arith.constant 0.000000e+00 : f32
      %parallel_loop3A_415 = vector.broadcast %parallel_loop3A_414 : f32 to vector<16xf32>
      %parallel_loop3A_416 = arith.maximumf %parallel_loop3A_413, %parallel_loop3A_415 : vector<16xf32>
      %parallel_loop3A_417 = arith.minimumf %parallel_loop3A_416, %gather3A_149 : vector<16xf32>
      %parallel_loop3A_418 = arith.fptosi %parallel_loop3A_417 : vector<16xf32> to vector<16xi32>
      %parallel_loop3A_419 = arith.addi %parallel_loop3A_411, %parallel_loop3A_418 : vector<16xi32>
      %parallel_loop3A_420 = arith.constant 32 : i32
      %parallel_loop3A_421 = vector.broadcast %parallel_loop3A_420 : i32 to vector<16xi32>
      %parallel_loop3A_422 = arith.muli %parallel_loop3A_419, %parallel_loop3A_421 : vector<16xi32>
      %parallel_loop3A_423 = arith.addf %parallel_loop3A_401, %gather3A_143 : vector<16xf32>
      %parallel_loop3A_424 = arith.mulf %parallel_loop3A_423, %gather3A_146 : vector<16xf32>
      %parallel_loop3A_425 = arith.constant 0.000000e+00 : f32
      %parallel_loop3A_426 = vector.broadcast %parallel_loop3A_425 : f32 to vector<16xf32>
      %parallel_loop3A_427 = arith.maximumf %parallel_loop3A_424, %parallel_loop3A_426 : vector<16xf32>
      %parallel_loop3A_428 = arith.minimumf %parallel_loop3A_427, %gather3A_149 : vector<16xf32>
      %parallel_loop3A_429 = arith.fptosi %parallel_loop3A_428 : vector<16xf32> to vector<16xi32>
      %parallel_loop3A_430 = arith.addi %parallel_loop3A_422, %parallel_loop3A_429 : vector<16xi32>
      %parallel_loop3A_431 = tpu.vector_load_idx %arg7[%parallel_loop3A_430] : memref<98304xf32, #tpu.memory_space<vmem>>[vector<16xi32>], vector<16xf32>,
      %parallel_loop3A_432 = arith.constant 32768 : i32
      %parallel_loop3A_433 = vector.broadcast %parallel_loop3A_432 : i32 to vector<16xi32>
      %parallel_loop3A_434 = arith.addi %parallel_loop3A_430, %parallel_loop3A_433 : vector<16xi32>
      %parallel_loop3A_435 = tpu.vector_load_idx %arg7[%parallel_loop3A_434] : memref<98304xf32, #tpu.memory_space<vmem>>[vector<16xi32>], vector<16xf32>,
      %parallel_loop3A_436 = arith.constant 65536 : i32
      %parallel_loop3A_437 = vector.broadcast %parallel_loop3A_436 : i32 to vector<16xi32>
      %parallel_loop3A_438 = arith.addi %parallel_loop3A_430, %parallel_loop3A_437 : vector<16xi32>
      %parallel_loop3A_439 = tpu.vector_load_idx %arg7[%parallel_loop3A_438] : memref<98304xf32, #tpu.memory_space<vmem>>[vector<16xi32>], vector<16xf32>,
      %parallel_loop3A_440 = arith.subf %parallel_loop3A_397, %parallel_loop3A_431 : vector<16xf32>
      %parallel_loop3A_441 = arith.subf %parallel_loop3A_399, %parallel_loop3A_435 : vector<16xf32>
      %parallel_loop3A_442 = arith.subf %parallel_loop3A_401, %parallel_loop3A_439 : vector<16xf32>
      %parallel_loop3A_443 = arith.mulf %parallel_loop3A_440, %parallel_loop3A_440 : vector<16xf32>
      %parallel_loop3A_444 = arith.mulf %parallel_loop3A_441, %parallel_loop3A_441 : vector<16xf32>
      %parallel_loop3A_445 = arith.addf %parallel_loop3A_443, %parallel_loop3A_444 : vector<16xf32>
      %parallel_loop3A_446 = arith.mulf %parallel_loop3A_442, %parallel_loop3A_442 : vector<16xf32>
      %parallel_loop3A_447 = arith.addf %parallel_loop3A_445, %parallel_loop3A_446 : vector<16xf32>
      %parallel_loop3A_448 = arith.addf %parallel_loop3A_361, %parallel_loop3A_447 : vector<16xf32>
      %parallel_loop3A_449 = arith.mulf %gather3A_134, %parallel_loop3A_377 : vector<16xf32>
      %parallel_loop3A_450 = arith.mulf %gather3A_137, %parallel_loop3A_383 : vector<16xf32>
      %parallel_loop3A_451 = arith.mulf %gather3A_140, %parallel_loop3A_389 : vector<16xf32>
      %parallel_loop3A_452 = arith.addf %parallel_loop3A_449, %gather3A_143 : vector<16xf32>
      %parallel_loop3A_453 = arith.mulf %parallel_loop3A_452, %gather3A_146 : vector<16xf32>
      %parallel_loop3A_454 = arith.constant 0.000000e+00 : f32
      %parallel_loop3A_455 = vector.broadcast %parallel_loop3A_454 : f32 to vector<16xf32>
      %parallel_loop3A_456 = arith.maximumf %parallel_loop3A_453, %parallel_loop3A_455 : vector<16xf32>
      %parallel_loop3A_457 = arith.minimumf %parallel_loop3A_456, %gather3A_149 : vector<16xf32>
      %parallel_loop3A_458 = arith.fptosi %parallel_loop3A_457 : vector<16xf32> to vector<16xi32>
      %parallel_loop3A_459 = arith.constant 32 : i32
      %parallel_loop3A_460 = vector.broadcast %parallel_loop3A_459 : i32 to vector<16xi32>
      %parallel_loop3A_461 = arith.muli %parallel_loop3A_458, %parallel_loop3A_460 : vector<16xi32>
      %parallel_loop3A_462 = arith.addf %parallel_loop3A_450, %gather3A_143 : vector<16xf32>
      %parallel_loop3A_463 = arith.mulf %parallel_loop3A_462, %gather3A_146 : vector<16xf32>
      %parallel_loop3A_464 = arith.constant 0.000000e+00 : f32
      %parallel_loop3A_465 = vector.broadcast %parallel_loop3A_464 : f32 to vector<16xf32>
      %parallel_loop3A_466 = arith.maximumf %parallel_loop3A_463, %parallel_loop3A_465 : vector<16xf32>
      %parallel_loop3A_467 = arith.minimumf %parallel_loop3A_466, %gather3A_149 : vector<16xf32>
      %parallel_loop3A_468 = arith.fptosi %parallel_loop3A_467 : vector<16xf32> to vector<16xi32>
      %parallel_loop3A_469 = arith.addi %parallel_loop3A_461, %parallel_loop3A_468 : vector<16xi32>
      %parallel_loop3A_470 = arith.constant 32 : i32
      %parallel_loop3A_471 = vector.broadcast %parallel_loop3A_470 : i32 to vector<16xi32>
      %parallel_loop3A_472 = arith.muli %parallel_loop3A_469, %parallel_loop3A_471 : vector<16xi32>
      %parallel_loop3A_473 = arith.addf %parallel_loop3A_451, %gather3A_143 : vector<16xf32>
      %parallel_loop3A_474 = arith.mulf %parallel_loop3A_473, %gather3A_146 : vector<16xf32>
      %parallel_loop3A_475 = arith.constant 0.000000e+00 : f32
      %parallel_loop3A_476 = vector.broadcast %parallel_loop3A_475 : f32 to vector<16xf32>
      %parallel_loop3A_477 = arith.maximumf %parallel_loop3A_474, %parallel_loop3A_476 : vector<16xf32>
      %parallel_loop3A_478 = arith.minimumf %parallel_loop3A_477, %gather3A_149 : vector<16xf32>
      %parallel_loop3A_479 = arith.fptosi %parallel_loop3A_478 : vector<16xf32> to vector<16xi32>
      %parallel_loop3A_480 = arith.addi %parallel_loop3A_472, %parallel_loop3A_479 : vector<16xi32>
      %parallel_loop3A_481 = tpu.vector_load_idx %arg7[%parallel_loop3A_480] : memref<98304xf32, #tpu.memory_space<vmem>>[vector<16xi32>], vector<16xf32>,
      %parallel_loop3A_482 = arith.constant 32768 : i32
      %parallel_loop3A_483 = vector.broadcast %parallel_loop3A_482 : i32 to vector<16xi32>
      %parallel_loop3A_484 = arith.addi %parallel_loop3A_480, %parallel_loop3A_483 : vector<16xi32>
      %parallel_loop3A_485 = tpu.vector_load_idx %arg7[%parallel_loop3A_484] : memref<98304xf32, #tpu.memory_space<vmem>>[vector<16xi32>], vector<16xf32>,
      %parallel_loop3A_486 = arith.constant 65536 : i32
      %parallel_loop3A_487 = vector.broadcast %parallel_loop3A_486 : i32 to vector<16xi32>
      %parallel_loop3A_488 = arith.addi %parallel_loop3A_480, %parallel_loop3A_487 : vector<16xi32>
      %parallel_loop3A_489 = tpu.vector_load_idx %arg7[%parallel_loop3A_488] : memref<98304xf32, #tpu.memory_space<vmem>>[vector<16xi32>], vector<16xf32>,
      %parallel_loop3A_490 = arith.subf %parallel_loop3A_449, %parallel_loop3A_481 : vector<16xf32>
      %parallel_loop3A_491 = arith.subf %parallel_loop3A_450, %parallel_loop3A_485 : vector<16xf32>
      %parallel_loop3A_492 = arith.subf %parallel_loop3A_451, %parallel_loop3A_489 : vector<16xf32>
      %parallel_loop3A_493 = arith.mulf %parallel_loop3A_490, %parallel_loop3A_490 : vector<16xf32>
      %parallel_loop3A_494 = arith.mulf %parallel_loop3A_491, %parallel_loop3A_491 : vector<16xf32>
      %parallel_loop3A_495 = arith.addf %parallel_loop3A_493, %parallel_loop3A_494 : vector<16xf32>
      %parallel_loop3A_496 = arith.mulf %parallel_loop3A_492, %parallel_loop3A_492 : vector<16xf32>
      %parallel_loop3A_497 = arith.addf %parallel_loop3A_495, %parallel_loop3A_496 : vector<16xf32>
      %parallel_loop3A_498 = arith.addf %parallel_loop3A_362, %parallel_loop3A_497 : vector<16xf32>
      %parallel_loop3A_499 = arith.constant 1 : i32
      %parallel_loop3A_500 = arith.addi %parallel_loop3A_360, %parallel_loop3A_499 : i32
      %parallel_loop3A_501 = arith.constant 16 : i32
      %parallel_loop3A_502 = arith.muli %parallel_loop3A_500, %parallel_loop3A_501 : i32
      %parallel_loop3A_503 = vector.broadcast %parallel_loop3A_502 : i32 to vector<16xi32>
      %parallel_loop3A_504 = arith.addi %iota3A, %parallel_loop3A_503 : vector<16xi32>
      %parallel_loop3A_505 = arith.constant 0 : i32
      %parallel_loop3A_506 = tpu.memref_slice %arg8[%parallel_loop3A_505] : memref<24576xf32, #tpu.memory_space<vmem>> -> memref<12288xf32, #tpu.memory_space<vmem>>
      %parallel_loop3A_507 = tpu.vector_load_idx %parallel_loop3A_506[%parallel_loop3A_504] : memref<12288xf32, #tpu.memory_space<vmem>>[vector<16xi32>], vector<16xf32>,
      %parallel_loop3A_508 = arith.constant 4096 : i32
      %parallel_loop3A_509 = vector.broadcast %parallel_loop3A_508 : i32 to vector<16xi32>
      %parallel_loop3A_510 = arith.addi %parallel_loop3A_504, %parallel_loop3A_509 : vector<16xi32>
      %parallel_loop3A_511 = arith.constant 0 : i32
      %parallel_loop3A_512 = tpu.memref_slice %arg8[%parallel_loop3A_511] : memref<24576xf32, #tpu.memory_space<vmem>> -> memref<12288xf32, #tpu.memory_space<vmem>>
      %parallel_loop3A_513 = tpu.vector_load_idx %parallel_loop3A_512[%parallel_loop3A_510] : memref<12288xf32, #tpu.memory_space<vmem>>[vector<16xi32>], vector<16xf32>,
      %parallel_loop3A_514 = arith.constant 8192 : i32
      %parallel_loop3A_515 = vector.broadcast %parallel_loop3A_514 : i32 to vector<16xi32>
      %parallel_loop3A_516 = arith.addi %parallel_loop3A_504, %parallel_loop3A_515 : vector<16xi32>
      %parallel_loop3A_517 = arith.constant 0 : i32
      %parallel_loop3A_518 = tpu.memref_slice %arg8[%parallel_loop3A_517] : memref<24576xf32, #tpu.memory_space<vmem>> -> memref<12288xf32, #tpu.memory_space<vmem>>
      %parallel_loop3A_519 = tpu.vector_load_idx %parallel_loop3A_518[%parallel_loop3A_516] : memref<12288xf32, #tpu.memory_space<vmem>>[vector<16xi32>], vector<16xf32>,
      %parallel_loop3A_520 = arith.mulf %parallel_loop3A_507, %gather3A_122 : vector<16xf32>
      %parallel_loop3A_521 = arith.mulf %parallel_loop3A_513, %gather3A_125 : vector<16xf32>
      %parallel_loop3A_522 = arith.addf %parallel_loop3A_520, %parallel_loop3A_521 : vector<16xf32>
      %parallel_loop3A_523 = arith.mulf %parallel_loop3A_519, %gather3A_128 : vector<16xf32>
      %parallel_loop3A_524 = arith.addf %parallel_loop3A_522, %parallel_loop3A_523 : vector<16xf32>
      %parallel_loop3A_525 = arith.addf %parallel_loop3A_524, %gather3A_131 : vector<16xf32>
      %parallel_loop3A_526 = arith.mulf %parallel_loop3A_525, %gather3A : vector<16xf32>
      %parallel_loop3A_527 = arith.subf %parallel_loop3A_507, %parallel_loop3A_526 : vector<16xf32>
      %parallel_loop3A_528 = arith.mulf %parallel_loop3A_525, %gather3A_116 : vector<16xf32>
      %parallel_loop3A_529 = arith.subf %parallel_loop3A_513, %parallel_loop3A_528 : vector<16xf32>
      %parallel_loop3A_530 = arith.mulf %parallel_loop3A_525, %gather3A_119 : vector<16xf32>
      %parallel_loop3A_531 = arith.subf %parallel_loop3A_519, %parallel_loop3A_530 : vector<16xf32>
      %parallel_loop3A_532 = arith.addf %parallel_loop3A_527, %gather3A_143 : vector<16xf32>
      %parallel_loop3A_533 = arith.mulf %parallel_loop3A_532, %gather3A_146 : vector<16xf32>
      %parallel_loop3A_534 = arith.constant 0.000000e+00 : f32
      %parallel_loop3A_535 = vector.broadcast %parallel_loop3A_534 : f32 to vector<16xf32>
      %parallel_loop3A_536 = arith.maximumf %parallel_loop3A_533, %parallel_loop3A_535 : vector<16xf32>
      %parallel_loop3A_537 = arith.minimumf %parallel_loop3A_536, %gather3A_149 : vector<16xf32>
      %parallel_loop3A_538 = arith.fptosi %parallel_loop3A_537 : vector<16xf32> to vector<16xi32>
      %parallel_loop3A_539 = arith.constant 32 : i32
      %parallel_loop3A_540 = vector.broadcast %parallel_loop3A_539 : i32 to vector<16xi32>
      %parallel_loop3A_541 = arith.muli %parallel_loop3A_538, %parallel_loop3A_540 : vector<16xi32>
      %parallel_loop3A_542 = arith.addf %parallel_loop3A_529, %gather3A_143 : vector<16xf32>
      %parallel_loop3A_543 = arith.mulf %parallel_loop3A_542, %gather3A_146 : vector<16xf32>
      %parallel_loop3A_544 = arith.constant 0.000000e+00 : f32
      %parallel_loop3A_545 = vector.broadcast %parallel_loop3A_544 : f32 to vector<16xf32>
      %parallel_loop3A_546 = arith.maximumf %parallel_loop3A_543, %parallel_loop3A_545 : vector<16xf32>
      %parallel_loop3A_547 = arith.minimumf %parallel_loop3A_546, %gather3A_149 : vector<16xf32>
      %parallel_loop3A_548 = arith.fptosi %parallel_loop3A_547 : vector<16xf32> to vector<16xi32>
      %parallel_loop3A_549 = arith.addi %parallel_loop3A_541, %parallel_loop3A_548 : vector<16xi32>
      %parallel_loop3A_550 = arith.constant 32 : i32
      %parallel_loop3A_551 = vector.broadcast %parallel_loop3A_550 : i32 to vector<16xi32>
      %parallel_loop3A_552 = arith.muli %parallel_loop3A_549, %parallel_loop3A_551 : vector<16xi32>
      %parallel_loop3A_553 = arith.addf %parallel_loop3A_531, %gather3A_143 : vector<16xf32>
      %parallel_loop3A_554 = arith.mulf %parallel_loop3A_553, %gather3A_146 : vector<16xf32>
      %parallel_loop3A_555 = arith.constant 0.000000e+00 : f32
      %parallel_loop3A_556 = vector.broadcast %parallel_loop3A_555 : f32 to vector<16xf32>
      %parallel_loop3A_557 = arith.maximumf %parallel_loop3A_554, %parallel_loop3A_556 : vector<16xf32>
      %parallel_loop3A_558 = arith.minimumf %parallel_loop3A_557, %gather3A_149 : vector<16xf32>
      %parallel_loop3A_559 = arith.fptosi %parallel_loop3A_558 : vector<16xf32> to vector<16xi32>
      %parallel_loop3A_560 = arith.addi %parallel_loop3A_552, %parallel_loop3A_559 : vector<16xi32>
      %parallel_loop3A_561 = tpu.vector_load_idx %arg7[%parallel_loop3A_560] : memref<98304xf32, #tpu.memory_space<vmem>>[vector<16xi32>], vector<16xf32>,
      %parallel_loop3A_562 = arith.constant 32768 : i32
      %parallel_loop3A_563 = vector.broadcast %parallel_loop3A_562 : i32 to vector<16xi32>
      %parallel_loop3A_564 = arith.addi %parallel_loop3A_560, %parallel_loop3A_563 : vector<16xi32>
      %parallel_loop3A_565 = tpu.vector_load_idx %arg7[%parallel_loop3A_564] : memref<98304xf32, #tpu.memory_space<vmem>>[vector<16xi32>], vector<16xf32>,
      %parallel_loop3A_566 = arith.constant 65536 : i32
      %parallel_loop3A_567 = vector.broadcast %parallel_loop3A_566 : i32 to vector<16xi32>
      %parallel_loop3A_568 = arith.addi %parallel_loop3A_560, %parallel_loop3A_567 : vector<16xi32>
      %parallel_loop3A_569 = tpu.vector_load_idx %arg7[%parallel_loop3A_568] : memref<98304xf32, #tpu.memory_space<vmem>>[vector<16xi32>], vector<16xf32>,
      %parallel_loop3A_570 = arith.subf %parallel_loop3A_527, %parallel_loop3A_561 : vector<16xf32>
      %parallel_loop3A_571 = arith.subf %parallel_loop3A_529, %parallel_loop3A_565 : vector<16xf32>
      %parallel_loop3A_572 = arith.subf %parallel_loop3A_531, %parallel_loop3A_569 : vector<16xf32>
      %parallel_loop3A_573 = arith.mulf %parallel_loop3A_570, %parallel_loop3A_570 : vector<16xf32>
      %parallel_loop3A_574 = arith.mulf %parallel_loop3A_571, %parallel_loop3A_571 : vector<16xf32>
      %parallel_loop3A_575 = arith.addf %parallel_loop3A_573, %parallel_loop3A_574 : vector<16xf32>
      %parallel_loop3A_576 = arith.mulf %parallel_loop3A_572, %parallel_loop3A_572 : vector<16xf32>
      %parallel_loop3A_577 = arith.addf %parallel_loop3A_575, %parallel_loop3A_576 : vector<16xf32>
      %parallel_loop3A_578 = arith.addf %parallel_loop3A_363, %parallel_loop3A_577 : vector<16xf32>
      %parallel_loop3A_579 = arith.mulf %gather3A_134, %parallel_loop3A_507 : vector<16xf32>
      %parallel_loop3A_580 = arith.mulf %gather3A_137, %parallel_loop3A_513 : vector<16xf32>
      %parallel_loop3A_581 = arith.mulf %gather3A_140, %parallel_loop3A_519 : vector<16xf32>
      %parallel_loop3A_582 = arith.addf %parallel_loop3A_579, %gather3A_143 : vector<16xf32>
      %parallel_loop3A_583 = arith.mulf %parallel_loop3A_582, %gather3A_146 : vector<16xf32>
      %parallel_loop3A_584 = arith.constant 0.000000e+00 : f32
      %parallel_loop3A_585 = vector.broadcast %parallel_loop3A_584 : f32 to vector<16xf32>
      %parallel_loop3A_586 = arith.maximumf %parallel_loop3A_583, %parallel_loop3A_585 : vector<16xf32>
      %parallel_loop3A_587 = arith.minimumf %parallel_loop3A_586, %gather3A_149 : vector<16xf32>
      %parallel_loop3A_588 = arith.fptosi %parallel_loop3A_587 : vector<16xf32> to vector<16xi32>
      %parallel_loop3A_589 = arith.constant 32 : i32
      %parallel_loop3A_590 = vector.broadcast %parallel_loop3A_589 : i32 to vector<16xi32>
      %parallel_loop3A_591 = arith.muli %parallel_loop3A_588, %parallel_loop3A_590 : vector<16xi32>
      %parallel_loop3A_592 = arith.addf %parallel_loop3A_580, %gather3A_143 : vector<16xf32>
      %parallel_loop3A_593 = arith.mulf %parallel_loop3A_592, %gather3A_146 : vector<16xf32>
      %parallel_loop3A_594 = arith.constant 0.000000e+00 : f32
      %parallel_loop3A_595 = vector.broadcast %parallel_loop3A_594 : f32 to vector<16xf32>
      %parallel_loop3A_596 = arith.maximumf %parallel_loop3A_593, %parallel_loop3A_595 : vector<16xf32>
      %parallel_loop3A_597 = arith.minimumf %parallel_loop3A_596, %gather3A_149 : vector<16xf32>
      %parallel_loop3A_598 = arith.fptosi %parallel_loop3A_597 : vector<16xf32> to vector<16xi32>
      %parallel_loop3A_599 = arith.addi %parallel_loop3A_591, %parallel_loop3A_598 : vector<16xi32>
      %parallel_loop3A_600 = arith.constant 32 : i32
      %parallel_loop3A_601 = vector.broadcast %parallel_loop3A_600 : i32 to vector<16xi32>
      %parallel_loop3A_602 = arith.muli %parallel_loop3A_599, %parallel_loop3A_601 : vector<16xi32>
      %parallel_loop3A_603 = arith.addf %parallel_loop3A_581, %gather3A_143 : vector<16xf32>
      %parallel_loop3A_604 = arith.mulf %parallel_loop3A_603, %gather3A_146 : vector<16xf32>
      %parallel_loop3A_605 = arith.constant 0.000000e+00 : f32
      %parallel_loop3A_606 = vector.broadcast %parallel_loop3A_605 : f32 to vector<16xf32>
      %parallel_loop3A_607 = arith.maximumf %parallel_loop3A_604, %parallel_loop3A_606 : vector<16xf32>
      %parallel_loop3A_608 = arith.minimumf %parallel_loop3A_607, %gather3A_149 : vector<16xf32>
      %parallel_loop3A_609 = arith.fptosi %parallel_loop3A_608 : vector<16xf32> to vector<16xi32>
      %parallel_loop3A_610 = arith.addi %parallel_loop3A_602, %parallel_loop3A_609 : vector<16xi32>
      %parallel_loop3A_611 = tpu.vector_load_idx %arg7[%parallel_loop3A_610] : memref<98304xf32, #tpu.memory_space<vmem>>[vector<16xi32>], vector<16xf32>,
      %parallel_loop3A_612 = arith.constant 32768 : i32
      %parallel_loop3A_613 = vector.broadcast %parallel_loop3A_612 : i32 to vector<16xi32>
      %parallel_loop3A_614 = arith.addi %parallel_loop3A_610, %parallel_loop3A_613 : vector<16xi32>
      %parallel_loop3A_615 = tpu.vector_load_idx %arg7[%parallel_loop3A_614] : memref<98304xf32, #tpu.memory_space<vmem>>[vector<16xi32>], vector<16xf32>,
      %parallel_loop3A_616 = arith.constant 65536 : i32
      %parallel_loop3A_617 = vector.broadcast %parallel_loop3A_616 : i32 to vector<16xi32>
      %parallel_loop3A_618 = arith.addi %parallel_loop3A_610, %parallel_loop3A_617 : vector<16xi32>
      %parallel_loop3A_619 = tpu.vector_load_idx %arg7[%parallel_loop3A_618] : memref<98304xf32, #tpu.memory_space<vmem>>[vector<16xi32>], vector<16xf32>,
      %parallel_loop3A_620 = arith.subf %parallel_loop3A_579, %parallel_loop3A_611 : vector<16xf32>
      %parallel_loop3A_621 = arith.subf %parallel_loop3A_580, %parallel_loop3A_615 : vector<16xf32>
      %parallel_loop3A_622 = arith.subf %parallel_loop3A_581, %parallel_loop3A_619 : vector<16xf32>
      %parallel_loop3A_623 = arith.mulf %parallel_loop3A_620, %parallel_loop3A_620 : vector<16xf32>
      %parallel_loop3A_624 = arith.mulf %parallel_loop3A_621, %parallel_loop3A_621 : vector<16xf32>
      %parallel_loop3A_625 = arith.addf %parallel_loop3A_623, %parallel_loop3A_624 : vector<16xf32>
      %parallel_loop3A_626 = arith.mulf %parallel_loop3A_622, %parallel_loop3A_622 : vector<16xf32>
      %parallel_loop3A_627 = arith.addf %parallel_loop3A_625, %parallel_loop3A_626 : vector<16xf32>
      %parallel_loop3A_628 = arith.addf %parallel_loop3A_364, %parallel_loop3A_627 : vector<16xf32>
      %parallel_loop3A_629 = arith.constant 2 : i32
      %parallel_loop3A_630 = arith.addi %parallel_loop3A_360, %parallel_loop3A_629 : i32
      %parallel_loop3A_631 = arith.constant 16 : i32
      %parallel_loop3A_632 = arith.muli %parallel_loop3A_630, %parallel_loop3A_631 : i32
      %parallel_loop3A_633 = vector.broadcast %parallel_loop3A_632 : i32 to vector<16xi32>
      %parallel_loop3A_634 = arith.addi %iota3A, %parallel_loop3A_633 : vector<16xi32>
      %parallel_loop3A_635 = arith.constant 0 : i32
      %parallel_loop3A_636 = tpu.memref_slice %arg8[%parallel_loop3A_635] : memref<24576xf32, #tpu.memory_space<vmem>> -> memref<12288xf32, #tpu.memory_space<vmem>>
      %parallel_loop3A_637 = tpu.vector_load_idx %parallel_loop3A_636[%parallel_loop3A_634] : memref<12288xf32, #tpu.memory_space<vmem>>[vector<16xi32>], vector<16xf32>,
      %parallel_loop3A_638 = arith.constant 4096 : i32
      %parallel_loop3A_639 = vector.broadcast %parallel_loop3A_638 : i32 to vector<16xi32>
      %parallel_loop3A_640 = arith.addi %parallel_loop3A_634, %parallel_loop3A_639 : vector<16xi32>
      %parallel_loop3A_641 = arith.constant 0 : i32
      %parallel_loop3A_642 = tpu.memref_slice %arg8[%parallel_loop3A_641] : memref<24576xf32, #tpu.memory_space<vmem>> -> memref<12288xf32, #tpu.memory_space<vmem>>
      %parallel_loop3A_643 = tpu.vector_load_idx %parallel_loop3A_642[%parallel_loop3A_640] : memref<12288xf32, #tpu.memory_space<vmem>>[vector<16xi32>], vector<16xf32>,
      %parallel_loop3A_644 = arith.constant 8192 : i32
      %parallel_loop3A_645 = vector.broadcast %parallel_loop3A_644 : i32 to vector<16xi32>
      %parallel_loop3A_646 = arith.addi %parallel_loop3A_634, %parallel_loop3A_645 : vector<16xi32>
      %parallel_loop3A_647 = arith.constant 0 : i32
      %parallel_loop3A_648 = tpu.memref_slice %arg8[%parallel_loop3A_647] : memref<24576xf32, #tpu.memory_space<vmem>> -> memref<12288xf32, #tpu.memory_space<vmem>>
      %parallel_loop3A_649 = tpu.vector_load_idx %parallel_loop3A_648[%parallel_loop3A_646] : memref<12288xf32, #tpu.memory_space<vmem>>[vector<16xi32>], vector<16xf32>,
      %parallel_loop3A_650 = arith.mulf %parallel_loop3A_637, %gather3A_122 : vector<16xf32>
      %parallel_loop3A_651 = arith.mulf %parallel_loop3A_643, %gather3A_125 : vector<16xf32>
      %parallel_loop3A_652 = arith.addf %parallel_loop3A_650, %parallel_loop3A_651 : vector<16xf32>
      %parallel_loop3A_653 = arith.mulf %parallel_loop3A_649, %gather3A_128 : vector<16xf32>
      %parallel_loop3A_654 = arith.addf %parallel_loop3A_652, %parallel_loop3A_653 : vector<16xf32>
      %parallel_loop3A_655 = arith.addf %parallel_loop3A_654, %gather3A_131 : vector<16xf32>
      %parallel_loop3A_656 = arith.mulf %parallel_loop3A_655, %gather3A : vector<16xf32>
      %parallel_loop3A_657 = arith.subf %parallel_loop3A_637, %parallel_loop3A_656 : vector<16xf32>
      %parallel_loop3A_658 = arith.mulf %parallel_loop3A_655, %gather3A_116 : vector<16xf32>
      %parallel_loop3A_659 = arith.subf %parallel_loop3A_643, %parallel_loop3A_658 : vector<16xf32>
      %parallel_loop3A_660 = arith.mulf %parallel_loop3A_655, %gather3A_119 : vector<16xf32>
      %parallel_loop3A_661 = arith.subf %parallel_loop3A_649, %parallel_loop3A_660 : vector<16xf32>
      %parallel_loop3A_662 = arith.addf %parallel_loop3A_657, %gather3A_143 : vector<16xf32>
      %parallel_loop3A_663 = arith.mulf %parallel_loop3A_662, %gather3A_146 : vector<16xf32>
      %parallel_loop3A_664 = arith.constant 0.000000e+00 : f32
      %parallel_loop3A_665 = vector.broadcast %parallel_loop3A_664 : f32 to vector<16xf32>
      %parallel_loop3A_666 = arith.maximumf %parallel_loop3A_663, %parallel_loop3A_665 : vector<16xf32>
      %parallel_loop3A_667 = arith.minimumf %parallel_loop3A_666, %gather3A_149 : vector<16xf32>
      %parallel_loop3A_668 = arith.fptosi %parallel_loop3A_667 : vector<16xf32> to vector<16xi32>
      %parallel_loop3A_669 = arith.constant 32 : i32
      %parallel_loop3A_670 = vector.broadcast %parallel_loop3A_669 : i32 to vector<16xi32>
      %parallel_loop3A_671 = arith.muli %parallel_loop3A_668, %parallel_loop3A_670 : vector<16xi32>
      %parallel_loop3A_672 = arith.addf %parallel_loop3A_659, %gather3A_143 : vector<16xf32>
      %parallel_loop3A_673 = arith.mulf %parallel_loop3A_672, %gather3A_146 : vector<16xf32>
      %parallel_loop3A_674 = arith.constant 0.000000e+00 : f32
      %parallel_loop3A_675 = vector.broadcast %parallel_loop3A_674 : f32 to vector<16xf32>
      %parallel_loop3A_676 = arith.maximumf %parallel_loop3A_673, %parallel_loop3A_675 : vector<16xf32>
      %parallel_loop3A_677 = arith.minimumf %parallel_loop3A_676, %gather3A_149 : vector<16xf32>
      %parallel_loop3A_678 = arith.fptosi %parallel_loop3A_677 : vector<16xf32> to vector<16xi32>
      %parallel_loop3A_679 = arith.addi %parallel_loop3A_671, %parallel_loop3A_678 : vector<16xi32>
      %parallel_loop3A_680 = arith.constant 32 : i32
      %parallel_loop3A_681 = vector.broadcast %parallel_loop3A_680 : i32 to vector<16xi32>
      %parallel_loop3A_682 = arith.muli %parallel_loop3A_679, %parallel_loop3A_681 : vector<16xi32>
      %parallel_loop3A_683 = arith.addf %parallel_loop3A_661, %gather3A_143 : vector<16xf32>
      %parallel_loop3A_684 = arith.mulf %parallel_loop3A_683, %gather3A_146 : vector<16xf32>
      %parallel_loop3A_685 = arith.constant 0.000000e+00 : f32
      %parallel_loop3A_686 = vector.broadcast %parallel_loop3A_685 : f32 to vector<16xf32>
      %parallel_loop3A_687 = arith.maximumf %parallel_loop3A_684, %parallel_loop3A_686 : vector<16xf32>
      %parallel_loop3A_688 = arith.minimumf %parallel_loop3A_687, %gather3A_149 : vector<16xf32>
      %parallel_loop3A_689 = arith.fptosi %parallel_loop3A_688 : vector<16xf32> to vector<16xi32>
      %parallel_loop3A_690 = arith.addi %parallel_loop3A_682, %parallel_loop3A_689 : vector<16xi32>
      %parallel_loop3A_691 = tpu.vector_load_idx %arg7[%parallel_loop3A_690] : memref<98304xf32, #tpu.memory_space<vmem>>[vector<16xi32>], vector<16xf32>,
      %parallel_loop3A_692 = arith.constant 32768 : i32
      %parallel_loop3A_693 = vector.broadcast %parallel_loop3A_692 : i32 to vector<16xi32>
      %parallel_loop3A_694 = arith.addi %parallel_loop3A_690, %parallel_loop3A_693 : vector<16xi32>
      %parallel_loop3A_695 = tpu.vector_load_idx %arg7[%parallel_loop3A_694] : memref<98304xf32, #tpu.memory_space<vmem>>[vector<16xi32>], vector<16xf32>,
      %parallel_loop3A_696 = arith.constant 65536 : i32
      %parallel_loop3A_697 = vector.broadcast %parallel_loop3A_696 : i32 to vector<16xi32>
      %parallel_loop3A_698 = arith.addi %parallel_loop3A_690, %parallel_loop3A_697 : vector<16xi32>
      %parallel_loop3A_699 = tpu.vector_load_idx %arg7[%parallel_loop3A_698] : memref<98304xf32, #tpu.memory_space<vmem>>[vector<16xi32>], vector<16xf32>,
      %parallel_loop3A_700 = arith.subf %parallel_loop3A_657, %parallel_loop3A_691 : vector<16xf32>
      %parallel_loop3A_701 = arith.subf %parallel_loop3A_659, %parallel_loop3A_695 : vector<16xf32>
      %parallel_loop3A_702 = arith.subf %parallel_loop3A_661, %parallel_loop3A_699 : vector<16xf32>
      %parallel_loop3A_703 = arith.mulf %parallel_loop3A_700, %parallel_loop3A_700 : vector<16xf32>
      %parallel_loop3A_704 = arith.mulf %parallel_loop3A_701, %parallel_loop3A_701 : vector<16xf32>
      %parallel_loop3A_705 = arith.addf %parallel_loop3A_703, %parallel_loop3A_704 : vector<16xf32>
      %parallel_loop3A_706 = arith.mulf %parallel_loop3A_702, %parallel_loop3A_702 : vector<16xf32>
      %parallel_loop3A_707 = arith.addf %parallel_loop3A_705, %parallel_loop3A_706 : vector<16xf32>
      %parallel_loop3A_708 = arith.addf %parallel_loop3A_365, %parallel_loop3A_707 : vector<16xf32>
      %parallel_loop3A_709 = arith.mulf %gather3A_134, %parallel_loop3A_637 : vector<16xf32>
      %parallel_loop3A_710 = arith.mulf %gather3A_137, %parallel_loop3A_643 : vector<16xf32>
      %parallel_loop3A_711 = arith.mulf %gather3A_140, %parallel_loop3A_649 : vector<16xf32>
      %parallel_loop3A_712 = arith.addf %parallel_loop3A_709, %gather3A_143 : vector<16xf32>
      %parallel_loop3A_713 = arith.mulf %parallel_loop3A_712, %gather3A_146 : vector<16xf32>
      %parallel_loop3A_714 = arith.constant 0.000000e+00 : f32
      %parallel_loop3A_715 = vector.broadcast %parallel_loop3A_714 : f32 to vector<16xf32>
      %parallel_loop3A_716 = arith.maximumf %parallel_loop3A_713, %parallel_loop3A_715 : vector<16xf32>
      %parallel_loop3A_717 = arith.minimumf %parallel_loop3A_716, %gather3A_149 : vector<16xf32>
      %parallel_loop3A_718 = arith.fptosi %parallel_loop3A_717 : vector<16xf32> to vector<16xi32>
      %parallel_loop3A_719 = arith.constant 32 : i32
      %parallel_loop3A_720 = vector.broadcast %parallel_loop3A_719 : i32 to vector<16xi32>
      %parallel_loop3A_721 = arith.muli %parallel_loop3A_718, %parallel_loop3A_720 : vector<16xi32>
      %parallel_loop3A_722 = arith.addf %parallel_loop3A_710, %gather3A_143 : vector<16xf32>
      %parallel_loop3A_723 = arith.mulf %parallel_loop3A_722, %gather3A_146 : vector<16xf32>
      %parallel_loop3A_724 = arith.constant 0.000000e+00 : f32
      %parallel_loop3A_725 = vector.broadcast %parallel_loop3A_724 : f32 to vector<16xf32>
      %parallel_loop3A_726 = arith.maximumf %parallel_loop3A_723, %parallel_loop3A_725 : vector<16xf32>
      %parallel_loop3A_727 = arith.minimumf %parallel_loop3A_726, %gather3A_149 : vector<16xf32>
      %parallel_loop3A_728 = arith.fptosi %parallel_loop3A_727 : vector<16xf32> to vector<16xi32>
      %parallel_loop3A_729 = arith.addi %parallel_loop3A_721, %parallel_loop3A_728 : vector<16xi32>
      %parallel_loop3A_730 = arith.constant 32 : i32
      %parallel_loop3A_731 = vector.broadcast %parallel_loop3A_730 : i32 to vector<16xi32>
      %parallel_loop3A_732 = arith.muli %parallel_loop3A_729, %parallel_loop3A_731 : vector<16xi32>
      %parallel_loop3A_733 = arith.addf %parallel_loop3A_711, %gather3A_143 : vector<16xf32>
      %parallel_loop3A_734 = arith.mulf %parallel_loop3A_733, %gather3A_146 : vector<16xf32>
      %parallel_loop3A_735 = arith.constant 0.000000e+00 : f32
      %parallel_loop3A_736 = vector.broadcast %parallel_loop3A_735 : f32 to vector<16xf32>
      %parallel_loop3A_737 = arith.maximumf %parallel_loop3A_734, %parallel_loop3A_736 : vector<16xf32>
      %parallel_loop3A_738 = arith.minimumf %parallel_loop3A_737, %gather3A_149 : vector<16xf32>
      %parallel_loop3A_739 = arith.fptosi %parallel_loop3A_738 : vector<16xf32> to vector<16xi32>
      %parallel_loop3A_740 = arith.addi %parallel_loop3A_732, %parallel_loop3A_739 : vector<16xi32>
      %parallel_loop3A_741 = tpu.vector_load_idx %arg7[%parallel_loop3A_740] : memref<98304xf32, #tpu.memory_space<vmem>>[vector<16xi32>], vector<16xf32>,
      %parallel_loop3A_742 = arith.constant 32768 : i32
      %parallel_loop3A_743 = vector.broadcast %parallel_loop3A_742 : i32 to vector<16xi32>
      %parallel_loop3A_744 = arith.addi %parallel_loop3A_740, %parallel_loop3A_743 : vector<16xi32>
      %parallel_loop3A_745 = tpu.vector_load_idx %arg7[%parallel_loop3A_744] : memref<98304xf32, #tpu.memory_space<vmem>>[vector<16xi32>], vector<16xf32>,
      %parallel_loop3A_746 = arith.constant 65536 : i32
      %parallel_loop3A_747 = vector.broadcast %parallel_loop3A_746 : i32 to vector<16xi32>
      %parallel_loop3A_748 = arith.addi %parallel_loop3A_740, %parallel_loop3A_747 : vector<16xi32>
      %parallel_loop3A_749 = tpu.vector_load_idx %arg7[%parallel_loop3A_748] : memref<98304xf32, #tpu.memory_space<vmem>>[vector<16xi32>], vector<16xf32>,
      %parallel_loop3A_750 = arith.subf %parallel_loop3A_709, %parallel_loop3A_741 : vector<16xf32>
      %parallel_loop3A_751 = arith.subf %parallel_loop3A_710, %parallel_loop3A_745 : vector<16xf32>
      %parallel_loop3A_752 = arith.subf %parallel_loop3A_711, %parallel_loop3A_749 : vector<16xf32>
      %parallel_loop3A_753 = arith.mulf %parallel_loop3A_750, %parallel_loop3A_750 : vector<16xf32>
      %parallel_loop3A_754 = arith.mulf %parallel_loop3A_751, %parallel_loop3A_751 : vector<16xf32>
      %parallel_loop3A_755 = arith.addf %parallel_loop3A_753, %parallel_loop3A_754 : vector<16xf32>
      %parallel_loop3A_756 = arith.mulf %parallel_loop3A_752, %parallel_loop3A_752 : vector<16xf32>
      %parallel_loop3A_757 = arith.addf %parallel_loop3A_755, %parallel_loop3A_756 : vector<16xf32>
      %parallel_loop3A_758 = arith.addf %parallel_loop3A_366, %parallel_loop3A_757 : vector<16xf32>
      %parallel_loop3A_759 = arith.constant 3 : i32
      %parallel_loop3A_760 = arith.addi %parallel_loop3A_360, %parallel_loop3A_759 : i32
      %parallel_loop3A_761 = arith.constant 16 : i32
      %parallel_loop3A_762 = arith.muli %parallel_loop3A_760, %parallel_loop3A_761 : i32
      %parallel_loop3A_763 = vector.broadcast %parallel_loop3A_762 : i32 to vector<16xi32>
      %parallel_loop3A_764 = arith.addi %iota3A, %parallel_loop3A_763 : vector<16xi32>
      %parallel_loop3A_765 = arith.constant 0 : i32
      %parallel_loop3A_766 = tpu.memref_slice %arg8[%parallel_loop3A_765] : memref<24576xf32, #tpu.memory_space<vmem>> -> memref<12288xf32, #tpu.memory_space<vmem>>
      %parallel_loop3A_767 = tpu.vector_load_idx %parallel_loop3A_766[%parallel_loop3A_764] : memref<12288xf32, #tpu.memory_space<vmem>>[vector<16xi32>], vector<16xf32>,
      %parallel_loop3A_768 = arith.constant 4096 : i32
      %parallel_loop3A_769 = vector.broadcast %parallel_loop3A_768 : i32 to vector<16xi32>
      %parallel_loop3A_770 = arith.addi %parallel_loop3A_764, %parallel_loop3A_769 : vector<16xi32>
      %parallel_loop3A_771 = arith.constant 0 : i32
      %parallel_loop3A_772 = tpu.memref_slice %arg8[%parallel_loop3A_771] : memref<24576xf32, #tpu.memory_space<vmem>> -> memref<12288xf32, #tpu.memory_space<vmem>>
      %parallel_loop3A_773 = tpu.vector_load_idx %parallel_loop3A_772[%parallel_loop3A_770] : memref<12288xf32, #tpu.memory_space<vmem>>[vector<16xi32>], vector<16xf32>,
      %parallel_loop3A_774 = arith.constant 8192 : i32
      %parallel_loop3A_775 = vector.broadcast %parallel_loop3A_774 : i32 to vector<16xi32>
      %parallel_loop3A_776 = arith.addi %parallel_loop3A_764, %parallel_loop3A_775 : vector<16xi32>
      %parallel_loop3A_777 = arith.constant 0 : i32
      %parallel_loop3A_778 = tpu.memref_slice %arg8[%parallel_loop3A_777] : memref<24576xf32, #tpu.memory_space<vmem>> -> memref<12288xf32, #tpu.memory_space<vmem>>
      %parallel_loop3A_779 = tpu.vector_load_idx %parallel_loop3A_778[%parallel_loop3A_776] : memref<12288xf32, #tpu.memory_space<vmem>>[vector<16xi32>], vector<16xf32>,
      %parallel_loop3A_780 = arith.mulf %parallel_loop3A_767, %gather3A_122 : vector<16xf32>
      %parallel_loop3A_781 = arith.mulf %parallel_loop3A_773, %gather3A_125 : vector<16xf32>
      %parallel_loop3A_782 = arith.addf %parallel_loop3A_780, %parallel_loop3A_781 : vector<16xf32>
      %parallel_loop3A_783 = arith.mulf %parallel_loop3A_779, %gather3A_128 : vector<16xf32>
      %parallel_loop3A_784 = arith.addf %parallel_loop3A_782, %parallel_loop3A_783 : vector<16xf32>
      %parallel_loop3A_785 = arith.addf %parallel_loop3A_784, %gather3A_131 : vector<16xf32>
      %parallel_loop3A_786 = arith.mulf %parallel_loop3A_785, %gather3A : vector<16xf32>
      %parallel_loop3A_787 = arith.subf %parallel_loop3A_767, %parallel_loop3A_786 : vector<16xf32>
      %parallel_loop3A_788 = arith.mulf %parallel_loop3A_785, %gather3A_116 : vector<16xf32>
      %parallel_loop3A_789 = arith.subf %parallel_loop3A_773, %parallel_loop3A_788 : vector<16xf32>
      %parallel_loop3A_790 = arith.mulf %parallel_loop3A_785, %gather3A_119 : vector<16xf32>
      %parallel_loop3A_791 = arith.subf %parallel_loop3A_779, %parallel_loop3A_790 : vector<16xf32>
      %parallel_loop3A_792 = arith.addf %parallel_loop3A_787, %gather3A_143 : vector<16xf32>
      %parallel_loop3A_793 = arith.mulf %parallel_loop3A_792, %gather3A_146 : vector<16xf32>
      %parallel_loop3A_794 = arith.constant 0.000000e+00 : f32
      %parallel_loop3A_795 = vector.broadcast %parallel_loop3A_794 : f32 to vector<16xf32>
      %parallel_loop3A_796 = arith.maximumf %parallel_loop3A_793, %parallel_loop3A_795 : vector<16xf32>
      %parallel_loop3A_797 = arith.minimumf %parallel_loop3A_796, %gather3A_149 : vector<16xf32>
      %parallel_loop3A_798 = arith.fptosi %parallel_loop3A_797 : vector<16xf32> to vector<16xi32>
      %parallel_loop3A_799 = arith.constant 32 : i32
      %parallel_loop3A_800 = vector.broadcast %parallel_loop3A_799 : i32 to vector<16xi32>
      %parallel_loop3A_801 = arith.muli %parallel_loop3A_798, %parallel_loop3A_800 : vector<16xi32>
      %parallel_loop3A_802 = arith.addf %parallel_loop3A_789, %gather3A_143 : vector<16xf32>
      %parallel_loop3A_803 = arith.mulf %parallel_loop3A_802, %gather3A_146 : vector<16xf32>
      %parallel_loop3A_804 = arith.constant 0.000000e+00 : f32
      %parallel_loop3A_805 = vector.broadcast %parallel_loop3A_804 : f32 to vector<16xf32>
      %parallel_loop3A_806 = arith.maximumf %parallel_loop3A_803, %parallel_loop3A_805 : vector<16xf32>
      %parallel_loop3A_807 = arith.minimumf %parallel_loop3A_806, %gather3A_149 : vector<16xf32>
      %parallel_loop3A_808 = arith.fptosi %parallel_loop3A_807 : vector<16xf32> to vector<16xi32>
      %parallel_loop3A_809 = arith.addi %parallel_loop3A_801, %parallel_loop3A_808 : vector<16xi32>
      %parallel_loop3A_810 = arith.constant 32 : i32
      %parallel_loop3A_811 = vector.broadcast %parallel_loop3A_810 : i32 to vector<16xi32>
      %parallel_loop3A_812 = arith.muli %parallel_loop3A_809, %parallel_loop3A_811 : vector<16xi32>
      %parallel_loop3A_813 = arith.addf %parallel_loop3A_791, %gather3A_143 : vector<16xf32>
      %parallel_loop3A_814 = arith.mulf %parallel_loop3A_813, %gather3A_146 : vector<16xf32>
      %parallel_loop3A_815 = arith.constant 0.000000e+00 : f32
      %parallel_loop3A_816 = vector.broadcast %parallel_loop3A_815 : f32 to vector<16xf32>
      %parallel_loop3A_817 = arith.maximumf %parallel_loop3A_814, %parallel_loop3A_816 : vector<16xf32>
      %parallel_loop3A_818 = arith.minimumf %parallel_loop3A_817, %gather3A_149 : vector<16xf32>
      %parallel_loop3A_819 = arith.fptosi %parallel_loop3A_818 : vector<16xf32> to vector<16xi32>
      %parallel_loop3A_820 = arith.addi %parallel_loop3A_812, %parallel_loop3A_819 : vector<16xi32>
      %parallel_loop3A_821 = tpu.vector_load_idx %arg7[%parallel_loop3A_820] : memref<98304xf32, #tpu.memory_space<vmem>>[vector<16xi32>], vector<16xf32>,
      %parallel_loop3A_822 = arith.constant 32768 : i32
      %parallel_loop3A_823 = vector.broadcast %parallel_loop3A_822 : i32 to vector<16xi32>
      %parallel_loop3A_824 = arith.addi %parallel_loop3A_820, %parallel_loop3A_823 : vector<16xi32>
      %parallel_loop3A_825 = tpu.vector_load_idx %arg7[%parallel_loop3A_824] : memref<98304xf32, #tpu.memory_space<vmem>>[vector<16xi32>], vector<16xf32>,
      %parallel_loop3A_826 = arith.constant 65536 : i32
      %parallel_loop3A_827 = vector.broadcast %parallel_loop3A_826 : i32 to vector<16xi32>
      %parallel_loop3A_828 = arith.addi %parallel_loop3A_820, %parallel_loop3A_827 : vector<16xi32>
      %parallel_loop3A_829 = tpu.vector_load_idx %arg7[%parallel_loop3A_828] : memref<98304xf32, #tpu.memory_space<vmem>>[vector<16xi32>], vector<16xf32>,
      %parallel_loop3A_830 = arith.subf %parallel_loop3A_787, %parallel_loop3A_821 : vector<16xf32>
      %parallel_loop3A_831 = arith.subf %parallel_loop3A_789, %parallel_loop3A_825 : vector<16xf32>
      %parallel_loop3A_832 = arith.subf %parallel_loop3A_791, %parallel_loop3A_829 : vector<16xf32>
      %parallel_loop3A_833 = arith.mulf %parallel_loop3A_830, %parallel_loop3A_830 : vector<16xf32>
      %parallel_loop3A_834 = arith.mulf %parallel_loop3A_831, %parallel_loop3A_831 : vector<16xf32>
      %parallel_loop3A_835 = arith.addf %parallel_loop3A_833, %parallel_loop3A_834 : vector<16xf32>
      %parallel_loop3A_836 = arith.mulf %parallel_loop3A_832, %parallel_loop3A_832 : vector<16xf32>
      %parallel_loop3A_837 = arith.addf %parallel_loop3A_835, %parallel_loop3A_836 : vector<16xf32>
      %parallel_loop3A_838 = arith.addf %parallel_loop3A_367, %parallel_loop3A_837 : vector<16xf32>
      %parallel_loop3A_839 = arith.mulf %gather3A_134, %parallel_loop3A_767 : vector<16xf32>
      %parallel_loop3A_840 = arith.mulf %gather3A_137, %parallel_loop3A_773 : vector<16xf32>
      %parallel_loop3A_841 = arith.mulf %gather3A_140, %parallel_loop3A_779 : vector<16xf32>
      %parallel_loop3A_842 = arith.addf %parallel_loop3A_839, %gather3A_143 : vector<16xf32>
      %parallel_loop3A_843 = arith.mulf %parallel_loop3A_842, %gather3A_146 : vector<16xf32>
      %parallel_loop3A_844 = arith.constant 0.000000e+00 : f32
      %parallel_loop3A_845 = vector.broadcast %parallel_loop3A_844 : f32 to vector<16xf32>
      %parallel_loop3A_846 = arith.maximumf %parallel_loop3A_843, %parallel_loop3A_845 : vector<16xf32>
      %parallel_loop3A_847 = arith.minimumf %parallel_loop3A_846, %gather3A_149 : vector<16xf32>
      %parallel_loop3A_848 = arith.fptosi %parallel_loop3A_847 : vector<16xf32> to vector<16xi32>
      %parallel_loop3A_849 = arith.constant 32 : i32
      %parallel_loop3A_850 = vector.broadcast %parallel_loop3A_849 : i32 to vector<16xi32>
      %parallel_loop3A_851 = arith.muli %parallel_loop3A_848, %parallel_loop3A_850 : vector<16xi32>
      %parallel_loop3A_852 = arith.addf %parallel_loop3A_840, %gather3A_143 : vector<16xf32>
      %parallel_loop3A_853 = arith.mulf %parallel_loop3A_852, %gather3A_146 : vector<16xf32>
      %parallel_loop3A_854 = arith.constant 0.000000e+00 : f32
      %parallel_loop3A_855 = vector.broadcast %parallel_loop3A_854 : f32 to vector<16xf32>
      %parallel_loop3A_856 = arith.maximumf %parallel_loop3A_853, %parallel_loop3A_855 : vector<16xf32>
      %parallel_loop3A_857 = arith.minimumf %parallel_loop3A_856, %gather3A_149 : vector<16xf32>
      %parallel_loop3A_858 = arith.fptosi %parallel_loop3A_857 : vector<16xf32> to vector<16xi32>
      %parallel_loop3A_859 = arith.addi %parallel_loop3A_851, %parallel_loop3A_858 : vector<16xi32>
      %parallel_loop3A_860 = arith.constant 32 : i32
      %parallel_loop3A_861 = vector.broadcast %parallel_loop3A_860 : i32 to vector<16xi32>
      %parallel_loop3A_862 = arith.muli %parallel_loop3A_859, %parallel_loop3A_861 : vector<16xi32>
      %parallel_loop3A_863 = arith.addf %parallel_loop3A_841, %gather3A_143 : vector<16xf32>
      %parallel_loop3A_864 = arith.mulf %parallel_loop3A_863, %gather3A_146 : vector<16xf32>
      %parallel_loop3A_865 = arith.constant 0.000000e+00 : f32
      %parallel_loop3A_866 = vector.broadcast %parallel_loop3A_865 : f32 to vector<16xf32>
      %parallel_loop3A_867 = arith.maximumf %parallel_loop3A_864, %parallel_loop3A_866 : vector<16xf32>
      %parallel_loop3A_868 = arith.minimumf %parallel_loop3A_867, %gather3A_149 : vector<16xf32>
      %parallel_loop3A_869 = arith.fptosi %parallel_loop3A_868 : vector<16xf32> to vector<16xi32>
      %parallel_loop3A_870 = arith.addi %parallel_loop3A_862, %parallel_loop3A_869 : vector<16xi32>
      %parallel_loop3A_871 = tpu.vector_load_idx %arg7[%parallel_loop3A_870] : memref<98304xf32, #tpu.memory_space<vmem>>[vector<16xi32>], vector<16xf32>,
      %parallel_loop3A_872 = arith.constant 32768 : i32
      %parallel_loop3A_873 = vector.broadcast %parallel_loop3A_872 : i32 to vector<16xi32>
      %parallel_loop3A_874 = arith.addi %parallel_loop3A_870, %parallel_loop3A_873 : vector<16xi32>
      %parallel_loop3A_875 = tpu.vector_load_idx %arg7[%parallel_loop3A_874] : memref<98304xf32, #tpu.memory_space<vmem>>[vector<16xi32>], vector<16xf32>,
      %parallel_loop3A_876 = arith.constant 65536 : i32
      %parallel_loop3A_877 = vector.broadcast %parallel_loop3A_876 : i32 to vector<16xi32>
      %parallel_loop3A_878 = arith.addi %parallel_loop3A_870, %parallel_loop3A_877 : vector<16xi32>
      %parallel_loop3A_879 = tpu.vector_load_idx %arg7[%parallel_loop3A_878] : memref<98304xf32, #tpu.memory_space<vmem>>[vector<16xi32>], vector<16xf32>,
      %parallel_loop3A_880 = arith.subf %parallel_loop3A_839, %parallel_loop3A_871 : vector<16xf32>
      %parallel_loop3A_881 = arith.subf %parallel_loop3A_840, %parallel_loop3A_875 : vector<16xf32>
      %parallel_loop3A_882 = arith.subf %parallel_loop3A_841, %parallel_loop3A_879 : vector<16xf32>
      %parallel_loop3A_883 = arith.mulf %parallel_loop3A_880, %parallel_loop3A_880 : vector<16xf32>
      %parallel_loop3A_884 = arith.mulf %parallel_loop3A_881, %parallel_loop3A_881 : vector<16xf32>
      %parallel_loop3A_885 = arith.addf %parallel_loop3A_883, %parallel_loop3A_884 : vector<16xf32>
      %parallel_loop3A_886 = arith.mulf %parallel_loop3A_882, %parallel_loop3A_882 : vector<16xf32>
      %parallel_loop3A_887 = arith.addf %parallel_loop3A_885, %parallel_loop3A_886 : vector<16xf32>
      %parallel_loop3A_888 = arith.addf %parallel_loop3A_368, %parallel_loop3A_887 : vector<16xf32>
      scf.yield %parallel_loop3A_448, %parallel_loop3A_498, %parallel_loop3A_578, %parallel_loop3A_628, %parallel_loop3A_708, %parallel_loop3A_758, %parallel_loop3A_838, %parallel_loop3A_888 : vector<16xf32>, vector<16xf32>, vector<16xf32>, vector<16xf32>, vector<16xf32>, vector<16xf32>, vector<16xf32>, vector<16xf32>
    } {sc.loop_unroll_factor = 1 : i64, sc.parallel_access}
    %dma_wait3A_325 = arith.constant 12288 : i32
    %dma_wait3A_326 = tpu.memref_slice %arg8[%dma_wait3A_325] : memref<24576xf32, #tpu.memory_space<vmem>> -> memref<4096xf32, #tpu.memory_space<vmem>>
    %dma_wait3A_327 = tpu.memref_slice %arg2[%add3A_290] : memref<196608xf32, #tpu.memory_space<hbm>> -> memref<4096xf32, #tpu.memory_space<hbm>>
    %dma_wait3A_328 = arith.constant 12288 : i32
    %dma_wait3A_329 = tpu.memref_slice %arg8[%dma_wait3A_328] : memref<24576xf32, #tpu.memory_space<vmem>> -> memref<4096xf32, #tpu.memory_space<vmem>>
    %dma_wait3A_330 = tpu.memref_slice %arg2[%add3A_290] : memref<196608xf32, #tpu.memory_space<hbm>> -> memref<4096xf32, #tpu.memory_space<hbm>>
    tpu.wait_dma2 semaphore(%arg14 : memref<!tpu.dma_semaphore, #tpu.memory_space<semaphore_mem>>) src(%dma_wait3A_330 : memref<4096xf32, #tpu.memory_space<hbm>>) dst(%dma_wait3A_329 : memref<4096xf32, #tpu.memory_space<vmem>>)
    %dma_wait3A_331 = arith.constant 16384 : i32
    %dma_wait3A_332 = tpu.memref_slice %arg8[%dma_wait3A_331] : memref<24576xf32, #tpu.memory_space<vmem>> -> memref<4096xf32, #tpu.memory_space<vmem>>
    %dma_wait3A_333 = tpu.memref_slice %arg2[%add3A_302] : memref<196608xf32, #tpu.memory_space<hbm>> -> memref<4096xf32, #tpu.memory_space<hbm>>
    %dma_wait3A_334 = arith.constant 16384 : i32
    %dma_wait3A_335 = tpu.memref_slice %arg8[%dma_wait3A_334] : memref<24576xf32, #tpu.memory_space<vmem>> -> memref<4096xf32, #tpu.memory_space<vmem>>
    %dma_wait3A_336 = tpu.memref_slice %arg2[%add3A_302] : memref<196608xf32, #tpu.memory_space<hbm>> -> memref<4096xf32, #tpu.memory_space<hbm>>
    tpu.wait_dma2 semaphore(%arg14 : memref<!tpu.dma_semaphore, #tpu.memory_space<semaphore_mem>>) src(%dma_wait3A_336 : memref<4096xf32, #tpu.memory_space<hbm>>) dst(%dma_wait3A_335 : memref<4096xf32, #tpu.memory_space<vmem>>)
    %dma_wait3A_337 = arith.constant 20480 : i32
    %dma_wait3A_338 = tpu.memref_slice %arg8[%dma_wait3A_337] : memref<24576xf32, #tpu.memory_space<vmem>> -> memref<4096xf32, #tpu.memory_space<vmem>>
    %dma_wait3A_339 = tpu.memref_slice %arg2[%add3A_314] : memref<196608xf32, #tpu.memory_space<hbm>> -> memref<4096xf32, #tpu.memory_space<hbm>>
    %dma_wait3A_340 = arith.constant 20480 : i32
    %dma_wait3A_341 = tpu.memref_slice %arg8[%dma_wait3A_340] : memref<24576xf32, #tpu.memory_space<vmem>> -> memref<4096xf32, #tpu.memory_space<vmem>>
    %dma_wait3A_342 = tpu.memref_slice %arg2[%add3A_314] : memref<196608xf32, #tpu.memory_space<hbm>> -> memref<4096xf32, #tpu.memory_space<hbm>>
    tpu.wait_dma2 semaphore(%arg14 : memref<!tpu.dma_semaphore, #tpu.memory_space<semaphore_mem>>) src(%dma_wait3A_342 : memref<4096xf32, #tpu.memory_space<hbm>>) dst(%dma_wait3A_341 : memref<4096xf32, #tpu.memory_space<vmem>>)
    %parallel_loop3A_343 = arith.constant 0 : i32
    %parallel_loop3A_344 = arith.constant 256 : i32
    %parallel_loop3A_345 = arith.constant 4 : i32
    %parallel_loop3A_346:8 = scf.for %parallel_loop3A_360 = %parallel_loop3A_343 to %parallel_loop3A_344 step %parallel_loop3A_345 iter_args(%parallel_loop3A_361 = %parallel_loop3A_324#0, %parallel_loop3A_362 = %parallel_loop3A_324#1, %parallel_loop3A_363 = %parallel_loop3A_324#2, %parallel_loop3A_364 = %parallel_loop3A_324#3, %parallel_loop3A_365 = %parallel_loop3A_324#4, %parallel_loop3A_366 = %parallel_loop3A_324#5, %parallel_loop3A_367 = %parallel_loop3A_324#6, %parallel_loop3A_368 = %parallel_loop3A_324#7) -> (vector<16xf32>, vector<16xf32>, vector<16xf32>, vector<16xf32>, vector<16xf32>, vector<16xf32>, vector<16xf32>, vector<16xf32>)  : i32 {
      %parallel_loop3A_369 = arith.constant 0 : i32
      %parallel_loop3A_370 = arith.addi %parallel_loop3A_360, %parallel_loop3A_369 : i32
      %parallel_loop3A_371 = arith.constant 16 : i32
      %parallel_loop3A_372 = arith.muli %parallel_loop3A_370, %parallel_loop3A_371 : i32
      %parallel_loop3A_373 = vector.broadcast %parallel_loop3A_372 : i32 to vector<16xi32>
      %parallel_loop3A_374 = arith.addi %iota3A, %parallel_loop3A_373 : vector<16xi32>
      %parallel_loop3A_375 = arith.constant 12288 : i32
      %parallel_loop3A_376 = tpu.memref_slice %arg8[%parallel_loop3A_375] : memref<24576xf32, #tpu.memory_space<vmem>> -> memref<12288xf32, #tpu.memory_space<vmem>>
      %parallel_loop3A_377 = tpu.vector_load_idx %parallel_loop3A_376[%parallel_loop3A_374] : memref<12288xf32, #tpu.memory_space<vmem>>[vector<16xi32>], vector<16xf32>,
      %parallel_loop3A_378 = arith.constant 4096 : i32
      %parallel_loop3A_379 = vector.broadcast %parallel_loop3A_378 : i32 to vector<16xi32>
      %parallel_loop3A_380 = arith.addi %parallel_loop3A_374, %parallel_loop3A_379 : vector<16xi32>
      %parallel_loop3A_381 = arith.constant 12288 : i32
      %parallel_loop3A_382 = tpu.memref_slice %arg8[%parallel_loop3A_381] : memref<24576xf32, #tpu.memory_space<vmem>> -> memref<12288xf32, #tpu.memory_space<vmem>>
      %parallel_loop3A_383 = tpu.vector_load_idx %parallel_loop3A_382[%parallel_loop3A_380] : memref<12288xf32, #tpu.memory_space<vmem>>[vector<16xi32>], vector<16xf32>,
      %parallel_loop3A_384 = arith.constant 8192 : i32
      %parallel_loop3A_385 = vector.broadcast %parallel_loop3A_384 : i32 to vector<16xi32>
      %parallel_loop3A_386 = arith.addi %parallel_loop3A_374, %parallel_loop3A_385 : vector<16xi32>
      %parallel_loop3A_387 = arith.constant 12288 : i32
      %parallel_loop3A_388 = tpu.memref_slice %arg8[%parallel_loop3A_387] : memref<24576xf32, #tpu.memory_space<vmem>> -> memref<12288xf32, #tpu.memory_space<vmem>>
      %parallel_loop3A_389 = tpu.vector_load_idx %parallel_loop3A_388[%parallel_loop3A_386] : memref<12288xf32, #tpu.memory_space<vmem>>[vector<16xi32>], vector<16xf32>,
      %parallel_loop3A_390 = arith.mulf %parallel_loop3A_377, %gather3A_122 : vector<16xf32>
      %parallel_loop3A_391 = arith.mulf %parallel_loop3A_383, %gather3A_125 : vector<16xf32>
      %parallel_loop3A_392 = arith.addf %parallel_loop3A_390, %parallel_loop3A_391 : vector<16xf32>
      %parallel_loop3A_393 = arith.mulf %parallel_loop3A_389, %gather3A_128 : vector<16xf32>
      %parallel_loop3A_394 = arith.addf %parallel_loop3A_392, %parallel_loop3A_393 : vector<16xf32>
      %parallel_loop3A_395 = arith.addf %parallel_loop3A_394, %gather3A_131 : vector<16xf32>
      %parallel_loop3A_396 = arith.mulf %parallel_loop3A_395, %gather3A : vector<16xf32>
      %parallel_loop3A_397 = arith.subf %parallel_loop3A_377, %parallel_loop3A_396 : vector<16xf32>
      %parallel_loop3A_398 = arith.mulf %parallel_loop3A_395, %gather3A_116 : vector<16xf32>
      %parallel_loop3A_399 = arith.subf %parallel_loop3A_383, %parallel_loop3A_398 : vector<16xf32>
      %parallel_loop3A_400 = arith.mulf %parallel_loop3A_395, %gather3A_119 : vector<16xf32>
      %parallel_loop3A_401 = arith.subf %parallel_loop3A_389, %parallel_loop3A_400 : vector<16xf32>
      %parallel_loop3A_402 = arith.addf %parallel_loop3A_397, %gather3A_143 : vector<16xf32>
      %parallel_loop3A_403 = arith.mulf %parallel_loop3A_402, %gather3A_146 : vector<16xf32>
      %parallel_loop3A_404 = arith.constant 0.000000e+00 : f32
      %parallel_loop3A_405 = vector.broadcast %parallel_loop3A_404 : f32 to vector<16xf32>
      %parallel_loop3A_406 = arith.maximumf %parallel_loop3A_403, %parallel_loop3A_405 : vector<16xf32>
      %parallel_loop3A_407 = arith.minimumf %parallel_loop3A_406, %gather3A_149 : vector<16xf32>
      %parallel_loop3A_408 = arith.fptosi %parallel_loop3A_407 : vector<16xf32> to vector<16xi32>
      %parallel_loop3A_409 = arith.constant 32 : i32
      %parallel_loop3A_410 = vector.broadcast %parallel_loop3A_409 : i32 to vector<16xi32>
      %parallel_loop3A_411 = arith.muli %parallel_loop3A_408, %parallel_loop3A_410 : vector<16xi32>
      %parallel_loop3A_412 = arith.addf %parallel_loop3A_399, %gather3A_143 : vector<16xf32>
      %parallel_loop3A_413 = arith.mulf %parallel_loop3A_412, %gather3A_146 : vector<16xf32>
      %parallel_loop3A_414 = arith.constant 0.000000e+00 : f32
      %parallel_loop3A_415 = vector.broadcast %parallel_loop3A_414 : f32 to vector<16xf32>
      %parallel_loop3A_416 = arith.maximumf %parallel_loop3A_413, %parallel_loop3A_415 : vector<16xf32>
      %parallel_loop3A_417 = arith.minimumf %parallel_loop3A_416, %gather3A_149 : vector<16xf32>
      %parallel_loop3A_418 = arith.fptosi %parallel_loop3A_417 : vector<16xf32> to vector<16xi32>
      %parallel_loop3A_419 = arith.addi %parallel_loop3A_411, %parallel_loop3A_418 : vector<16xi32>
      %parallel_loop3A_420 = arith.constant 32 : i32
      %parallel_loop3A_421 = vector.broadcast %parallel_loop3A_420 : i32 to vector<16xi32>
      %parallel_loop3A_422 = arith.muli %parallel_loop3A_419, %parallel_loop3A_421 : vector<16xi32>
      %parallel_loop3A_423 = arith.addf %parallel_loop3A_401, %gather3A_143 : vector<16xf32>
      %parallel_loop3A_424 = arith.mulf %parallel_loop3A_423, %gather3A_146 : vector<16xf32>
      %parallel_loop3A_425 = arith.constant 0.000000e+00 : f32
      %parallel_loop3A_426 = vector.broadcast %parallel_loop3A_425 : f32 to vector<16xf32>
      %parallel_loop3A_427 = arith.maximumf %parallel_loop3A_424, %parallel_loop3A_426 : vector<16xf32>
      %parallel_loop3A_428 = arith.minimumf %parallel_loop3A_427, %gather3A_149 : vector<16xf32>
      %parallel_loop3A_429 = arith.fptosi %parallel_loop3A_428 : vector<16xf32> to vector<16xi32>
      %parallel_loop3A_430 = arith.addi %parallel_loop3A_422, %parallel_loop3A_429 : vector<16xi32>
      %parallel_loop3A_431 = tpu.vector_load_idx %arg7[%parallel_loop3A_430] : memref<98304xf32, #tpu.memory_space<vmem>>[vector<16xi32>], vector<16xf32>,
      %parallel_loop3A_432 = arith.constant 32768 : i32
      %parallel_loop3A_433 = vector.broadcast %parallel_loop3A_432 : i32 to vector<16xi32>
      %parallel_loop3A_434 = arith.addi %parallel_loop3A_430, %parallel_loop3A_433 : vector<16xi32>
      %parallel_loop3A_435 = tpu.vector_load_idx %arg7[%parallel_loop3A_434] : memref<98304xf32, #tpu.memory_space<vmem>>[vector<16xi32>], vector<16xf32>,
      %parallel_loop3A_436 = arith.constant 65536 : i32
      %parallel_loop3A_437 = vector.broadcast %parallel_loop3A_436 : i32 to vector<16xi32>
      %parallel_loop3A_438 = arith.addi %parallel_loop3A_430, %parallel_loop3A_437 : vector<16xi32>
      %parallel_loop3A_439 = tpu.vector_load_idx %arg7[%parallel_loop3A_438] : memref<98304xf32, #tpu.memory_space<vmem>>[vector<16xi32>], vector<16xf32>,
      %parallel_loop3A_440 = arith.subf %parallel_loop3A_397, %parallel_loop3A_431 : vector<16xf32>
      %parallel_loop3A_441 = arith.subf %parallel_loop3A_399, %parallel_loop3A_435 : vector<16xf32>
      %parallel_loop3A_442 = arith.subf %parallel_loop3A_401, %parallel_loop3A_439 : vector<16xf32>
      %parallel_loop3A_443 = arith.mulf %parallel_loop3A_440, %parallel_loop3A_440 : vector<16xf32>
      %parallel_loop3A_444 = arith.mulf %parallel_loop3A_441, %parallel_loop3A_441 : vector<16xf32>
      %parallel_loop3A_445 = arith.addf %parallel_loop3A_443, %parallel_loop3A_444 : vector<16xf32>
      %parallel_loop3A_446 = arith.mulf %parallel_loop3A_442, %parallel_loop3A_442 : vector<16xf32>
      %parallel_loop3A_447 = arith.addf %parallel_loop3A_445, %parallel_loop3A_446 : vector<16xf32>
      %parallel_loop3A_448 = arith.addf %parallel_loop3A_361, %parallel_loop3A_447 : vector<16xf32>
      %parallel_loop3A_449 = arith.mulf %gather3A_134, %parallel_loop3A_377 : vector<16xf32>
      %parallel_loop3A_450 = arith.mulf %gather3A_137, %parallel_loop3A_383 : vector<16xf32>
      %parallel_loop3A_451 = arith.mulf %gather3A_140, %parallel_loop3A_389 : vector<16xf32>
      %parallel_loop3A_452 = arith.addf %parallel_loop3A_449, %gather3A_143 : vector<16xf32>
      %parallel_loop3A_453 = arith.mulf %parallel_loop3A_452, %gather3A_146 : vector<16xf32>
      %parallel_loop3A_454 = arith.constant 0.000000e+00 : f32
      %parallel_loop3A_455 = vector.broadcast %parallel_loop3A_454 : f32 to vector<16xf32>
      %parallel_loop3A_456 = arith.maximumf %parallel_loop3A_453, %parallel_loop3A_455 : vector<16xf32>
      %parallel_loop3A_457 = arith.minimumf %parallel_loop3A_456, %gather3A_149 : vector<16xf32>
      %parallel_loop3A_458 = arith.fptosi %parallel_loop3A_457 : vector<16xf32> to vector<16xi32>
      %parallel_loop3A_459 = arith.constant 32 : i32
      %parallel_loop3A_460 = vector.broadcast %parallel_loop3A_459 : i32 to vector<16xi32>
      %parallel_loop3A_461 = arith.muli %parallel_loop3A_458, %parallel_loop3A_460 : vector<16xi32>
      %parallel_loop3A_462 = arith.addf %parallel_loop3A_450, %gather3A_143 : vector<16xf32>
      %parallel_loop3A_463 = arith.mulf %parallel_loop3A_462, %gather3A_146 : vector<16xf32>
      %parallel_loop3A_464 = arith.constant 0.000000e+00 : f32
      %parallel_loop3A_465 = vector.broadcast %parallel_loop3A_464 : f32 to vector<16xf32>
      %parallel_loop3A_466 = arith.maximumf %parallel_loop3A_463, %parallel_loop3A_465 : vector<16xf32>
      %parallel_loop3A_467 = arith.minimumf %parallel_loop3A_466, %gather3A_149 : vector<16xf32>
      %parallel_loop3A_468 = arith.fptosi %parallel_loop3A_467 : vector<16xf32> to vector<16xi32>
      %parallel_loop3A_469 = arith.addi %parallel_loop3A_461, %parallel_loop3A_468 : vector<16xi32>
      %parallel_loop3A_470 = arith.constant 32 : i32
      %parallel_loop3A_471 = vector.broadcast %parallel_loop3A_470 : i32 to vector<16xi32>
      %parallel_loop3A_472 = arith.muli %parallel_loop3A_469, %parallel_loop3A_471 : vector<16xi32>
      %parallel_loop3A_473 = arith.addf %parallel_loop3A_451, %gather3A_143 : vector<16xf32>
      %parallel_loop3A_474 = arith.mulf %parallel_loop3A_473, %gather3A_146 : vector<16xf32>
      %parallel_loop3A_475 = arith.constant 0.000000e+00 : f32
      %parallel_loop3A_476 = vector.broadcast %parallel_loop3A_475 : f32 to vector<16xf32>
      %parallel_loop3A_477 = arith.maximumf %parallel_loop3A_474, %parallel_loop3A_476 : vector<16xf32>
      %parallel_loop3A_478 = arith.minimumf %parallel_loop3A_477, %gather3A_149 : vector<16xf32>
      %parallel_loop3A_479 = arith.fptosi %parallel_loop3A_478 : vector<16xf32> to vector<16xi32>
      %parallel_loop3A_480 = arith.addi %parallel_loop3A_472, %parallel_loop3A_479 : vector<16xi32>
      %parallel_loop3A_481 = tpu.vector_load_idx %arg7[%parallel_loop3A_480] : memref<98304xf32, #tpu.memory_space<vmem>>[vector<16xi32>], vector<16xf32>,
      %parallel_loop3A_482 = arith.constant 32768 : i32
      %parallel_loop3A_483 = vector.broadcast %parallel_loop3A_482 : i32 to vector<16xi32>
      %parallel_loop3A_484 = arith.addi %parallel_loop3A_480, %parallel_loop3A_483 : vector<16xi32>
      %parallel_loop3A_485 = tpu.vector_load_idx %arg7[%parallel_loop3A_484] : memref<98304xf32, #tpu.memory_space<vmem>>[vector<16xi32>], vector<16xf32>,
      %parallel_loop3A_486 = arith.constant 65536 : i32
      %parallel_loop3A_487 = vector.broadcast %parallel_loop3A_486 : i32 to vector<16xi32>
      %parallel_loop3A_488 = arith.addi %parallel_loop3A_480, %parallel_loop3A_487 : vector<16xi32>
      %parallel_loop3A_489 = tpu.vector_load_idx %arg7[%parallel_loop3A_488] : memref<98304xf32, #tpu.memory_space<vmem>>[vector<16xi32>], vector<16xf32>,
      %parallel_loop3A_490 = arith.subf %parallel_loop3A_449, %parallel_loop3A_481 : vector<16xf32>
      %parallel_loop3A_491 = arith.subf %parallel_loop3A_450, %parallel_loop3A_485 : vector<16xf32>
      %parallel_loop3A_492 = arith.subf %parallel_loop3A_451, %parallel_loop3A_489 : vector<16xf32>
      %parallel_loop3A_493 = arith.mulf %parallel_loop3A_490, %parallel_loop3A_490 : vector<16xf32>
      %parallel_loop3A_494 = arith.mulf %parallel_loop3A_491, %parallel_loop3A_491 : vector<16xf32>
      %parallel_loop3A_495 = arith.addf %parallel_loop3A_493, %parallel_loop3A_494 : vector<16xf32>
      %parallel_loop3A_496 = arith.mulf %parallel_loop3A_492, %parallel_loop3A_492 : vector<16xf32>
      %parallel_loop3A_497 = arith.addf %parallel_loop3A_495, %parallel_loop3A_496 : vector<16xf32>
      %parallel_loop3A_498 = arith.addf %parallel_loop3A_362, %parallel_loop3A_497 : vector<16xf32>
      %parallel_loop3A_499 = arith.constant 1 : i32
      %parallel_loop3A_500 = arith.addi %parallel_loop3A_360, %parallel_loop3A_499 : i32
      %parallel_loop3A_501 = arith.constant 16 : i32
      %parallel_loop3A_502 = arith.muli %parallel_loop3A_500, %parallel_loop3A_501 : i32
      %parallel_loop3A_503 = vector.broadcast %parallel_loop3A_502 : i32 to vector<16xi32>
      %parallel_loop3A_504 = arith.addi %iota3A, %parallel_loop3A_503 : vector<16xi32>
      %parallel_loop3A_505 = arith.constant 12288 : i32
      %parallel_loop3A_506 = tpu.memref_slice %arg8[%parallel_loop3A_505] : memref<24576xf32, #tpu.memory_space<vmem>> -> memref<12288xf32, #tpu.memory_space<vmem>>
      %parallel_loop3A_507 = tpu.vector_load_idx %parallel_loop3A_506[%parallel_loop3A_504] : memref<12288xf32, #tpu.memory_space<vmem>>[vector<16xi32>], vector<16xf32>,
      %parallel_loop3A_508 = arith.constant 4096 : i32
      %parallel_loop3A_509 = vector.broadcast %parallel_loop3A_508 : i32 to vector<16xi32>
      %parallel_loop3A_510 = arith.addi %parallel_loop3A_504, %parallel_loop3A_509 : vector<16xi32>
      %parallel_loop3A_511 = arith.constant 12288 : i32
      %parallel_loop3A_512 = tpu.memref_slice %arg8[%parallel_loop3A_511] : memref<24576xf32, #tpu.memory_space<vmem>> -> memref<12288xf32, #tpu.memory_space<vmem>>
      %parallel_loop3A_513 = tpu.vector_load_idx %parallel_loop3A_512[%parallel_loop3A_510] : memref<12288xf32, #tpu.memory_space<vmem>>[vector<16xi32>], vector<16xf32>,
      %parallel_loop3A_514 = arith.constant 8192 : i32
      %parallel_loop3A_515 = vector.broadcast %parallel_loop3A_514 : i32 to vector<16xi32>
      %parallel_loop3A_516 = arith.addi %parallel_loop3A_504, %parallel_loop3A_515 : vector<16xi32>
      %parallel_loop3A_517 = arith.constant 12288 : i32
      %parallel_loop3A_518 = tpu.memref_slice %arg8[%parallel_loop3A_517] : memref<24576xf32, #tpu.memory_space<vmem>> -> memref<12288xf32, #tpu.memory_space<vmem>>
      %parallel_loop3A_519 = tpu.vector_load_idx %parallel_loop3A_518[%parallel_loop3A_516] : memref<12288xf32, #tpu.memory_space<vmem>>[vector<16xi32>], vector<16xf32>,
      %parallel_loop3A_520 = arith.mulf %parallel_loop3A_507, %gather3A_122 : vector<16xf32>
      %parallel_loop3A_521 = arith.mulf %parallel_loop3A_513, %gather3A_125 : vector<16xf32>
      %parallel_loop3A_522 = arith.addf %parallel_loop3A_520, %parallel_loop3A_521 : vector<16xf32>
      %parallel_loop3A_523 = arith.mulf %parallel_loop3A_519, %gather3A_128 : vector<16xf32>
      %parallel_loop3A_524 = arith.addf %parallel_loop3A_522, %parallel_loop3A_523 : vector<16xf32>
      %parallel_loop3A_525 = arith.addf %parallel_loop3A_524, %gather3A_131 : vector<16xf32>
      %parallel_loop3A_526 = arith.mulf %parallel_loop3A_525, %gather3A : vector<16xf32>
      %parallel_loop3A_527 = arith.subf %parallel_loop3A_507, %parallel_loop3A_526 : vector<16xf32>
      %parallel_loop3A_528 = arith.mulf %parallel_loop3A_525, %gather3A_116 : vector<16xf32>
      %parallel_loop3A_529 = arith.subf %parallel_loop3A_513, %parallel_loop3A_528 : vector<16xf32>
      %parallel_loop3A_530 = arith.mulf %parallel_loop3A_525, %gather3A_119 : vector<16xf32>
      %parallel_loop3A_531 = arith.subf %parallel_loop3A_519, %parallel_loop3A_530 : vector<16xf32>
      %parallel_loop3A_532 = arith.addf %parallel_loop3A_527, %gather3A_143 : vector<16xf32>
      %parallel_loop3A_533 = arith.mulf %parallel_loop3A_532, %gather3A_146 : vector<16xf32>
      %parallel_loop3A_534 = arith.constant 0.000000e+00 : f32
      %parallel_loop3A_535 = vector.broadcast %parallel_loop3A_534 : f32 to vector<16xf32>
      %parallel_loop3A_536 = arith.maximumf %parallel_loop3A_533, %parallel_loop3A_535 : vector<16xf32>
      %parallel_loop3A_537 = arith.minimumf %parallel_loop3A_536, %gather3A_149 : vector<16xf32>
      %parallel_loop3A_538 = arith.fptosi %parallel_loop3A_537 : vector<16xf32> to vector<16xi32>
      %parallel_loop3A_539 = arith.constant 32 : i32
      %parallel_loop3A_540 = vector.broadcast %parallel_loop3A_539 : i32 to vector<16xi32>
      %parallel_loop3A_541 = arith.muli %parallel_loop3A_538, %parallel_loop3A_540 : vector<16xi32>
      %parallel_loop3A_542 = arith.addf %parallel_loop3A_529, %gather3A_143 : vector<16xf32>
      %parallel_loop3A_543 = arith.mulf %parallel_loop3A_542, %gather3A_146 : vector<16xf32>
      %parallel_loop3A_544 = arith.constant 0.000000e+00 : f32
      %parallel_loop3A_545 = vector.broadcast %parallel_loop3A_544 : f32 to vector<16xf32>
      %parallel_loop3A_546 = arith.maximumf %parallel_loop3A_543, %parallel_loop3A_545 : vector<16xf32>
      %parallel_loop3A_547 = arith.minimumf %parallel_loop3A_546, %gather3A_149 : vector<16xf32>
      %parallel_loop3A_548 = arith.fptosi %parallel_loop3A_547 : vector<16xf32> to vector<16xi32>
      %parallel_loop3A_549 = arith.addi %parallel_loop3A_541, %parallel_loop3A_548 : vector<16xi32>
      %parallel_loop3A_550 = arith.constant 32 : i32
      %parallel_loop3A_551 = vector.broadcast %parallel_loop3A_550 : i32 to vector<16xi32>
      %parallel_loop3A_552 = arith.muli %parallel_loop3A_549, %parallel_loop3A_551 : vector<16xi32>
      %parallel_loop3A_553 = arith.addf %parallel_loop3A_531, %gather3A_143 : vector<16xf32>
      %parallel_loop3A_554 = arith.mulf %parallel_loop3A_553, %gather3A_146 : vector<16xf32>
      %parallel_loop3A_555 = arith.constant 0.000000e+00 : f32
      %parallel_loop3A_556 = vector.broadcast %parallel_loop3A_555 : f32 to vector<16xf32>
      %parallel_loop3A_557 = arith.maximumf %parallel_loop3A_554, %parallel_loop3A_556 : vector<16xf32>
      %parallel_loop3A_558 = arith.minimumf %parallel_loop3A_557, %gather3A_149 : vector<16xf32>
      %parallel_loop3A_559 = arith.fptosi %parallel_loop3A_558 : vector<16xf32> to vector<16xi32>
      %parallel_loop3A_560 = arith.addi %parallel_loop3A_552, %parallel_loop3A_559 : vector<16xi32>
      %parallel_loop3A_561 = tpu.vector_load_idx %arg7[%parallel_loop3A_560] : memref<98304xf32, #tpu.memory_space<vmem>>[vector<16xi32>], vector<16xf32>,
      %parallel_loop3A_562 = arith.constant 32768 : i32
      %parallel_loop3A_563 = vector.broadcast %parallel_loop3A_562 : i32 to vector<16xi32>
      %parallel_loop3A_564 = arith.addi %parallel_loop3A_560, %parallel_loop3A_563 : vector<16xi32>
      %parallel_loop3A_565 = tpu.vector_load_idx %arg7[%parallel_loop3A_564] : memref<98304xf32, #tpu.memory_space<vmem>>[vector<16xi32>], vector<16xf32>,
      %parallel_loop3A_566 = arith.constant 65536 : i32
      %parallel_loop3A_567 = vector.broadcast %parallel_loop3A_566 : i32 to vector<16xi32>
      %parallel_loop3A_568 = arith.addi %parallel_loop3A_560, %parallel_loop3A_567 : vector<16xi32>
      %parallel_loop3A_569 = tpu.vector_load_idx %arg7[%parallel_loop3A_568] : memref<98304xf32, #tpu.memory_space<vmem>>[vector<16xi32>], vector<16xf32>,
      %parallel_loop3A_570 = arith.subf %parallel_loop3A_527, %parallel_loop3A_561 : vector<16xf32>
      %parallel_loop3A_571 = arith.subf %parallel_loop3A_529, %parallel_loop3A_565 : vector<16xf32>
      %parallel_loop3A_572 = arith.subf %parallel_loop3A_531, %parallel_loop3A_569 : vector<16xf32>
      %parallel_loop3A_573 = arith.mulf %parallel_loop3A_570, %parallel_loop3A_570 : vector<16xf32>
      %parallel_loop3A_574 = arith.mulf %parallel_loop3A_571, %parallel_loop3A_571 : vector<16xf32>
      %parallel_loop3A_575 = arith.addf %parallel_loop3A_573, %parallel_loop3A_574 : vector<16xf32>
      %parallel_loop3A_576 = arith.mulf %parallel_loop3A_572, %parallel_loop3A_572 : vector<16xf32>
      %parallel_loop3A_577 = arith.addf %parallel_loop3A_575, %parallel_loop3A_576 : vector<16xf32>
      %parallel_loop3A_578 = arith.addf %parallel_loop3A_363, %parallel_loop3A_577 : vector<16xf32>
      %parallel_loop3A_579 = arith.mulf %gather3A_134, %parallel_loop3A_507 : vector<16xf32>
      %parallel_loop3A_580 = arith.mulf %gather3A_137, %parallel_loop3A_513 : vector<16xf32>
      %parallel_loop3A_581 = arith.mulf %gather3A_140, %parallel_loop3A_519 : vector<16xf32>
      %parallel_loop3A_582 = arith.addf %parallel_loop3A_579, %gather3A_143 : vector<16xf32>
      %parallel_loop3A_583 = arith.mulf %parallel_loop3A_582, %gather3A_146 : vector<16xf32>
      %parallel_loop3A_584 = arith.constant 0.000000e+00 : f32
      %parallel_loop3A_585 = vector.broadcast %parallel_loop3A_584 : f32 to vector<16xf32>
      %parallel_loop3A_586 = arith.maximumf %parallel_loop3A_583, %parallel_loop3A_585 : vector<16xf32>
      %parallel_loop3A_587 = arith.minimumf %parallel_loop3A_586, %gather3A_149 : vector<16xf32>
      %parallel_loop3A_588 = arith.fptosi %parallel_loop3A_587 : vector<16xf32> to vector<16xi32>
      %parallel_loop3A_589 = arith.constant 32 : i32
      %parallel_loop3A_590 = vector.broadcast %parallel_loop3A_589 : i32 to vector<16xi32>
      %parallel_loop3A_591 = arith.muli %parallel_loop3A_588, %parallel_loop3A_590 : vector<16xi32>
      %parallel_loop3A_592 = arith.addf %parallel_loop3A_580, %gather3A_143 : vector<16xf32>
      %parallel_loop3A_593 = arith.mulf %parallel_loop3A_592, %gather3A_146 : vector<16xf32>
      %parallel_loop3A_594 = arith.constant 0.000000e+00 : f32
      %parallel_loop3A_595 = vector.broadcast %parallel_loop3A_594 : f32 to vector<16xf32>
      %parallel_loop3A_596 = arith.maximumf %parallel_loop3A_593, %parallel_loop3A_595 : vector<16xf32>
      %parallel_loop3A_597 = arith.minimumf %parallel_loop3A_596, %gather3A_149 : vector<16xf32>
      %parallel_loop3A_598 = arith.fptosi %parallel_loop3A_597 : vector<16xf32> to vector<16xi32>
      %parallel_loop3A_599 = arith.addi %parallel_loop3A_591, %parallel_loop3A_598 : vector<16xi32>
      %parallel_loop3A_600 = arith.constant 32 : i32
      %parallel_loop3A_601 = vector.broadcast %parallel_loop3A_600 : i32 to vector<16xi32>
      %parallel_loop3A_602 = arith.muli %parallel_loop3A_599, %parallel_loop3A_601 : vector<16xi32>
      %parallel_loop3A_603 = arith.addf %parallel_loop3A_581, %gather3A_143 : vector<16xf32>
      %parallel_loop3A_604 = arith.mulf %parallel_loop3A_603, %gather3A_146 : vector<16xf32>
      %parallel_loop3A_605 = arith.constant 0.000000e+00 : f32
      %parallel_loop3A_606 = vector.broadcast %parallel_loop3A_605 : f32 to vector<16xf32>
      %parallel_loop3A_607 = arith.maximumf %parallel_loop3A_604, %parallel_loop3A_606 : vector<16xf32>
      %parallel_loop3A_608 = arith.minimumf %parallel_loop3A_607, %gather3A_149 : vector<16xf32>
      %parallel_loop3A_609 = arith.fptosi %parallel_loop3A_608 : vector<16xf32> to vector<16xi32>
      %parallel_loop3A_610 = arith.addi %parallel_loop3A_602, %parallel_loop3A_609 : vector<16xi32>
      %parallel_loop3A_611 = tpu.vector_load_idx %arg7[%parallel_loop3A_610] : memref<98304xf32, #tpu.memory_space<vmem>>[vector<16xi32>], vector<16xf32>,
      %parallel_loop3A_612 = arith.constant 32768 : i32
      %parallel_loop3A_613 = vector.broadcast %parallel_loop3A_612 : i32 to vector<16xi32>
      %parallel_loop3A_614 = arith.addi %parallel_loop3A_610, %parallel_loop3A_613 : vector<16xi32>
      %parallel_loop3A_615 = tpu.vector_load_idx %arg7[%parallel_loop3A_614] : memref<98304xf32, #tpu.memory_space<vmem>>[vector<16xi32>], vector<16xf32>,
      %parallel_loop3A_616 = arith.constant 65536 : i32
      %parallel_loop3A_617 = vector.broadcast %parallel_loop3A_616 : i32 to vector<16xi32>
      %parallel_loop3A_618 = arith.addi %parallel_loop3A_610, %parallel_loop3A_617 : vector<16xi32>
      %parallel_loop3A_619 = tpu.vector_load_idx %arg7[%parallel_loop3A_618] : memref<98304xf32, #tpu.memory_space<vmem>>[vector<16xi32>], vector<16xf32>,
      %parallel_loop3A_620 = arith.subf %parallel_loop3A_579, %parallel_loop3A_611 : vector<16xf32>
      %parallel_loop3A_621 = arith.subf %parallel_loop3A_580, %parallel_loop3A_615 : vector<16xf32>
      %parallel_loop3A_622 = arith.subf %parallel_loop3A_581, %parallel_loop3A_619 : vector<16xf32>
      %parallel_loop3A_623 = arith.mulf %parallel_loop3A_620, %parallel_loop3A_620 : vector<16xf32>
      %parallel_loop3A_624 = arith.mulf %parallel_loop3A_621, %parallel_loop3A_621 : vector<16xf32>
      %parallel_loop3A_625 = arith.addf %parallel_loop3A_623, %parallel_loop3A_624 : vector<16xf32>
      %parallel_loop3A_626 = arith.mulf %parallel_loop3A_622, %parallel_loop3A_622 : vector<16xf32>
      %parallel_loop3A_627 = arith.addf %parallel_loop3A_625, %parallel_loop3A_626 : vector<16xf32>
      %parallel_loop3A_628 = arith.addf %parallel_loop3A_364, %parallel_loop3A_627 : vector<16xf32>
      %parallel_loop3A_629 = arith.constant 2 : i32
      %parallel_loop3A_630 = arith.addi %parallel_loop3A_360, %parallel_loop3A_629 : i32
      %parallel_loop3A_631 = arith.constant 16 : i32
      %parallel_loop3A_632 = arith.muli %parallel_loop3A_630, %parallel_loop3A_631 : i32
      %parallel_loop3A_633 = vector.broadcast %parallel_loop3A_632 : i32 to vector<16xi32>
      %parallel_loop3A_634 = arith.addi %iota3A, %parallel_loop3A_633 : vector<16xi32>
      %parallel_loop3A_635 = arith.constant 12288 : i32
      %parallel_loop3A_636 = tpu.memref_slice %arg8[%parallel_loop3A_635] : memref<24576xf32, #tpu.memory_space<vmem>> -> memref<12288xf32, #tpu.memory_space<vmem>>
      %parallel_loop3A_637 = tpu.vector_load_idx %parallel_loop3A_636[%parallel_loop3A_634] : memref<12288xf32, #tpu.memory_space<vmem>>[vector<16xi32>], vector<16xf32>,
      %parallel_loop3A_638 = arith.constant 4096 : i32
      %parallel_loop3A_639 = vector.broadcast %parallel_loop3A_638 : i32 to vector<16xi32>
      %parallel_loop3A_640 = arith.addi %parallel_loop3A_634, %parallel_loop3A_639 : vector<16xi32>
      %parallel_loop3A_641 = arith.constant 12288 : i32
      %parallel_loop3A_642 = tpu.memref_slice %arg8[%parallel_loop3A_641] : memref<24576xf32, #tpu.memory_space<vmem>> -> memref<12288xf32, #tpu.memory_space<vmem>>
      %parallel_loop3A_643 = tpu.vector_load_idx %parallel_loop3A_642[%parallel_loop3A_640] : memref<12288xf32, #tpu.memory_space<vmem>>[vector<16xi32>], vector<16xf32>,
      %parallel_loop3A_644 = arith.constant 8192 : i32
      %parallel_loop3A_645 = vector.broadcast %parallel_loop3A_644 : i32 to vector<16xi32>
      %parallel_loop3A_646 = arith.addi %parallel_loop3A_634, %parallel_loop3A_645 : vector<16xi32>
      %parallel_loop3A_647 = arith.constant 12288 : i32
      %parallel_loop3A_648 = tpu.memref_slice %arg8[%parallel_loop3A_647] : memref<24576xf32, #tpu.memory_space<vmem>> -> memref<12288xf32, #tpu.memory_space<vmem>>
      %parallel_loop3A_649 = tpu.vector_load_idx %parallel_loop3A_648[%parallel_loop3A_646] : memref<12288xf32, #tpu.memory_space<vmem>>[vector<16xi32>], vector<16xf32>,
      %parallel_loop3A_650 = arith.mulf %parallel_loop3A_637, %gather3A_122 : vector<16xf32>
      %parallel_loop3A_651 = arith.mulf %parallel_loop3A_643, %gather3A_125 : vector<16xf32>
      %parallel_loop3A_652 = arith.addf %parallel_loop3A_650, %parallel_loop3A_651 : vector<16xf32>
      %parallel_loop3A_653 = arith.mulf %parallel_loop3A_649, %gather3A_128 : vector<16xf32>
      %parallel_loop3A_654 = arith.addf %parallel_loop3A_652, %parallel_loop3A_653 : vector<16xf32>
      %parallel_loop3A_655 = arith.addf %parallel_loop3A_654, %gather3A_131 : vector<16xf32>
      %parallel_loop3A_656 = arith.mulf %parallel_loop3A_655, %gather3A : vector<16xf32>
      %parallel_loop3A_657 = arith.subf %parallel_loop3A_637, %parallel_loop3A_656 : vector<16xf32>
      %parallel_loop3A_658 = arith.mulf %parallel_loop3A_655, %gather3A_116 : vector<16xf32>
      %parallel_loop3A_659 = arith.subf %parallel_loop3A_643, %parallel_loop3A_658 : vector<16xf32>
      %parallel_loop3A_660 = arith.mulf %parallel_loop3A_655, %gather3A_119 : vector<16xf32>
      %parallel_loop3A_661 = arith.subf %parallel_loop3A_649, %parallel_loop3A_660 : vector<16xf32>
      %parallel_loop3A_662 = arith.addf %parallel_loop3A_657, %gather3A_143 : vector<16xf32>
      %parallel_loop3A_663 = arith.mulf %parallel_loop3A_662, %gather3A_146 : vector<16xf32>
      %parallel_loop3A_664 = arith.constant 0.000000e+00 : f32
      %parallel_loop3A_665 = vector.broadcast %parallel_loop3A_664 : f32 to vector<16xf32>
      %parallel_loop3A_666 = arith.maximumf %parallel_loop3A_663, %parallel_loop3A_665 : vector<16xf32>
      %parallel_loop3A_667 = arith.minimumf %parallel_loop3A_666, %gather3A_149 : vector<16xf32>
      %parallel_loop3A_668 = arith.fptosi %parallel_loop3A_667 : vector<16xf32> to vector<16xi32>
      %parallel_loop3A_669 = arith.constant 32 : i32
      %parallel_loop3A_670 = vector.broadcast %parallel_loop3A_669 : i32 to vector<16xi32>
      %parallel_loop3A_671 = arith.muli %parallel_loop3A_668, %parallel_loop3A_670 : vector<16xi32>
      %parallel_loop3A_672 = arith.addf %parallel_loop3A_659, %gather3A_143 : vector<16xf32>
      %parallel_loop3A_673 = arith.mulf %parallel_loop3A_672, %gather3A_146 : vector<16xf32>
      %parallel_loop3A_674 = arith.constant 0.000000e+00 : f32
      %parallel_loop3A_675 = vector.broadcast %parallel_loop3A_674 : f32 to vector<16xf32>
      %parallel_loop3A_676 = arith.maximumf %parallel_loop3A_673, %parallel_loop3A_675 : vector<16xf32>
      %parallel_loop3A_677 = arith.minimumf %parallel_loop3A_676, %gather3A_149 : vector<16xf32>
      %parallel_loop3A_678 = arith.fptosi %parallel_loop3A_677 : vector<16xf32> to vector<16xi32>
      %parallel_loop3A_679 = arith.addi %parallel_loop3A_671, %parallel_loop3A_678 : vector<16xi32>
      %parallel_loop3A_680 = arith.constant 32 : i32
      %parallel_loop3A_681 = vector.broadcast %parallel_loop3A_680 : i32 to vector<16xi32>
      %parallel_loop3A_682 = arith.muli %parallel_loop3A_679, %parallel_loop3A_681 : vector<16xi32>
      %parallel_loop3A_683 = arith.addf %parallel_loop3A_661, %gather3A_143 : vector<16xf32>
      %parallel_loop3A_684 = arith.mulf %parallel_loop3A_683, %gather3A_146 : vector<16xf32>
      %parallel_loop3A_685 = arith.constant 0.000000e+00 : f32
      %parallel_loop3A_686 = vector.broadcast %parallel_loop3A_685 : f32 to vector<16xf32>
      %parallel_loop3A_687 = arith.maximumf %parallel_loop3A_684, %parallel_loop3A_686 : vector<16xf32>
      %parallel_loop3A_688 = arith.minimumf %parallel_loop3A_687, %gather3A_149 : vector<16xf32>
      %parallel_loop3A_689 = arith.fptosi %parallel_loop3A_688 : vector<16xf32> to vector<16xi32>
      %parallel_loop3A_690 = arith.addi %parallel_loop3A_682, %parallel_loop3A_689 : vector<16xi32>
      %parallel_loop3A_691 = tpu.vector_load_idx %arg7[%parallel_loop3A_690] : memref<98304xf32, #tpu.memory_space<vmem>>[vector<16xi32>], vector<16xf32>,
      %parallel_loop3A_692 = arith.constant 32768 : i32
      %parallel_loop3A_693 = vector.broadcast %parallel_loop3A_692 : i32 to vector<16xi32>
      %parallel_loop3A_694 = arith.addi %parallel_loop3A_690, %parallel_loop3A_693 : vector<16xi32>
      %parallel_loop3A_695 = tpu.vector_load_idx %arg7[%parallel_loop3A_694] : memref<98304xf32, #tpu.memory_space<vmem>>[vector<16xi32>], vector<16xf32>,
      %parallel_loop3A_696 = arith.constant 65536 : i32
      %parallel_loop3A_697 = vector.broadcast %parallel_loop3A_696 : i32 to vector<16xi32>
      %parallel_loop3A_698 = arith.addi %parallel_loop3A_690, %parallel_loop3A_697 : vector<16xi32>
      %parallel_loop3A_699 = tpu.vector_load_idx %arg7[%parallel_loop3A_698] : memref<98304xf32, #tpu.memory_space<vmem>>[vector<16xi32>], vector<16xf32>,
      %parallel_loop3A_700 = arith.subf %parallel_loop3A_657, %parallel_loop3A_691 : vector<16xf32>
      %parallel_loop3A_701 = arith.subf %parallel_loop3A_659, %parallel_loop3A_695 : vector<16xf32>
      %parallel_loop3A_702 = arith.subf %parallel_loop3A_661, %parallel_loop3A_699 : vector<16xf32>
      %parallel_loop3A_703 = arith.mulf %parallel_loop3A_700, %parallel_loop3A_700 : vector<16xf32>
      %parallel_loop3A_704 = arith.mulf %parallel_loop3A_701, %parallel_loop3A_701 : vector<16xf32>
      %parallel_loop3A_705 = arith.addf %parallel_loop3A_703, %parallel_loop3A_704 : vector<16xf32>
      %parallel_loop3A_706 = arith.mulf %parallel_loop3A_702, %parallel_loop3A_702 : vector<16xf32>
      %parallel_loop3A_707 = arith.addf %parallel_loop3A_705, %parallel_loop3A_706 : vector<16xf32>
      %parallel_loop3A_708 = arith.addf %parallel_loop3A_365, %parallel_loop3A_707 : vector<16xf32>
      %parallel_loop3A_709 = arith.mulf %gather3A_134, %parallel_loop3A_637 : vector<16xf32>
      %parallel_loop3A_710 = arith.mulf %gather3A_137, %parallel_loop3A_643 : vector<16xf32>
      %parallel_loop3A_711 = arith.mulf %gather3A_140, %parallel_loop3A_649 : vector<16xf32>
      %parallel_loop3A_712 = arith.addf %parallel_loop3A_709, %gather3A_143 : vector<16xf32>
      %parallel_loop3A_713 = arith.mulf %parallel_loop3A_712, %gather3A_146 : vector<16xf32>
      %parallel_loop3A_714 = arith.constant 0.000000e+00 : f32
      %parallel_loop3A_715 = vector.broadcast %parallel_loop3A_714 : f32 to vector<16xf32>
      %parallel_loop3A_716 = arith.maximumf %parallel_loop3A_713, %parallel_loop3A_715 : vector<16xf32>
      %parallel_loop3A_717 = arith.minimumf %parallel_loop3A_716, %gather3A_149 : vector<16xf32>
      %parallel_loop3A_718 = arith.fptosi %parallel_loop3A_717 : vector<16xf32> to vector<16xi32>
      %parallel_loop3A_719 = arith.constant 32 : i32
      %parallel_loop3A_720 = vector.broadcast %parallel_loop3A_719 : i32 to vector<16xi32>
      %parallel_loop3A_721 = arith.muli %parallel_loop3A_718, %parallel_loop3A_720 : vector<16xi32>
      %parallel_loop3A_722 = arith.addf %parallel_loop3A_710, %gather3A_143 : vector<16xf32>
      %parallel_loop3A_723 = arith.mulf %parallel_loop3A_722, %gather3A_146 : vector<16xf32>
      %parallel_loop3A_724 = arith.constant 0.000000e+00 : f32
      %parallel_loop3A_725 = vector.broadcast %parallel_loop3A_724 : f32 to vector<16xf32>
      %parallel_loop3A_726 = arith.maximumf %parallel_loop3A_723, %parallel_loop3A_725 : vector<16xf32>
      %parallel_loop3A_727 = arith.minimumf %parallel_loop3A_726, %gather3A_149 : vector<16xf32>
      %parallel_loop3A_728 = arith.fptosi %parallel_loop3A_727 : vector<16xf32> to vector<16xi32>
      %parallel_loop3A_729 = arith.addi %parallel_loop3A_721, %parallel_loop3A_728 : vector<16xi32>
      %parallel_loop3A_730 = arith.constant 32 : i32
      %parallel_loop3A_731 = vector.broadcast %parallel_loop3A_730 : i32 to vector<16xi32>
      %parallel_loop3A_732 = arith.muli %parallel_loop3A_729, %parallel_loop3A_731 : vector<16xi32>
      %parallel_loop3A_733 = arith.addf %parallel_loop3A_711, %gather3A_143 : vector<16xf32>
      %parallel_loop3A_734 = arith.mulf %parallel_loop3A_733, %gather3A_146 : vector<16xf32>
      %parallel_loop3A_735 = arith.constant 0.000000e+00 : f32
      %parallel_loop3A_736 = vector.broadcast %parallel_loop3A_735 : f32 to vector<16xf32>
      %parallel_loop3A_737 = arith.maximumf %parallel_loop3A_734, %parallel_loop3A_736 : vector<16xf32>
      %parallel_loop3A_738 = arith.minimumf %parallel_loop3A_737, %gather3A_149 : vector<16xf32>
      %parallel_loop3A_739 = arith.fptosi %parallel_loop3A_738 : vector<16xf32> to vector<16xi32>
      %parallel_loop3A_740 = arith.addi %parallel_loop3A_732, %parallel_loop3A_739 : vector<16xi32>
      %parallel_loop3A_741 = tpu.vector_load_idx %arg7[%parallel_loop3A_740] : memref<98304xf32, #tpu.memory_space<vmem>>[vector<16xi32>], vector<16xf32>,
      %parallel_loop3A_742 = arith.constant 32768 : i32
      %parallel_loop3A_743 = vector.broadcast %parallel_loop3A_742 : i32 to vector<16xi32>
      %parallel_loop3A_744 = arith.addi %parallel_loop3A_740, %parallel_loop3A_743 : vector<16xi32>
      %parallel_loop3A_745 = tpu.vector_load_idx %arg7[%parallel_loop3A_744] : memref<98304xf32, #tpu.memory_space<vmem>>[vector<16xi32>], vector<16xf32>,
      %parallel_loop3A_746 = arith.constant 65536 : i32
      %parallel_loop3A_747 = vector.broadcast %parallel_loop3A_746 : i32 to vector<16xi32>
      %parallel_loop3A_748 = arith.addi %parallel_loop3A_740, %parallel_loop3A_747 : vector<16xi32>
      %parallel_loop3A_749 = tpu.vector_load_idx %arg7[%parallel_loop3A_748] : memref<98304xf32, #tpu.memory_space<vmem>>[vector<16xi32>], vector<16xf32>,
      %parallel_loop3A_750 = arith.subf %parallel_loop3A_709, %parallel_loop3A_741 : vector<16xf32>
      %parallel_loop3A_751 = arith.subf %parallel_loop3A_710, %parallel_loop3A_745 : vector<16xf32>
      %parallel_loop3A_752 = arith.subf %parallel_loop3A_711, %parallel_loop3A_749 : vector<16xf32>
      %parallel_loop3A_753 = arith.mulf %parallel_loop3A_750, %parallel_loop3A_750 : vector<16xf32>
      %parallel_loop3A_754 = arith.mulf %parallel_loop3A_751, %parallel_loop3A_751 : vector<16xf32>
      %parallel_loop3A_755 = arith.addf %parallel_loop3A_753, %parallel_loop3A_754 : vector<16xf32>
      %parallel_loop3A_756 = arith.mulf %parallel_loop3A_752, %parallel_loop3A_752 : vector<16xf32>
      %parallel_loop3A_757 = arith.addf %parallel_loop3A_755, %parallel_loop3A_756 : vector<16xf32>
      %parallel_loop3A_758 = arith.addf %parallel_loop3A_366, %parallel_loop3A_757 : vector<16xf32>
      %parallel_loop3A_759 = arith.constant 3 : i32
      %parallel_loop3A_760 = arith.addi %parallel_loop3A_360, %parallel_loop3A_759 : i32
      %parallel_loop3A_761 = arith.constant 16 : i32
      %parallel_loop3A_762 = arith.muli %parallel_loop3A_760, %parallel_loop3A_761 : i32
      %parallel_loop3A_763 = vector.broadcast %parallel_loop3A_762 : i32 to vector<16xi32>
      %parallel_loop3A_764 = arith.addi %iota3A, %parallel_loop3A_763 : vector<16xi32>
      %parallel_loop3A_765 = arith.constant 12288 : i32
      %parallel_loop3A_766 = tpu.memref_slice %arg8[%parallel_loop3A_765] : memref<24576xf32, #tpu.memory_space<vmem>> -> memref<12288xf32, #tpu.memory_space<vmem>>
      %parallel_loop3A_767 = tpu.vector_load_idx %parallel_loop3A_766[%parallel_loop3A_764] : memref<12288xf32, #tpu.memory_space<vmem>>[vector<16xi32>], vector<16xf32>,
      %parallel_loop3A_768 = arith.constant 4096 : i32
      %parallel_loop3A_769 = vector.broadcast %parallel_loop3A_768 : i32 to vector<16xi32>
      %parallel_loop3A_770 = arith.addi %parallel_loop3A_764, %parallel_loop3A_769 : vector<16xi32>
      %parallel_loop3A_771 = arith.constant 12288 : i32
      %parallel_loop3A_772 = tpu.memref_slice %arg8[%parallel_loop3A_771] : memref<24576xf32, #tpu.memory_space<vmem>> -> memref<12288xf32, #tpu.memory_space<vmem>>
      %parallel_loop3A_773 = tpu.vector_load_idx %parallel_loop3A_772[%parallel_loop3A_770] : memref<12288xf32, #tpu.memory_space<vmem>>[vector<16xi32>], vector<16xf32>,
      %parallel_loop3A_774 = arith.constant 8192 : i32
      %parallel_loop3A_775 = vector.broadcast %parallel_loop3A_774 : i32 to vector<16xi32>
      %parallel_loop3A_776 = arith.addi %parallel_loop3A_764, %parallel_loop3A_775 : vector<16xi32>
      %parallel_loop3A_777 = arith.constant 12288 : i32
      %parallel_loop3A_778 = tpu.memref_slice %arg8[%parallel_loop3A_777] : memref<24576xf32, #tpu.memory_space<vmem>> -> memref<12288xf32, #tpu.memory_space<vmem>>
      %parallel_loop3A_779 = tpu.vector_load_idx %parallel_loop3A_778[%parallel_loop3A_776] : memref<12288xf32, #tpu.memory_space<vmem>>[vector<16xi32>], vector<16xf32>,
      %parallel_loop3A_780 = arith.mulf %parallel_loop3A_767, %gather3A_122 : vector<16xf32>
      %parallel_loop3A_781 = arith.mulf %parallel_loop3A_773, %gather3A_125 : vector<16xf32>
      %parallel_loop3A_782 = arith.addf %parallel_loop3A_780, %parallel_loop3A_781 : vector<16xf32>
      %parallel_loop3A_783 = arith.mulf %parallel_loop3A_779, %gather3A_128 : vector<16xf32>
      %parallel_loop3A_784 = arith.addf %parallel_loop3A_782, %parallel_loop3A_783 : vector<16xf32>
      %parallel_loop3A_785 = arith.addf %parallel_loop3A_784, %gather3A_131 : vector<16xf32>
      %parallel_loop3A_786 = arith.mulf %parallel_loop3A_785, %gather3A : vector<16xf32>
      %parallel_loop3A_787 = arith.subf %parallel_loop3A_767, %parallel_loop3A_786 : vector<16xf32>
      %parallel_loop3A_788 = arith.mulf %parallel_loop3A_785, %gather3A_116 : vector<16xf32>
      %parallel_loop3A_789 = arith.subf %parallel_loop3A_773, %parallel_loop3A_788 : vector<16xf32>
      %parallel_loop3A_790 = arith.mulf %parallel_loop3A_785, %gather3A_119 : vector<16xf32>
      %parallel_loop3A_791 = arith.subf %parallel_loop3A_779, %parallel_loop3A_790 : vector<16xf32>
      %parallel_loop3A_792 = arith.addf %parallel_loop3A_787, %gather3A_143 : vector<16xf32>
      %parallel_loop3A_793 = arith.mulf %parallel_loop3A_792, %gather3A_146 : vector<16xf32>
      %parallel_loop3A_794 = arith.constant 0.000000e+00 : f32
      %parallel_loop3A_795 = vector.broadcast %parallel_loop3A_794 : f32 to vector<16xf32>
      %parallel_loop3A_796 = arith.maximumf %parallel_loop3A_793, %parallel_loop3A_795 : vector<16xf32>
      %parallel_loop3A_797 = arith.minimumf %parallel_loop3A_796, %gather3A_149 : vector<16xf32>
      %parallel_loop3A_798 = arith.fptosi %parallel_loop3A_797 : vector<16xf32> to vector<16xi32>
      %parallel_loop3A_799 = arith.constant 32 : i32
      %parallel_loop3A_800 = vector.broadcast %parallel_loop3A_799 : i32 to vector<16xi32>
      %parallel_loop3A_801 = arith.muli %parallel_loop3A_798, %parallel_loop3A_800 : vector<16xi32>
      %parallel_loop3A_802 = arith.addf %parallel_loop3A_789, %gather3A_143 : vector<16xf32>
      %parallel_loop3A_803 = arith.mulf %parallel_loop3A_802, %gather3A_146 : vector<16xf32>
      %parallel_loop3A_804 = arith.constant 0.000000e+00 : f32
      %parallel_loop3A_805 = vector.broadcast %parallel_loop3A_804 : f32 to vector<16xf32>
      %parallel_loop3A_806 = arith.maximumf %parallel_loop3A_803, %parallel_loop3A_805 : vector<16xf32>
      %parallel_loop3A_807 = arith.minimumf %parallel_loop3A_806, %gather3A_149 : vector<16xf32>
      %parallel_loop3A_808 = arith.fptosi %parallel_loop3A_807 : vector<16xf32> to vector<16xi32>
      %parallel_loop3A_809 = arith.addi %parallel_loop3A_801, %parallel_loop3A_808 : vector<16xi32>
      %parallel_loop3A_810 = arith.constant 32 : i32
      %parallel_loop3A_811 = vector.broadcast %parallel_loop3A_810 : i32 to vector<16xi32>
      %parallel_loop3A_812 = arith.muli %parallel_loop3A_809, %parallel_loop3A_811 : vector<16xi32>
      %parallel_loop3A_813 = arith.addf %parallel_loop3A_791, %gather3A_143 : vector<16xf32>
      %parallel_loop3A_814 = arith.mulf %parallel_loop3A_813, %gather3A_146 : vector<16xf32>
      %parallel_loop3A_815 = arith.constant 0.000000e+00 : f32
      %parallel_loop3A_816 = vector.broadcast %parallel_loop3A_815 : f32 to vector<16xf32>
      %parallel_loop3A_817 = arith.maximumf %parallel_loop3A_814, %parallel_loop3A_816 : vector<16xf32>
      %parallel_loop3A_818 = arith.minimumf %parallel_loop3A_817, %gather3A_149 : vector<16xf32>
      %parallel_loop3A_819 = arith.fptosi %parallel_loop3A_818 : vector<16xf32> to vector<16xi32>
      %parallel_loop3A_820 = arith.addi %parallel_loop3A_812, %parallel_loop3A_819 : vector<16xi32>
      %parallel_loop3A_821 = tpu.vector_load_idx %arg7[%parallel_loop3A_820] : memref<98304xf32, #tpu.memory_space<vmem>>[vector<16xi32>], vector<16xf32>,
      %parallel_loop3A_822 = arith.constant 32768 : i32
      %parallel_loop3A_823 = vector.broadcast %parallel_loop3A_822 : i32 to vector<16xi32>
      %parallel_loop3A_824 = arith.addi %parallel_loop3A_820, %parallel_loop3A_823 : vector<16xi32>
      %parallel_loop3A_825 = tpu.vector_load_idx %arg7[%parallel_loop3A_824] : memref<98304xf32, #tpu.memory_space<vmem>>[vector<16xi32>], vector<16xf32>,
      %parallel_loop3A_826 = arith.constant 65536 : i32
      %parallel_loop3A_827 = vector.broadcast %parallel_loop3A_826 : i32 to vector<16xi32>
      %parallel_loop3A_828 = arith.addi %parallel_loop3A_820, %parallel_loop3A_827 : vector<16xi32>
      %parallel_loop3A_829 = tpu.vector_load_idx %arg7[%parallel_loop3A_828] : memref<98304xf32, #tpu.memory_space<vmem>>[vector<16xi32>], vector<16xf32>,
      %parallel_loop3A_830 = arith.subf %parallel_loop3A_787, %parallel_loop3A_821 : vector<16xf32>
      %parallel_loop3A_831 = arith.subf %parallel_loop3A_789, %parallel_loop3A_825 : vector<16xf32>
      %parallel_loop3A_832 = arith.subf %parallel_loop3A_791, %parallel_loop3A_829 : vector<16xf32>
      %parallel_loop3A_833 = arith.mulf %parallel_loop3A_830, %parallel_loop3A_830 : vector<16xf32>
      %parallel_loop3A_834 = arith.mulf %parallel_loop3A_831, %parallel_loop3A_831 : vector<16xf32>
      %parallel_loop3A_835 = arith.addf %parallel_loop3A_833, %parallel_loop3A_834 : vector<16xf32>
      %parallel_loop3A_836 = arith.mulf %parallel_loop3A_832, %parallel_loop3A_832 : vector<16xf32>
      %parallel_loop3A_837 = arith.addf %parallel_loop3A_835, %parallel_loop3A_836 : vector<16xf32>
      %parallel_loop3A_838 = arith.addf %parallel_loop3A_367, %parallel_loop3A_837 : vector<16xf32>
      %parallel_loop3A_839 = arith.mulf %gather3A_134, %parallel_loop3A_767 : vector<16xf32>
      %parallel_loop3A_840 = arith.mulf %gather3A_137, %parallel_loop3A_773 : vector<16xf32>
      %parallel_loop3A_841 = arith.mulf %gather3A_140, %parallel_loop3A_779 : vector<16xf32>
      %parallel_loop3A_842 = arith.addf %parallel_loop3A_839, %gather3A_143 : vector<16xf32>
      %parallel_loop3A_843 = arith.mulf %parallel_loop3A_842, %gather3A_146 : vector<16xf32>
      %parallel_loop3A_844 = arith.constant 0.000000e+00 : f32
      %parallel_loop3A_845 = vector.broadcast %parallel_loop3A_844 : f32 to vector<16xf32>
      %parallel_loop3A_846 = arith.maximumf %parallel_loop3A_843, %parallel_loop3A_845 : vector<16xf32>
      %parallel_loop3A_847 = arith.minimumf %parallel_loop3A_846, %gather3A_149 : vector<16xf32>
      %parallel_loop3A_848 = arith.fptosi %parallel_loop3A_847 : vector<16xf32> to vector<16xi32>
      %parallel_loop3A_849 = arith.constant 32 : i32
      %parallel_loop3A_850 = vector.broadcast %parallel_loop3A_849 : i32 to vector<16xi32>
      %parallel_loop3A_851 = arith.muli %parallel_loop3A_848, %parallel_loop3A_850 : vector<16xi32>
      %parallel_loop3A_852 = arith.addf %parallel_loop3A_840, %gather3A_143 : vector<16xf32>
      %parallel_loop3A_853 = arith.mulf %parallel_loop3A_852, %gather3A_146 : vector<16xf32>
      %parallel_loop3A_854 = arith.constant 0.000000e+00 : f32
      %parallel_loop3A_855 = vector.broadcast %parallel_loop3A_854 : f32 to vector<16xf32>
      %parallel_loop3A_856 = arith.maximumf %parallel_loop3A_853, %parallel_loop3A_855 : vector<16xf32>
      %parallel_loop3A_857 = arith.minimumf %parallel_loop3A_856, %gather3A_149 : vector<16xf32>
      %parallel_loop3A_858 = arith.fptosi %parallel_loop3A_857 : vector<16xf32> to vector<16xi32>
      %parallel_loop3A_859 = arith.addi %parallel_loop3A_851, %parallel_loop3A_858 : vector<16xi32>
      %parallel_loop3A_860 = arith.constant 32 : i32
      %parallel_loop3A_861 = vector.broadcast %parallel_loop3A_860 : i32 to vector<16xi32>
      %parallel_loop3A_862 = arith.muli %parallel_loop3A_859, %parallel_loop3A_861 : vector<16xi32>
      %parallel_loop3A_863 = arith.addf %parallel_loop3A_841, %gather3A_143 : vector<16xf32>
      %parallel_loop3A_864 = arith.mulf %parallel_loop3A_863, %gather3A_146 : vector<16xf32>
      %parallel_loop3A_865 = arith.constant 0.000000e+00 : f32
      %parallel_loop3A_866 = vector.broadcast %parallel_loop3A_865 : f32 to vector<16xf32>
      %parallel_loop3A_867 = arith.maximumf %parallel_loop3A_864, %parallel_loop3A_866 : vector<16xf32>
      %parallel_loop3A_868 = arith.minimumf %parallel_loop3A_867, %gather3A_149 : vector<16xf32>
      %parallel_loop3A_869 = arith.fptosi %parallel_loop3A_868 : vector<16xf32> to vector<16xi32>
      %parallel_loop3A_870 = arith.addi %parallel_loop3A_862, %parallel_loop3A_869 : vector<16xi32>
      %parallel_loop3A_871 = tpu.vector_load_idx %arg7[%parallel_loop3A_870] : memref<98304xf32, #tpu.memory_space<vmem>>[vector<16xi32>], vector<16xf32>,
      %parallel_loop3A_872 = arith.constant 32768 : i32
      %parallel_loop3A_873 = vector.broadcast %parallel_loop3A_872 : i32 to vector<16xi32>
      %parallel_loop3A_874 = arith.addi %parallel_loop3A_870, %parallel_loop3A_873 : vector<16xi32>
      %parallel_loop3A_875 = tpu.vector_load_idx %arg7[%parallel_loop3A_874] : memref<98304xf32, #tpu.memory_space<vmem>>[vector<16xi32>], vector<16xf32>,
      %parallel_loop3A_876 = arith.constant 65536 : i32
      %parallel_loop3A_877 = vector.broadcast %parallel_loop3A_876 : i32 to vector<16xi32>
      %parallel_loop3A_878 = arith.addi %parallel_loop3A_870, %parallel_loop3A_877 : vector<16xi32>
      %parallel_loop3A_879 = tpu.vector_load_idx %arg7[%parallel_loop3A_878] : memref<98304xf32, #tpu.memory_space<vmem>>[vector<16xi32>], vector<16xf32>,
      %parallel_loop3A_880 = arith.subf %parallel_loop3A_839, %parallel_loop3A_871 : vector<16xf32>
      %parallel_loop3A_881 = arith.subf %parallel_loop3A_840, %parallel_loop3A_875 : vector<16xf32>
      %parallel_loop3A_882 = arith.subf %parallel_loop3A_841, %parallel_loop3A_879 : vector<16xf32>
      %parallel_loop3A_883 = arith.mulf %parallel_loop3A_880, %parallel_loop3A_880 : vector<16xf32>
      %parallel_loop3A_884 = arith.mulf %parallel_loop3A_881, %parallel_loop3A_881 : vector<16xf32>
      %parallel_loop3A_885 = arith.addf %parallel_loop3A_883, %parallel_loop3A_884 : vector<16xf32>
      %parallel_loop3A_886 = arith.mulf %parallel_loop3A_882, %parallel_loop3A_882 : vector<16xf32>
      %parallel_loop3A_887 = arith.addf %parallel_loop3A_885, %parallel_loop3A_886 : vector<16xf32>
      %parallel_loop3A_888 = arith.addf %parallel_loop3A_368, %parallel_loop3A_887 : vector<16xf32>
      scf.yield %parallel_loop3A_448, %parallel_loop3A_498, %parallel_loop3A_578, %parallel_loop3A_628, %parallel_loop3A_708, %parallel_loop3A_758, %parallel_loop3A_838, %parallel_loop3A_888 : vector<16xf32>, vector<16xf32>, vector<16xf32>, vector<16xf32>, vector<16xf32>, vector<16xf32>, vector<16xf32>, vector<16xf32>
    } {sc.loop_unroll_factor = 1 : i64, sc.parallel_access}
    %add3A_347 = arith.addf %parallel_loop3A_346#0, %parallel_loop3A_346#2 : vector<16xf32>
    %add3A_348 = arith.addf %parallel_loop3A_346#4, %parallel_loop3A_346#6 : vector<16xf32>
    %add3A_349 = arith.addf %add3A_347, %add3A_348 : vector<16xf32>
    %add3A_350 = arith.addf %parallel_loop3A_346#1, %parallel_loop3A_346#3 : vector<16xf32>
    %add3A_351 = arith.addf %parallel_loop3A_346#5, %parallel_loop3A_346#7 : vector<16xf32>
    %add3A_352 = arith.addf %add3A_350, %add3A_351 : vector<16xf32>
    %swap3A = arith.constant 0 : index
    %swap3A_353 = tpu.vector_load %arg10[%swap3A] {strides = array<i32>} : memref<16xf32, #tpu.memory_space<vmem>>, vector<16xf32>,
    tpu.vector_store %arg10[%swap3A], %add3A_349 {strides = array<i32>} : memref<16xf32, #tpu.memory_space<vmem>>, vector<16xf32>,
    %swap3A_354 = arith.constant 0 : index
    %swap3A_355 = tpu.vector_load %arg11[%swap3A_354] {strides = array<i32>} : memref<16xf32, #tpu.memory_space<vmem>>, vector<16xf32>,
    tpu.vector_store %arg11[%swap3A_354], %add3A_352 {strides = array<i32>} : memref<16xf32, #tpu.memory_space<vmem>>, vector<16xf32>,
    %mul3A_356 = arith.constant 16 : i32
    %mul3A_357 = arith.muli %add3A, %mul3A_356 : i32
    "tpu.region"() ({
      %run_scoped3A = tpu.sem_alloc : memref<!tpu.dma_semaphore, #tpu.memory_space<semaphore_mem>>
      %dma_start3A_360 = tpu.memref_slice %arg5[%mul3A_357] : memref<512xf32, #tpu.memory_space<hbm>> -> memref<16xf32, #tpu.memory_space<hbm>>
      %dma_start3A_361 = tpu.memref_slice %arg5[%mul3A_357] : memref<512xf32, #tpu.memory_space<hbm>> -> memref<16xf32, #tpu.memory_space<hbm>>
      tpu.enqueue_dma source(%arg10 : memref<16xf32, #tpu.memory_space<vmem>>) target(%dma_start3A_361 : memref<16xf32, #tpu.memory_space<hbm>>) target_semaphore(%run_scoped3A : memref<!tpu.dma_semaphore, #tpu.memory_space<semaphore_mem>>)
      %dma_wait3A_362 = tpu.memref_slice %arg5[%mul3A_357] : memref<512xf32, #tpu.memory_space<hbm>> -> memref<16xf32, #tpu.memory_space<hbm>>
      %dma_wait3A_363 = tpu.memref_slice %arg5[%mul3A_357] : memref<512xf32, #tpu.memory_space<hbm>> -> memref<16xf32, #tpu.memory_space<hbm>>
      tpu.wait_dma2 semaphore(%run_scoped3A : memref<!tpu.dma_semaphore, #tpu.memory_space<semaphore_mem>>) src(%arg10 : memref<16xf32, #tpu.memory_space<vmem>>) dst(%dma_wait3A_363 : memref<16xf32, #tpu.memory_space<hbm>>)
      tpu.yield
    }) : () -> ()
    %mul3A_358 = arith.constant 16 : i32
    %mul3A_359 = arith.muli %add3A, %mul3A_358 : i32
    "tpu.region"() ({
      %run_scoped3A = tpu.sem_alloc : memref<!tpu.dma_semaphore, #tpu.memory_space<semaphore_mem>>
      %dma_start3A_360 = tpu.memref_slice %arg6[%mul3A_359] : memref<512xf32, #tpu.memory_space<hbm>> -> memref<16xf32, #tpu.memory_space<hbm>>
      %dma_start3A_361 = tpu.memref_slice %arg6[%mul3A_359] : memref<512xf32, #tpu.memory_space<hbm>> -> memref<16xf32, #tpu.memory_space<hbm>>
      tpu.enqueue_dma source(%arg11 : memref<16xf32, #tpu.memory_space<vmem>>) target(%dma_start3A_361 : memref<16xf32, #tpu.memory_space<hbm>>) target_semaphore(%run_scoped3A : memref<!tpu.dma_semaphore, #tpu.memory_space<semaphore_mem>>)
      %dma_wait3A_362 = tpu.memref_slice %arg6[%mul3A_359] : memref<512xf32, #tpu.memory_space<hbm>> -> memref<16xf32, #tpu.memory_space<hbm>>
      %dma_wait3A_363 = tpu.memref_slice %arg6[%mul3A_359] : memref<512xf32, #tpu.memory_space<hbm>> -> memref<16xf32, #tpu.memory_space<hbm>>
      tpu.wait_dma2 semaphore(%run_scoped3A : memref<!tpu.dma_semaphore, #tpu.memory_space<semaphore_mem>>) src(%arg11 : memref<16xf32, #tpu.memory_space<vmem>>) dst(%dma_wait3A_363 : memref<16xf32, #tpu.memory_space<hbm>>)
      tpu.yield
    }) : () -> ()
    return
  }
}

</mosaic_0001>

<sc_bundles>
// kernel: _sc_symmetry_loss.3.cloned.1.call-start
scs
__scs_entry_jumppad:
0x0: {  	(pc) =	sbr.rel $0x88, $3  }
0x1: {  	(tag) =	ssettag $0x0;
	lr =	simm.s32 $0x1  }
0x2: {  	[smem:$0x3F9E] =	sst lr;
	_ =	strace $0xD0000000  }
0x3: {  	_ = 	snop  }
0x4: {  	_ = 	snop  }
0x5: {  	_ = 	snop  }
0x6: {  	_ = 	snop  }
0x7: {  	_ = 	snop  }
__scs_overlays_trampoline_lowered:
0x8: {  	[smem:$0x3FAD] =	sst s0  }
0x9: {  	[smem:$0x3FAE] =	sst s1  }
0xa: {  	[smem:$0x3FAF] =	sst s2  }
0xb: {  	[smem:$0x3FB0] =	sst s3  }
0xc: {  	[smem:$0x3FB1] =	sst s4  }
0xd: {  	[smem:$0x3FB2] =	sst s5  }
0xe: {  	[smem:$0x3FB3] =	sst s6  }
0xf: {  	[smem:$0x3FB4] =	sst s7  }
0x10: {  	[smem:$0x3FB5] =	sst s8  }
0x11: {  	[smem:$0x3FB6] =	sst s9;
	s0 =	simm.s32 @!p0 $0x0  }
0x12: {  	s1 =	sld [smem:$0x3F9C];
	s0 =	simm.s32 @p0 $0x1  }
0x13: {  	[smem:$0x3FB7] =	sst s0;
	s0 =	simm.s32 @!p1 $0x0  }
0x14: {  	s2 =	sld [smem:$0x3F9B];
	s0 =	simm.s32 @p1 $0x1  }
0x15: {  	[smem:$0x3FB8] =	sst s0;
	s0 =	simm.s32 @!p2 $0x0  }
0x16: {  	s3 =	sld [smem:$0x3FDB];
	s0 =	simm.s32 @p2 $0x1  }
0x17: {  	s4 =	simm.s32 $0x1BF5;
	[smem:$0x3FBA] =	sst s0  }
0x18: {  	s0 =	sld [smem:$0x3F9D];
	_ =	swait.ge [sflag:s4], $0x0  }
0x19: {  	s7 =	sld [smem:$0x3F9E]  }
0x1a: {  	s8 =	sadd.s32 $0xFFFFE003, lr  }
0x1b: {  	s9 =	sadd.s32 $0xFFFFFEF7, lr;
	s5 =	simm.s32 $0xFFFFFFFF;
	p2 =	slt.u32 s8, $0xFFFFF086  }
0x1c: {  	p1 =	slt.u32 s9, $0xF7A;
	s5 =	simm.s32 @!p2 $0x0  }
0x1d: {  	s5 =	simm.s32 @p1 $0x1;
	p0 =	seq.s32 s7, s2  }
0x1e: {  	s7 =	smul.u32 @!p0 $0xF7A, s2;
	p2 =	seq.s32 @!p0 s5, $0x0  }
0x1f: {  	s9 =	smul.u32 $0xF7A, s1;
	s8 =	simm.s32 @!p0 $0x1BF5;
	p2 =	por !p2, p0  }
0x20: {  	[sflag:s8] =	ssyncset.s32 @!p0 $0xFFFFF086;
	s6 =	sadd.s32 @!p0 s3, s7;
	s7 =	simm.s32 @!p0 $0x108  }
0x21: {  	s3 =	sadd.s32 s3, s9;
	s6 =	sadd.s32 @!p0 $0x88, s6;
	s7 =	simm.s32 @p2 $0x1082  }
0x22: {  	[simem:s7], [sflag:s8] =	dma.local @!p0 [hbm:s6], $0xF7A  }
0x23: {  	s9 =	sor.u32 $0xD0000000, s2;
	s6 =	simm.s32 $0x108;
	_ =	swait.ge @!p0 [sflag:s8], $0x0  }
0x24: {  	s3 =	sadd.s32 $0x88, s3;
	s6 =	simm.s32 @!p1 $0x1082;
	[sflag:s4] =	ssyncset.s32 $0xFFFFF086  }
0x25: {  	[simem:s6], [sflag:s4] =	dma.local [hbm:s3], $0xF7A  }
0x26: {  	[smem:$0x3F9E] =	sst s1;
	(tag) =	ssettag s2;
	_ =	strace s9  }
0x27: {  	s1 =	sld [smem:$0x3FAE]  }
0x28: {  	s2 =	sld [smem:$0x3FAF]  }
0x29: {  	s4 =	sld [smem:$0x3FB1]  }
0x2a: {  	p0 =	seq.s32 s5, $0x0;
	s5 =	sld [smem:$0x3FB2]  }
0x2b: {  	s6 =	sld [smem:$0x3FB3]  }
0x2c: {  	s7 =	sld [smem:$0x3FB4]  }
0x2d: {  	s3 =	simm.s32 $0x108;
	s8 =	sld [smem:$0x3FB5]  }
0x2e: {  	s3 =	simm.s32 @!p0 $0x1082;
	s9 =	sld [smem:$0x3FB6]  }
0x2f: {  	lr =	sadd.s32 s0, s3;
	s0 =	sld [smem:$0x3FAD]  }
0x30: {  	s3 =	sld [smem:$0x3FB0]  }
0x31: {  	[smem:$0x3FB9] =	sst s10  }
0x32: {  	s10 =	sld [smem:$0x3FB7];
	_ =	sdelay $0x3  }
0x33: {  	p0 =	seq.s32 s10, $0x1;
	s10 =	sld [smem:$0x3FB9];
	_ =	sdelay $0x3  }
0x34: {  	[smem:$0x3FB9] =	sst s10  }
0x35: {  	s10 =	sld [smem:$0x3FB8];
	_ =	sdelay $0x3  }
0x36: {  	p1 =	seq.s32 s10, $0x1;
	s10 =	sld [smem:$0x3FB9];
	_ =	sdelay $0x3  }
0x37: {  	[smem:$0x3FB9] =	sst s10  }
0x38: {  	s10 =	sld [smem:$0x3FBA]  }
0x39: {  	_ = 	snop;
	(pc) =	sbr.ind lr, $3  }
0x3a: {  	_ = 	snop  }
0x3b: {  	_ = 	snop  }
0x3c: {  	p2 =	seq.s32 s10, $0x1;
	s10 =	sld [smem:$0x3FB9]  }
0x3d: {  	_ =	shalt  }
0x3e: {  	_ =	shalt  }
0x3f: {  	_ =	shalt  }
0x40: {  	_ =	shalt  }
0x41: {  	_ =	shalt  }
0x42: {  	_ =	shalt  }
0x43: {  	_ =	shalt  }
0x44: {  	_ =	shalt  }
0x45: {  	_ =	shalt  }
0x46: {  	_ =	shalt  }
0x47: {  	_ =	shalt  }
0x48: {  	_ =	shalt  }
0x49: {  	_ =	shalt  }
0x4a: {  	_ =	shalt  }
0x4b: {  	_ =	shalt  }
0x4c: {  	_ =	shalt  }
0x4d: {  	_ =	shalt  }
0x4e: {  	_ =	shalt  }
0x4f: {  	_ =	shalt  }
0x50: {  	_ =	shalt  }
0x51: {  	_ =	shalt  }
0x52: {  	_ =	shalt  }
0x53: {  	_ =	shalt  }
0x54: {  	_ =	shalt  }
0x55: {  	_ =	shalt  }
0x56: {  	_ =	shalt  }
0x57: {  	_ =	shalt  }
0x58: {  	_ =	shalt  }
0x59: {  	_ =	shalt  }
0x5a: {  	_ =	shalt  }
0x5b: {  	_ =	shalt  }
0x5c: {  	_ =	shalt  }
0x5d: {  	_ =	shalt  }
0x5e: {  	_ =	shalt  }
0x5f: {  	_ =	shalt  }
0x60: {  	_ =	shalt  }
0x61: {  	_ =	shalt  }
0x62: {  	_ =	shalt  }
0x63: {  	_ =	shalt  }
0x64: {  	_ =	shalt  }
0x65: {  	_ =	shalt  }
0x66: {  	_ =	shalt  }
0x67: {  	_ =	shalt  }
0x68: {  	_ =	shalt  }
0x69: {  	_ =	shalt  }
0x6a: {  	_ =	shalt  }
0x6b: {  	_ =	shalt  }
0x6c: {  	_ =	shalt  }
0x6d: {  	_ =	shalt  }
0x6e: {  	_ =	shalt  }
0x6f: {  	_ =	shalt  }
0x70: {  	_ =	shalt  }
0x71: {  	_ =	shalt  }
0x72: {  	_ =	shalt  }
0x73: {  	_ =	shalt  }
0x74: {  	_ =	shalt  }
0x75: {  	_ =	shalt  }
0x76: {  	_ =	shalt  }
0x77: {  	_ =	shalt  }
0x78: {  	_ =	shalt  }
0x79: {  	_ =	shalt  }
0x7a: {  	_ =	shalt  }
0x7b: {  	_ =	shalt  }
0x7c: {  	_ =	shalt  }
0x7d: {  	_ =	shalt  }
0x7e: {  	_ =	shalt  }
0x7f: {  	_ =	shalt  }
0x80: {  	_ =	shalt  }
0x81: {  	_ =	shalt  }
0x82: {  	_ =	shalt  }
0x83: {  	_ =	shalt  }
0x84: {  	_ =	shalt  }
0x85: {  	_ =	shalt  }
0x86: {  	_ =	shalt  }
0x87: {  	_ =	shalt  }
.Lfunc_end0:
.L_simem_size_0:
called_computation_lowered:
.L_overlay_start_0:
0x88: {  	s2 =	sld [smem:$0x3FD9]  }
0x89: {  	s3 =	sld [smem:$0x3FFE];
	_ =	sdelay $0x1  }
0x8a: {  	s1 =	srdreg.scid  }
0x8b: {  	s0 =	sand.u32 $0x1, s1  }
0x8c: {  	s15 =	sshll.u32 s0, $0xA;
	s2 =	sadd.s32 s3, s2  }
0x8d: {  	s2 =	sadd.s32 s2, s15  }
0x8e: {  	[smem:$0x3FC5] =	sst s2  }
0x8f: {  	_ = 	snop  }
0x90: {  	s2 =	sld [smem:$0x3FD0]  }
0x91: {  	s16 =	sld [smem:$0x3FC9]  }
0x92: {  	s4 =	sld [smem:$0x3FC8]  }
0x93: {  	s6 =	simm.s32 $0xA;
	s7 =	simm.s32 $0x10;
	s5 =	sld [smem:$0x3FC7]  }
0x94: {  	[smem:s7], [sflag:s6] =	dma.local [hbm:s2], $0x1  }
0x95: {  	_ =	swait.eq [sflag:s6], $0x1  }
0x96: {  	[sflag:s6] =	ssyncset.done $0x0  }
0x97: {  	s17 =	sld [smem:$0x10];
	[sflag:s6] =	ssyncadd.s32 $0xFFFFFFFF  }
0x98: {  	s18 =	sld [smem:$0x11];
	(tm) =	ssettm $0x1  }
0x99: {  	s19 =	sld [smem:$0x3FFB];
	_ =	sdelay $0x3  }
0x9a: {  	_ =	strace s19  }
0x9b: {  	s7 =	sld [smem:$0x3FFC];
	_ =	sdelay $0x3  }
0x9c: {  	_ =	strace s7  }
0x9d: {  	s7 =	sld [smem:$0x3FFD];
	_ =	sdelay $0x3  }
0x9e: {  	_ =	strace s7  }
0x9f: {  	_ =	strace $0x8FFFFFFF  }
0xa0: {  	s20 =	sld [smem:$0x3FDB];
	_ =	sdelay $0x1  }
0xa1: {  	s8 =	simm.s32 $_scs_section_size  }
0xa2: {  	s9 =	simm.s32 $_size__tile_overlayer_lowered;
	s10 =	simm.s32 $_tile_overlayer_lowered  }
0xa3: {  	s23 =	simm.s32 $0x1BFF;
	s22 =	sshll.u32 s10, $0x1;
	s7 =	sadd.s32 s8, s20  }
0xa4: {  	s11 =	simm.s32 $0x0;
	s21 =	sshll.u32 s9, $0x1;
	s9 =	sadd.s32 s22, s7  }
0xa5: {  	[timem:s11], [sflag:s23] =	dma.local [hbm:s9], s21  }
0xa6: {  	_ =	swait.ge [sflag:s23], s21  }
0xa7: {  	s8 =	ssub.s32 $0x0, s21;
	[sflag:s23] =	ssyncset.done $0x0  }
0xa8: {  	[sflag:s23] =	ssyncadd.s32 s8;
	_ =	sdelay $0x1  }
0xa9: {  	s24 =	simm.s32 $0x1B8B  }
0xaa: {  	_ =	swait.ge [sflag:s24], $0x1  }
0xab: {  	[sflag:s24] =	ssyncset.done $0x0  }
0xac: {  	s25 =	simm.s32 $0x1B8E;
	[sflag:s24] =	ssyncadd.s32 $0xFFFFFFFF  }
0xad: {  	s26 =	simm.s32 $execute0_lowered;
	[smem:$0x3FD2] =	sst s25  }
0xae: {  	s8 =	sshll.u32 s26, $0x1;
	_ =	strace $0x80000046;
	[dreg:$0x1] =	wrdreg $0xFFFFFFFF  }
0xaf: {  	s28 =	simm.s32 $_size_execute0_lowered;
	s7 =	sadd.s32 s7, s8;
	[dreg:$0x0] =	wrdreg $0x0  }
0xb0: {  	s8 =	sshll.u32 s28, $0x1;
	[dreg:$0x2] =	wrdreg s7  }
0xb1: {  	[dreg:$0x3] =	wrdreg s8  }
0xb2: {  	[dreg:$0x4] =	wrdreg $0xC0  }
0xb3: {  	_ =	task [dreg:s11], $0x5FFFF  }
0xb4: {  	[dreg:$0x1] =	wrdreg $0xFFFFFFFF  }
0xb5: {  	[dreg:$0x0] =	wrdreg $0x60  }
0xb6: {  	[dreg:$0x2] =	wrdreg s16  }
0xb7: {  	[dreg:$0x3] =	wrdreg s4  }
0xb8: {  	[dreg:$0x4] =	wrdreg s5  }
0xb9: {  	[dreg:$0x5] =	wrdreg s17  }
0xba: {  	[dreg:$0x6] =	wrdreg s18  }
0xbb: {  	[dreg:$0x7] =	wrdreg $0x9  }
0xbc: {  	_ =	task.clear_ibuf [dreg:s11], $0x8FFFF;
	_ =	strace $0x90000046  }
0xbd: {  	s29 =	simm.s32 $0x9;
	_ =	strace $0x80000048  }
0xbe: {  	_ =	swait.ge [sflag:s29], $0x1  }
0xbf: {  	[sflag:s29] =	ssyncadd.s32 $0xFFFFFFFF  }
0xc0: {  	_ =	strace $0x90000048  }
0xc1: {  	_ =	sfence  }
0xc2: {  	s30 =	sld [smem:$0x0];
	_ =	sdelay $0x2  }
0xc3: {  	s31 =	sshll.u32 s1, $0xD;
	s1 =	sshrl.u32 s1, $0x2  }
0xc4: {  	s3 =	sand.u32 $0x4000, s31;
	s1 =	sadd.s32 s1, s30  }
0xc5: {  	s0 =	sor.u32 s3, s0;
	s1 =	sshll.u32 s1, $0x11  }
0xc6: {  	s0 =	sor.u32 s1, s0  }
0xc7: {  	s0 =	sadd.s32 $0x8F2B, s0  }
0xc8: {  	[sflag:s0] =	ssyncadd.remote.s32 $0x1  }
0xc9: {  	_ =	sfence.sel $0xFFFF  }
0xca: {  	[dreg:$0x0] =	wrdreg $0xFFFFFFFF;
	(pc) =	sbr.abs _section_cstart, $3  }
0xcb: {  	[dreg:$0x1] =	wrdreg $0xFFFFFFFF  }
0xcc: {  	_ =	task.clear_ibuf [dreg:s11], $0x2FFFF;
	_ =	strace $0x9FFFFFFF  }
0xcd: {  	(tm) =	ssettm $0x7FFFFFFF  }
tec
execute0_lowered:
.L_overlay_start_1:
0x0: {  	(tag) =	ssettag $0x1  }
0x1: {  	s0 =	rddreg [dreg:$0x0]  }
0x2: {  	s1 =	rddreg [dreg:$0x1]  }
0x3: {  	s6 =	rddreg [dreg:$0x2]  }
0x4: {  	s19 =	rddreg [dreg:$0x3]  }
0x5: {  	s20 =	rddreg [dreg:$0x4];
	s2 =	simm.s32 $0x0;
	s3 =	srdreg.scid  }
0x6: {  	s11 =	stileid.u32;
	s29 =	simm.s32 $0x1;
	s30 =	simm.s32 $0x1E000  }
0x7: {  	s31 =	simm.s32 $0x2;
	[smem:$0x7FF] =	sst s2;
	s5 =	sand.u32 $0x1, s3  }
0x8: {  	s7 =	sshrl.u32 s11, $0x2;
	s25 =	sshll.u32 s11, $0x2;
	s12 =	sadd.s32 $0x200, s0  }
0x9: {  	s15 =	sadd.s32 $0x400, s0;
	_ =	strace $0x80000047;
	s3 =	ssub.s32 $0x2, s5  }
0xa: {  	s8 =	sor.u32 $0x4, s7;
	s9 =	sshll.u32 s7, $0xC;
	s24 =	sor.u32 $0x8, s7  }
0xb: {  	s5 =	sshll.u32 s5, $0x1;
	s16 =	sshll.u32 s7, $0xB;
	s4 =	sshrl.u32 s3, $0x1  }
0xc: {  	s10 =	sshll.u32 s8, $0xC;
	s22 =	sadd.s32 s1, s9;
	s26 =	sshll.u32 s24, $0xC  }
0xd: {  	s7 =	sadd.s32 s0, s16;
	s28 =	sshll.u32 s8, $0xB;
	s18 =	sshll.u32 s24, $0xB  }
0xe: {  	s13 =	sadd.s32 s16, s15;
	s24 =	simm.s32 $0x4;
	s21 =	ssub.s32 s3, s4  }
0xf: {  	[dreg:$0x6] =	wrdreg s22;
	s23 =	sadd.s32 s1, s10;
	s22 =	sor.u32 s5, s25  }
0x10: {  	s5 =	sadd.s32 s1, s26;
	s8 =	sadd.s32 s0, s28;
	s9 =	sadd.s32 s0, s18  }
0x11: {  	s10 =	sadd.s32 s16, s12;
	s11 =	sadd.s32 s28, s12;
	s12 =	sadd.s32 s18, s12  }
0x12: {  	s14 =	sadd.s32 s28, s15;
	s0 =	sadd.s32 $0x600, s0;
	s15 =	sadd.s32 s18, s15  }
0x13: {  	v63 =	vlaneseq.u32;
	s25 =	simm.s32 $0x18000;
	s26 =	simm.s32 $0x0;
	[dreg:$0x7] =	wrdreg s23  }
0x14: {  	v37 =	vor.u32 $0x1000, v63;
	s6 =	sadd.s32 s6, s22;
	s16 =	sadd.s32 s16, s0;
	s17 =	sadd.s32 s28, s0  }
0x15: {  	v54 =	vor.u32 $0x2000, v63;
	[tilespmem:$0x1FFE0] =	vst v37;
	s18 =	sadd.s32 s18, s0;
	s19 =	sadd.s32 s19, s22;
	s20 =	sadd.s32 s20, s22  }
0x16: {  	[tilespmem:$0x1FFF0] =	vst v54;
	s21 =	smax.u32 s21, $0x1;
	s0 =	simm.s32 $0x1B000;
	s23 =	simm.s32 $0x3  }
.LBB2_1:
0x17: {  	s1 =	rddreg [dreg:$0x6]  }
0x18: {  	[tilespmem:s2], [sflag:$0x1] =	stream.linear.gather [hbm4b:s1+s2], $0x8000, $0x38;
	[tilespmem:$0x1E180] =	vst v63  }
0x19: {  	s22 =	rddreg [dreg:$0x7];
	s3 =	simm.s32 $0x8000  }
0x1a: {  	[tilespmem:s3], [sflag:$0x1] =	stream.linear.gather [hbm4b:s22+s2], $0x8000, $0x38;
	[tilespmem:$0x1E180] =	vst v63  }
0x1b: {  	s4 =	simm.s32 $0x10000  }
0x1c: {  	[tilespmem:s4], [sflag:$0x1] =	stream.linear.gather [hbm4b:s5+s2], $0x8000, $0x38;
	[tilespmem:$0x1E180] =	vst v63  }
0x1d: {  	s22 =	simm.s32 $0x1E008  }
0x1e: {  	[tilespmem:s22], [sflag:$0x1] =	stream.linear.gather [hbm4b:s6+s2], $0x10, $0x38;
	[tilespmem:$0x1E180] =	vst v63  }
0x1f: {  	_ = 	snop  }
0x20: {  	[tilespmem:s25], [sflag:$0x2] =	stream.linear.gather [hbm4b:s7+s2], $0x1000, $0x38;
	[tilespmem:$0x1E180] =	vst v63  }
0x21: {  	s3 =	simm.s32 $0x19000  }
0x22: {  	[tilespmem:s3], [sflag:$0x2] =	stream.linear.gather [hbm4b:s8+s2], $0x1000, $0x38;
	[tilespmem:$0x1E180] =	vst v63  }
0x23: {  	s4 =	simm.s32 $0x1A000  }
0x24: {  	[tilespmem:s4], [sflag:$0x2] =	stream.linear.gather [hbm4b:s9+s2], $0x1000, $0x38;
	[tilespmem:$0x1E180] =	vst v63  }
0x25: {  	_ =	swait.ge [sflag:s29], $0x8000  }
0x26: {  	[sflag:s29] =	ssyncset.done $0x0  }
0x27: {  	[sflag:s29] =	ssyncadd.s32 $0xFFFF8000  }
0x28: {  	_ =	swait.ge [sflag:s29], $0x8000  }
0x29: {  	[sflag:s29] =	ssyncset.done $0x0  }
0x2a: {  	[sflag:s29] =	ssyncadd.s32 $0xFFFF8000  }
0x2b: {  	_ =	swait.ge [sflag:s29], $0x8000  }
0x2c: {  	v0 =	vimm.s32 $0x8;
	[sflag:s29] =	ssyncset.done $0x0  }
0x2d: {  	[sflag:s29] =	ssyncadd.s32 $0xFFFF8000  }
0x2e: {  	_ =	swait.ge [sflag:s29], $0x10  }
0x2f: {  	[sflag:s29] =	ssyncset.done $0x0  }
0x30: {  	[sflag:s29] =	ssyncadd.s32 $0xFFFFFFF0  }
0x31: {  	v8 =	vld.idx.msk [tilespmem:v0+s30+$0x0], $0xffff;
	v0 =	vimm.s32 $0x9;
	_ =	sdelay $0x4  }
0x32: {  	v9 =	vld.idx.msk [tilespmem:v0+s30+$0x0], $0xffff;
	v0 =	vimm.s32 $0xA;
	_ =	sdelay $0x4  }
0x33: {  	v10 =	vld.idx.msk [tilespmem:v0+s30+$0x0], $0xffff;
	v0 =	vimm.s32 $0xB;
	_ =	sdelay $0x4  }
0x34: {  	v11 =	vld.idx.msk [tilespmem:v0+s30+$0x0], $0xffff;
	v0 =	vimm.s32 $0xC;
	_ =	sdelay $0x4  }
0x35: {  	v12 =	vld.idx.msk [tilespmem:v0+s30+$0x0], $0xffff;
	v0 =	vimm.s32 $0xD;
	_ =	sdelay $0x4  }
0x36: {  	v13 =	vld.idx.msk [tilespmem:v0+s30+$0x0], $0xffff;
	v0 =	vimm.s32 $0xE;
	_ =	sdelay $0x4  }
0x37: {  	v14 =	vld.idx.msk [tilespmem:v0+s30+$0x0], $0xffff;
	v0 =	vimm.s32 $0xF;
	_ =	sdelay $0x4  }
0x38: {  	v15 =	vld.idx.msk [tilespmem:v0+s30+$0x0], $0xffff;
	v0 =	vimm.s32 $0x10;
	_ =	sdelay $0x4  }
0x39: {  	v16 =	vld.idx.msk [tilespmem:v0+s30+$0x0], $0xffff;
	v0 =	vimm.s32 $0x11;
	_ =	sdelay $0x4  }
0x3a: {  	v17 =	vld.idx.msk [tilespmem:v0+s30+$0x0], $0xffff;
	v0 =	vimm.s32 $0x12;
	_ =	sdelay $0x4  }
0x3b: {  	v26 =	vld.idx.msk [tilespmem:v0+s30+$0x0], $0xffff;
	v0 =	vimm.s32 $0x13;
	_ =	sdelay $0x4  }
0x3c: {  	v27 =	vld.idx.msk [tilespmem:v0+s30+$0x0], $0xffff;
	v0 =	vimm.s32 $0x14;
	_ =	sdelay $0x4  }
0x3d: {  	v28 =	vld.idx.msk [tilespmem:v0+s30+$0x0], $0xffff;
	_ =	swait.ge [sflag:s31], $0x1000  }
0x3e: {  	[sflag:s31] =	ssyncset.done $0x0  }
0x3f: {  	[sflag:s31] =	ssyncadd.s32 $0xFFFFF000  }
0x40: {  	_ =	swait.ge [sflag:s31], $0x1000  }
0x41: {  	[sflag:s31] =	ssyncset.done $0x0  }
0x42: {  	[sflag:s31] =	ssyncadd.s32 $0xFFFFF000  }
0x43: {  	_ =	swait.ge [sflag:s31], $0x1000  }
0x44: {  	[sflag:s31] =	ssyncset.done $0x0  }
0x45: {  	s28 =	simm.s32 $0x20;
	s1 =	simm.s32 $0x30;
	[sflag:s31] =	ssyncadd.s32 $0xFFFFF000  }
0x46: {  	v0 =	vor.u32 s1, v63;
	[tilespmem:s0], [sflag:$0x3] =	stream.linear.gather [hbm4b:s10+s2], $0x1000, $0x38;
	[tilespmem:$0x1E180] =	vst v63  }
0x47: {  	v1 =	vor.u32 s28, v63;
	s22 =	simm.s32 $0x1C000  }
0x48: {  	v2 =	vor.u32 s28, v37;
	[tilespmem:s22], [sflag:$0x3] =	stream.linear.gather [hbm4b:s11+s2], $0x1000, $0x38;
	[tilespmem:$0x1E180] =	vst v63  }
0x49: {  	v4 =	vor.u32 s28, v54;
	s28 =	simm.s32 $0x10;
	s4 =	simm.s32 $0x1D000  }
0x4a: {  	v6 =	vor.u32 s1, v37;
	[tilespmem:s4], [sflag:$0x3] =	stream.linear.gather [hbm4b:s12+s2], $0x1000, $0x38;
	[tilespmem:$0x1E180] =	vst v63  }
0x4b: {  	v33 =	vor.u32 s28, v54;
	s22 =	simm.s32 $0x0;
	v7 =	vld.idx.msk [tilespmem:v0+s25+$0x0], $0xffff  }
0x4c: {  	v3 =	vor.u32 s22, v63;
	v31 =	vld.idx.msk [tilespmem:v1+s25+$0x0], $0xffff  }
0x4d: {  	v5 =	vor.u32 s22, v37;
	v2 =	vld.idx.msk [tilespmem:v2+s25+$0x0], $0xffff  }
0x4e: {  	v0 =	vor.u32 s28, v63;
	v4 =	vld.idx.msk [tilespmem:v4+s25+$0x0], $0xffff  }
0x4f: {  	v1 =	vor.u32 s28, v37;
	v42 =	vld.idx.msk [tilespmem:v6+s25+$0x0], $0xffff  }
0x50: {  	v46 =	vld.idx.msk [tilespmem:v33+s25+$0x0], $0xffff  }
0x51: {  	v34 =	vld.idx.msk [tilespmem:v3+s25+$0x0], $0xffff  }
0x52: {  	v3 =	vor.u32 s22, v54;
	v5 =	vld.idx.msk [tilespmem:v5+s25+$0x0], $0xffff;
	v32 =	vmul.f32 v7, v11;
	v18 =	vmul.f32 v7, v15  }
0x53: {  	v37 =	vld.idx.msk [tilespmem:v0+s25+$0x0], $0xffff;
	v39 =	vmul.f32 v31, v15;
	v0 =	vmul.f32 v31, v11  }
0x54: {  	v36 =	vor.u32 s1, v54;
	v38 =	vld.idx.msk [tilespmem:v1+s25+$0x0], $0xffff;
	v1 =	vmul.f32 v2, v12;
	v40 =	vmul.f32 v2, v16  }
0x55: {  	v57 =	vmul.f32 v42, v12;
	v59 =	vmul.f32 v46, v13;
	v6 =	vadd.f32 v18, v26  }
0x56: {  	v0 =	vadd.f32 v1, v0;
	v1 =	vmul.f32 v4, v13;
	v45 =	vadd.f32 v39, v26  }
0x57: {  	v41 =	vmul.f32 v34, v11;
	v35 =	vmul.f32 v34, v15;
	v44 =	vld.idx.msk [tilespmem:v3+s25+$0x0], $0xffff;
	[tilespmem:$0x1FF30] =	vst v11  }
0x58: {  	v3 =	vmul.f32 v5, v12;
	v29 =	vmul.f32 v5, v16;
	[tilespmem:$0x1FF40] =	vst v15;
	v1 =	vadd.f32 v1, v0  }
0x59: {  	v48 =	vld.idx.msk [tilespmem:v36+s25+$0x0], $0xffff;
	v36 =	vadd.f32 v57, v32;
	v32 =	vmul.f32 v4, v17;
	v45 =	vmul.f32 v45, v27  }
0x5a: {  	v6 =	vmul.f32 v6, v27;
	v47 =	vadd.f32 v35, v26;
	v56 =	vmul.f32 v37, v11  }
0x5b: {  	v0 =	vmul.f32 v37, v15;
	v3 =	vadd.f32 v3, v41;
	v43 =	vmul.f32 v38, v12  }
0x5c: {  	v41 =	vmul.f32 v38, v16;
	v50 =	vadd.f32 v29, v26;
	v1 =	vadd.f32 v1, v14  }
0x5d: {  	v45 =	vmax.f32 v45, $0.0e+00;
	v6 =	vmax.f32 v6, $0.0e+00;
	v33 =	vadd.f32 v43, v56  }
0x5e: {  	v22 =	vadd.f32 v0, v26;
	v49 =	vmul.f32 v44, v13;
	v58 =	vmul.f32 v1, v8  }
0x5f: {  	v45 =	vmin.f32 v45, v28;
	v51 =	vmul.f32 v1, v9;
	v60 =	vmul.f32 v1, v10  }
0x60: {  	v6 =	vmin.f32 v6, v28;
	v1 =	vmul.f32 v42, v16;
	v45 =	vtrunc.f32 v45  }
0x61: {  	v6 =	vtrunc.f32 v6;
	v61 =	vadd.f32 v59, v33;
	v33 =	vmul.f32 v46, v17  }
0x62: {  	v54 =	vmul.f32 v22, v27;
	v22 =	vadd.f32 v41, v26;
	v45 =	vcvt.f32.s32 v45  }
0x63: {  	v6 =	vcvt.f32.s32 v6;
	v3 =	vadd.f32 v49, v3;
	v52 =	vsub.f32 v31, v58  }
0x64: {  	v51 =	vsub.f32 v2, v51;
	v2 =	vmul.f32 v48, v13;
	v49 =	vsub.f32 v4, v60  }
0x65: {  	[tilespmem:$0x1FF50] =	vst v12;
	v31 =	vmul.f32 v44, v17;
	v12 =	vadd.f32 v61, v14;
	v54 =	vmax.f32 v54, $0.0e+00  }
0x66: {  	v45 =	vshll.u32 v45, $0xA;
	v53 =	vadd.f32 v52, v26;
	v62 =	vadd.f32 v51, v26  }
0x67: {  	v55 =	vadd.f32 v49, v26;
	v54 =	vmin.f32 v54, v28;
	v23 =	vmul.f32 v12, v9  }
0x68: {  	v3 =	vadd.f32 v3, v14;
	v59 =	vmul.f32 v12, v8;
	v54 =	vtrunc.f32 v54  }
0x69: {  	v2 =	vadd.f32 v2, v36;
	v4 =	vmul.f32 v53, v27;
	v11 =	vmul.f32 v62, v27  }
0x6a: {  	[tilespmem:$0x1FF70] =	vst v13;
	v6 =	vshll.u32 v6, $0xA;
	v13 =	vmul.f32 v55, v27;
	v15 =	vmul.f32 v3, v9  }
0x6b: {  	v21 =	vadd.f32 v2, v14;
	v57 =	vmul.f32 v3, v10;
	v54 =	vcvt.f32.s32 v54  }
0x6c: {  	v4 =	vmax.f32 v4, $0.0e+00;
	v53 =	vmax.f32 v11, $0.0e+00;
	v43 =	vmax.f32 v13, $0.0e+00  }
0x6d: {  	[tilespmem:$0x1FF90] =	vst v9;
	v2 =	vsub.f32 v5, v15;
	v56 =	vmul.f32 v21, v9;
	v9 =	vmul.f32 v3, v8  }
0x6e: {  	v61 =	vmul.f32 v21, v8;
	v36 =	vsub.f32 v44, v57;
	v4 =	vmin.f32 v4, v28  }
0x6f: {  	v53 =	vmin.f32 v53, v28;
	v43 =	vmin.f32 v43, v28;
	v4 =	vtrunc.f32 v4  }
0x70: {  	v54 =	vshll.u32 v54, $0xA;
	v53 =	vtrunc.f32 v53;
	v43 =	vtrunc.f32 v43  }
0x71: {  	v44 =	vsub.f32 v7, v61;
	v7 =	vadd.f32 v2, v26;
	v53 =	vcvt.f32.s32 v53  }
0x72: {  	v57 =	vadd.f32 v36, v26;
	v4 =	vcvt.f32.s32 v4;
	v5 =	vcvt.f32.s32 v43  }
0x73: {  	v43 =	vsub.f32 v34, v9;
	v34 =	vmul.f32 v48, v17;
	v9 =	vadd.f32 v40, v26  }
0x74: {  	v7 =	vmul.f32 v7, v27;
	v57 =	vmul.f32 v57, v27;
	v53 =	vshll.u32 v53, $0x5  }
0x75: {  	v4 =	vshll.u32 v4, $0xA;
	v5 =	vadd.s32 v5, v53;
	v53 =	vadd.f32 v43, v26  }
0x76: {  	v7 =	vmax.f32 v7, $0.0e+00;
	v57 =	vmax.f32 v57, $0.0e+00;
	v58 =	vadd.s32 v4, v5  }
0x77: {  	[tilespmem:$0x1FFB0] =	vst v10;
	v4 =	vand.u32 $0x7F, v5;
	v5 =	vmul.f32 v12, v10;
	v10 =	vmul.f32 v21, v10  }
0x78: {  	v21 =	vadd.f32 v44, v26;
	v7 =	vmin.f32 v7, v28;
	v57 =	vmin.f32 v57, v28  }
0x79: {  	v3 =	vand.u32 $0xFFFFFF80, v58;
	v53 =	vmul.f32 v53, v27;
	v7 =	vtrunc.f32 v7  }
0x7a: {  	v60 =	vor.u32 v4, v3;
	v3 =	vsub.f32 v38, v23;
	v4 =	vsub.f32 v42, v56  }
0x7b: {  	v42 =	vsub.f32 v37, v59;
	v37 =	vsub.f32 v46, v5;
	v46 =	vmul.f32 v47, v27  }
0x7c: {  	v38 =	vsub.f32 v48, v10;
	v47 =	vmul.f32 v50, v27;
	v10 =	vadd.f32 v1, v26  }
0x7d: {  	v7 =	vcvt.f32.s32 v7;
	v62 =	vadd.s32 $0x8000, v60;
	v5 =	vadd.s32 $0x10000, v60  }
0x7e: {  	v60 =	vmul.f32 v21, v27;
	v21 =	vadd.f32 v33, v26;
	v12 =	vadd.f32 v3, v26  }
0x7f: {  	[tilespmem:$0x1FF80] =	vst v14;
	v53 =	vmax.f32 v53, $0.0e+00;
	v56 =	vadd.f32 v4, v26;
	v14 =	vadd.f32 v42, v26  }
0x80: {  	v15 =	vadd.f32 v37, v26;
	v23 =	vadd.f32 v38, v26;
	v55 =	vmul.f32 v10, v27  }
0x81: {  	[tilespmem:$0x1FF60] =	vst v16;
	v7 =	vshll.u32 v7, $0x5;
	v53 =	vmin.f32 v53, v28;
	v46 =	vmax.f32 v46, $0.0e+00  }
0x82: {  	[tilespmem:$0x1FFA0] =	vst v8;
	v47 =	vmax.f32 v47, $0.0e+00;
	v60 =	vmax.f32 v60, $0.0e+00;
	v61 =	vmul.f32 v21, v27  }
0x83: {  	[tilespmem:$0x1FFC0] =	vst v17;
	v46 =	vmin.f32 v46, v28;
	v53 =	vtrunc.f32 v53;
	v50 =	vmul.f32 v12, v27  }
0x84: {  	v11 =	vld.idx.msk [tilespmem:v58+s2+$0x0], $0xffff;
	v47 =	vmin.f32 v47, v28;
	v56 =	vmul.f32 v56, v27;
	v58 =	vmul.f32 v14, v27  }
0x85: {  	v59 =	vmul.f32 v15, v27;
	v12 =	vmul.f32 v22, v27;
	v15 =	vadd.f32 v31, v26  }
0x86: {  	v22 =	vadd.f32 v32, v26;
	v60 =	vmin.f32 v60, v28;
	v53 =	vcvt.f32.s32 v53  }
0x87: {  	v55 =	vmax.f32 v55, $0.0e+00;
	v46 =	vtrunc.f32 v46;
	v47 =	vtrunc.f32 v47  }
0x88: {  	v60 =	vtrunc.f32 v60;
	v55 =	vmin.f32 v55, v28;
	v46 =	vcvt.f32.s32 v46  }
0x89: {  	v61 =	vmax.f32 v61, $0.0e+00;
	v47 =	vcvt.f32.s32 v47;
	v13 =	vld.idx.msk [tilespmem:v62+s2+$0x0], $0xffff;
	v62 =	vmul.f32 v23, v27  }
0x8a: {  	v50 =	vmax.f32 v50, $0.0e+00;
	v56 =	vmax.f32 v56, $0.0e+00;
	v59 =	vmax.f32 v59, $0.0e+00  }
0x8b: {  	v23 =	vadd.f32 v34, v26;
	v58 =	vmax.f32 v58, $0.0e+00;
	v60 =	vcvt.f32.s32 v60  }
0x8c: {  	v55 =	vtrunc.f32 v55;
	v61 =	vmin.f32 v61, v28;
	v53 =	vshll.u32 v53, $0xA  }
0x8d: {  	v50 =	vmin.f32 v50, v28;
	v59 =	vmin.f32 v59, v28;
	v56 =	vmin.f32 v56, v28  }
0x8e: {  	v58 =	vmin.f32 v58, v28;
	v61 =	vtrunc.f32 v61;
	v46 =	vshll.u32 v46, $0xA  }
0x8f: {  	v55 =	vcvt.f32.s32 v55;
	v48 =	vsub.f32 v52, v11;
	v52 =	vmul.f32 v9, v27  }
0x90: {  	v47 =	vshll.u32 v47, $0x5;
	v50 =	vtrunc.f32 v50;
	v14 =	vtrunc.f32 v59  }
0x91: {  	v5 =	vld.idx.msk [tilespmem:v5+s2+$0x0], $0xffff;
	v62 =	vmax.f32 v62, $0.0e+00;
	v56 =	vtrunc.f32 v56;
	v59 =	vmul.f32 v15, v27  }
0x92: {  	v58 =	vtrunc.f32 v58;
	v60 =	vshll.u32 v60, $0xA;
	v46 =	vadd.s32 v46, v47  }
0x93: {  	v61 =	vcvt.f32.s32 v61;
	v50 =	vcvt.f32.s32 v50;
	v62 =	vmin.f32 v62, v28  }
0x94: {  	v56 =	vcvt.f32.s32 v56;
	v58 =	vcvt.f32.s32 v58;
	v55 =	vshll.u32 v55, $0x5  }
0x95: {  	v48 =	vmul.f32 v48, v48;
	v52 =	vmax.f32 v52, $0.0e+00;
	v62 =	vtrunc.f32 v62  }
0x96: {  	v59 =	vmax.f32 v59, $0.0e+00;
	v51 =	vsub.f32 v51, v13;
	v5 =	vsub.f32 v49, v5  }
0x97: {  	v13 =	vtrunc.f32 v57;
	v57 =	vcvt.f32.s32 v14;
	v50 =	vshll.u32 v50, $0x5  }
0x98: {  	v52 =	vmin.f32 v52, v28;
	v62 =	vcvt.f32.s32 v62;
	v56 =	vshll.u32 v56, $0x5  }
0x99: {  	v59 =	vmin.f32 v59, v28;
	v49 =	vcvt.f32.s32 v13;
	v52 =	vtrunc.f32 v52  }
0x9a: {  	v58 =	vshll.u32 v58, $0xA;
	v59 =	vtrunc.f32 v59;
	v11 =	vmul.f32 v51, v51  }
0x9b: {  	v5 =	vmul.f32 v5, v5;
	v50 =	vadd.s32 v57, v50;
	v51 =	vmax.f32 v12, $0.0e+00  }
0x9c: {  	v57 =	vmul.f32 v23, v27;
	v52 =	vcvt.f32.s32 v52;
	v56 =	vadd.s32 v62, v56  }
0x9d: {  	v59 =	vcvt.f32.s32 v59;
	v7 =	vadd.s32 v49, v7;
	v49 =	vmul.f32 v22, v27  }
0x9e: {  	v51 =	vmin.f32 v51, v28;
	v58 =	vadd.s32 v58, v50;
	v60 =	vadd.s32 v60, v56  }
0x9f: {  	v50 =	vand.u32 $0x7F, v50;
	v56 =	vand.u32 $0x7F, v56;
	v48 =	vadd.f32 v11, v48  }
0xa0: {  	v51 =	vtrunc.f32 v51;
	v57 =	vmax.f32 v57, $0.0e+00;
	v53 =	vadd.s32 v53, v7  }
0xa1: {  	v7 =	vand.u32 $0x7F, v7;
	v10 =	vand.u32 $0xFFFFFF80, v58;
	v11 =	vand.u32 $0xFFFFFF80, v60  }
0xa2: {  	v46 =	vadd.s32 v59, v46;
	v52 =	vshll.u32 v52, $0x5;
	v49 =	vmax.f32 v49, $0.0e+00  }
0xa3: {  	v51 =	vcvt.f32.s32 v51;
	v9 =	vand.u32 $0xFFFFFF80, v53;
	v47 =	vor.u32 v50, v10  }
0xa4: {  	v56 =	vor.u32 v56, v11;
	v14 =	vadd.s32 $0x8000, v46;
	v22 =	vmin.f32 v57, v28  }
0xa5: {  	v7 =	vor.u32 v7, v9;
	v13 =	vadd.s32 $0x8000, v47;
	v62 =	vadd.s32 $0x8000, v56;
	v58 =	vld.idx.msk [tilespmem:v58+s2+$0x0], $0xffff  }
0xa6: {  	v49 =	vmin.f32 v49, v28;
	v5 =	vadd.f32 v48, v5;
	v48 =	vtrunc.f32 v22;
	v60 =	vld.idx.msk [tilespmem:v60+s2+$0x0], $0xffff  }
0xa7: {  	v12 =	vadd.s32 $0x8000, v7;
	v51 =	vshll.u32 v51, $0x5;
	v49 =	vtrunc.f32 v49;
	v15 =	vld.idx.msk [tilespmem:v46+s2+$0x0], $0xffff  }
0xa8: {  	v48 =	vcvt.f32.s32 v48;
	v51 =	vadd.s32 v54, v51;
	v49 =	vcvt.f32.s32 v49;
	v53 =	vld.idx.msk [tilespmem:v53+s2+$0x0], $0xffff  }
0xa9: {  	v6 =	vadd.s32 v6, v55;
	v45 =	vadd.s32 v45, v52;
	v51 =	vadd.s32 v61, v51;
	v54 =	vld.idx.msk [tilespmem:v14+s2+$0x0], $0xffff  }
0xaa: {  	v6 =	vadd.s32 v48, v6;
	v21 =	vadd.s32 $0x8000, v51;
	v45 =	vadd.s32 v49, v45;
	v59 =	vld.idx.msk [tilespmem:v13+s2+$0x0], $0xffff  }
0xab: {  	v7 =	vadd.s32 $0x10000, v7;
	v10 =	vadd.s32 $0x8000, v6;
	v23 =	vld.idx.msk [tilespmem:v62+s2+$0x0], $0xffff;
	v57 =	vadd.s32 $0x8000, v45  }
0xac: {  	v22 =	vadd.s32 $0x10000, v51;
	v50 =	vld.idx.msk [tilespmem:v12+s2+$0x0], $0xffff;
	v62 =	vsub.f32 v35, v15;
	v35 =	vimm.f32 $0.0e+00  }
0xad: {  	v13 =	vadd.s32 $0x10000, v47;
	v42 =	vsub.f32 v42, v58;
	v5 =	vadd.f32 v5, v35  }
0xae: {  	v12 =	vadd.s32 $0x10000, v46;
	v44 =	vsub.f32 v44, v60;
	v43 =	vsub.f32 v43, v53  }
0xaf: {  	v15 =	vadd.s32 $0x10000, v56;
	v9 =	vld.idx.msk [tilespmem:v21+s2+$0x0], $0xffff;
	v11 =	vsub.f32 v29, v54;
	v42 =	vmul.f32 v42, v42;
	[tilespmem:$0x1FFD0] =	vst v5  }
0xb0: {  	v44 =	vmul.f32 v44, v44;
	v3 =	vsub.f32 v3, v59;
	v4 =	vsub.f32 v4, v23;
	v53 =	vld.idx.msk [tilespmem:v57+s2+$0x0], $0xffff  }
0xb1: {  	v60 =	vmul.f32 v62, v62;
	v2 =	vsub.f32 v2, v50;
	v62 =	vmul.f32 v11, v11;
	v14 =	vld.idx.msk [tilespmem:v51+s2+$0x0], $0xffff  }
0xb2: {  	v43 =	vmul.f32 v43, v43;
	v5 =	vadd.s32 $0x10000, v45;
	v21 =	vld.idx.msk [tilespmem:v45+s2+$0x0], $0xffff;
	v3 =	vmul.f32 v3, v3  }
0xb3: {  	v23 =	vld.idx.msk [tilespmem:v10+s2+$0x0], $0xffff;
	v61 =	vmul.f32 v4, v4;
	v2 =	vmul.f32 v2, v2;
	v45 =	vadd.f32 v62, v60  }
0xb4: {  	v4 =	vld.idx.msk [tilespmem:v6+s2+$0x0], $0xffff;
	v6 =	vadd.s32 $0x10000, v6;
	v41 =	vsub.f32 v41, v9;
	v3 =	vadd.f32 v3, v42  }
0xb5: {  	v50 =	vld.idx.msk [tilespmem:v7+s2+$0x0], $0xffff;
	v42 =	vimm.f32 $0.0e+00;
	v2 =	vadd.f32 v2, v43;
	v43 =	vimm.f32 $0.0e+00  }
0xb6: {  	v51 =	vld.idx.msk [tilespmem:v13+s2+$0x0], $0xffff;
	v47 =	vmul.f32 v41, v41;
	v40 =	vsub.f32 v40, v53;
	v7 =	vsub.f32 v0, v14  }
0xb7: {  	v49 =	vld.idx.msk [tilespmem:v15+s2+$0x0], $0xffff;
	v41 =	vimm.f32 $0.0e+00;
	v0 =	vadd.f32 v61, v44;
	v52 =	vsub.f32 v39, v21  }
0xb8: {  	v48 =	vsub.f32 v1, v23;
	v1 =	vld.idx.msk [tilespmem:v12+s2+$0x0], $0xffff;
	v39 =	vimm.f32 $0.0e+00;
	v44 =	vimm.f32 $0.0e+00  }
0xb9: {  	s1 =	simm.s32 $0x70;
	s28 =	simm.s32 $0x0;
	v53 =	vld.idx.msk [tilespmem:v22+s2+$0x0], $0xffff;
	v46 =	vmul.f32 v40, v40;
	v7 =	vmul.f32 v7, v7;
	v40 =	vimm.f32 $0.0e+00  }
.LBB2_2:
0xba: {  	v8 =	vld [tilespmem:$0x1FFE0]  }
0xbb: {  	v9 =	vld [tilespmem:$0x1FFF0]  }
0xbc: {  	s22 =	sadd.s32 $0xFFFFFFD0, s1;
	v5 =	vld.idx.msk [tilespmem:v5+s2+$0x0], $0xffff  }
0xbd: {  	s3 =	sadd.s32 $0xFFFFFFE0, s1;
	s4 =	sadd.s32 $0xFFFFFFF0, s1;
	v54 =	vor.u32 s1, v63;
	v6 =	vld.idx.msk [tilespmem:v6+s2+$0x0], $0xffff;
	v55 =	vor.u32 s22, v63  }
0xbe: {  	v12 =	vld [tilespmem:$0x1FF30];
	v57 =	vor.u32 s4, v63;
	v61 =	vor.u32 s3, v63;
	v7 =	vadd.f32 v47, v7  }
0xbf: {  	v15 =	vld [tilespmem:$0x1FF40];
	v22 =	vmul.f32 v52, v52;
	v37 =	vsub.f32 v37, v51;
	v30 =	vsub.f32 v18, v4  }
0xc0: {  	v14 =	vld [tilespmem:$0x1FF50];
	v48 =	vmul.f32 v48, v48;
	v36 =	vsub.f32 v36, v50;
	v38 =	vsub.f32 v38, v49  }
0xc1: {  	v16 =	vld [tilespmem:$0x1FF70];
	v1 =	vsub.f32 v31, v1;
	v31 =	vsub.f32 v33, v53;
	v23 =	vmul.f32 v37, v37  }
0xc2: {  	v17 =	vld [tilespmem:$0x1FF60];
	v50 =	vadd.f32 v46, v22;
	v58 =	vor.u32 s1, v8;
	v59 =	vor.u32 s4, v8  }
0xc3: {  	v60 =	vor.u32 s1, v9;
	v56 =	vor.u32 s22, v8;
	v62 =	vor.u32 s3, v8;
	v4 =	vld.idx.msk [tilespmem:v54+s25+$0x0], $0xffff  }
0xc4: {  	v21 =	vor.u32 s22, v9;
	v8 =	vor.u32 s3, v9;
	v5 =	vsub.f32 v32, v5;
	v10 =	vld.idx.msk [tilespmem:v57+s25+$0x0], $0xffff  }
0xc5: {  	v6 =	vsub.f32 v34, v6;
	v30 =	vmul.f32 v30, v30;
	v36 =	vmul.f32 v36, v36;
	v34 =	vld.idx.msk [tilespmem:v55+s25+$0x0], $0xffff  }
0xc6: {  	[tilespmem:$0x1FF20] =	vst v7;
	v9 =	vor.u32 s4, v9;
	v7 =	vmul.f32 v38, v38;
	v57 =	vmul.f32 v1, v1;
	v37 =	vld.idx.msk [tilespmem:v61+s25+$0x0], $0xffff  }
0xc7: {  	v54 =	vadd.f32 v3, v23;
	v55 =	vmul.f32 v5, v5;
	v61 =	vmul.f32 v6, v6;
	v33 =	vld.idx.msk [tilespmem:v59+s25+$0x0], $0xffff  }
0xc8: {  	v51 =	vadd.f32 v2, v36;
	v1 =	vld.idx.msk [tilespmem:v56+s25+$0x0], $0xffff;
	v59 =	vmul.f32 v31, v31;
	v46 =	vmul.f32 v4, v15  }
0xc9: {  	v2 =	vmul.f32 v4, v12;
	v3 =	vld.idx.msk [tilespmem:v62+s25+$0x0], $0xffff;
	v56 =	vadd.f32 v0, v7;
	v52 =	vmul.f32 v10, v15  }
0xca: {  	v36 =	vld.idx.msk [tilespmem:v58+s25+$0x0], $0xffff;
	v0 =	vmul.f32 v10, v12;
	v31 =	vmul.f32 v34, v12;
	v5 =	vadd.f32 v46, v26  }
0xcb: {  	v38 =	vld.idx.msk [tilespmem:v21+s25+$0x0], $0xffff;
	v62 =	vmul.f32 v34, v15;
	v63 =	vmul.f32 v37, v12  }
0xcc: {  	v25 =	vld [tilespmem:$0x1FFC0];
	v53 =	vadd.f32 v48, v30;
	v49 =	vmul.f32 v37, v15;
	v5 =	vmul.f32 v5, v27  }
0xcd: {  	v57 =	vadd.f32 v57, v45;
	v9 =	vld.idx.msk [tilespmem:v9+s25+$0x0], $0xffff;
	v7 =	vmul.f32 v33, v14;
	v47 =	vmul.f32 v33, v17  }
0xce: {  	v42 =	vadd.f32 v54, v42;
	v21 =	vmul.f32 v1, v14;
	v58 =	vmul.f32 v1, v17  }
0xcf: {  	v13 =	vld.idx.msk [tilespmem:v60+s25+$0x0], $0xffff;
	v6 =	vadd.f32 v52, v26;
	v60 =	vmul.f32 v3, v17;
	v32 =	vmul.f32 v36, v14  }
0xd0: {  	v20 =	vld [tilespmem:$0x1FF80];
	v11 =	vadd.f32 v62, v26;
	v48 =	vmul.f32 v36, v17;
	v12 =	vmul.f32 v38, v16  }
0xd1: {  	v8 =	vld.idx.msk [tilespmem:v8+s25+$0x0], $0xffff;
	v6 =	vmul.f32 v6, v27;
	v5 =	vmax.f32 v5, $0.0e+00;
	v0 =	vadd.f32 v7, v0  }
0xd2: {  	v19 =	vld [tilespmem:$0x1FF90];
	v7 =	vmul.f32 v9, v16;
	v2 =	vadd.f32 v32, v2;
	v32 =	vmul.f32 v9, v25  }
0xd3: {  	v23 =	vld [tilespmem:$0x1FFA0];
	v30 =	vadd.f32 v47, v26;
	v29 =	vadd.f32 v48, v26;
	v6 =	vmax.f32 v6, $0.0e+00  }
0xd4: {  	v24 =	vld [tilespmem:$0x1FFB0];
	v5 =	vmin.f32 v5, v28;
	v6 =	vmin.f32 v6, v28;
	v0 =	vadd.f32 v7, v0  }
0xd5: {  	v5 =	vtrunc.f32 v5;
	v7 =	vadd.f32 v21, v31;
	v31 =	vmul.f32 v3, v14  }
0xd6: {  	v14 =	vadd.f32 v58, v26;
	v21 =	vmul.f32 v8, v16;
	v0 =	vadd.f32 v0, v20  }
0xd7: {  	v16 =	vmul.f32 v13, v16;
	v6 =	vtrunc.f32 v6;
	v63 =	vadd.f32 v31, v63  }
0xd8: {  	v7 =	vadd.f32 v12, v7;
	v31 =	vmul.f32 v0, v23;
	v22 =	vmul.f32 v0, v19  }
0xd9: {  	v2 =	vadd.f32 v16, v2;
	v0 =	vmul.f32 v0, v24;
	v12 =	vadd.f32 v21, v63  }
0xda: {  	v5 =	vcvt.f32.s32 v5;
	v10 =	vsub.f32 v10, v31;
	v15 =	vsub.f32 v33, v22  }
0xdb: {  	v6 =	vcvt.f32.s32 v6;
	v7 =	vadd.f32 v7, v20;
	v17 =	vsub.f32 v9, v0  }
0xdc: {  	v5 =	vshll.u32 v5, $0xA;
	v0 =	vadd.f32 v10, v26;
	v22 =	vadd.f32 v15, v26  }
0xdd: {  	v31 =	vmul.f32 v38, v25;
	v33 =	vmul.f32 v8, v25;
	v18 =	vadd.f32 v17, v26  }
0xde: {  	v2 =	vadd.f32 v2, v20;
	v0 =	vmul.f32 v0, v27;
	v21 =	vmul.f32 v22, v27  }
0xdf: {  	v12 =	vadd.f32 v12, v20;
	v16 =	vmul.f32 v18, v27;
	v18 =	vmul.f32 v7, v19  }
0xe0: {  	v20 =	vmul.f32 v7, v23;
	v7 =	vmul.f32 v7, v24;
	v0 =	vmax.f32 v0, $0.0e+00  }
0xe1: {  	v9 =	vmax.f32 v21, $0.0e+00;
	v16 =	vmax.f32 v16, $0.0e+00;
	v63 =	vsub.f32 v1, v18  }
0xe2: {  	v18 =	vmul.f32 v12, v19;
	v19 =	vmul.f32 v2, v19;
	v9 =	vmin.f32 v9, v28  }
0xe3: {  	v0 =	vmin.f32 v0, v28;
	v16 =	vmin.f32 v16, v28;
	v9 =	vtrunc.f32 v9  }
0xe4: {  	v22 =	vtrunc.f32 v16;
	v16 =	vadd.f32 v49, v26;
	v1 =	vcvt.f32.s32 v9  }
0xe5: {  	v6 =	vshll.u32 v6, $0xA;
	v0 =	vtrunc.f32 v0;
	v9 =	vcvt.f32.s32 v22  }
0xe6: {  	v0 =	vcvt.f32.s32 v0;
	v16 =	vmul.f32 v16, v27;
	v1 =	vshll.u32 v1, $0x5  }
0xe7: {  	v1 =	vadd.s32 v9, v1;
	v9 =	vmul.f32 v12, v23;
	v12 =	vmul.f32 v12, v24  }
0xe8: {  	v0 =	vshll.u32 v0, $0xA;
	v23 =	vmul.f32 v2, v23;
	v24 =	vmul.f32 v2, v24  }
0xe9: {  	v2 =	vsub.f32 v34, v20;
	v34 =	vmul.f32 v13, v25;
	v16 =	vmax.f32 v16, $0.0e+00  }
0xea: {  	v21 =	vadd.s32 v0, v1;
	v1 =	vand.u32 $0x7F, v1;
	v16 =	vmin.f32 v16, v28  }
0xeb: {  	v0 =	vand.u32 $0xFFFFFF80, v21;
	v4 =	vsub.f32 v4, v23;
	v23 =	vadd.f32 v63, v26  }
0xec: {  	v22 =	vor.u32 v1, v0;
	v1 =	vsub.f32 v3, v18;
	v0 =	vsub.f32 v36, v19  }
0xed: {  	v16 =	vtrunc.f32 v16;
	v36 =	vsub.f32 v38, v7;
	v3 =	vsub.f32 v37, v9  }
0xee: {  	v37 =	vsub.f32 v8, v12;
	v8 =	vmul.f32 v11, v27;
	v38 =	vsub.f32 v13, v24  }
0xef: {  	v11 =	vmul.f32 v14, v27;
	v14 =	vadd.f32 v2, v26;
	v24 =	vadd.f32 v60, v26  }
0xf0: {  	v16 =	vcvt.f32.s32 v16;
	v9 =	vmul.f32 v23, v27;
	v23 =	vadd.f32 v4, v26  }
0xf1: {  	v18 =	vadd.s32 $0x8000, v22;
	v12 =	vadd.f32 v1, v26;
	v19 =	vadd.f32 v0, v26  }
0xf2: {  	v7 =	vadd.s32 $0x10000, v22;
	v20 =	vadd.f32 v36, v26;
	v22 =	vadd.f32 v37, v26  }
0xf3: {  	v25 =	vadd.f32 v38, v26;
	v14 =	vmul.f32 v14, v27;
	v8 =	vmax.f32 v8, $0.0e+00  }
0xf4: {  	v11 =	vmax.f32 v11, $0.0e+00;
	v16 =	vshll.u32 v16, $0xA;
	v13 =	vld.idx.msk [tilespmem:v21+s2+$0x0], $0xffff;
	v21 =	vadd.f32 v3, v26  }
0xf5: {  	v9 =	vmax.f32 v9, $0.0e+00;
	v8 =	vmin.f32 v8, v28;
	v12 =	vmul.f32 v12, v27  }
0xf6: {  	v11 =	vmin.f32 v11, v28;
	v19 =	vmul.f32 v19, v27;
	v20 =	vmul.f32 v20, v27  }
0xf7: {  	v22 =	vmul.f32 v22, v27;
	v9 =	vmin.f32 v9, v28;
	v8 =	vtrunc.f32 v8  }
0xf8: {  	v14 =	vmax.f32 v14, $0.0e+00;
	v11 =	vtrunc.f32 v11;
	v21 =	vmul.f32 v21, v27  }
0xf9: {  	v9 =	vtrunc.f32 v9;
	v14 =	vmin.f32 v14, v28;
	v8 =	vcvt.f32.s32 v8  }
0xfa: {  	v11 =	vcvt.f32.s32 v11;
	v12 =	vmax.f32 v12, $0.0e+00;
	v19 =	vmax.f32 v19, $0.0e+00  }
0xfb: {  	v18 =	vld.idx.msk [tilespmem:v18+s2+$0x0], $0xffff;
	v20 =	vmax.f32 v20, $0.0e+00;
	v9 =	vcvt.f32.s32 v9;
	v14 =	vtrunc.f32 v14  }
0xfc: {  	v7 =	vld.idx.msk [tilespmem:v7+s2+$0x0], $0xffff;
	v19 =	vmin.f32 v19, v28;
	v20 =	vmin.f32 v20, v28;
	v14 =	vcvt.f32.s32 v14  }
0xfd: {  	v8 =	vshll.u32 v8, $0xA;
	v11 =	vshll.u32 v11, $0x5;
	v10 =	vsub.f32 v10, v13  }
0xfe: {  	v19 =	vtrunc.f32 v19;
	v20 =	vtrunc.f32 v20;
	v9 =	vshll.u32 v9, $0x5  }
0xff: {  	v8 =	vadd.s32 v8, v11;
	v19 =	vcvt.f32.s32 v19;
	v20 =	vcvt.f32.s32 v20  }
0x100: {  	v14 =	vshll.u32 v14, $0xA;
	v10 =	vmul.f32 v10, v10;
	v13 =	vsub.f32 v15, v18  }
0x101: {  	v15 =	vmul.f32 v23, v27;
	v18 =	vmul.f32 v25, v27;
	v7 =	vsub.f32 v17, v7  }
0x102: {  	v17 =	vmul.f32 v24, v27;
	v23 =	vadd.f32 v31, v26;
	v24 =	vmul.f32 v29, v27  }
0x103: {  	v25 =	vadd.f32 v33, v26;
	v29 =	vadd.f32 v34, v26;
	v19 =	vshll.u32 v19, $0x5  }
0x104: {  	v9 =	vadd.s32 v20, v9;
	v13 =	vmul.f32 v13, v13;
	v7 =	vmul.f32 v7, v7  }
0x105: {  	v15 =	vmax.f32 v15, $0.0e+00;
	v18 =	vmax.f32 v18, $0.0e+00;
	v17 =	vmax.f32 v17, $0.0e+00  }
0x106: {  	v24 =	vmax.f32 v24, $0.0e+00;
	v15 =	vmin.f32 v15, v28;
	v18 =	vmin.f32 v18, v28  }
0x107: {  	v17 =	vmin.f32 v17, v28;
	v10 =	vadd.f32 v13, v10;
	v13 =	vmul.f32 v30, v27  }
0x108: {  	v24 =	vmin.f32 v24, v28;
	v15 =	vtrunc.f32 v15;
	v18 =	vtrunc.f32 v18  }
0x109: {  	v14 =	vadd.s32 v14, v9;
	v17 =	vtrunc.f32 v17;
	v24 =	vtrunc.f32 v24  }
0x10a: {  	v9 =	vand.u32 $0x7F, v9;
	v15 =	vcvt.f32.s32 v15;
	v18 =	vcvt.f32.s32 v18  }
0x10b: {  	v30 =	vld [tilespmem:$0x1FFD0];
	v17 =	vcvt.f32.s32 v17;
	v24 =	vcvt.f32.s32 v24;
	v7 =	vadd.f32 v10, v7  }
0x10c: {  	v10 =	vmin.f32 v12, v28;
	v12 =	vadd.f32 v32, v26;
	v13 =	vmax.f32 v13, $0.0e+00  }
0x10d: {  	v10 =	vtrunc.f32 v10;
	v13 =	vmin.f32 v13, v28;
	v18 =	vadd.s32 v18, v19  }
0x10e: {  	v15 =	vshll.u32 v15, $0xA;
	v17 =	vshll.u32 v17, $0x5;
	v12 =	vmul.f32 v12, v27  }
0x10f: {  	v10 =	vcvt.f32.s32 v10;
	v13 =	vtrunc.f32 v13;
	v15 =	vadd.s32 v15, v18  }
0x110: {  	v18 =	vand.u32 $0x7F, v18;
	v30 =	vadd.f32 v7, v30;
	v7 =	vmax.f32 v21, $0.0e+00  }
0x111: {  	v21 =	vmax.f32 v22, $0.0e+00;
	v22 =	vmul.f32 v23, v27;
	v23 =	vmul.f32 v25, v27  }
0x112: {  	v16 =	vadd.s32 v16, v17;
	v25 =	vmul.f32 v29, v27;
	v13 =	vcvt.f32.s32 v13  }
0x113: {  	v7 =	vmin.f32 v7, v28;
	v21 =	vmin.f32 v21, v28;
	v12 =	vmax.f32 v12, $0.0e+00  }
0x114: {  	v10 =	vshll.u32 v10, $0x5;
	v7 =	vtrunc.f32 v7;
	v21 =	vtrunc.f32 v21  }
0x115: {  	v22 =	vmax.f32 v22, $0.0e+00;
	v23 =	vmax.f32 v23, $0.0e+00;
	v25 =	vmax.f32 v25, $0.0e+00  }
0x116: {  	v12 =	vmin.f32 v12, v28;
	v13 =	vshll.u32 v13, $0x5;
	v7 =	vcvt.f32.s32 v7  }
0x117: {  	v21 =	vcvt.f32.s32 v21;
	v22 =	vmin.f32 v22, v28;
	v23 =	vmin.f32 v23, v28  }
0x118: {  	v20 =	vmin.f32 v25, v28;
	v12 =	vtrunc.f32 v12;
	v6 =	vadd.s32 v6, v13  }
0x119: {  	v19 =	vtrunc.f32 v22;
	v20 =	vtrunc.f32 v20;
	v22 =	vshll.u32 v24, $0x5  }
0x11a: {  	v10 =	vadd.s32 v21, v10;
	v7 =	vshll.u32 v7, $0xA;
	v19 =	vcvt.f32.s32 v19  }
0x11b: {  	v21 =	vtrunc.f32 v23;
	v23 =	vld.idx.msk [tilespmem:v14+s2+$0x0], $0xffff;
	v14 =	vand.u32 $0xFFFFFF80, v14;
	v7 =	vadd.s32 v7, v10  }
0x11c: {  	v12 =	vcvt.f32.s32 v12;
	v9 =	vor.u32 v9, v14;
	v8 =	vadd.s32 v19, v8  }
0x11d: {  	v20 =	vcvt.f32.s32 v20;
	v21 =	vcvt.f32.s32 v21;
	v14 =	vadd.s32 $0x8000, v9  }
0x11e: {  	v45 =	vld [tilespmem:$0x1FF20];
	v5 =	vadd.s32 v5, v22;
	v12 =	vadd.s32 v12, v6;
	v17 =	vadd.s32 $0x8000, v8  }
0x11f: {  	v11 =	vld.idx.msk [tilespmem:v15+s2+$0x0], $0xffff;
	v13 =	vadd.s32 v21, v16;
	v16 =	vadd.s32 v20, v5;
	v20 =	vadd.s32 $0x8000, v12  }
0x120: {  	v15 =	vand.u32 $0xFFFFFF80, v15;
	v10 =	vand.u32 $0x7F, v10;
	v24 =	vld.idx.msk [tilespmem:v7+s2+$0x0], $0xffff;
	v7 =	vand.u32 $0xFFFFFF80, v7  }
0x121: {  	v22 =	vadd.s32 $0x10000, v8;
	v21 =	vadd.s32 $0x8000, v16;
	v7 =	vor.u32 v10, v7;
	v8 =	vld.idx.msk [tilespmem:v8+s2+$0x0], $0xffff  }
0x122: {  	v29 =	vadd.f32 v61, v53;
	v10 =	vor.u32 v18, v15;
	v14 =	vld.idx.msk [tilespmem:v14+s2+$0x0], $0xffff;
	v15 =	vadd.s32 $0x8000, v7  }
0x123: {  	v35 =	vadd.f32 v51, v35;
	v39 =	vadd.f32 v57, v39;
	v19 =	vadd.s32 $0x8000, v10;
	v17 =	vld.idx.msk [tilespmem:v17+s2+$0x0], $0xffff  }
0x124: {  	v43 =	vadd.f32 v56, v43;
	v41 =	vadd.f32 v29, v41;
	v9 =	vadd.s32 $0x10000, v9;
	v20 =	vld.idx.msk [tilespmem:v20+s2+$0x0], $0xffff  }
0x125: {  	v25 =	vadd.s32 $0x10000, v13;
	v2 =	vsub.f32 v2, v23;
	v18 =	vadd.s32 $0x8000, v13;
	v13 =	vld.idx.msk [tilespmem:v13+s2+$0x0], $0xffff  }
0x126: {  	v5 =	vadd.s32 $0x10000, v12;
	v4 =	vsub.f32 v4, v11;
	v7 =	vadd.s32 $0x10000, v7;
	v57 =	vld.idx.msk [tilespmem:v21+s2+$0x0], $0xffff  }
0x127: {  	v6 =	vadd.s32 $0x10000, v16;
	v23 =	vadd.f32 v59, v45;
	v2 =	vmul.f32 v2, v2;
	v15 =	vld.idx.msk [tilespmem:v15+s2+$0x0], $0xffff  }
0x128: {  	v3 =	vsub.f32 v3, v24;
	v24 =	vmul.f32 v4, v4;
	v4 =	vadd.f32 v55, v50;
	v19 =	vld.idx.msk [tilespmem:v19+s2+$0x0], $0xffff  }
0x129: {  	v44 =	vadd.f32 v23, v44;
	v10 =	vadd.s32 $0x10000, v10;
	v55 =	vld.idx.msk [tilespmem:v12+s2+$0x0], $0xffff;
	v8 =	vsub.f32 v62, v8  }
0x12a: {  	[tilespmem:$0x1FFD0] =	vst v30;
	v18 =	vld.idx.msk [tilespmem:v18+s2+$0x0], $0xffff;
	v14 =	vsub.f32 v63, v14;
	v63 =	vlaneseq.u32;
	v40 =	vadd.f32 v4, v40  }
0x12b: {  	s28 =	sadd.s32 $0x4, s28;
	v3 =	vmul.f32 v3, v3;
	v59 =	vsub.f32 v58, v17;
	v51 =	vld.idx.msk [tilespmem:v7+s2+$0x0], $0xffff;
	v7 =	vsub.f32 v47, v20  }
0x12c: {  	p0 =	slt.u32 s28, $0xFC;
	v53 =	vld.idx.msk [tilespmem:v25+s2+$0x0], $0xffff;
	v13 =	vsub.f32 v49, v13;
	v56 =	vmul.f32 v14, v14;
	v48 =	vsub.f32 v48, v57  }
.Ltmp0:
0x12d: {  	v50 =	vld.idx.msk [tilespmem:v9+s2+$0x0], $0xffff;
	v8 =	vmul.f32 v8, v8;
	v1 =	vsub.f32 v1, v15;
	v0 =	vsub.f32 v0, v19;
	(pc) =	sbr.rel @p0 .LBB2_2-.Ltmp0, $4  }
0x12e: {  	v4 =	vld.idx.msk [tilespmem:v16+s2+$0x0], $0xffff;
	v62 =	vmul.f32 v59, v59;
	v2 =	vadd.f32 v56, v2;
	v52 =	vsub.f32 v52, v55  }
0x12f: {  	v49 =	vld.idx.msk [tilespmem:v10+s2+$0x0], $0xffff;
	v61 =	vsub.f32 v60, v18;
	v1 =	vmul.f32 v1, v1;
	v0 =	vmul.f32 v0, v0  }
0x130: {  	v18 =	vmovc v46;
	v45 =	vadd.f32 v62, v8;
	v46 =	vmul.f32 v7, v7;
	v7 =	vmul.f32 v13, v13  }
0x131: {  	s1 =	sadd.s32 $0x40, s1;
	v47 =	vmul.f32 v61, v61;
	v3 =	vadd.f32 v1, v3;
	v0 =	vadd.f32 v0, v24;
	v1 =	vld.idx.msk [tilespmem:v22+s2+$0x0], $0xffff  }
0x132: {  	_ =	sdelay $0x3  }
0x133: {  	v5 =	vld.idx.msk [tilespmem:v5+s2+$0x0], $0xffff  }
0x134: {  	v6 =	vld.idx.msk [tilespmem:v6+s2+$0x0], $0xffff;
	_ =	swait.ge [sflag:s23], $0x1000  }
0x135: {  	[sflag:s23] =	ssyncset.done $0x0  }
0x136: {  	[sflag:s23] =	ssyncadd.s32 $0xFFFFF000  }
0x137: {  	_ =	swait.ge [sflag:s23], $0x1000  }
0x138: {  	[sflag:s23] =	ssyncset.done $0x0  }
0x139: {  	[sflag:s23] =	ssyncadd.s32 $0xFFFFF000  }
0x13a: {  	_ =	swait.ge [sflag:s23], $0x1000  }
0x13b: {  	v8 =	vsub.f32 v36, v50;
	v12 =	vmul.f32 v48, v48;
	v13 =	vsub.f32 v33, v53;
	s1 =	simm.s32 $0x30;
	[sflag:s23] =	ssyncset.done $0x0;
	v54 =	vld [tilespmem:$0x1FFE0]  }
0x13c: {  	s3 =	simm.s32 $0x20;
	v4 =	vsub.f32 v18, v4;
	v7 =	vadd.f32 v47, v7;
	v14 =	vor.u32 s1, v63;
	[sflag:s23] =	ssyncadd.s32 $0xFFFFF000  }
0x13d: {  	v11 =	vsub.f32 v38, v49;
	v8 =	vmul.f32 v8, v8;
	v47 =	vmul.f32 v13, v13;
	v56 =	vld [tilespmem:$0x1FFF0];
	[tilespmem:s25], [sflag:$0x2] =	stream.linear.gather [hbm4b:s13+s2], $0x1000, $0x38  }
0x13e: {  	s4 =	simm.s32 $0x19000;
	v15 =	vor.u32 s3, v63;
	v4 =	vmul.f32 v4, v4;
	v1 =	vsub.f32 v31, v1;
	v21 =	vld [tilespmem:$0x1FF30]  }
0x13f: {  	v11 =	vmul.f32 v11, v11;
	v2 =	vadd.f32 v2, v8;
	v7 =	vadd.f32 v47, v7;
	v23 =	vld [tilespmem:$0x1FF40];
	[tilespmem:s4], [sflag:$0x2] =	stream.linear.gather [hbm4b:s14+s2], $0x1000, $0x38  }
0x140: {  	v5 =	vsub.f32 v32, v5;
	v1 =	vmul.f32 v1, v1;
	v22 =	vld [tilespmem:$0x1FF50];
	s4 =	simm.s32 $0x0;
	v8 =	vor.u32 s3, v54  }
0x141: {  	s22 =	simm.s32 $0x1A000;
	v6 =	vsub.f32 v34, v6;
	v0 =	vadd.f32 v0, v11;
	v57 =	vld [tilespmem:$0x1FF70];
	v48 =	vor.u32 s4, v63  }
0x142: {  	v4 =	vadd.f32 v12, v4;
	v58 =	vld [tilespmem:$0x1FF60];
	v1 =	vadd.f32 v1, v45;
	v50 =	vor.u32 s4, v54;
	[tilespmem:s22], [sflag:$0x2] =	stream.linear.gather [hbm4b:s15+s2], $0x1000, $0x38  }
0x143: {  	v6 =	vmul.f32 v6, v6;
	v32 =	vadd.f32 v0, v43;
	v0 =	vor.u32 s1, v54;
	v14 =	vld.idx.msk [tilespmem:v14+s0+$0x0], $0xffff  }
0x144: {  	v9 =	vsub.f32 v37, v51;
	v33 =	vadd.f32 v1, v39;
	v1 =	vor.u32 s4, v56;
	v12 =	vld.idx.msk [tilespmem:v15+s0+$0x0], $0xffff  }
0x145: {  	v34 =	vadd.f32 v7, v44;
	v4 =	vadd.f32 v6, v4;
	v7 =	vor.u32 s1, v56;
	s22 =	simm.s32 $0x10;
	v6 =	vld.idx.msk [tilespmem:v8+s0+$0x0], $0xffff  }
0x146: {  	v10 =	vmul.f32 v52, v52;
	v30 =	vadd.f32 v2, v35;
	v2 =	vor.u32 s22, v54;
	v8 =	vld.idx.msk [tilespmem:v48+s0+$0x0], $0xffff  }
0x147: {  	v9 =	vmul.f32 v9, v9;
	v36 =	vadd.f32 v4, v41;
	v49 =	vor.u32 s3, v56;
	v4 =	vld.idx.msk [tilespmem:v50+s0+$0x0], $0xffff  }
0x148: {  	v10 =	vadd.f32 v46, v10;
	v5 =	vmul.f32 v5, v5;
	v51 =	vor.u32 s22, v63;
	v16 =	vld.idx.msk [tilespmem:v0+s0+$0x0], $0xffff  }
0x149: {  	v3 =	vadd.f32 v3, v9;
	v18 =	vld.idx.msk [tilespmem:v1+s0+$0x0], $0xffff  }
0x14a: {  	v5 =	vadd.f32 v5, v10;
	v52 =	vor.u32 s22, v56;
	v7 =	vld.idx.msk [tilespmem:v7+s0+$0x0], $0xffff;
	v10 =	vmul.f32 v14, v21  }
0x14b: {  	v55 =	vmul.f32 v14, v23;
	v13 =	vld.idx.msk [tilespmem:v2+s0+$0x0], $0xffff;
	v2 =	vmul.f32 v12, v21  }
0x14c: {  	v31 =	vadd.f32 v3, v42;
	v3 =	vld.idx.msk [tilespmem:v49+s0+$0x0], $0xffff;
	v46 =	vmul.f32 v12, v23;
	v53 =	vmul.f32 v6, v22  }
0x14d: {  	v35 =	vadd.f32 v5, v40;
	v9 =	vld.idx.msk [tilespmem:v51+s0+$0x0], $0xffff;
	v17 =	vmul.f32 v8, v21;
	v49 =	vmul.f32 v8, v23  }
0x14e: {  	v5 =	vadd.f32 v55, v26;
	v0 =	vmul.f32 v6, v58;
	v19 =	vmul.f32 v4, v22  }
0x14f: {  	v11 =	vld.idx.msk [tilespmem:v52+s0+$0x0], $0xffff;
	v15 =	vadd.f32 v46, v26;
	v45 =	vmul.f32 v4, v58;
	v61 =	vmul.f32 v18, v57  }
0x150: {  	v52 =	vld [tilespmem:$0x1FFC0];
	v47 =	vmul.f32 v16, v58;
	v44 =	vmul.f32 v7, v57  }
0x151: {  	v15 =	vmul.f32 v15, v27;
	v5 =	vmul.f32 v5, v27  }
0x152: {  	v1 =	vadd.f32 v53, v2;
	v2 =	vmul.f32 v3, v57;
	v21 =	vmul.f32 v9, v21  }
0x153: {  	v60 =	vld [tilespmem:$0x1FF80];
	v20 =	vadd.f32 v49, v26;
	v59 =	vmul.f32 v13, v22;
	v48 =	vmul.f32 v13, v58  }
0x154: {  	v37 =	vld [tilespmem:$0x1FFA0];
	v17 =	vadd.f32 v19, v17;
	v22 =	vmul.f32 v16, v22;
	v42 =	vmul.f32 v11, v57  }
0x155: {  	v29 =	vld [tilespmem:$0x1FF90];
	v24 =	vadd.f32 v45, v26;
	v38 =	vmul.f32 v18, v52;
	v39 =	vmul.f32 v11, v52  }
0x156: {  	v43 =	vld [tilespmem:$0x1FFB0];
	v40 =	vmul.f32 v3, v52;
	v41 =	vmul.f32 v7, v52;
	v2 =	vadd.f32 v2, v1  }
0x157: {  	v15 =	vmax.f32 v15, $0.0e+00;
	v5 =	vmax.f32 v5, $0.0e+00;
	v1 =	vmul.f32 v9, v23  }
0x158: {  	v19 =	vadd.f32 v59, v21;
	v15 =	vmin.f32 v15, v28;
	v2 =	vadd.f32 v2, v60  }
0x159: {  	v10 =	vadd.f32 v22, v10;
	v17 =	vadd.f32 v61, v17;
	v15 =	vtrunc.f32 v15  }
0x15a: {  	v5 =	vmin.f32 v5, v28;
	v62 =	vmul.f32 v2, v37;
	v25 =	vmul.f32 v2, v29  }
0x15b: {  	v19 =	vadd.f32 v42, v19;
	v17 =	vadd.f32 v17, v60;
	v2 =	vmul.f32 v2, v43  }
0x15c: {  	v5 =	vtrunc.f32 v5;
	v12 =	vsub.f32 v12, v62;
	v6 =	vsub.f32 v6, v25  }
0x15d: {  	v15 =	vcvt.f32.s32 v15;
	v19 =	vadd.f32 v19, v60;
	v23 =	vsub.f32 v3, v2  }
0x15e: {  	v5 =	vcvt.f32.s32 v5;
	v2 =	vadd.f32 v12, v26;
	v25 =	vadd.f32 v6, v26  }
0x15f: {  	v53 =	vmul.f32 v17, v29;
	v58 =	vmul.f32 v19, v29;
	v50 =	vadd.f32 v23, v26  }
0x160: {  	v21 =	vadd.f32 v1, v26;
	v2 =	vmul.f32 v2, v27;
	v25 =	vmul.f32 v25, v27  }
0x161: {  	v3 =	vadd.f32 v44, v10;
	v61 =	vmul.f32 v19, v37;
	v51 =	vmul.f32 v50, v27  }
0x162: {  	v19 =	vmul.f32 v19, v43;
	v2 =	vmax.f32 v2, $0.0e+00;
	v57 =	vmax.f32 v25, $0.0e+00  }
0x163: {  	v10 =	vmax.f32 v51, $0.0e+00;
	v25 =	vadd.f32 v3, v60;
	v51 =	vsub.f32 v9, v61  }
0x164: {  	v9 =	vmul.f32 v20, v27;
	v2 =	vmin.f32 v2, v28;
	v22 =	vmin.f32 v57, v28  }
0x165: {  	v10 =	vmin.f32 v10, v28;
	v2 =	vtrunc.f32 v2;
	v22 =	vtrunc.f32 v22  }
0x166: {  	v15 =	vshll.u32 v15, $0xA;
	v10 =	vtrunc.f32 v10;
	v59 =	vmul.f32 v25, v29  }
0x167: {  	v5 =	vshll.u32 v5, $0xA;
	v29 =	vmul.f32 v17, v37;
	v17 =	vmul.f32 v17, v43  }
0x168: {  	v37 =	vmul.f32 v25, v37;
	v9 =	vmax.f32 v9, $0.0e+00;
	v22 =	vcvt.f32.s32 v22  }
0x169: {  	v3 =	vcvt.f32.s32 v2;
	v10 =	vcvt.f32.s32 v10;
	v2 =	vsub.f32 v4, v53  }
0x16a: {  	v53 =	vadd.f32 v51, v26;
	v9 =	vmin.f32 v9, v28;
	v50 =	vsub.f32 v8, v29  }
0x16b: {  	v42 =	vsub.f32 v18, v17;
	v52 =	vsub.f32 v14, v37;
	v17 =	vmul.f32 v21, v27  }
0x16c: {  	v9 =	vtrunc.f32 v9;
	v4 =	vshll.u32 v22, $0x5;
	v3 =	vshll.u32 v3, $0xA  }
0x16d: {  	v20 =	vmul.f32 v53, v27;
	v53 =	vadd.f32 v38, v26;
	v9 =	vcvt.f32.s32 v9  }
0x16e: {  	v4 =	vadd.s32 v10, v4;
	v61 =	vadd.f32 v50, v26;
	v37 =	vadd.f32 v42, v26  }
0x16f: {  	v17 =	vmax.f32 v17, $0.0e+00;
	v60 =	vadd.s32 v3, v4;
	v4 =	vand.u32 $0x7F, v4  }
0x170: {  	v20 =	vmax.f32 v20, $0.0e+00;
	v17 =	vmin.f32 v17, v28;
	v9 =	vshll.u32 v9, $0xA  }
0x171: {  	v3 =	vand.u32 $0xFFFFFF80, v60;
	v20 =	vmin.f32 v20, v28;
	v17 =	vtrunc.f32 v17  }
0x172: {  	v62 =	vor.u32 v4, v3;
	v3 =	vsub.f32 v13, v58;
	v4 =	vsub.f32 v16, v59  }
0x173: {  	v58 =	vmul.f32 v25, v43;
	v43 =	vsub.f32 v11, v19;
	v11 =	vmul.f32 v24, v27  }
0x174: {  	v24 =	vadd.f32 v48, v26;
	v16 =	vmul.f32 v61, v27;
	v19 =	vmul.f32 v37, v27  }
0x175: {  	v61 =	vadd.f32 v47, v26;
	v20 =	vtrunc.f32 v20;
	v17 =	vcvt.f32.s32 v17  }
0x176: {  	v57 =	vadd.s32 $0x8000, v62;
	v8 =	vadd.s32 $0x10000, v62;
	v44 =	vsub.f32 v7, v58  }
0x177: {  	v20 =	vcvt.f32.s32 v20;
	v7 =	vadd.f32 v2, v26;
	v62 =	vadd.f32 v4, v26  }
0x178: {  	v58 =	vadd.f32 v52, v26;
	v24 =	vmul.f32 v24, v27;
	v37 =	vmul.f32 v61, v27  }
0x179: {  	v19 =	vmax.f32 v19, $0.0e+00;
	v16 =	vmax.f32 v16, $0.0e+00;
	v11 =	vmax.f32 v11, $0.0e+00  }
0x17a: {  	v17 =	vshll.u32 v17, $0xA;
	v59 =	vld.idx.msk [tilespmem:v60+s2+$0x0], $0xffff;
	v60 =	vadd.f32 v3, v26;
	v19 =	vmin.f32 v19, v28  }
0x17b: {  	v16 =	vmin.f32 v16, v28;
	v11 =	vmin.f32 v11, v28;
	v7 =	vmul.f32 v7, v27  }
0x17c: {  	v20 =	vshll.u32 v20, $0xA;
	v18 =	vmul.f32 v62, v27;
	v22 =	vmul.f32 v58, v27  }
0x17d: {  	v19 =	vtrunc.f32 v19;
	v58 =	vadd.f32 v40, v26;
	v16 =	vtrunc.f32 v16  }
0x17e: {  	v24 =	vmax.f32 v24, $0.0e+00;
	v11 =	vtrunc.f32 v11;
	v14 =	vmul.f32 v60, v27  }
0x17f: {  	v60 =	vadd.f32 v0, v26;
	v19 =	vcvt.f32.s32 v19;
	v24 =	vmin.f32 v24, v28  }
0x180: {  	v16 =	vcvt.f32.s32 v16;
	v11 =	vcvt.f32.s32 v11;
	v13 =	vld.idx.msk [tilespmem:v57+s2+$0x0], $0xffff;
	v57 =	vadd.f32 v43, v26  }
0x181: {  	v7 =	vmax.f32 v7, $0.0e+00;
	v18 =	vmax.f32 v18, $0.0e+00;
	v22 =	vmax.f32 v22, $0.0e+00  }
0x182: {  	v24 =	vtrunc.f32 v24;
	v14 =	vmax.f32 v14, $0.0e+00;
	v62 =	vmul.f32 v60, v27  }
0x183: {  	v7 =	vmin.f32 v7, v28;
	v18 =	vmin.f32 v18, v28;
	v22 =	vmin.f32 v22, v28  }
0x184: {  	v24 =	vcvt.f32.s32 v24;
	v16 =	vshll.u32 v16, $0xA;
	v11 =	vshll.u32 v11, $0x5  }
0x185: {  	v10 =	vsub.f32 v12, v59;
	v21 =	vmul.f32 v57, v27;
	v7 =	vtrunc.f32 v7  }
0x186: {  	v8 =	vld.idx.msk [tilespmem:v8+s2+$0x0], $0xffff;
	v14 =	vmin.f32 v14, v28;
	v18 =	vtrunc.f32 v18;
	v22 =	vtrunc.f32 v22  }
0x187: {  	v59 =	vadd.f32 v44, v26;
	v14 =	vtrunc.f32 v14;
	v7 =	vcvt.f32.s32 v7  }
0x188: {  	v57 =	vadd.f32 v39, v26;
	v18 =	vcvt.f32.s32 v18;
	v22 =	vcvt.f32.s32 v22  }
0x189: {  	v9 =	vadd.s32 v9, v11;
	v12 =	vmul.f32 v59, v27;
	v10 =	vmul.f32 v10, v10  }
0x18a: {  	v21 =	vmax.f32 v21, $0.0e+00;
	v14 =	vcvt.f32.s32 v14;
	v59 =	vadd.f32 v41, v26  }
0x18b: {  	v6 =	vsub.f32 v6, v13;
	v8 =	vsub.f32 v23, v8;
	v21 =	vmin.f32 v21, v28  }
0x18c: {  	v7 =	vshll.u32 v7, $0x5;
	v23 =	vmul.f32 v53, v27;
	v13 =	vmax.f32 v37, $0.0e+00  }
0x18d: {  	v18 =	vshll.u32 v18, $0x5;
	v22 =	vshll.u32 v22, $0xA;
	v21 =	vtrunc.f32 v21  }
0x18e: {  	v14 =	vshll.u32 v14, $0x5;
	v7 =	vadd.s32 v19, v7;
	v12 =	vmax.f32 v12, $0.0e+00  }
0x18f: {  	v19 =	vmul.f32 v58, v27;
	v13 =	vmin.f32 v13, v28;
	v58 =	vshll.u32 v24, $0x5  }
0x190: {  	v6 =	vmul.f32 v6, v6;
	v8 =	vmul.f32 v8, v8;
	v12 =	vmin.f32 v12, v28  }
0x191: {  	v23 =	vmax.f32 v23, $0.0e+00;
	v13 =	vtrunc.f32 v13;
	v16 =	vadd.s32 v16, v7  }
0x192: {  	v7 =	vand.u32 $0x7F, v7;
	v12 =	vtrunc.f32 v12;
	v19 =	vmax.f32 v19, $0.0e+00  }
0x193: {  	v23 =	vmin.f32 v23, v28;
	v61 =	vand.u32 $0xFFFFFF80, v16;
	v13 =	vcvt.f32.s32 v13  }
0x194: {  	v6 =	vadd.f32 v6, v10;
	v10 =	vmax.f32 v62, $0.0e+00;
	v12 =	vcvt.f32.s32 v12  }
0x195: {  	v19 =	vmin.f32 v19, v28;
	v60 =	vtrunc.f32 v23;
	v7 =	vor.u32 v7, v61  }
0x196: {  	v10 =	vmin.f32 v10, v28;
	v53 =	vadd.s32 $0x8000, v7;
	v19 =	vtrunc.f32 v19  }
0x197: {  	v6 =	vadd.f32 v6, v8;
	v8 =	vcvt.f32.s32 v21;
	v12 =	vadd.s32 v12, v18  }
0x198: {  	v21 =	vmul.f32 v57, v27;
	v10 =	vtrunc.f32 v10;
	v22 =	vadd.s32 v22, v12  }
0x199: {  	v18 =	vcvt.f32.s32 v60;
	v12 =	vand.u32 $0x7F, v12;
	v37 =	vand.u32 $0xFFFFFF80, v22  }
0x19a: {  	v19 =	vcvt.f32.s32 v19;
	v10 =	vcvt.f32.s32 v10;
	v12 =	vor.u32 v12, v37  }
0x19b: {  	v8 =	vadd.s32 v8, v14;
	v14 =	vmul.f32 v59, v27;
	v24 =	vadd.s32 $0x8000, v12  }
0x19c: {  	v25 =	vld [tilespmem:$0x1FFD0];
	v21 =	vmax.f32 v21, $0.0e+00;
	v9 =	vadd.s32 v18, v9;
	v20 =	vadd.s32 v20, v8  }
0x19d: {  	v16 =	vld.idx.msk [tilespmem:v16+s2+$0x0], $0xffff;
	v8 =	vand.u32 $0x7F, v8;
	v10 =	vshll.u32 v10, $0x5;
	v62 =	vand.u32 $0xFFFFFF80, v20  }
0x19e: {  	v59 =	vadd.s32 $0x8000, v9;
	v11 =	vld.idx.msk [tilespmem:v53+s2+$0x0], $0xffff;
	v10 =	vadd.s32 v15, v10;
	v8 =	vor.u32 v8, v62  }
0x19f: {  	v21 =	vmin.f32 v21, v28;
	v10 =	vadd.s32 v19, v10;
	v57 =	vadd.s32 $0x8000, v8;
	v22 =	vld.idx.msk [tilespmem:v22+s2+$0x0], $0xffff  }
0x1a0: {  	v14 =	vmax.f32 v14, $0.0e+00;
	v21 =	vtrunc.f32 v21;
	v62 =	vld.idx.msk [tilespmem:v24+s2+$0x0], $0xffff;
	v24 =	vadd.s32 $0x8000, v10  }
0x1a1: {  	v17 =	vadd.s32 v17, v58;
	v21 =	vcvt.f32.s32 v21;
	v14 =	vmin.f32 v14, v28;
	v60 =	vld.idx.msk [tilespmem:v9+s2+$0x0], $0xffff  }
0x1a2: {  	v13 =	vshll.u32 v13, $0x5;
	v29 =	vadd.f32 v6, v25;
	v14 =	vtrunc.f32 v14;
	v20 =	vld.idx.msk [tilespmem:v20+s2+$0x0], $0xffff  }
0x1a3: {  	v6 =	vsub.f32 v50, v16;
	v17 =	vadd.s32 v21, v17;
	v14 =	vcvt.f32.s32 v14;
	v37 =	vld.idx.msk [tilespmem:v59+s2+$0x0], $0xffff  }
0x1a4: {  	v7 =	vadd.s32 $0x10000, v7;
	v5 =	vadd.s32 v5, v13;
	v61 =	vadd.s32 $0x8000, v17;
	v18 =	vld.idx.msk [tilespmem:v57+s2+$0x0], $0xffff  }
0x1a5: {  	v5 =	vadd.s32 v14, v5;
	v57 =	vsub.f32 v4, v62;
	v4 =	vmul.f32 v6, v6;
	v6 =	vld.idx.msk [tilespmem:v24+s2+$0x0], $0xffff  }
0x1a6: {  	v12 =	vadd.s32 $0x10000, v12;
	v2 =	vsub.f32 v2, v11;
	v53 =	vadd.s32 $0x8000, v5  }
0x1a7: {  	v8 =	vadd.s32 $0x10000, v8;
	v59 =	vld.idx.msk [tilespmem:v10+s2+$0x0], $0xffff;
	v50 =	vsub.f32 v51, v20;
	v51 =	vsub.f32 v52, v22  }
0x1a8: {  	v9 =	vadd.s32 $0x10000, v9;
	v58 =	vld.idx.msk [tilespmem:v17+s2+$0x0], $0xffff;
	v52 =	vsub.f32 v49, v60;
	v13 =	vsub.f32 v45, v37  }
0x1a9: {  	v2 =	vmul.f32 v2, v2;
	v17 =	vadd.s32 $0x10000, v17;
	v15 =	vld.idx.msk [tilespmem:v61+s2+$0x0], $0xffff;
	v14 =	vmul.f32 v50, v50  }
0x1aa: {  	v50 =	vld.idx.msk [tilespmem:v7+s2+$0x0], $0xffff;
	v7 =	vmul.f32 v13, v13;
	v61 =	vsub.f32 v0, v6;
	v6 =	vmul.f32 v52, v52  }
0x1ab: {  	v11 =	vld.idx.msk [tilespmem:v53+s2+$0x0], $0xffff;
	v16 =	vmul.f32 v51, v51;
	v3 =	vsub.f32 v3, v18;
	v2 =	vadd.f32 v2, v4  }
0x1ac: {  	v49 =	vld.idx.msk [tilespmem:v12+s2+$0x0], $0xffff;
	v60 =	vmul.f32 v57, v57;
	v45 =	vadd.f32 v7, v6;
	v7 =	vadd.s32 $0x10000, v10  }
0x1ad: {  	v51 =	vld.idx.msk [tilespmem:v8+s2+$0x0], $0xffff;
	v62 =	vsub.f32 v1, v58;
	v3 =	vmul.f32 v3, v3;
	v6 =	vadd.s32 $0x10000, v5  }
0x1ae: {  	v37 =	vmovc v54;
	v54 =	vmov v56;
	v4 =	vld.idx.msk [tilespmem:v5+s2+$0x0], $0xffff;
	v15 =	vsub.f32 v48, v15;
	v0 =	vadd.f32 v60, v16  }
0x1af: {  	v53 =	vld.idx.msk [tilespmem:v17+s2+$0x0], $0xffff;
	v52 =	vsub.f32 v46, v59;
	v46 =	vmul.f32 v62, v62;
	v3 =	vadd.f32 v3, v14  }
0x1b0: {  	s28 =	simm.s32 $0x0;
	s1 =	simm.s32 $0x70;
	v48 =	vsub.f32 v47, v11;
	v1 =	vmul.f32 v15, v15;
	v47 =	vld.idx.msk [tilespmem:v9+s2+$0x0], $0xffff;
	v5 =	vmul.f32 v61, v61  }
.LBB2_4:
0x1b1: {  	v7 =	vld.idx.msk [tilespmem:v7+s2+$0x0], $0xffff  }
0x1b2: {  	s3 =	sadd.s32 $0xFFFFFFD0, s1;
	s22 =	sadd.s32 $0xFFFFFFF0, s1;
	v8 =	vor.u32 s1, v63;
	v6 =	vld.idx.msk [tilespmem:v6+s2+$0x0], $0xffff  }
0x1b3: {  	s4 =	sadd.s32 $0xFFFFFFE0, s1;
	v11 =	vor.u32 s3, v63;
	v13 =	vor.u32 s22, v63;
	v21 =	vsub.f32 v42, v50;
	v42 =	vld [tilespmem:$0x1FF30]  }
0x1b4: {  	v14 =	vor.u32 s4, v63;
	v9 =	vor.u32 s1, v37;
	v22 =	vsub.f32 v43, v51;
	v43 =	vld [tilespmem:$0x1FF40]  }
0x1b5: {  	v12 =	vor.u32 s3, v37;
	v15 =	vor.u32 s4, v37;
	v16 =	vor.u32 s22, v37;
	v37 =	vld [tilespmem:$0x1FF50]  }
0x1b6: {  	v24 =	vmul.f32 v48, v48;
	v19 =	vsub.f32 v55, v4;
	v63 =	vsub.f32 v39, v53;
	v39 =	vld [tilespmem:$0x1FF60]  }
0x1b7: {  	v1 =	vadd.f32 v1, v46;
	v10 =	vor.u32 s1, v54;
	v17 =	vor.u32 s3, v54;
	v4 =	vld.idx.msk [tilespmem:v8+s0+$0x0], $0xffff  }
0x1b8: {  	v23 =	vsub.f32 v44, v49;
	v25 =	vsub.f32 v38, v47;
	v19 =	vmul.f32 v19, v19;
	v13 =	vld.idx.msk [tilespmem:v13+s0+$0x0], $0xffff  }
0x1b9: {  	v7 =	vsub.f32 v40, v7;
	v6 =	vsub.f32 v41, v6;
	v21 =	vmul.f32 v21, v21;
	v41 =	vld.idx.msk [tilespmem:v11+s0+$0x0], $0xffff  }
0x1ba: {  	[tilespmem:$0x1FF00] =	vst v1;
	v8 =	vmul.f32 v52, v52;
	v40 =	vmul.f32 v22, v22;
	v53 =	vadd.f32 v24, v19;
	v24 =	vld [tilespmem:$0x1FF70]  }
0x1bb: {  	v1 =	vmul.f32 v23, v23;
	v51 =	vmul.f32 v7, v7;
	v7 =	vld.idx.msk [tilespmem:v14+s0+$0x0], $0xffff;
	v2 =	vadd.f32 v2, v21  }
0x1bc: {  	v57 =	vmul.f32 v25, v25;
	v59 =	vmul.f32 v63, v63;
	v52 =	vadd.f32 v5, v8;
	v16 =	vld.idx.msk [tilespmem:v16+s0+$0x0], $0xffff  }
0x1bd: {  	v20 =	vor.u32 s22, v54;
	v61 =	vmul.f32 v6, v6;
	v8 =	vld.idx.msk [tilespmem:v12+s0+$0x0], $0xffff;
	[tilespmem:$0x1FF10] =	vst v2;
	v2 =	vmul.f32 v4, v42  }
0x1be: {  	v50 =	vadd.f32 v3, v40;
	v3 =	vld.idx.msk [tilespmem:v15+s0+$0x0], $0xffff;
	v55 =	vmul.f32 v4, v43;
	v46 =	vmul.f32 v13, v43  }
0x1bf: {  	v56 =	vadd.f32 v0, v1;
	v9 =	vld.idx.msk [tilespmem:v9+s0+$0x0], $0xffff;
	v0 =	vmul.f32 v13, v42;
	v38 =	vmul.f32 v41, v42  }
0x1c0: {  	v18 =	vor.u32 s4, v54;
	v11 =	vld.idx.msk [tilespmem:v17+s0+$0x0], $0xffff;
	v62 =	vmul.f32 v41, v43;
	v42 =	vmul.f32 v7, v42  }
0x1c1: {  	v57 =	vadd.f32 v57, v45;
	v10 =	vld.idx.msk [tilespmem:v10+s0+$0x0], $0xffff;
	v49 =	vmul.f32 v7, v43;
	v1 =	vmul.f32 v16, v37  }
0x1c2: {  	v20 =	vld.idx.msk [tilespmem:v20+s0+$0x0], $0xffff;
	v31 =	vadd.f32 v50, v31;
	v47 =	vmul.f32 v16, v39;
	v40 =	vmul.f32 v8, v37  }
0x1c3: {  	v32 =	vadd.f32 v56, v32;
	v58 =	vmul.f32 v8, v39;
	v43 =	vmul.f32 v3, v37  }
0x1c4: {  	v5 =	vadd.f32 v55, v26;
	v60 =	vmul.f32 v3, v39;
	v44 =	vmul.f32 v9, v37  }
0x1c5: {  	v25 =	vld [tilespmem:$0x1FF80];
	v6 =	vadd.f32 v46, v26;
	v48 =	vmul.f32 v9, v39;
	v63 =	vmul.f32 v11, v24  }
0x1c6: {  	v14 =	vld.idx.msk [tilespmem:v18+s0+$0x0], $0xffff;
	v17 =	vadd.f32 v62, v26;
	v18 =	vmul.f32 v10, v24;
	v5 =	vmul.f32 v5, v27  }
0x1c7: {  	v23 =	vld [tilespmem:$0x1FF90];
	v6 =	vmul.f32 v6, v27;
	v0 =	vadd.f32 v1, v0;
	v1 =	vmul.f32 v20, v24  }
0x1c8: {  	v37 =	vld [tilespmem:$0x1FFA0];
	v12 =	vadd.f32 v43, v42;
	v2 =	vadd.f32 v44, v2;
	v5 =	vmax.f32 v5, $0.0e+00  }
0x1c9: {  	v42 =	vld [tilespmem:$0x1FFB0];
	v6 =	vmax.f32 v6, $0.0e+00;
	v5 =	vmin.f32 v5, v28;
	v0 =	vadd.f32 v1, v0  }
0x1ca: {  	v43 =	vld [tilespmem:$0x1FFC0];
	v1 =	vadd.f32 v40, v38;
	v2 =	vadd.f32 v18, v2;
	v6 =	vmin.f32 v6, v28  }
0x1cb: {  	v5 =	vtrunc.f32 v5;
	v6 =	vtrunc.f32 v6;
	v0 =	vadd.f32 v0, v25  }
0x1cc: {  	v5 =	vcvt.f32.s32 v5;
	v1 =	vadd.f32 v63, v1;
	v63 =	vmul.f32 v14, v24  }
0x1cd: {  	v21 =	vadd.f32 v58, v26;
	v39 =	vmul.f32 v0, v37;
	v54 =	vmul.f32 v0, v23  }
0x1ce: {  	v2 =	vadd.f32 v2, v25;
	v6 =	vcvt.f32.s32 v6;
	v0 =	vmul.f32 v0, v42  }
0x1cf: {  	v38 =	vmul.f32 v11, v43;
	v13 =	vsub.f32 v13, v39;
	v16 =	vsub.f32 v16, v54  }
0x1d0: {  	v40 =	vmul.f32 v20, v43;
	v12 =	vadd.f32 v63, v12;
	v15 =	vsub.f32 v20, v0  }
0x1d1: {  	v22 =	vmul.f32 v2, v23;
	v0 =	vadd.f32 v13, v26;
	v54 =	vadd.f32 v16, v26  }
0x1d2: {  	v39 =	vmul.f32 v14, v43;
	v12 =	vadd.f32 v12, v25;
	v63 =	vadd.f32 v15, v26  }
0x1d3: {  	v1 =	vadd.f32 v1, v25;
	v0 =	vmul.f32 v0, v27;
	v44 =	vmul.f32 v54, v27  }
0x1d4: {  	v5 =	vshll.u32 v5, $0xA;
	v24 =	vmul.f32 v12, v37;
	v54 =	vmul.f32 v63, v27  }
0x1d5: {  	v63 =	vmul.f32 v1, v23;
	v0 =	vmax.f32 v0, $0.0e+00;
	v18 =	vmax.f32 v44, $0.0e+00  }
0x1d6: {  	v19 =	vmax.f32 v54, $0.0e+00;
	v54 =	vmul.f32 v12, v23;
	v23 =	vmul.f32 v1, v37  }
0x1d7: {  	v12 =	vmul.f32 v12, v42;
	v0 =	vmin.f32 v0, v28;
	v18 =	vmin.f32 v18, v28  }
0x1d8: {  	v19 =	vmin.f32 v19, v28;
	v0 =	vtrunc.f32 v0;
	v18 =	vtrunc.f32 v18  }
0x1d9: {  	v63 =	vsub.f32 v8, v63;
	v44 =	vtrunc.f32 v19;
	v8 =	vcvt.f32.s32 v18  }
0x1da: {  	v6 =	vshll.u32 v6, $0xA;
	v0 =	vcvt.f32.s32 v0;
	v18 =	vcvt.f32.s32 v44  }
0x1db: {  	v19 =	vadd.f32 v49, v26;
	v44 =	vmul.f32 v2, v37;
	v37 =	vmul.f32 v2, v42  }
0x1dc: {  	v2 =	vsub.f32 v41, v23;
	v41 =	vmul.f32 v10, v43;
	v43 =	vsub.f32 v14, v12  }
0x1dd: {  	v23 =	vadd.f32 v63, v26;
	v8 =	vshll.u32 v8, $0x5;
	v4 =	vsub.f32 v4, v44  }
0x1de: {  	v0 =	vshll.u32 v0, $0xA;
	v44 =	vsub.f32 v10, v37;
	v37 =	vadd.f32 v2, v26  }
0x1df: {  	v10 =	vmul.f32 v21, v27;
	v8 =	vadd.s32 v18, v8;
	v18 =	vmul.f32 v1, v42  }
0x1e0: {  	v25 =	vadd.s32 v0, v8;
	v1 =	vand.u32 $0x7F, v8;
	v14 =	vmul.f32 v37, v27  }
0x1e1: {  	v37 =	vadd.f32 v47, v26;
	v10 =	vmax.f32 v10, $0.0e+00;
	v0 =	vand.u32 $0xFFFFFF80, v25  }
0x1e2: {  	v42 =	vsub.f32 v11, v18;
	v8 =	vor.u32 v1, v0;
	v1 =	vsub.f32 v3, v54  }
0x1e3: {  	v10 =	vmin.f32 v10, v28;
	v0 =	vsub.f32 v9, v22;
	v3 =	vsub.f32 v7, v24  }
0x1e4: {  	v9 =	vmul.f32 v23, v27;
	v22 =	vadd.f32 v43, v26;
	v23 =	vadd.f32 v4, v26  }
0x1e5: {  	v24 =	vadd.f32 v60, v26;
	v14 =	vmax.f32 v14, $0.0e+00;
	v10 =	vtrunc.f32 v10  }
0x1e6: {  	v54 =	vadd.s32 $0x8000, v8;
	v7 =	vadd.s32 $0x10000, v8;
	v8 =	vmul.f32 v17, v27  }
0x1e7: {  	v17 =	vmul.f32 v19, v27;
	v20 =	vadd.f32 v42, v26;
	v14 =	vmin.f32 v14, v28  }
0x1e8: {  	v10 =	vcvt.f32.s32 v10;
	v11 =	vadd.f32 v1, v26;
	v21 =	vadd.f32 v3, v26  }
0x1e9: {  	v9 =	vmax.f32 v9, $0.0e+00;
	v22 =	vmul.f32 v22, v27;
	v14 =	vtrunc.f32 v14  }
0x1ea: {  	v12 =	vld.idx.msk [tilespmem:v25+s2+$0x0], $0xffff;
	v25 =	vadd.f32 v44, v26;
	v20 =	vmul.f32 v20, v27;
	v9 =	vmin.f32 v9, v28  }
0x1eb: {  	v8 =	vmax.f32 v8, $0.0e+00;
	v17 =	vmax.f32 v17, $0.0e+00;
	v14 =	vcvt.f32.s32 v14  }
0x1ec: {  	v10 =	vshll.u32 v10, $0x5;
	v11 =	vmul.f32 v11, v27;
	v21 =	vmul.f32 v21, v27  }
0x1ed: {  	v9 =	vtrunc.f32 v9;
	v8 =	vmin.f32 v8, v28;
	v17 =	vmin.f32 v17, v28  }
0x1ee: {  	v20 =	vmax.f32 v20, $0.0e+00;
	v9 =	vcvt.f32.s32 v9;
	v8 =	vtrunc.f32 v8  }
0x1ef: {  	v17 =	vtrunc.f32 v17;
	v14 =	vshll.u32 v14, $0xA;
	v18 =	vld.idx.msk [tilespmem:v54+s2+$0x0], $0xffff;
	v54 =	vadd.f32 v0, v26  }
0x1f0: {  	v11 =	vmax.f32 v11, $0.0e+00;
	v20 =	vmin.f32 v20, v28;
	v8 =	vcvt.f32.s32 v8  }
0x1f1: {  	v17 =	vcvt.f32.s32 v17;
	v11 =	vmin.f32 v11, v28;
	v20 =	vtrunc.f32 v20  }
0x1f2: {  	v7 =	vld.idx.msk [tilespmem:v7+s2+$0x0], $0xffff;
	v9 =	vshll.u32 v9, $0x5;
	v19 =	vmul.f32 v54, v27;
	v54 =	vadd.f32 v48, v26  }
0x1f3: {  	v12 =	vsub.f32 v13, v12;
	v11 =	vtrunc.f32 v11;
	v20 =	vcvt.f32.s32 v20  }
0x1f4: {  	v8 =	vshll.u32 v8, $0xA;
	v17 =	vshll.u32 v17, $0xA;
	v11 =	vcvt.f32.s32 v11  }
0x1f5: {  	v8 =	vadd.s32 v8, v10;
	v12 =	vmul.f32 v12, v12;
	v19 =	vmax.f32 v19, $0.0e+00  }
0x1f6: {  	v9 =	vadd.s32 v20, v9;
	v13 =	vsub.f32 v16, v18;
	v16 =	vmul.f32 v23, v27  }
0x1f7: {  	v18 =	vmul.f32 v25, v27;
	v7 =	vsub.f32 v15, v7;
	v15 =	vmul.f32 v24, v27  }
0x1f8: {  	v23 =	vadd.f32 v38, v26;
	v24 =	vmul.f32 v54, v27;
	v25 =	vadd.f32 v39, v26  }
0x1f9: {  	v19 =	vmin.f32 v19, v28;
	v11 =	vshll.u32 v11, $0x5;
	v14 =	vadd.s32 v14, v9  }
0x1fa: {  	v9 =	vand.u32 $0x7F, v9;
	v19 =	vtrunc.f32 v19;
	v13 =	vmul.f32 v13, v13  }
0x1fb: {  	v7 =	vmul.f32 v7, v7;
	v16 =	vmax.f32 v16, $0.0e+00;
	v18 =	vmax.f32 v18, $0.0e+00  }
0x1fc: {  	v15 =	vmax.f32 v15, $0.0e+00;
	v24 =	vmax.f32 v24, $0.0e+00;
	v19 =	vcvt.f32.s32 v19  }
0x1fd: {  	v16 =	vmin.f32 v16, v28;
	v18 =	vmin.f32 v18, v28;
	v15 =	vmin.f32 v15, v28  }
0x1fe: {  	v12 =	vadd.f32 v13, v12;
	v13 =	vmul.f32 v37, v27;
	v16 =	vtrunc.f32 v16  }
0x1ff: {  	v24 =	vmin.f32 v24, v28;
	v18 =	vtrunc.f32 v18;
	v15 =	vtrunc.f32 v15  }
0x200: {  	v37 =	vadd.f32 v41, v26;
	v24 =	vtrunc.f32 v24;
	v16 =	vcvt.f32.s32 v16  }
0x201: {  	v19 =	vshll.u32 v19, $0x5;
	v18 =	vcvt.f32.s32 v18;
	v15 =	vcvt.f32.s32 v15  }
0x202: {  	v24 =	vcvt.f32.s32 v24;
	v7 =	vadd.f32 v12, v7;
	v13 =	vmax.f32 v13, $0.0e+00  }
0x203: {  	v12 =	vadd.f32 v40, v26;
	v13 =	vmin.f32 v13, v28;
	v18 =	vadd.s32 v18, v19  }
0x204: {  	v16 =	vshll.u32 v16, $0xA;
	v29 =	vadd.f32 v7, v29;
	v7 =	vmax.f32 v21, $0.0e+00  }
0x205: {  	v21 =	vmax.f32 v22, $0.0e+00;
	v22 =	vmul.f32 v23, v27;
	v23 =	vmul.f32 v25, v27  }
0x206: {  	v15 =	vshll.u32 v15, $0x5;
	v12 =	vmul.f32 v12, v27;
	v25 =	vmul.f32 v37, v27  }
0x207: {  	v13 =	vtrunc.f32 v13;
	v16 =	vadd.s32 v16, v18;
	v18 =	vand.u32 $0x7F, v18  }
0x208: {  	v7 =	vmin.f32 v7, v28;
	v21 =	vmin.f32 v21, v28;
	v13 =	vcvt.f32.s32 v13  }
0x209: {  	v15 =	vadd.s32 v17, v15;
	v7 =	vtrunc.f32 v7;
	v21 =	vtrunc.f32 v21  }
0x20a: {  	v22 =	vmax.f32 v22, $0.0e+00;
	v23 =	vmax.f32 v23, $0.0e+00;
	v12 =	vmax.f32 v12, $0.0e+00  }
0x20b: {  	v25 =	vmax.f32 v25, $0.0e+00;
	v7 =	vcvt.f32.s32 v7;
	v21 =	vcvt.f32.s32 v21  }
0x20c: {  	v22 =	vmin.f32 v22, v28;
	v23 =	vmin.f32 v23, v28;
	v12 =	vmin.f32 v12, v28  }
0x20d: {  	v20 =	vmin.f32 v25, v28;
	v19 =	vtrunc.f32 v22;
	v37 =	vtrunc.f32 v23  }
0x20e: {  	v23 =	vld.idx.msk [tilespmem:v14+s2+$0x0], $0xffff;
	v14 =	vand.u32 $0xFFFFFF80, v14;
	v11 =	vadd.s32 v21, v11;
	v7 =	vshll.u32 v7, $0xA  }
0x20f: {  	v19 =	vcvt.f32.s32 v19;
	v9 =	vor.u32 v9, v14;
	v7 =	vadd.s32 v7, v11  }
0x210: {  	v12 =	vtrunc.f32 v12;
	v21 =	vcvt.f32.s32 v37;
	v14 =	vadd.s32 $0x8000, v9  }
0x211: {  	v45 =	vld [tilespmem:$0x1FF00];
	v13 =	vshll.u32 v13, $0x5;
	v12 =	vcvt.f32.s32 v12;
	v8 =	vadd.s32 v19, v8  }
0x212: {  	v54 =	vld [tilespmem:$0x1FFF0];
	v20 =	vtrunc.f32 v20;
	v6 =	vadd.s32 v6, v13;
	v13 =	vadd.s32 v21, v15  }
0x213: {  	v37 =	vshll.u32 v24, $0x5;
	v20 =	vcvt.f32.s32 v20;
	v10 =	vld.idx.msk [tilespmem:v16+s2+$0x0], $0xffff;
	v12 =	vadd.s32 v12, v6  }
0x214: {  	v16 =	vand.u32 $0xFFFFFF80, v16;
	v5 =	vadd.s32 v5, v37;
	v37 =	vadd.s32 $0x8000, v8;
	v24 =	vld.idx.msk [tilespmem:v7+s2+$0x0], $0xffff  }
0x215: {  	v11 =	vand.u32 $0x7F, v11;
	v17 =	vadd.s32 $0x8000, v13;
	v7 =	vand.u32 $0xFFFFFF80, v7;
	v14 =	vld.idx.msk [tilespmem:v14+s2+$0x0], $0xffff  }
0x216: {  	v19 =	vadd.s32 $0x8000, v12;
	v21 =	vadd.s32 $0x10000, v8;
	v7 =	vor.u32 v11, v7;
	v8 =	vld.idx.msk [tilespmem:v8+s2+$0x0], $0xffff  }
0x217: {  	v25 =	vadd.s32 $0x10000, v13;
	v11 =	vor.u32 v18, v16;
	v13 =	vld.idx.msk [tilespmem:v13+s2+$0x0], $0xffff;
	v15 =	vadd.s32 $0x8000, v7  }
0x218: {  	v5 =	vadd.s32 v20, v5;
	v4 =	vsub.f32 v4, v10;
	v10 =	vld.idx.msk [tilespmem:v12+s2+$0x0], $0xffff;
	v18 =	vadd.s32 $0x8000, v11  }
0x219: {  	v20 =	vadd.s32 $0x8000, v5;
	v2 =	vsub.f32 v2, v23;
	v23 =	vadd.f32 v59, v45;
	v16 =	vld.idx.msk [tilespmem:v37+s2+$0x0], $0xffff  }
0x21a: {  	v33 =	vadd.f32 v57, v33;
	v9 =	vadd.s32 $0x10000, v9;
	v6 =	vadd.s32 $0x10000, v5;
	v17 =	vld.idx.msk [tilespmem:v17+s2+$0x0], $0xffff  }
0x21b: {  	v2 =	vmul.f32 v2, v2;
	v34 =	vadd.f32 v23, v34;
	v22 =	vadd.s32 $0x10000, v7;
	v19 =	vld.idx.msk [tilespmem:v19+s2+$0x0], $0xffff  }
0x21c: {  	v3 =	vsub.f32 v3, v24;
	v24 =	vmul.f32 v4, v4;
	v4 =	vadd.f32 v51, v52;
	v15 =	vld.idx.msk [tilespmem:v15+s2+$0x0], $0xffff  }
0x21d: {  	v11 =	vadd.s32 $0x10000, v11;
	v52 =	vadd.f32 v61, v53;
	v14 =	vsub.f32 v63, v14;
	v18 =	vld.idx.msk [tilespmem:v18+s2+$0x0], $0xffff  }
0x21e: {  	v7 =	vadd.s32 $0x10000, v12;
	v57 =	vld.idx.msk [tilespmem:v20+s2+$0x0], $0xffff;
	v8 =	vsub.f32 v62, v8;
	v13 =	vsub.f32 v49, v13  }
0x21f: {  	v53 =	vld [tilespmem:$0x1FF10];
	v63 =	vlaneseq.u32;
	v35 =	vadd.f32 v4, v35;
	v59 =	vsub.f32 v58, v16  }
0x220: {  	s28 =	sadd.s32 $0x4, s28;
	v3 =	vmul.f32 v3, v3;
	v4 =	vld.idx.msk [tilespmem:v5+s2+$0x0], $0xffff;
	v36 =	vadd.f32 v52, v36;
	v5 =	vsub.f32 v60, v17  }
0x221: {  	p0 =	slt.u32 s28, $0xFC;
	v50 =	vld.idx.msk [tilespmem:v9+s2+$0x0], $0xffff;
	v56 =	vmul.f32 v14, v14;
	v62 =	vsub.f32 v47, v19;
	v1 =	vsub.f32 v1, v15  }
.Ltmp1:
0x222: {  	v37 =	vld [tilespmem:$0x1FFE0];
	v52 =	vsub.f32 v46, v10;
	v8 =	vmul.f32 v8, v8;
	v0 =	vsub.f32 v0, v18;
	(pc) =	sbr.rel @p0 .LBB2_4-.Ltmp1, $4  }
0x223: {  	v51 =	vld.idx.msk [tilespmem:v22+s2+$0x0], $0xffff;
	v48 =	vsub.f32 v48, v57;
	v61 =	vmul.f32 v59, v59;
	v1 =	vmul.f32 v1, v1  }
0x224: {  	v49 =	vld.idx.msk [tilespmem:v11+s2+$0x0], $0xffff;
	v2 =	vadd.f32 v56, v2;
	v30 =	vadd.f32 v53, v30;
	v0 =	vmul.f32 v0, v0  }
0x225: {  	v47 =	vld.idx.msk [tilespmem:v21+s2+$0x0], $0xffff;
	v46 =	vmul.f32 v13, v13;
	v45 =	vadd.f32 v61, v8;
	v3 =	vadd.f32 v1, v3  }
0x226: {  	s1 =	sadd.s32 $0x40, s1;
	v53 =	vld.idx.msk [tilespmem:v25+s2+$0x0], $0xffff;
	v1 =	vmul.f32 v5, v5;
	v0 =	vadd.f32 v0, v24;
	v5 =	vmul.f32 v62, v62  }
0x227: {  	_ =	sdelay $0x3  }
0x228: {  	v7 =	vld.idx.msk [tilespmem:v7+s2+$0x0], $0xffff  }
0x229: {  	v6 =	vld.idx.msk [tilespmem:v6+s2+$0x0], $0xffff;
	_ =	swait.ge [sflag:s31], $0x1000  }
0x22a: {  	[sflag:s31] =	ssyncset.done $0x0  }
0x22b: {  	[sflag:s31] =	ssyncadd.s32 $0xFFFFF000  }
0x22c: {  	_ =	swait.ge [sflag:s31], $0x1000  }
0x22d: {  	[sflag:s31] =	ssyncset.done $0x0  }
0x22e: {  	v4 =	vsub.f32 v55, v4;
	[sflag:s31] =	ssyncadd.s32 $0xFFFFF000  }
0x22f: {  	v8 =	vsub.f32 v42, v50;
	v10 =	vmul.f32 v52, v52;
	v9 =	vsub.f32 v43, v51;
	_ =	swait.ge [sflag:s31], $0x1000  }
0x230: {  	v12 =	vmul.f32 v48, v48;
	s1 =	simm.s32 $0x30;
	s3 =	simm.s32 $0x20;
	v1 =	vadd.f32 v1, v46;
	v11 =	vsub.f32 v44, v49;
	[sflag:s31] =	ssyncset.done $0x0  }
0x231: {  	v15 =	vor.u32 s1, v63;
	v51 =	vor.u32 s3, v63;
	v8 =	vmul.f32 v8, v8;
	v21 =	vld [tilespmem:$0x1FF30];
	[sflag:s31] =	ssyncadd.s32 $0xFFFFF000  }
0x232: {  	v55 =	vor.u32 s3, v54;
	v14 =	vsub.f32 v39, v53;
	v11 =	vmul.f32 v11, v11;
	v23 =	vld [tilespmem:$0x1FF40];
	[tilespmem:s0], [sflag:$0x3] =	stream.linear.gather [hbm4b:s16+s2], $0x1000, $0x38  }
0x233: {  	s4 =	simm.s32 $0x1C000;
	v58 =	vor.u32 s1, v54;
	v4 =	vmul.f32 v4, v4;
	v2 =	vadd.f32 v2, v8;
	v22 =	vld [tilespmem:$0x1FF50]  }
0x234: {  	v8 =	vor.u32 s3, v37;
	v52 =	vmul.f32 v14, v14;
	v0 =	vadd.f32 v0, v11;
	v61 =	vld [tilespmem:$0x1FF70];
	[tilespmem:s4], [sflag:$0x3] =	stream.linear.gather [hbm4b:s17+s2], $0x1000, $0x38  }
0x235: {  	s22 =	simm.s32 $0x1D000;
	v5 =	vadd.f32 v5, v10;
	v9 =	vmul.f32 v9, v9;
	v6 =	vsub.f32 v41, v6;
	v62 =	vld [tilespmem:$0x1FF60]  }
0x236: {  	v1 =	vadd.f32 v52, v1;
	v32 =	vadd.f32 v0, v32;
	v0 =	vor.u32 s1, v37;
	v52 =	vld [tilespmem:$0x1FFC0];
	[tilespmem:s22], [sflag:$0x3] =	stream.linear.gather [hbm4b:s18+s2], $0x1000, $0x38  }
0x237: {  	v13 =	vsub.f32 v38, v47;
	v4 =	vadd.f32 v12, v4;
	v6 =	vmul.f32 v6, v6;
	s4 =	simm.s32 $0x0;
	v15 =	vld.idx.msk [tilespmem:v15+s25+$0x0], $0xffff  }
0x238: {  	v7 =	vsub.f32 v40, v7;
	v3 =	vadd.f32 v3, v9;
	v53 =	vor.u32 s4, v63;
	v10 =	vld.idx.msk [tilespmem:v51+s25+$0x0], $0xffff  }
0x239: {  	v13 =	vmul.f32 v13, v13;
	v4 =	vadd.f32 v6, v4;
	v57 =	vor.u32 s4, v37;
	s22 =	simm.s32 $0x10;
	v6 =	vld.idx.msk [tilespmem:v8+s25+$0x0], $0xffff  }
0x23a: {  	v30 =	vadd.f32 v2, v30;
	v31 =	vadd.f32 v3, v31;
	v2 =	vor.u32 s22, v37;
	v3 =	vld.idx.msk [tilespmem:v55+s25+$0x0], $0xffff  }
0x23b: {  	v7 =	vmul.f32 v7, v7;
	v34 =	vadd.f32 v1, v34;
	v1 =	vor.u32 s4, v54;
	v16 =	vld.idx.msk [tilespmem:v0+s25+$0x0], $0xffff  }
0x23c: {  	v9 =	vld.idx.msk [tilespmem:v58+s25+$0x0], $0xffff  }
0x23d: {  	v56 =	vadd.f32 v13, v45;
	v5 =	vadd.f32 v7, v5;
	v7 =	vor.u32 s22, v63;
	v8 =	vld.idx.msk [tilespmem:v53+s25+$0x0], $0xffff  }
0x23e: {  	v36 =	vadd.f32 v4, v36;
	v4 =	vld.idx.msk [tilespmem:v57+s25+$0x0], $0xffff;
	v11 =	vmul.f32 v15, v21;
	v55 =	vmul.f32 v15, v23  }
0x23f: {  	v59 =	vor.u32 s22, v54;
	v13 =	vld.idx.msk [tilespmem:v2+s25+$0x0], $0xffff;
	v2 =	vmul.f32 v10, v21;
	v60 =	vmul.f32 v6, v22  }
0x240: {  	v18 =	vld.idx.msk [tilespmem:v1+s25+$0x0], $0xffff;
	v46 =	vmul.f32 v10, v23;
	v0 =	vmul.f32 v6, v62  }
0x241: {  	v35 =	vadd.f32 v5, v35;
	v47 =	vmul.f32 v16, v62;
	v40 =	vmul.f32 v3, v52  }
0x242: {  	v7 =	vld.idx.msk [tilespmem:v7+s25+$0x0], $0xffff;
	v41 =	vmul.f32 v9, v52;
	v1 =	vadd.f32 v60, v2;
	v2 =	vmul.f32 v3, v61  }
0x243: {  	v5 =	vadd.f32 v55, v26;
	v17 =	vmul.f32 v8, v21;
	v49 =	vmul.f32 v8, v23  }
0x244: {  	v12 =	vld.idx.msk [tilespmem:v59+s25+$0x0], $0xffff;
	v14 =	vadd.f32 v46, v26;
	v19 =	vmul.f32 v4, v22;
	v45 =	vmul.f32 v4, v62  }
0x245: {  	v42 =	vld [tilespmem:$0x1FF80];
	v57 =	vmul.f32 v18, v61;
	v38 =	vmul.f32 v18, v52  }
0x246: {  	v33 =	vadd.f32 v56, v33;
	v14 =	vmul.f32 v14, v27;
	v5 =	vmul.f32 v5, v27  }
0x247: {  	v44 =	vld [tilespmem:$0x1FFA0];
	v2 =	vadd.f32 v2, v1;
	v21 =	vmul.f32 v7, v21;
	v1 =	vmul.f32 v7, v23  }
0x248: {  	v59 =	vld [tilespmem:$0x1FF90];
	v20 =	vadd.f32 v49, v26;
	v56 =	vmul.f32 v13, v22;
	v48 =	vmul.f32 v13, v62  }
0x249: {  	v51 =	vld [tilespmem:$0x1FFB0];
	v17 =	vadd.f32 v19, v17;
	v22 =	vmul.f32 v16, v22;
	v60 =	vmul.f32 v12, v61  }
0x24a: {  	v61 =	vmul.f32 v9, v61;
	v39 =	vmul.f32 v12, v52;
	v2 =	vadd.f32 v2, v42  }
0x24b: {  	v14 =	vmax.f32 v14, $0.0e+00;
	v5 =	vmax.f32 v5, $0.0e+00;
	v19 =	vadd.f32 v56, v21  }
0x24c: {  	v11 =	vadd.f32 v22, v11;
	v17 =	vadd.f32 v57, v17;
	v14 =	vmin.f32 v14, v28  }
0x24d: {  	v5 =	vmin.f32 v5, v28;
	v58 =	vmul.f32 v2, v44;
	v25 =	vmul.f32 v2, v59  }
0x24e: {  	v2 =	vmul.f32 v2, v51;
	v14 =	vtrunc.f32 v14;
	v19 =	vadd.f32 v60, v19  }
0x24f: {  	v5 =	vtrunc.f32 v5;
	v17 =	vadd.f32 v17, v42;
	v10 =	vsub.f32 v10, v58  }
0x250: {  	v14 =	vcvt.f32.s32 v14;
	v6 =	vsub.f32 v6, v25;
	v23 =	vsub.f32 v3, v2  }
0x251: {  	v5 =	vcvt.f32.s32 v5;
	v3 =	vadd.f32 v61, v11;
	v19 =	vadd.f32 v19, v42  }
0x252: {  	v53 =	vmul.f32 v17, v59;
	v2 =	vadd.f32 v10, v26;
	v25 =	vadd.f32 v6, v26  }
0x253: {  	v62 =	vadd.f32 v23, v26;
	v57 =	vmul.f32 v19, v59;
	v61 =	vmul.f32 v19, v44  }
0x254: {  	v24 =	vadd.f32 v45, v26;
	v19 =	vmul.f32 v19, v51;
	v2 =	vmul.f32 v2, v27  }
0x255: {  	v21 =	vadd.f32 v1, v26;
	v25 =	vmul.f32 v25, v27;
	v50 =	vmul.f32 v62, v27  }
0x256: {  	v43 =	vsub.f32 v12, v19;
	v12 =	vmul.f32 v24, v27;
	v24 =	vadd.f32 v48, v26  }
0x257: {  	v2 =	vmax.f32 v2, $0.0e+00;
	v56 =	vmax.f32 v25, $0.0e+00;
	v11 =	vmax.f32 v50, $0.0e+00  }
0x258: {  	v25 =	vadd.f32 v3, v42;
	v2 =	vmin.f32 v2, v28;
	v22 =	vmin.f32 v56, v28  }
0x259: {  	v11 =	vmin.f32 v11, v28;
	v24 =	vmul.f32 v24, v27;
	v2 =	vtrunc.f32 v2  }
0x25a: {  	v14 =	vshll.u32 v14, $0xA;
	v22 =	vtrunc.f32 v22;
	v11 =	vtrunc.f32 v11  }
0x25b: {  	v5 =	vshll.u32 v5, $0xA;
	v58 =	vmul.f32 v25, v59;
	v59 =	vmul.f32 v17, v44  }
0x25c: {  	v12 =	vmax.f32 v12, $0.0e+00;
	v17 =	vmul.f32 v17, v51;
	v44 =	vmul.f32 v25, v44  }
0x25d: {  	v12 =	vmin.f32 v12, v28;
	v22 =	vcvt.f32.s32 v22;
	v3 =	vcvt.f32.s32 v2  }
0x25e: {  	v11 =	vcvt.f32.s32 v11;
	v2 =	vsub.f32 v4, v53;
	v24 =	vmax.f32 v24, $0.0e+00  }
0x25f: {  	v12 =	vtrunc.f32 v12;
	v50 =	vsub.f32 v8, v59;
	v42 =	vsub.f32 v18, v17  }
0x260: {  	v52 =	vsub.f32 v15, v44;
	v17 =	vmul.f32 v21, v27;
	v24 =	vmin.f32 v24, v28  }
0x261: {  	v12 =	vcvt.f32.s32 v12;
	v4 =	vshll.u32 v22, $0x5;
	v3 =	vshll.u32 v3, $0xA  }
0x262: {  	v24 =	vtrunc.f32 v24;
	v4 =	vadd.s32 v11, v4;
	v53 =	vadd.f32 v42, v26  }
0x263: {  	v17 =	vmax.f32 v17, $0.0e+00;
	v24 =	vcvt.f32.s32 v24;
	v12 =	vshll.u32 v12, $0x5  }
0x264: {  	v60 =	vadd.s32 v3, v4;
	v4 =	vand.u32 $0x7F, v4;
	v17 =	vmin.f32 v17, v28  }
0x265: {  	v3 =	vand.u32 $0xFFFFFF80, v60;
	v19 =	vmul.f32 v53, v27;
	v17 =	vtrunc.f32 v17  }
0x266: {  	v62 =	vor.u32 v4, v3;
	v3 =	vsub.f32 v13, v57;
	v4 =	vsub.f32 v16, v58  }
0x267: {  	v57 =	vmul.f32 v25, v51;
	v51 =	vsub.f32 v7, v61;
	v7 =	vmul.f32 v20, v27  }
0x268: {  	v58 =	vadd.f32 v2, v26;
	v61 =	vadd.f32 v50, v26;
	v17 =	vcvt.f32.s32 v17  }
0x269: {  	v56 =	vadd.s32 $0x8000, v62;
	v8 =	vadd.s32 $0x10000, v62;
	v19 =	vmax.f32 v19, $0.0e+00  }
0x26a: {  	v44 =	vsub.f32 v9, v57;
	v62 =	vadd.f32 v4, v26;
	v9 =	vmul.f32 v58, v27  }
0x26b: {  	v57 =	vadd.f32 v43, v26;
	v58 =	vadd.f32 v52, v26;
	v16 =	vmul.f32 v61, v27  }
0x26c: {  	v61 =	vadd.f32 v47, v26;
	v19 =	vmin.f32 v19, v28;
	v7 =	vmax.f32 v7, $0.0e+00  }
0x26d: {  	v17 =	vshll.u32 v17, $0xA;
	v59 =	vld.idx.msk [tilespmem:v60+s2+$0x0], $0xffff;
	v60 =	vadd.f32 v3, v26;
	v19 =	vtrunc.f32 v19  }
0x26e: {  	v7 =	vmin.f32 v7, v28;
	v18 =	vmul.f32 v62, v27;
	v21 =	vmul.f32 v57, v27  }
0x26f: {  	v22 =	vmul.f32 v58, v27;
	v9 =	vmax.f32 v9, $0.0e+00;
	v53 =	vmul.f32 v61, v27  }
0x270: {  	v19 =	vcvt.f32.s32 v19;
	v57 =	vadd.f32 v39, v26;
	v58 =	vadd.f32 v40, v26  }
0x271: {  	v16 =	vmax.f32 v16, $0.0e+00;
	v7 =	vtrunc.f32 v7;
	v15 =	vmul.f32 v60, v27  }
0x272: {  	v60 =	vadd.f32 v0, v26;
	v9 =	vmin.f32 v9, v28;
	v16 =	vmin.f32 v16, v28  }
0x273: {  	v7 =	vcvt.f32.s32 v7;
	v13 =	vld.idx.msk [tilespmem:v56+s2+$0x0], $0xffff;
	v56 =	vadd.f32 v51, v26;
	v18 =	vmax.f32 v18, $0.0e+00  }
0x274: {  	v21 =	vmax.f32 v21, $0.0e+00;
	v9 =	vtrunc.f32 v9;
	v22 =	vmax.f32 v22, $0.0e+00  }
0x275: {  	v16 =	vtrunc.f32 v16;
	v15 =	vmax.f32 v15, $0.0e+00;
	v62 =	vmul.f32 v60, v27  }
0x276: {  	v9 =	vcvt.f32.s32 v9;
	v21 =	vmin.f32 v21, v28;
	v18 =	vmin.f32 v18, v28  }
0x277: {  	v22 =	vmin.f32 v22, v28;
	v16 =	vcvt.f32.s32 v16;
	v7 =	vshll.u32 v7, $0xA  }
0x278: {  	v10 =	vsub.f32 v10, v59;
	v59 =	vadd.f32 v44, v26;
	v20 =	vmul.f32 v56, v27  }
0x279: {  	v15 =	vmin.f32 v15, v28;
	v56 =	vadd.f32 v38, v26;
	v21 =	vtrunc.f32 v21  }
0x27a: {  	v8 =	vld.idx.msk [tilespmem:v8+s2+$0x0], $0xffff;
	v18 =	vtrunc.f32 v18;
	v22 =	vtrunc.f32 v22;
	v7 =	vadd.s32 v7, v12  }
0x27b: {  	v15 =	vtrunc.f32 v15;
	v9 =	vshll.u32 v9, $0x5;
	v18 =	vcvt.f32.s32 v18  }
0x27c: {  	v22 =	vcvt.f32.s32 v22;
	v16 =	vshll.u32 v16, $0xA;
	v11 =	vmul.f32 v59, v27  }
0x27d: {  	v10 =	vmul.f32 v10, v10;
	v15 =	vcvt.f32.s32 v15;
	v9 =	vadd.s32 v19, v9  }
0x27e: {  	v59 =	vadd.f32 v41, v26;
	v20 =	vmax.f32 v20, $0.0e+00;
	v19 =	vmul.f32 v58, v27  }
0x27f: {  	v58 =	vshll.u32 v24, $0x5;
	v6 =	vsub.f32 v6, v13;
	v8 =	vsub.f32 v23, v8  }
0x280: {  	v20 =	vmin.f32 v20, v28;
	v23 =	vmul.f32 v56, v27;
	v13 =	vmax.f32 v53, $0.0e+00  }
0x281: {  	v18 =	vshll.u32 v18, $0x5;
	v22 =	vshll.u32 v22, $0xA;
	v16 =	vadd.s32 v16, v9  }
0x282: {  	v9 =	vand.u32 $0x7F, v9;
	v15 =	vshll.u32 v15, $0x5;
	v11 =	vmax.f32 v11, $0.0e+00  }
0x283: {  	v20 =	vtrunc.f32 v20;
	v13 =	vmin.f32 v13, v28;
	v19 =	vmax.f32 v19, $0.0e+00  }
0x284: {  	v61 =	vand.u32 $0xFFFFFF80, v16;
	v6 =	vmul.f32 v6, v6;
	v8 =	vmul.f32 v8, v8  }
0x285: {  	v11 =	vmin.f32 v11, v28;
	v20 =	vcvt.f32.s32 v20;
	v23 =	vmax.f32 v23, $0.0e+00  }
0x286: {  	v13 =	vtrunc.f32 v13;
	v19 =	vmin.f32 v19, v28;
	v9 =	vor.u32 v9, v61  }
0x287: {  	v11 =	vtrunc.f32 v11;
	v23 =	vmin.f32 v23, v28;
	v6 =	vadd.f32 v6, v10  }
0x288: {  	v19 =	vtrunc.f32 v19;
	v10 =	vmax.f32 v62, $0.0e+00;
	v11 =	vcvt.f32.s32 v11  }
0x289: {  	v20 =	vshll.u32 v20, $0xA;
	v6 =	vadd.f32 v6, v8;
	v8 =	vcvt.f32.s32 v21  }
0x28a: {  	v60 =	vtrunc.f32 v23;
	v10 =	vmin.f32 v10, v28;
	v11 =	vadd.s32 v11, v18  }
0x28b: {  	v21 =	vmul.f32 v57, v27;
	v22 =	vadd.s32 v22, v11;
	v8 =	vadd.s32 v8, v15  }
0x28c: {  	v11 =	vand.u32 $0x7F, v11;
	v53 =	vand.u32 $0xFFFFFF80, v22;
	v20 =	vadd.s32 v20, v8  }
0x28d: {  	v8 =	vand.u32 $0x7F, v8;
	v11 =	vor.u32 v11, v53;
	v62 =	vand.u32 $0xFFFFFF80, v20  }
0x28e: {  	v10 =	vtrunc.f32 v10;
	v24 =	vadd.s32 $0x8000, v11;
	v8 =	vor.u32 v8, v62  }
0x28f: {  	v18 =	vcvt.f32.s32 v60;
	v10 =	vcvt.f32.s32 v10;
	v57 =	vadd.s32 $0x8000, v8  }
0x290: {  	v56 =	vadd.s32 $0x8000, v9;
	v13 =	vcvt.f32.s32 v13;
	v19 =	vcvt.f32.s32 v19  }
0x291: {  	v15 =	vmul.f32 v59, v27;
	v7 =	vadd.s32 v18, v7;
	v10 =	vshll.u32 v10, $0x5  }
0x292: {  	v16 =	vld.idx.msk [tilespmem:v16+s2+$0x0], $0xffff;
	v21 =	vmax.f32 v21, $0.0e+00;
	v59 =	vadd.s32 $0x8000, v7;
	v10 =	vadd.s32 v14, v10  }
0x293: {  	v21 =	vmin.f32 v21, v28;
	v15 =	vmax.f32 v15, $0.0e+00;
	v10 =	vadd.s32 v19, v10;
	v62 =	vld.idx.msk [tilespmem:v24+s2+$0x0], $0xffff  }
0x294: {  	v21 =	vtrunc.f32 v21;
	v15 =	vmin.f32 v15, v28;
	v24 =	vadd.s32 $0x8000, v10;
	v18 =	vld.idx.msk [tilespmem:v57+s2+$0x0], $0xffff  }
0x295: {  	v13 =	vshll.u32 v13, $0x5;
	v12 =	vld.idx.msk [tilespmem:v56+s2+$0x0], $0xffff;
	v21 =	vcvt.f32.s32 v21;
	v15 =	vtrunc.f32 v15  }
0x296: {  	v17 =	vadd.s32 v17, v58;
	v5 =	vadd.s32 v5, v13;
	v60 =	vld.idx.msk [tilespmem:v7+s2+$0x0], $0xffff;
	v15 =	vcvt.f32.s32 v15  }
0x297: {  	v29 =	vadd.f32 v6, v29;
	v6 =	vsub.f32 v50, v16;
	v17 =	vadd.s32 v21, v17;
	v50 =	vld.idx.msk [tilespmem:v59+s2+$0x0], $0xffff  }
0x298: {  	v20 =	vld.idx.msk [tilespmem:v20+s2+$0x0], $0xffff;
	v61 =	vadd.s32 $0x8000, v17;
	v5 =	vadd.s32 v15, v5  }
0x299: {  	v56 =	vadd.s32 $0x8000, v5;
	v18 =	vsub.f32 v3, v18;
	v3 =	vmul.f32 v6, v6;
	v6 =	vld.idx.msk [tilespmem:v24+s2+$0x0], $0xffff  }
0x29a: {  	v11 =	vadd.s32 $0x10000, v11;
	v22 =	vld.idx.msk [tilespmem:v22+s2+$0x0], $0xffff;
	v2 =	vsub.f32 v2, v12  }
0x29b: {  	v9 =	vadd.s32 $0x10000, v9;
	v8 =	vadd.s32 $0x10000, v8;
	v7 =	vadd.s32 $0x10000, v7;
	v58 =	vld.idx.msk [tilespmem:v10+s2+$0x0], $0xffff  }
0x29c: {  	v2 =	vmul.f32 v2, v2;
	v53 =	vsub.f32 v49, v60;
	v57 =	vld.idx.msk [tilespmem:v17+s2+$0x0], $0xffff;
	v13 =	vsub.f32 v45, v50  }
0x29d: {  	v17 =	vadd.s32 $0x10000, v17;
	v51 =	vsub.f32 v51, v20;
	v14 =	vld.idx.msk [tilespmem:v61+s2+$0x0], $0xffff;
	v19 =	vsub.f32 v4, v62  }
0x29e: {  	v12 =	vld.idx.msk [tilespmem:v56+s2+$0x0], $0xffff;
	v61 =	vmul.f32 v13, v13;
	v60 =	vsub.f32 v0, v6;
	v6 =	vmul.f32 v53, v53  }
0x29f: {  	v49 =	vld.idx.msk [tilespmem:v11+s2+$0x0], $0xffff;
	v4 =	vmul.f32 v51, v51;
	v3 =	vadd.f32 v2, v3;
	v2 =	vmul.f32 v18, v18  }
0x2a0: {  	v52 =	vsub.f32 v52, v22;
	v50 =	vld.idx.msk [tilespmem:v9+s2+$0x0], $0xffff;
	v45 =	vadd.f32 v61, v6;
	v6 =	vadd.s32 $0x10000, v10  }
0x2a1: {  	v62 =	vsub.f32 v1, v57;
	v2 =	vadd.f32 v2, v4;
	v4 =	vld.idx.msk [tilespmem:v5+s2+$0x0], $0xffff;
	v5 =	vadd.s32 $0x10000, v5  }
0x2a2: {  	v16 =	vmul.f32 v52, v52;
	v51 =	vld.idx.msk [tilespmem:v8+s2+$0x0], $0xffff;
	v59 =	vmul.f32 v19, v19;
	v14 =	vsub.f32 v48, v14  }
0x2a3: {  	v52 =	vsub.f32 v46, v58;
	v46 =	vmul.f32 v62, v62;
	v48 =	vsub.f32 v47, v12;
	v47 =	vld.idx.msk [tilespmem:v7+s2+$0x0], $0xffff  }
0x2a4: {  	s28 =	simm.s32 $0x0;
	s1 =	simm.s32 $0x70;
	v1 =	vmul.f32 v14, v14;
	v0 =	vadd.f32 v59, v16;
	v53 =	vld.idx.msk [tilespmem:v17+s2+$0x0], $0xffff;
	v7 =	vmul.f32 v60, v60  }
.LBB2_6:
0x2a5: {  	v6 =	vld.idx.msk [tilespmem:v6+s2+$0x0], $0xffff  }
0x2a6: {  	s3 =	sadd.s32 $0xFFFFFFD0, s1;
	s22 =	sadd.s32 $0xFFFFFFF0, s1;
	v8 =	vor.u32 s1, v63;
	v5 =	vld.idx.msk [tilespmem:v5+s2+$0x0], $0xffff  }
0x2a7: {  	s4 =	sadd.s32 $0xFFFFFFE0, s1;
	v11 =	vor.u32 s3, v63;
	v13 =	vor.u32 s22, v63;
	v21 =	vsub.f32 v42, v50;
	v42 =	vld [tilespmem:$0x1FF30]  }
0x2a8: {  	v14 =	vor.u32 s4, v63;
	v22 =	vsub.f32 v43, v51;
	v43 =	vld [tilespmem:$0x1FF40];
	v9 =	vor.u32 s1, v37  }
0x2a9: {  	v12 =	vor.u32 s3, v37;
	v15 =	vor.u32 s4, v37;
	v16 =	vor.u32 s22, v37;
	v37 =	vld [tilespmem:$0x1FF50]  }
0x2aa: {  	v63 =	vsub.f32 v39, v53;
	v21 =	vmul.f32 v21, v21;
	v39 =	vld [tilespmem:$0x1FF60]  }
0x2ab: {  	v24 =	vmul.f32 v48, v48;
	v1 =	vadd.f32 v1, v46;
	v19 =	vsub.f32 v55, v4;
	v4 =	vld.idx.msk [tilespmem:v8+s25+$0x0], $0xffff  }
0x2ac: {  	v10 =	vor.u32 s1, v54;
	v23 =	vsub.f32 v44, v49;
	v13 =	vld.idx.msk [tilespmem:v13+s25+$0x0], $0xffff;
	v3 =	vadd.f32 v3, v21  }
0x2ad: {  	v25 =	vsub.f32 v38, v47;
	v5 =	vsub.f32 v41, v5;
	v19 =	vmul.f32 v19, v19;
	v41 =	vld.idx.msk [tilespmem:v11+s25+$0x0], $0xffff  }
0x2ae: {  	v17 =	vor.u32 s3, v54;
	v8 =	vmul.f32 v52, v52;
	v6 =	vsub.f32 v40, v6;
	[tilespmem:$0x1FEF0] =	vst v3;
	v3 =	vld.idx.msk [tilespmem:v14+s25+$0x0], $0xffff  }
0x2af: {  	[tilespmem:$0x1FEE0] =	vst v1;
	v40 =	vmul.f32 v22, v22;
	v1 =	vmul.f32 v23, v23;
	v53 =	vadd.f32 v24, v19;
	v24 =	vld [tilespmem:$0x1FF70]  }
0x2b0: {  	v20 =	vor.u32 s22, v54;
	v57 =	vmul.f32 v25, v25;
	v59 =	vmul.f32 v63, v63;
	v16 =	vld.idx.msk [tilespmem:v16+s25+$0x0], $0xffff  }
0x2b1: {  	v52 =	vadd.f32 v7, v8;
	v51 =	vmul.f32 v6, v6;
	v61 =	vmul.f32 v5, v5;
	v7 =	vld.idx.msk [tilespmem:v12+s25+$0x0], $0xffff  }
0x2b2: {  	v50 =	vadd.f32 v2, v40;
	v2 =	vld.idx.msk [tilespmem:v15+s25+$0x0], $0xffff;
	v8 =	vmul.f32 v4, v42;
	v55 =	vmul.f32 v4, v43  }
0x2b3: {  	v56 =	vadd.f32 v0, v1;
	v9 =	vld.idx.msk [tilespmem:v9+s25+$0x0], $0xffff;
	v46 =	vmul.f32 v13, v43;
	v0 =	vmul.f32 v13, v42  }
0x2b4: {  	v11 =	vld.idx.msk [tilespmem:v17+s25+$0x0], $0xffff;
	v38 =	vmul.f32 v41, v42;
	v62 =	vmul.f32 v41, v43  }
0x2b5: {  	v18 =	vor.u32 s4, v54;
	v10 =	vld.idx.msk [tilespmem:v10+s25+$0x0], $0xffff;
	v42 =	vmul.f32 v3, v42;
	v49 =	vmul.f32 v3, v43  }
0x2b6: {  	v1 =	vmul.f32 v16, v37;
	v47 =	vmul.f32 v16, v39  }
0x2b7: {  	v57 =	vadd.f32 v57, v45;
	v20 =	vld.idx.msk [tilespmem:v20+s25+$0x0], $0xffff;
	v40 =	vmul.f32 v7, v37;
	v58 =	vmul.f32 v7, v39  }
0x2b8: {  	v5 =	vadd.f32 v55, v26;
	v43 =	vmul.f32 v2, v37;
	v60 =	vmul.f32 v2, v39  }
0x2b9: {  	v25 =	vld [tilespmem:$0x1FF80];
	v6 =	vadd.f32 v46, v26;
	v44 =	vmul.f32 v9, v37;
	v48 =	vmul.f32 v9, v39  }
0x2ba: {  	v14 =	vld.idx.msk [tilespmem:v18+s25+$0x0], $0xffff;
	v32 =	vadd.f32 v56, v32;
	v63 =	vmul.f32 v11, v24;
	v18 =	vmul.f32 v10, v24  }
0x2bb: {  	v23 =	vld [tilespmem:$0x1FF90];
	v17 =	vadd.f32 v62, v26;
	v5 =	vmul.f32 v5, v27;
	v6 =	vmul.f32 v6, v27  }
0x2bc: {  	v37 =	vld [tilespmem:$0x1FFA0];
	v0 =	vadd.f32 v1, v0;
	v1 =	vmul.f32 v20, v24;
	v12 =	vadd.f32 v43, v42  }
0x2bd: {  	v8 =	vadd.f32 v44, v8;
	v43 =	vld [tilespmem:$0x1FFC0];
	v5 =	vmax.f32 v5, $0.0e+00;
	v6 =	vmax.f32 v6, $0.0e+00  }
0x2be: {  	v42 =	vld [tilespmem:$0x1FFB0];
	v5 =	vmin.f32 v5, v28;
	v0 =	vadd.f32 v1, v0;
	v1 =	vadd.f32 v40, v38  }
0x2bf: {  	v8 =	vadd.f32 v18, v8;
	v6 =	vmin.f32 v6, v28;
	v5 =	vtrunc.f32 v5  }
0x2c0: {  	v6 =	vtrunc.f32 v6;
	v5 =	vcvt.f32.s32 v5;
	v0 =	vadd.f32 v0, v25  }
0x2c1: {  	v1 =	vadd.f32 v63, v1;
	v63 =	vmul.f32 v14, v24;
	v6 =	vcvt.f32.s32 v6  }
0x2c2: {  	v21 =	vadd.f32 v58, v26;
	v38 =	vmul.f32 v11, v43;
	v39 =	vmul.f32 v0, v37  }
0x2c3: {  	v8 =	vadd.f32 v8, v25;
	v54 =	vmul.f32 v0, v23;
	v0 =	vmul.f32 v0, v42  }
0x2c4: {  	v40 =	vmul.f32 v20, v43;
	v12 =	vadd.f32 v63, v12;
	v13 =	vsub.f32 v13, v39  }
0x2c5: {  	v5 =	vshll.u32 v5, $0xA;
	v16 =	vsub.f32 v16, v54;
	v15 =	vsub.f32 v20, v0  }
0x2c6: {  	v22 =	vmul.f32 v8, v23;
	v12 =	vadd.f32 v12, v25;
	v0 =	vadd.f32 v13, v26  }
0x2c7: {  	v39 =	vmul.f32 v14, v43;
	v54 =	vadd.f32 v16, v26;
	v63 =	vadd.f32 v15, v26  }
0x2c8: {  	v1 =	vadd.f32 v1, v25;
	v24 =	vmul.f32 v12, v37;
	v0 =	vmul.f32 v0, v27  }
0x2c9: {  	v6 =	vshll.u32 v6, $0xA;
	v44 =	vmul.f32 v54, v27;
	v54 =	vmul.f32 v63, v27  }
0x2ca: {  	v63 =	vmul.f32 v1, v23;
	v3 =	vsub.f32 v3, v24;
	v0 =	vmax.f32 v0, $0.0e+00  }
0x2cb: {  	v18 =	vmax.f32 v44, $0.0e+00;
	v19 =	vmax.f32 v54, $0.0e+00;
	v54 =	vmul.f32 v12, v23  }
0x2cc: {  	v63 =	vsub.f32 v7, v63;
	v23 =	vmul.f32 v1, v37;
	v37 =	vmul.f32 v8, v37  }
0x2cd: {  	v8 =	vmul.f32 v8, v42;
	v0 =	vmin.f32 v0, v28;
	v18 =	vmin.f32 v18, v28  }
0x2ce: {  	v19 =	vmin.f32 v19, v28;
	v0 =	vtrunc.f32 v0;
	v18 =	vtrunc.f32 v18  }
0x2cf: {  	v24 =	vadd.f32 v60, v26;
	v44 =	vtrunc.f32 v19;
	v7 =	vcvt.f32.s32 v18  }
0x2d0: {  	v18 =	vcvt.f32.s32 v44;
	v44 =	vsub.f32 v10, v8;
	v8 =	vadd.f32 v63, v26  }
0x2d1: {  	v12 =	vmul.f32 v12, v42;
	v19 =	vadd.f32 v49, v26;
	v0 =	vcvt.f32.s32 v0  }
0x2d2: {  	v4 =	vsub.f32 v4, v37;
	v7 =	vshll.u32 v7, $0x5;
	v8 =	vmul.f32 v8, v27  }
0x2d3: {  	v0 =	vshll.u32 v0, $0xA;
	v7 =	vadd.s32 v18, v7;
	v18 =	vmul.f32 v1, v42  }
0x2d4: {  	v25 =	vadd.s32 v0, v7;
	v1 =	vand.u32 $0x7F, v7;
	v8 =	vmax.f32 v8, $0.0e+00  }
0x2d5: {  	v0 =	vand.u32 $0xFFFFFF80, v25;
	v42 =	vsub.f32 v11, v18;
	v8 =	vmin.f32 v8, v28  }
0x2d6: {  	v7 =	vor.u32 v1, v0;
	v1 =	vsub.f32 v2, v54;
	v0 =	vsub.f32 v9, v22  }
0x2d7: {  	v2 =	vsub.f32 v41, v23;
	v41 =	vmul.f32 v10, v43;
	v9 =	vmul.f32 v17, v27  }
0x2d8: {  	v43 =	vsub.f32 v14, v12;
	v10 =	vmul.f32 v21, v27;
	v17 =	vmul.f32 v19, v27  }
0x2d9: {  	v21 =	vadd.f32 v3, v26;
	v23 =	vadd.f32 v4, v26;
	v8 =	vtrunc.f32 v8  }
0x2da: {  	v54 =	vadd.s32 $0x8000, v7;
	v7 =	vadd.s32 $0x10000, v7;
	v20 =	vadd.f32 v42, v26  }
0x2db: {  	v8 =	vcvt.f32.s32 v8;
	v11 =	vadd.f32 v1, v26;
	v37 =	vadd.f32 v2, v26  }
0x2dc: {  	v22 =	vadd.f32 v43, v26;
	v21 =	vmul.f32 v21, v27;
	v9 =	vmax.f32 v9, $0.0e+00  }
0x2dd: {  	v10 =	vmax.f32 v10, $0.0e+00;
	v17 =	vmax.f32 v17, $0.0e+00;
	v12 =	vld.idx.msk [tilespmem:v25+s2+$0x0], $0xffff;
	v25 =	vadd.f32 v44, v26  }
0x2de: {  	v20 =	vmul.f32 v20, v27;
	v9 =	vmin.f32 v9, v28;
	v10 =	vmin.f32 v10, v28  }
0x2df: {  	v17 =	vmin.f32 v17, v28;
	v11 =	vmul.f32 v11, v27;
	v14 =	vmul.f32 v37, v27  }
0x2e0: {  	v8 =	vshll.u32 v8, $0x5;
	v22 =	vmul.f32 v22, v27;
	v9 =	vtrunc.f32 v9  }
0x2e1: {  	v37 =	vadd.f32 v47, v26;
	v10 =	vtrunc.f32 v10;
	v17 =	vtrunc.f32 v17  }
0x2e2: {  	v20 =	vmax.f32 v20, $0.0e+00;
	v9 =	vcvt.f32.s32 v9;
	v10 =	vcvt.f32.s32 v10  }
0x2e3: {  	v17 =	vcvt.f32.s32 v17;
	v18 =	vld.idx.msk [tilespmem:v54+s2+$0x0], $0xffff;
	v54 =	vadd.f32 v0, v26;
	v11 =	vmax.f32 v11, $0.0e+00  }
0x2e4: {  	v14 =	vmax.f32 v14, $0.0e+00;
	v20 =	vmin.f32 v20, v28;
	v11 =	vmin.f32 v11, v28  }
0x2e5: {  	v14 =	vmin.f32 v14, v28;
	v20 =	vtrunc.f32 v20;
	v9 =	vshll.u32 v9, $0xA  }
0x2e6: {  	v7 =	vld.idx.msk [tilespmem:v7+s2+$0x0], $0xffff;
	v10 =	vshll.u32 v10, $0x5;
	v17 =	vshll.u32 v17, $0xA;
	v19 =	vmul.f32 v54, v27  }
0x2e7: {  	v12 =	vsub.f32 v13, v12;
	v11 =	vtrunc.f32 v11;
	v14 =	vtrunc.f32 v14  }
0x2e8: {  	v54 =	vadd.f32 v48, v26;
	v20 =	vcvt.f32.s32 v20;
	v11 =	vcvt.f32.s32 v11  }
0x2e9: {  	v9 =	vadd.s32 v9, v10;
	v14 =	vcvt.f32.s32 v14;
	v12 =	vmul.f32 v12, v12  }
0x2ea: {  	v19 =	vmax.f32 v19, $0.0e+00;
	v8 =	vadd.s32 v20, v8;
	v13 =	vsub.f32 v16, v18  }
0x2eb: {  	v16 =	vmul.f32 v23, v27;
	v18 =	vmul.f32 v25, v27;
	v7 =	vsub.f32 v15, v7  }
0x2ec: {  	v15 =	vmul.f32 v24, v27;
	v23 =	vadd.f32 v38, v26;
	v24 =	vmul.f32 v54, v27  }
0x2ed: {  	v25 =	vadd.f32 v39, v26;
	v19 =	vmin.f32 v19, v28;
	v14 =	vshll.u32 v14, $0xA  }
0x2ee: {  	v11 =	vshll.u32 v11, $0x5;
	v19 =	vtrunc.f32 v19;
	v14 =	vadd.s32 v14, v8  }
0x2ef: {  	v8 =	vand.u32 $0x7F, v8;
	v13 =	vmul.f32 v13, v13;
	v7 =	vmul.f32 v7, v7  }
0x2f0: {  	v16 =	vmax.f32 v16, $0.0e+00;
	v18 =	vmax.f32 v18, $0.0e+00;
	v15 =	vmax.f32 v15, $0.0e+00  }
0x2f1: {  	v24 =	vmax.f32 v24, $0.0e+00;
	v19 =	vcvt.f32.s32 v19;
	v16 =	vmin.f32 v16, v28  }
0x2f2: {  	v18 =	vmin.f32 v18, v28;
	v15 =	vmin.f32 v15, v28;
	v24 =	vmin.f32 v24, v28  }
0x2f3: {  	v12 =	vadd.f32 v13, v12;
	v13 =	vmul.f32 v37, v27;
	v16 =	vtrunc.f32 v16  }
0x2f4: {  	v37 =	vadd.f32 v41, v26;
	v18 =	vtrunc.f32 v18;
	v15 =	vtrunc.f32 v15  }
0x2f5: {  	v24 =	vtrunc.f32 v24;
	v19 =	vshll.u32 v19, $0x5;
	v16 =	vcvt.f32.s32 v16  }
0x2f6: {  	v18 =	vcvt.f32.s32 v18;
	v15 =	vcvt.f32.s32 v15;
	v7 =	vadd.f32 v12, v7  }
0x2f7: {  	v24 =	vcvt.f32.s32 v24;
	v12 =	vadd.f32 v40, v26;
	v13 =	vmax.f32 v13, $0.0e+00  }
0x2f8: {  	v13 =	vmin.f32 v13, v28;
	v18 =	vadd.s32 v18, v19;
	v29 =	vadd.f32 v7, v29  }
0x2f9: {  	v7 =	vmax.f32 v21, $0.0e+00;
	v21 =	vmax.f32 v22, $0.0e+00;
	v22 =	vmul.f32 v23, v27  }
0x2fa: {  	v16 =	vshll.u32 v16, $0xA;
	v23 =	vmul.f32 v25, v27;
	v12 =	vmul.f32 v12, v27  }
0x2fb: {  	v15 =	vshll.u32 v15, $0x5;
	v25 =	vmul.f32 v37, v27;
	v13 =	vtrunc.f32 v13  }
0x2fc: {  	v16 =	vadd.s32 v16, v18;
	v18 =	vand.u32 $0x7F, v18;
	v15 =	vadd.s32 v17, v15  }
0x2fd: {  	v7 =	vmin.f32 v7, v28;
	v21 =	vmin.f32 v21, v28;
	v13 =	vcvt.f32.s32 v13  }
0x2fe: {  	v7 =	vtrunc.f32 v7;
	v21 =	vtrunc.f32 v21;
	v22 =	vmax.f32 v22, $0.0e+00  }
0x2ff: {  	v23 =	vmax.f32 v23, $0.0e+00;
	v12 =	vmax.f32 v12, $0.0e+00;
	v25 =	vmax.f32 v25, $0.0e+00  }
0x300: {  	v7 =	vcvt.f32.s32 v7;
	v21 =	vcvt.f32.s32 v21;
	v22 =	vmin.f32 v22, v28  }
0x301: {  	v23 =	vmin.f32 v23, v28;
	v12 =	vmin.f32 v12, v28;
	v20 =	vmin.f32 v25, v28  }
0x302: {  	v13 =	vshll.u32 v13, $0x5;
	v19 =	vtrunc.f32 v22;
	v37 =	vtrunc.f32 v23  }
0x303: {  	v23 =	vld.idx.msk [tilespmem:v14+s2+$0x0], $0xffff;
	v14 =	vand.u32 $0xFFFFFF80, v14;
	v11 =	vadd.s32 v21, v11;
	v7 =	vshll.u32 v7, $0xA  }
0x304: {  	v19 =	vcvt.f32.s32 v19;
	v8 =	vor.u32 v8, v14;
	v7 =	vadd.s32 v7, v11  }
0x305: {  	v12 =	vtrunc.f32 v12;
	v21 =	vcvt.f32.s32 v37;
	v14 =	vadd.s32 $0x8000, v8  }
0x306: {  	v45 =	vld [tilespmem:$0x1FEE0];
	v20 =	vtrunc.f32 v20;
	v12 =	vcvt.f32.s32 v12;
	v9 =	vadd.s32 v19, v9  }
0x307: {  	v54 =	vld [tilespmem:$0x1FFF0];
	v6 =	vadd.s32 v6, v13;
	v37 =	vshll.u32 v24, $0x5;
	v13 =	vadd.s32 v21, v15  }
0x308: {  	v20 =	vcvt.f32.s32 v20;
	v10 =	vld.idx.msk [tilespmem:v16+s2+$0x0], $0xffff;
	v16 =	vand.u32 $0xFFFFFF80, v16;
	v12 =	vadd.s32 v12, v6  }
0x309: {  	v11 =	vand.u32 $0x7F, v11;
	v5 =	vadd.s32 v5, v37;
	v17 =	vadd.s32 $0x8000, v9;
	v24 =	vld.idx.msk [tilespmem:v7+s2+$0x0], $0xffff  }
0x30a: {  	v8 =	vadd.s32 $0x10000, v8;
	v22 =	vadd.s32 $0x10000, v9;
	v7 =	vand.u32 $0xFFFFFF80, v7;
	v14 =	vld.idx.msk [tilespmem:v14+s2+$0x0], $0xffff  }
0x30b: {  	v7 =	vor.u32 v11, v7;
	v11 =	vor.u32 v18, v16;
	v18 =	vadd.s32 $0x8000, v13;
	v9 =	vld.idx.msk [tilespmem:v9+s2+$0x0], $0xffff  }
0x30c: {  	v19 =	vadd.f32 v59, v45;
	v25 =	vadd.s32 $0x10000, v13;
	v13 =	vld.idx.msk [tilespmem:v13+s2+$0x0], $0xffff;
	v15 =	vadd.s32 $0x8000, v7  }
0x30d: {  	v2 =	vsub.f32 v2, v23;
	v4 =	vsub.f32 v4, v10;
	v56 =	vld.idx.msk [tilespmem:v12+s2+$0x0], $0xffff;
	v37 =	vadd.s32 $0x8000, v11  }
0x30e: {  	v16 =	vadd.s32 v20, v5;
	v20 =	vadd.s32 $0x8000, v12;
	v17 =	vld.idx.msk [tilespmem:v17+s2+$0x0], $0xffff;
	v3 =	vsub.f32 v3, v24  }
0x30f: {  	v24 =	vmul.f32 v4, v4;
	v4 =	vadd.f32 v51, v52;
	v52 =	vadd.f32 v61, v53;
	v53 =	vld [tilespmem:$0x1FEF0]  }
0x310: {  	v31 =	vadd.f32 v50, v31;
	v33 =	vadd.f32 v57, v33;
	v21 =	vadd.s32 $0x8000, v16;
	v18 =	vld.idx.msk [tilespmem:v18+s2+$0x0], $0xffff  }
0x311: {  	v6 =	vadd.s32 $0x10000, v12;
	v34 =	vadd.f32 v19, v34;
	v2 =	vmul.f32 v2, v2;
	v15 =	vld.idx.msk [tilespmem:v15+s2+$0x0], $0xffff  }
0x312: {  	v7 =	vadd.s32 $0x10000, v7;
	v11 =	vadd.s32 $0x10000, v11;
	v23 =	vmul.f32 v3, v3;
	v3 =	vld.idx.msk [tilespmem:v37+s2+$0x0], $0xffff  }
0x313: {  	v5 =	vadd.s32 $0x10000, v16;
	v14 =	vsub.f32 v63, v14;
	v9 =	vsub.f32 v62, v9;
	v20 =	vld.idx.msk [tilespmem:v20+s2+$0x0], $0xffff  }
0x314: {  	v50 =	vld.idx.msk [tilespmem:v8+s2+$0x0], $0xffff;
	v63 =	vlaneseq.u32;
	v13 =	vsub.f32 v49, v13;
	v35 =	vadd.f32 v4, v35  }
0x315: {  	s28 =	sadd.s32 $0x4, s28;
	v57 =	vmul.f32 v14, v14;
	v59 =	vld.idx.msk [tilespmem:v21+s2+$0x0], $0xffff;
	v61 =	vsub.f32 v58, v17;
	v36 =	vadd.f32 v52, v36  }
0x316: {  	p0 =	slt.u32 s28, $0xFC;
	v4 =	vld.idx.msk [tilespmem:v16+s2+$0x0], $0xffff;
	v52 =	vsub.f32 v46, v56;
	v9 =	vmul.f32 v9, v9;
	v30 =	vadd.f32 v53, v30  }
.Ltmp2:
0x317: {  	v37 =	vld [tilespmem:$0x1FFE0];
	v62 =	vmul.f32 v61, v61;
	v1 =	vsub.f32 v1, v15;
	v0 =	vsub.f32 v0, v3;
	(pc) =	sbr.rel @p0 .LBB2_6-.Ltmp2, $4  }
0x318: {  	v51 =	vld.idx.msk [tilespmem:v7+s2+$0x0], $0xffff;
	v46 =	vmul.f32 v13, v13;
	v8 =	vsub.f32 v60, v18;
	v7 =	vsub.f32 v47, v20  }
0x319: {  	v49 =	vld.idx.msk [tilespmem:v11+s2+$0x0], $0xffff;
	v45 =	vadd.f32 v62, v9;
	v1 =	vmul.f32 v1, v1;
	v0 =	vmul.f32 v0, v0  }
0x31a: {  	v53 =	vld.idx.msk [tilespmem:v25+s2+$0x0], $0xffff;
	v3 =	vadd.f32 v57, v2;
	v48 =	vsub.f32 v48, v59;
	v7 =	vmul.f32 v7, v7  }
0x31b: {  	s1 =	sadd.s32 $0x40, s1;
	v47 =	vld.idx.msk [tilespmem:v22+s2+$0x0], $0xffff;
	v2 =	vadd.f32 v1, v23;
	v1 =	vmul.f32 v8, v8;
	v0 =	vadd.f32 v0, v24  }
0x31c: {  	_ =	sdelay $0x3  }
0x31d: {  	v6 =	vld.idx.msk [tilespmem:v6+s2+$0x0], $0xffff  }
0x31e: {  	v5 =	vld.idx.msk [tilespmem:v5+s2+$0x0], $0xffff;
	_ =	swait.ge [sflag:s23], $0x1000  }
0x31f: {  	[sflag:s23] =	ssyncset.done $0x0  }
0x320: {  	[sflag:s23] =	ssyncadd.s32 $0xFFFFF000  }
0x321: {  	v4 =	vsub.f32 v55, v4;
	v8 =	vsub.f32 v42, v50;
	_ =	swait.ge [sflag:s23], $0x1000  }
0x322: {  	v10 =	vmul.f32 v52, v52;
	v12 =	vmul.f32 v48, v48;
	s1 =	simm.s32 $0x30;
	s3 =	simm.s32 $0x20;
	v9 =	vsub.f32 v43, v51;
	[sflag:s23] =	ssyncset.done $0x0  }
0x323: {  	s4 =	simm.s32 $0x0;
	s22 =	simm.s32 $0x10;
	v1 =	vadd.f32 v1, v46;
	v15 =	vor.u32 s1, v63;
	v50 =	vor.u32 s3, v63;
	[sflag:s23] =	ssyncadd.s32 $0xFFFFF000  }
0x324: {  	v52 =	vor.u32 s4, v63;
	v56 =	vor.u32 s4, v37;
	v57 =	vor.u32 s22, v54;
	_ =	swait.ge [sflag:s23], $0x1000  }
0x325: {  	v11 =	vsub.f32 v44, v49;
	v4 =	vmul.f32 v4, v4;
	v8 =	vmul.f32 v8, v8;
	v21 =	vld [tilespmem:$0x1FF30]  }
0x326: {  	v7 =	vadd.f32 v7, v10;
	v14 =	vsub.f32 v39, v53;
	v9 =	vmul.f32 v9, v9;
	v23 =	vld [tilespmem:$0x1FF40]  }
0x327: {  	v53 =	vor.u32 s3, v54;
	v3 =	vadd.f32 v3, v8;
	v8 =	vor.u32 s3, v37;
	v22 =	vld [tilespmem:$0x1FF50]  }
0x328: {  	v13 =	vsub.f32 v38, v47;
	v11 =	vmul.f32 v11, v11;
	v4 =	vadd.f32 v12, v4;
	[sflag:s23] =	ssyncset.done $0x0;
	v60 =	vld [tilespmem:$0x1FF70]  }
0x329: {  	v6 =	vsub.f32 v40, v6;
	v5 =	vsub.f32 v41, v5;
	v51 =	vmul.f32 v14, v14;
	v62 =	vld [tilespmem:$0x1FF60];
	[sflag:s23] =	ssyncadd.s32 $0xFFFFF000  }
0x32a: {  	v2 =	vadd.f32 v2, v9;
	v13 =	vmul.f32 v13, v13;
	v0 =	vadd.f32 v0, v11;
	v15 =	vld.idx.msk [tilespmem:v15+s0+$0x0], $0xffff  }
0x32b: {  	v30 =	vadd.f32 v3, v30;
	v3 =	vor.u32 s22, v37;
	v6 =	vmul.f32 v6, v6;
	v10 =	vld.idx.msk [tilespmem:v50+s0+$0x0], $0xffff  }
0x32c: {  	v5 =	vmul.f32 v5, v5;
	v1 =	vadd.f32 v51, v1;
	v31 =	vadd.f32 v2, v31;
	v8 =	vld.idx.msk [tilespmem:v8+s0+$0x0], $0xffff  }
0x32d: {  	v55 =	vadd.f32 v13, v45;
	v32 =	vadd.f32 v0, v32;
	v0 =	vor.u32 s1, v37;
	v12 =	vld.idx.msk [tilespmem:v52+s0+$0x0], $0xffff  }
0x32e: {  	v6 =	vadd.f32 v6, v7;
	v7 =	vor.u32 s22, v63;
	v4 =	vadd.f32 v5, v4;
	v2 =	vld.idx.msk [tilespmem:v53+s0+$0x0], $0xffff  }
0x32f: {  	v34 =	vadd.f32 v1, v34;
	v1 =	vor.u32 s4, v54;
	v11 =	vld.idx.msk [tilespmem:v57+s0+$0x0], $0xffff;
	v33 =	vadd.f32 v55, v33  }
0x330: {  	v36 =	vadd.f32 v4, v36;
	v4 =	vld.idx.msk [tilespmem:v56+s0+$0x0], $0xffff;
	v9 =	vmul.f32 v15, v21;
	v55 =	vmul.f32 v15, v23  }
0x331: {  	v35 =	vadd.f32 v6, v35;
	v3 =	vld.idx.msk [tilespmem:v3+s0+$0x0], $0xffff;
	v58 =	vmul.f32 v10, v21;
	v59 =	vmul.f32 v8, v22  }
0x332: {  	v6 =	vor.u32 s1, v54;
	v16 =	vld.idx.msk [tilespmem:v0+s0+$0x0], $0xffff;
	v46 =	vmul.f32 v10, v23;
	v17 =	vmul.f32 v12, v21  }
0x333: {  	v7 =	vld.idx.msk [tilespmem:v7+s0+$0x0], $0xffff;
	v49 =	vmul.f32 v12, v23;
	v61 =	vmul.f32 v2, v60  }
0x334: {  	v18 =	vld.idx.msk [tilespmem:v1+s0+$0x0], $0xffff;
	v0 =	vmul.f32 v8, v62;
	v5 =	vadd.f32 v55, v26;
	v1 =	vadd.f32 v59, v58  }
0x335: {  	v42 =	vld [tilespmem:$0x1FF80];
	v14 =	vadd.f32 v46, v26;
	v19 =	vmul.f32 v4, v22;
	v45 =	vmul.f32 v4, v62  }
0x336: {  	v44 =	vld [tilespmem:$0x1FFA0];
	v20 =	vadd.f32 v49, v26;
	v52 =	vmul.f32 v3, v22;
	v48 =	vmul.f32 v3, v62  }
0x337: {  	v6 =	vld.idx.msk [tilespmem:v6+s0+$0x0], $0xffff;
	v58 =	vmul.f32 v11, v60;
	v13 =	vadd.f32 v61, v1;
	v22 =	vmul.f32 v16, v22  }
0x338: {  	v51 =	vld [tilespmem:$0x1FFB0];
	v17 =	vadd.f32 v19, v17;
	v47 =	vmul.f32 v16, v62;
	v14 =	vmul.f32 v14, v27  }
0x339: {  	v57 =	vld [tilespmem:$0x1FF90];
	v24 =	vadd.f32 v45, v26;
	v5 =	vmul.f32 v5, v27;
	v21 =	vmul.f32 v7, v21  }
0x33a: {  	v1 =	vmul.f32 v7, v23;
	v53 =	vmul.f32 v18, v60;
	v13 =	vadd.f32 v13, v42  }
0x33b: {  	v9 =	vadd.f32 v22, v9;
	v14 =	vmax.f32 v14, $0.0e+00;
	v5 =	vmax.f32 v5, $0.0e+00  }
0x33c: {  	v19 =	vadd.f32 v52, v21;
	v17 =	vadd.f32 v53, v17;
	v59 =	vmul.f32 v6, v60  }
0x33d: {  	v21 =	vadd.f32 v1, v26;
	v14 =	vmin.f32 v14, v28;
	v56 =	vmul.f32 v13, v44  }
0x33e: {  	v52 =	vld [tilespmem:$0x1FFC0];
	v5 =	vmin.f32 v5, v28;
	v25 =	vmul.f32 v13, v57;
	v13 =	vmul.f32 v13, v51  }
0x33f: {  	v14 =	vtrunc.f32 v14;
	v5 =	vtrunc.f32 v5;
	v19 =	vadd.f32 v58, v19  }
0x340: {  	v17 =	vadd.f32 v17, v42;
	v14 =	vcvt.f32.s32 v14;
	v10 =	vsub.f32 v10, v56  }
0x341: {  	v5 =	vcvt.f32.s32 v5;
	v8 =	vsub.f32 v8, v25;
	v13 =	vsub.f32 v2, v13  }
0x342: {  	v43 =	vmul.f32 v17, v57;
	v19 =	vadd.f32 v19, v42;
	v58 =	vmul.f32 v17, v44  }
0x343: {  	v17 =	vmul.f32 v17, v51;
	v14 =	vshll.u32 v14, $0xA;
	v38 =	vmul.f32 v18, v52  }
0x344: {  	v60 =	vadd.f32 v10, v26;
	v25 =	vadd.f32 v8, v26;
	v39 =	vmul.f32 v11, v52  }
0x345: {  	v61 =	vadd.f32 v13, v26;
	v40 =	vmul.f32 v2, v52;
	v41 =	vmul.f32 v6, v52  }
0x346: {  	v5 =	vshll.u32 v5, $0xA;
	v56 =	vmul.f32 v19, v57;
	v23 =	vmul.f32 v60, v27  }
0x347: {  	v2 =	vadd.f32 v59, v9;
	v25 =	vmul.f32 v25, v27;
	v62 =	vmul.f32 v61, v27  }
0x348: {  	v60 =	vmul.f32 v19, v44;
	v19 =	vmul.f32 v19, v51;
	v3 =	vsub.f32 v3, v56  }
0x349: {  	v50 =	vmax.f32 v23, $0.0e+00;
	v53 =	vmax.f32 v25, $0.0e+00;
	v9 =	vmax.f32 v62, $0.0e+00  }
0x34a: {  	v25 =	vadd.f32 v2, v42;
	v2 =	vsub.f32 v4, v43;
	v22 =	vmin.f32 v50, v28  }
0x34b: {  	v23 =	vmin.f32 v53, v28;
	v50 =	vsub.f32 v12, v58;
	v12 =	vmul.f32 v24, v27  }
0x34c: {  	v9 =	vmin.f32 v9, v28;
	v22 =	vtrunc.f32 v22;
	v23 =	vtrunc.f32 v23  }
0x34d: {  	v43 =	vsub.f32 v11, v19;
	v9 =	vtrunc.f32 v9;
	v57 =	vmul.f32 v25, v57  }
0x34e: {  	v24 =	vadd.f32 v48, v26;
	v44 =	vmul.f32 v25, v44;
	v23 =	vcvt.f32.s32 v23  }
0x34f: {  	v56 =	vadd.f32 v3, v26;
	v22 =	vcvt.f32.s32 v22;
	v9 =	vcvt.f32.s32 v9  }
0x350: {  	v24 =	vmul.f32 v24, v27;
	v12 =	vmax.f32 v12, $0.0e+00;
	v52 =	vsub.f32 v15, v44  }
0x351: {  	v15 =	vmul.f32 v56, v27;
	v12 =	vmin.f32 v12, v28;
	v4 =	vshll.u32 v23, $0x5  }
0x352: {  	v22 =	vshll.u32 v22, $0xA;
	v24 =	vmax.f32 v24, $0.0e+00;
	v12 =	vtrunc.f32 v12  }
0x353: {  	v4 =	vadd.s32 v9, v4;
	v53 =	vadd.f32 v52, v26;
	v15 =	vmax.f32 v15, $0.0e+00  }
0x354: {  	v24 =	vmin.f32 v24, v28;
	v12 =	vcvt.f32.s32 v12;
	v22 =	vadd.s32 v22, v4  }
0x355: {  	v4 =	vand.u32 $0x7F, v4;
	v15 =	vmin.f32 v15, v28;
	v24 =	vtrunc.f32 v24  }
0x356: {  	v59 =	vand.u32 $0xFFFFFF80, v22;
	v23 =	vmul.f32 v53, v27;
	v15 =	vtrunc.f32 v15  }
0x357: {  	v24 =	vcvt.f32.s32 v24;
	v12 =	vshll.u32 v12, $0x5;
	v42 =	vor.u32 v4, v59  }
0x358: {  	v4 =	vsub.f32 v16, v57;
	v16 =	vmul.f32 v25, v51;
	v51 =	vsub.f32 v7, v60  }
0x359: {  	v7 =	vmul.f32 v20, v27;
	v57 =	vadd.f32 v50, v26;
	v15 =	vcvt.f32.s32 v15  }
0x35a: {  	v61 =	vadd.s32 $0x8000, v42;
	v62 =	vadd.s32 $0x10000, v42;
	v42 =	vsub.f32 v18, v17  }
0x35b: {  	v18 =	vmul.f32 v21, v27;
	v23 =	vmax.f32 v23, $0.0e+00;
	v44 =	vsub.f32 v6, v16  }
0x35c: {  	v6 =	vadd.f32 v2, v26;
	v59 =	vadd.f32 v4, v26;
	v16 =	vmul.f32 v57, v27  }
0x35d: {  	v57 =	vadd.f32 v0, v26;
	v15 =	vshll.u32 v15, $0x5;
	v7 =	vmax.f32 v7, $0.0e+00  }
0x35e: {  	v23 =	vmin.f32 v23, v28;
	v60 =	vadd.f32 v42, v26;
	v18 =	vmax.f32 v18, $0.0e+00  }
0x35f: {  	v7 =	vmin.f32 v7, v28;
	v23 =	vtrunc.f32 v23;
	v6 =	vmul.f32 v6, v27  }
0x360: {  	v19 =	vmul.f32 v59, v27;
	v56 =	vadd.f32 v44, v26;
	v59 =	vmul.f32 v57, v27  }
0x361: {  	v57 =	vadd.f32 v40, v26;
	v16 =	vmax.f32 v16, $0.0e+00;
	v23 =	vcvt.f32.s32 v23  }
0x362: {  	v11 =	vld.idx.msk [tilespmem:v22+s2+$0x0], $0xffff;
	v18 =	vmin.f32 v18, v28;
	v7 =	vtrunc.f32 v7;
	v20 =	vmul.f32 v60, v27  }
0x363: {  	v16 =	vmin.f32 v16, v28;
	v18 =	vtrunc.f32 v18;
	v7 =	vcvt.f32.s32 v7;
	v58 =	vld.idx.msk [tilespmem:v61+s2+$0x0], $0xffff  }
0x364: {  	v9 =	vld.idx.msk [tilespmem:v62+s2+$0x0], $0xffff;
	v61 =	vadd.f32 v51, v26;
	v62 =	vadd.f32 v43, v26;
	v6 =	vmax.f32 v6, $0.0e+00  }
0x365: {  	v19 =	vmax.f32 v19, $0.0e+00;
	v16 =	vtrunc.f32 v16;
	v18 =	vcvt.f32.s32 v18  }
0x366: {  	v6 =	vmin.f32 v6, v28;
	v60 =	vmax.f32 v20, $0.0e+00;
	v19 =	vmin.f32 v19, v28  }
0x367: {  	v16 =	vcvt.f32.s32 v16;
	v7 =	vshll.u32 v7, $0xA;
	v21 =	vmul.f32 v61, v27  }
0x368: {  	v10 =	vsub.f32 v10, v11;
	v22 =	vmul.f32 v62, v27;
	v11 =	vmul.f32 v56, v27  }
0x369: {  	v6 =	vtrunc.f32 v6;
	v17 =	vmin.f32 v60, v28;
	v62 =	vadd.f32 v38, v26  }
0x36a: {  	v56 =	vadd.f32 v39, v26;
	v19 =	vtrunc.f32 v19;
	v60 =	vshll.u32 v23, $0xA  }
0x36b: {  	v7 =	vadd.s32 v7, v12;
	v18 =	vshll.u32 v18, $0xA;
	v6 =	vcvt.f32.s32 v6  }
0x36c: {  	v17 =	vtrunc.f32 v17;
	v19 =	vcvt.f32.s32 v19;
	v16 =	vshll.u32 v16, $0xA  }
0x36d: {  	v10 =	vmul.f32 v10, v10;
	v61 =	vmax.f32 v22, $0.0e+00;
	v17 =	vcvt.f32.s32 v17  }
0x36e: {  	v21 =	vmax.f32 v21, $0.0e+00;
	v11 =	vmax.f32 v11, $0.0e+00;
	v22 =	vmul.f32 v62, v27  }
0x36f: {  	v8 =	vsub.f32 v8, v58;
	v9 =	vsub.f32 v13, v9;
	v20 =	vmin.f32 v61, v28  }
0x370: {  	v6 =	vshll.u32 v6, $0x5;
	v21 =	vmin.f32 v21, v28;
	v11 =	vmin.f32 v11, v28  }
0x371: {  	v20 =	vtrunc.f32 v20;
	v6 =	vadd.s32 v17, v6;
	v17 =	vmul.f32 v57, v27  }
0x372: {  	v58 =	vadd.f32 v47, v26;
	v21 =	vtrunc.f32 v21;
	v11 =	vtrunc.f32 v11  }
0x373: {  	v19 =	vshll.u32 v19, $0x5;
	v8 =	vmul.f32 v8, v8;
	v9 =	vmul.f32 v9, v9  }
0x374: {  	v22 =	vmax.f32 v22, $0.0e+00;
	v13 =	vmul.f32 v58, v27;
	v53 =	vcvt.f32.s32 v20  }
0x375: {  	v58 =	vadd.f32 v41, v26;
	v20 =	vmul.f32 v56, v27;
	v21 =	vcvt.f32.s32 v21  }
0x376: {  	v11 =	vcvt.f32.s32 v11;
	v22 =	vmin.f32 v22, v28;
	v16 =	vadd.s32 v16, v6  }
0x377: {  	v6 =	vand.u32 $0x7F, v6;
	v17 =	vmax.f32 v17, $0.0e+00;
	v61 =	vand.u32 $0xFFFFFF80, v16  }
0x378: {  	v8 =	vadd.f32 v8, v10;
	v10 =	vmax.f32 v59, $0.0e+00;
	v13 =	vmax.f32 v13, $0.0e+00  }
0x379: {  	v20 =	vmax.f32 v20, $0.0e+00;
	v17 =	vmin.f32 v17, v28;
	v21 =	vshll.u32 v21, $0xA  }
0x37a: {  	v11 =	vadd.s32 v11, v19;
	v59 =	vtrunc.f32 v22;
	v6 =	vor.u32 v6, v61  }
0x37b: {  	v10 =	vmin.f32 v10, v28;
	v13 =	vmin.f32 v13, v28;
	v20 =	vmin.f32 v20, v28  }
0x37c: {  	v22 =	vadd.s32 v60, v11;
	v19 =	vcvt.f32.s32 v59;
	v11 =	vand.u32 $0x7F, v11  }
0x37d: {  	v56 =	vadd.s32 $0x8000, v6;
	v17 =	vtrunc.f32 v17;
	v8 =	vadd.f32 v8, v9  }
0x37e: {  	v9 =	vadd.s32 v53, v15;
	v15 =	vmul.f32 v58, v27;
	v10 =	vtrunc.f32 v10  }
0x37f: {  	v13 =	vtrunc.f32 v13;
	v20 =	vtrunc.f32 v20;
	v53 =	vand.u32 $0xFFFFFF80, v22  }
0x380: {  	v58 =	vshll.u32 v24, $0x5;
	v17 =	vcvt.f32.s32 v17;
	v10 =	vcvt.f32.s32 v10  }
0x381: {  	v21 =	vadd.s32 v21, v9;
	v9 =	vand.u32 $0x7F, v9;
	v7 =	vadd.s32 v19, v7  }
0x382: {  	v11 =	vor.u32 v11, v53;
	v20 =	vcvt.f32.s32 v20;
	v13 =	vcvt.f32.s32 v13  }
0x383: {  	v18 =	vadd.s32 v18, v58;
	v15 =	vmax.f32 v15, $0.0e+00;
	v62 =	vand.u32 $0xFFFFFF80, v21  }
0x384: {  	v16 =	vld.idx.msk [tilespmem:v16+s2+$0x0], $0xffff;
	v24 =	vadd.s32 $0x8000, v11;
	v9 =	vor.u32 v9, v62;
	v15 =	vmin.f32 v15, v28  }
0x385: {  	v59 =	vadd.s32 $0x8000, v7;
	v57 =	vadd.s32 $0x8000, v9;
	v22 =	vld.idx.msk [tilespmem:v22+s2+$0x0], $0xffff;
	v15 =	vtrunc.f32 v15  }
0x386: {  	v18 =	vadd.s32 v20, v18;
	v13 =	vshll.u32 v13, $0x5;
	v12 =	vld.idx.msk [tilespmem:v56+s2+$0x0], $0xffff;
	v15 =	vcvt.f32.s32 v15  }
0x387: {  	v10 =	vshll.u32 v10, $0x5;
	v61 =	vadd.s32 $0x8000, v18;
	v5 =	vadd.s32 v5, v13;
	v21 =	vld.idx.msk [tilespmem:v21+s2+$0x0], $0xffff  }
0x388: {  	v10 =	vadd.s32 v14, v10;
	v60 =	vld.idx.msk [tilespmem:v7+s2+$0x0], $0xffff;
	v15 =	vadd.s32 v15, v5  }
0x389: {  	v10 =	vadd.s32 v17, v10;
	v62 =	vld.idx.msk [tilespmem:v24+s2+$0x0], $0xffff;
	v56 =	vadd.s32 $0x8000, v15  }
0x38a: {  	v24 =	vadd.s32 $0x8000, v10;
	v19 =	vld.idx.msk [tilespmem:v57+s2+$0x0], $0xffff  }
0x38b: {  	v6 =	vadd.s32 $0x10000, v6;
	v29 =	vadd.f32 v8, v29;
	v8 =	vsub.f32 v50, v16;
	v50 =	vld.idx.msk [tilespmem:v59+s2+$0x0], $0xffff  }
0x38c: {  	v11 =	vadd.s32 $0x10000, v11;
	v9 =	vadd.s32 $0x10000, v9;
	v2 =	vsub.f32 v2, v12;
	v14 =	vld.idx.msk [tilespmem:v61+s2+$0x0], $0xffff  }
0x38d: {  	v59 =	vadd.s32 $0x10000, v7;
	v52 =	vsub.f32 v52, v22;
	v57 =	vld.idx.msk [tilespmem:v18+s2+$0x0], $0xffff;
	v18 =	vadd.s32 $0x10000, v18  }
0x38e: {  	v5 =	vsub.f32 v51, v21;
	v53 =	vsub.f32 v49, v60;
	v2 =	vmul.f32 v2, v2;
	v7 =	vld.idx.msk [tilespmem:v56+s2+$0x0], $0xffff  }
0x38f: {  	v4 =	vsub.f32 v4, v62;
	v19 =	vsub.f32 v3, v19;
	v3 =	vmul.f32 v8, v8;
	v8 =	vld.idx.msk [tilespmem:v24+s2+$0x0], $0xffff  }
0x390: {  	v58 =	vld.idx.msk [tilespmem:v10+s2+$0x0], $0xffff;
	v60 =	vmul.f32 v52, v52;
	v13 =	vsub.f32 v45, v50;
	v5 =	vmul.f32 v5, v5  }
0x391: {  	v49 =	vld.idx.msk [tilespmem:v11+s2+$0x0], $0xffff;
	v20 =	vmul.f32 v53, v53;
	v14 =	vsub.f32 v48, v14;
	v61 =	vmul.f32 v4, v4  }
0x392: {  	v4 =	vld.idx.msk [tilespmem:v6+s2+$0x0], $0xffff;
	v6 =	vmul.f32 v13, v13;
	v62 =	vsub.f32 v1, v57;
	v3 =	vadd.f32 v2, v3  }
0x393: {  	v50 =	vld.idx.msk [tilespmem:v9+s2+$0x0], $0xffff;
	v2 =	vmul.f32 v19, v19;
	v48 =	vsub.f32 v47, v7;
	v7 =	vadd.s32 $0x10000, v10  }
0x394: {  	v51 =	vld.idx.msk [tilespmem:v59+s2+$0x0], $0xffff;
	v45 =	vadd.f32 v6, v20;
	v6 =	vadd.s32 $0x10000, v15;
	v8 =	vsub.f32 v0, v8  }
0x395: {  	v53 =	vld.idx.msk [tilespmem:v18+s2+$0x0], $0xffff;
	v52 =	vsub.f32 v46, v58;
	v1 =	vmul.f32 v14, v14;
	v5 =	vadd.f32 v2, v5  }
0x396: {  	s28 =	simm.s32 $0x0;
	s1 =	simm.s32 $0x70;
	v2 =	vld.idx.msk [tilespmem:v15+s2+$0x0], $0xffff;
	v47 =	vmul.f32 v62, v62;
	v0 =	vadd.f32 v61, v60;
	v46 =	vmul.f32 v8, v8  }
.LBB2_8:
0x397: {  	v8 =	vor.u32 s1, v63  }
0x398: {  	v7 =	vld.idx.msk [tilespmem:v7+s2+$0x0], $0xffff  }
0x399: {  	s22 =	sadd.s32 $0xFFFFFFF0, s1;
	v6 =	vld.idx.msk [tilespmem:v6+s2+$0x0], $0xffff  }
0x39a: {  	s3 =	sadd.s32 $0xFFFFFFD0, s1;
	v13 =	vor.u32 s22, v63;
	v21 =	vsub.f32 v43, v50;
	v43 =	vld [tilespmem:$0x1FF60]  }
0x39b: {  	s4 =	sadd.s32 $0xFFFFFFE0, s1;
	v11 =	vor.u32 s3, v63;
	v25 =	vsub.f32 v39, v53;
	v39 =	vld [tilespmem:$0x1FF30]  }
0x39c: {  	v14 =	vor.u32 s4, v63;
	v23 =	vmul.f32 v48, v48;
	v20 =	vsub.f32 v42, v4;
	v4 =	vld.idx.msk [tilespmem:v8+s0+$0x0], $0xffff  }
0x39d: {  	v1 =	vadd.f32 v1, v47;
	v16 =	vor.u32 s22, v37;
	v7 =	vsub.f32 v40, v7;
	v40 =	vld [tilespmem:$0x1FF40]  }
0x39e: {  	v12 =	vor.u32 s3, v37;
	v2 =	vsub.f32 v55, v2;
	v6 =	vsub.f32 v41, v6;
	v41 =	vld [tilespmem:$0x1FF50]  }
0x39f: {  	v9 =	vor.u32 s1, v37;
	v15 =	vor.u32 s4, v37;
	v22 =	vsub.f32 v44, v49;
	v13 =	vld.idx.msk [tilespmem:v13+s0+$0x0], $0xffff  }
0x3a0: {  	v24 =	vsub.f32 v38, v51;
	v38 =	vmul.f32 v21, v21;
	v63 =	vmul.f32 v2, v2;
	v2 =	vld.idx.msk [tilespmem:v11+s0+$0x0], $0xffff  }
0x3a1: {  	v17 =	vor.u32 s3, v54;
	v8 =	vmul.f32 v52, v52;
	v59 =	vmul.f32 v25, v25;
	v25 =	vld [tilespmem:$0x1FF70]  }
0x3a2: {  	[tilespmem:$0x1FEC0] =	vst v1;
	v18 =	vor.u32 s4, v54;
	v20 =	vmul.f32 v20, v20;
	v1 =	vmul.f32 v22, v22;
	v16 =	vld.idx.msk [tilespmem:v16+s0+$0x0], $0xffff  }
0x3a3: {  	v57 =	vmul.f32 v24, v24;
	v52 =	vadd.f32 v46, v8;
	v51 =	vmul.f32 v7, v7;
	v8 =	vld.idx.msk [tilespmem:v12+s0+$0x0], $0xffff  }
0x3a4: {  	v19 =	vor.u32 s22, v54;
	v61 =	vmul.f32 v6, v6;
	v11 =	vld.idx.msk [tilespmem:v15+s0+$0x0], $0xffff;
	v7 =	vmul.f32 v4, v39  }
0x3a5: {  	v3 =	vadd.f32 v3, v20;
	v9 =	vld.idx.msk [tilespmem:v9+s0+$0x0], $0xffff;
	v55 =	vmul.f32 v4, v40;
	v46 =	vmul.f32 v13, v40  }
0x3a6: {  	v56 =	vadd.f32 v0, v1;
	v12 =	vld.idx.msk [tilespmem:v17+s0+$0x0], $0xffff;
	v0 =	vmul.f32 v13, v39;
	v42 =	vmul.f32 v2, v39  }
0x3a7: {  	v10 =	vor.u32 s1, v54;
	[tilespmem:$0x1FED0] =	vst v3;
	v3 =	vld.idx.msk [tilespmem:v14+s0+$0x0], $0xffff;
	v62 =	vmul.f32 v2, v40;
	v1 =	vmul.f32 v16, v41  }
0x3a8: {  	v50 =	vadd.f32 v5, v38;
	v47 =	vmul.f32 v16, v43;
	v44 =	vmul.f32 v8, v41  }
0x3a9: {  	v53 =	vadd.f32 v23, v63;
	v19 =	vld.idx.msk [tilespmem:v19+s0+$0x0], $0xffff;
	v58 =	vmul.f32 v8, v43;
	v54 =	vmul.f32 v11, v41  }
0x3aa: {  	v15 =	vld.idx.msk [tilespmem:v18+s0+$0x0], $0xffff;
	v5 =	vadd.f32 v55, v26;
	v60 =	vmul.f32 v11, v43;
	v63 =	vmul.f32 v9, v41  }
0x3ab: {  	v6 =	vadd.f32 v46, v26;
	v48 =	vmul.f32 v9, v43;
	v38 =	vmul.f32 v12, v25  }
0x3ac: {  	v57 =	vadd.f32 v57, v45;
	v5 =	vmul.f32 v5, v27;
	v20 =	vmul.f32 v3, v39  }
0x3ad: {  	v18 =	vadd.f32 v62, v26;
	v43 =	vld [tilespmem:$0x1FFC0];
	v49 =	vmul.f32 v3, v40;
	v6 =	vmul.f32 v6, v27  }
0x3ae: {  	v37 =	vld [tilespmem:$0x1FF80];
	v0 =	vadd.f32 v1, v0;
	v1 =	vmul.f32 v19, v25;
	v22 =	vadd.f32 v58, v26  }
0x3af: {  	v24 =	vld [tilespmem:$0x1FF90];
	v7 =	vadd.f32 v63, v7;
	v63 =	vmul.f32 v15, v25;
	v5 =	vmax.f32 v5, $0.0e+00  }
0x3b0: {  	v41 =	vld [tilespmem:$0x1FFA0];
	v14 =	vadd.f32 v54, v20;
	v6 =	vmax.f32 v6, $0.0e+00;
	v5 =	vmin.f32 v5, v28  }
0x3b1: {  	v0 =	vadd.f32 v1, v0;
	v1 =	vadd.f32 v44, v42;
	v42 =	vld [tilespmem:$0x1FFB0];
	v6 =	vmin.f32 v6, v28  }
0x3b2: {  	v10 =	vld.idx.msk [tilespmem:v10+s0+$0x0], $0xffff;
	v5 =	vtrunc.f32 v5;
	v14 =	vadd.f32 v63, v14;
	v40 =	vmul.f32 v19, v43  }
0x3b3: {  	v6 =	vtrunc.f32 v6;
	v5 =	vcvt.f32.s32 v5;
	v0 =	vadd.f32 v0, v37  }
0x3b4: {  	v1 =	vadd.f32 v38, v1;
	v38 =	vmul.f32 v12, v43;
	v6 =	vcvt.f32.s32 v6  }
0x3b5: {  	v14 =	vadd.f32 v14, v37;
	v39 =	vmul.f32 v0, v41;
	v54 =	vmul.f32 v0, v24  }
0x3b6: {  	v5 =	vshll.u32 v5, $0xA;
	v1 =	vadd.f32 v1, v37;
	v0 =	vmul.f32 v0, v42  }
0x3b7: {  	v13 =	vsub.f32 v13, v39;
	v16 =	vsub.f32 v16, v54;
	v54 =	vmul.f32 v10, v25  }
0x3b8: {  	v6 =	vshll.u32 v6, $0xA;
	v21 =	vmul.f32 v14, v24;
	v17 =	vsub.f32 v19, v0  }
0x3b9: {  	v39 =	vmul.f32 v15, v43;
	v0 =	vadd.f32 v13, v26;
	v7 =	vadd.f32 v54, v7  }
0x3ba: {  	v25 =	vmul.f32 v14, v41;
	v14 =	vmul.f32 v14, v42;
	v63 =	vadd.f32 v16, v26  }
0x3bb: {  	v44 =	vadd.f32 v17, v26;
	v0 =	vmul.f32 v0, v27;
	v7 =	vadd.f32 v7, v37  }
0x3bc: {  	v3 =	vsub.f32 v3, v25;
	v54 =	vmul.f32 v63, v27;
	v37 =	vmul.f32 v1, v24  }
0x3bd: {  	v63 =	vmul.f32 v44, v27;
	v0 =	vmax.f32 v0, $0.0e+00;
	v23 =	vmul.f32 v7, v24  }
0x3be: {  	v19 =	vmax.f32 v54, $0.0e+00;
	v24 =	vmul.f32 v1, v41;
	v54 =	vmul.f32 v7, v41  }
0x3bf: {  	v7 =	vmul.f32 v7, v42;
	v41 =	vmul.f32 v10, v43;
	v43 =	vsub.f32 v15, v14  }
0x3c0: {  	v0 =	vmin.f32 v0, v28;
	v19 =	vmin.f32 v19, v28;
	v20 =	vmax.f32 v63, $0.0e+00  }
0x3c1: {  	v63 =	vsub.f32 v8, v37;
	v0 =	vtrunc.f32 v0;
	v19 =	vtrunc.f32 v19  }
0x3c2: {  	v20 =	vmin.f32 v20, v28;
	v2 =	vsub.f32 v2, v24;
	v4 =	vsub.f32 v4, v54  }
0x3c3: {  	v24 =	vadd.f32 v60, v26;
	v8 =	vcvt.f32.s32 v19;
	v44 =	vtrunc.f32 v20  }
0x3c4: {  	v20 =	vadd.f32 v49, v26;
	v0 =	vcvt.f32.s32 v0;
	v19 =	vcvt.f32.s32 v44  }
0x3c5: {  	v44 =	vsub.f32 v10, v7;
	v7 =	vadd.f32 v63, v26;
	v10 =	vmul.f32 v22, v27  }
0x3c6: {  	v22 =	vadd.f32 v43, v26;
	v8 =	vshll.u32 v8, $0x5;
	v0 =	vshll.u32 v0, $0xA  }
0x3c7: {  	v8 =	vadd.s32 v19, v8;
	v19 =	vmul.f32 v1, v42;
	v7 =	vmul.f32 v7, v27  }
0x3c8: {  	v25 =	vadd.f32 v44, v26;
	v22 =	vmul.f32 v22, v27;
	v10 =	vmax.f32 v10, $0.0e+00  }
0x3c9: {  	v37 =	vadd.s32 v0, v8;
	v1 =	vand.u32 $0x7F, v8;
	v10 =	vmin.f32 v10, v28  }
0x3ca: {  	v0 =	vand.u32 $0xFFFFFF80, v37;
	v42 =	vsub.f32 v12, v19;
	v7 =	vmax.f32 v7, $0.0e+00  }
0x3cb: {  	v10 =	vtrunc.f32 v10;
	v8 =	vor.u32 v1, v0;
	v1 =	vsub.f32 v11, v21  }
0x3cc: {  	v0 =	vsub.f32 v9, v23;
	v9 =	vmul.f32 v18, v27;
	v18 =	vmul.f32 v20, v27  }
0x3cd: {  	v23 =	vadd.f32 v4, v26;
	v7 =	vmin.f32 v7, v28;
	v10 =	vcvt.f32.s32 v10  }
0x3ce: {  	v21 =	vadd.s32 $0x8000, v8;
	v8 =	vadd.s32 $0x10000, v8;
	v20 =	vadd.f32 v42, v26  }
0x3cf: {  	v7 =	vtrunc.f32 v7;
	v12 =	vadd.f32 v1, v26;
	v54 =	vadd.f32 v0, v26  }
0x3d0: {  	v9 =	vmax.f32 v9, $0.0e+00;
	v18 =	vmax.f32 v18, $0.0e+00;
	v7 =	vcvt.f32.s32 v7  }
0x3d1: {  	v10 =	vshll.u32 v10, $0x5;
	v14 =	vld.idx.msk [tilespmem:v37+s2+$0x0], $0xffff;
	v37 =	vadd.f32 v2, v26;
	v20 =	vmul.f32 v20, v27  }
0x3d2: {  	v9 =	vmin.f32 v9, v28;
	v18 =	vmin.f32 v18, v28;
	v12 =	vmul.f32 v12, v27  }
0x3d3: {  	v19 =	vmul.f32 v54, v27;
	v54 =	vadd.f32 v48, v26;
	v9 =	vtrunc.f32 v9  }
0x3d4: {  	v18 =	vtrunc.f32 v18;
	v7 =	vshll.u32 v7, $0x5;
	v15 =	vmul.f32 v37, v27  }
0x3d5: {  	v37 =	vadd.f32 v47, v26;
	v20 =	vmax.f32 v20, $0.0e+00;
	v9 =	vcvt.f32.s32 v9  }
0x3d6: {  	v18 =	vcvt.f32.s32 v18;
	v11 =	vld.idx.msk [tilespmem:v21+s2+$0x0], $0xffff;
	v21 =	vadd.f32 v3, v26;
	v12 =	vmax.f32 v12, $0.0e+00  }
0x3d7: {  	v19 =	vmax.f32 v19, $0.0e+00;
	v20 =	vmin.f32 v20, v28;
	v15 =	vmax.f32 v15, $0.0e+00  }
0x3d8: {  	v19 =	vmin.f32 v19, v28;
	v20 =	vtrunc.f32 v20;
	v9 =	vshll.u32 v9, $0xA  }
0x3d9: {  	v8 =	vld.idx.msk [tilespmem:v8+s2+$0x0], $0xffff;
	v18 =	vshll.u32 v18, $0xA;
	v21 =	vmul.f32 v21, v27;
	v13 =	vsub.f32 v13, v14  }
0x3da: {  	v14 =	vmul.f32 v23, v27;
	v15 =	vmin.f32 v15, v28;
	v19 =	vtrunc.f32 v19  }
0x3db: {  	v23 =	vadd.f32 v38, v26;
	v20 =	vcvt.f32.s32 v20;
	v15 =	vtrunc.f32 v15  }
0x3dc: {  	v9 =	vadd.s32 v9, v10;
	v19 =	vcvt.f32.s32 v19;
	v13 =	vmul.f32 v13, v13  }
0x3dd: {  	v14 =	vmax.f32 v14, $0.0e+00;
	v15 =	vcvt.f32.s32 v15;
	v7 =	vadd.s32 v20, v7  }
0x3de: {  	v11 =	vsub.f32 v16, v11;
	v16 =	vmul.f32 v25, v27;
	v8 =	vsub.f32 v17, v8  }
0x3df: {  	v17 =	vmul.f32 v24, v27;
	v24 =	vmul.f32 v54, v27;
	v14 =	vmin.f32 v14, v28  }
0x3e0: {  	v25 =	vadd.f32 v39, v26;
	v19 =	vshll.u32 v19, $0x5;
	v14 =	vtrunc.f32 v14  }
0x3e1: {  	v15 =	vshll.u32 v15, $0xA;
	v11 =	vmul.f32 v11, v11;
	v8 =	vmul.f32 v8, v8  }
0x3e2: {  	v16 =	vmax.f32 v16, $0.0e+00;
	v17 =	vmax.f32 v17, $0.0e+00;
	v24 =	vmax.f32 v24, $0.0e+00  }
0x3e3: {  	v14 =	vcvt.f32.s32 v14;
	v15 =	vadd.s32 v15, v7;
	v7 =	vand.u32 $0x7F, v7  }
0x3e4: {  	v16 =	vmin.f32 v16, v28;
	v17 =	vmin.f32 v17, v28;
	v24 =	vmin.f32 v24, v28  }
0x3e5: {  	v11 =	vadd.f32 v11, v13;
	v13 =	vmul.f32 v37, v27;
	v16 =	vtrunc.f32 v16  }
0x3e6: {  	v37 =	vadd.f32 v41, v26;
	v17 =	vtrunc.f32 v17;
	v24 =	vtrunc.f32 v24  }
0x3e7: {  	v14 =	vshll.u32 v14, $0xA;
	v16 =	vcvt.f32.s32 v16;
	v17 =	vcvt.f32.s32 v17  }
0x3e8: {  	v24 =	vcvt.f32.s32 v24;
	v8 =	vadd.f32 v11, v8;
	v11 =	vmin.f32 v12, v28  }
0x3e9: {  	v12 =	vadd.f32 v40, v26;
	v13 =	vmax.f32 v13, $0.0e+00;
	v11 =	vtrunc.f32 v11  }
0x3ea: {  	v13 =	vmin.f32 v13, v28;
	v29 =	vadd.f32 v8, v29;
	v8 =	vmax.f32 v21, $0.0e+00  }
0x3eb: {  	v21 =	vmax.f32 v22, $0.0e+00;
	v22 =	vmul.f32 v23, v27;
	v23 =	vmul.f32 v25, v27  }
0x3ec: {  	v16 =	vadd.s32 v16, v19;
	v12 =	vmul.f32 v12, v27;
	v25 =	vmul.f32 v37, v27  }
0x3ed: {  	v17 =	vshll.u32 v17, $0x5;
	v11 =	vcvt.f32.s32 v11;
	v13 =	vtrunc.f32 v13  }
0x3ee: {  	v14 =	vadd.s32 v14, v16;
	v16 =	vand.u32 $0x7F, v16;
	v17 =	vadd.s32 v18, v17  }
0x3ef: {  	v8 =	vmin.f32 v8, v28;
	v21 =	vmin.f32 v21, v28;
	v13 =	vcvt.f32.s32 v13  }
0x3f0: {  	v8 =	vtrunc.f32 v8;
	v21 =	vtrunc.f32 v21;
	v22 =	vmax.f32 v22, $0.0e+00  }
0x3f1: {  	v23 =	vmax.f32 v23, $0.0e+00;
	v12 =	vmax.f32 v12, $0.0e+00;
	v25 =	vmax.f32 v25, $0.0e+00  }
0x3f2: {  	v11 =	vshll.u32 v11, $0x5;
	v8 =	vcvt.f32.s32 v8;
	v21 =	vcvt.f32.s32 v21  }
0x3f3: {  	v22 =	vmin.f32 v22, v28;
	v23 =	vmin.f32 v23, v28;
	v12 =	vmin.f32 v12, v28  }
0x3f4: {  	v20 =	vmin.f32 v25, v28;
	v19 =	vtrunc.f32 v22;
	v37 =	vtrunc.f32 v23  }
0x3f5: {  	v13 =	vshll.u32 v13, $0x5;
	v12 =	vtrunc.f32 v12;
	v20 =	vtrunc.f32 v20  }
0x3f6: {  	v23 =	vld.idx.msk [tilespmem:v15+s2+$0x0], $0xffff;
	v15 =	vand.u32 $0xFFFFFF80, v15;
	v11 =	vadd.s32 v21, v11;
	v8 =	vshll.u32 v8, $0xA  }
0x3f7: {  	v6 =	vadd.s32 v6, v13;
	v19 =	vcvt.f32.s32 v19;
	v10 =	vld.idx.msk [tilespmem:v14+s2+$0x0], $0xffff;
	v8 =	vadd.s32 v8, v11  }
0x3f8: {  	v21 =	vcvt.f32.s32 v37;
	v37 =	vshll.u32 v24, $0x5;
	v12 =	vcvt.f32.s32 v12  }
0x3f9: {  	v20 =	vcvt.f32.s32 v20;
	v14 =	vand.u32 $0xFFFFFF80, v14;
	v9 =	vadd.s32 v19, v9  }
0x3fa: {  	v7 =	vor.u32 v7, v15;
	v11 =	vand.u32 $0x7F, v11;
	v5 =	vadd.s32 v5, v37  }
0x3fb: {  	v13 =	vadd.s32 v21, v17;
	v12 =	vadd.s32 v12, v6;
	v5 =	vadd.s32 v20, v5  }
0x3fc: {  	v20 =	vadd.s32 $0x8000, v12;
	v4 =	vsub.f32 v4, v10;
	v24 =	vld.idx.msk [tilespmem:v8+s2+$0x0], $0xffff;
	v8 =	vand.u32 $0xFFFFFF80, v8  }
0x3fd: {  	v54 =	vld [tilespmem:$0x1FFF0];
	v22 =	vadd.s32 $0x10000, v9;
	v8 =	vor.u32 v11, v8;
	v11 =	vor.u32 v16, v14  }
0x3fe: {  	v14 =	vadd.s32 $0x8000, v7;
	v16 =	vadd.s32 $0x8000, v9;
	v9 =	vld.idx.msk [tilespmem:v9+s2+$0x0], $0xffff;
	v18 =	vmul.f32 v4, v4  }
0x3ff: {  	v4 =	vadd.f32 v51, v52;
	v52 =	vadd.f32 v61, v53;
	v53 =	vld [tilespmem:$0x1FED0];
	v15 =	vadd.s32 $0x8000, v8  }
0x400: {  	v17 =	vadd.s32 $0x8000, v13;
	v25 =	vadd.s32 $0x10000, v13;
	v13 =	vld.idx.msk [tilespmem:v13+s2+$0x0], $0xffff  }
0x401: {  	v33 =	vadd.f32 v57, v33;
	v57 =	vld.idx.msk [tilespmem:v12+s2+$0x0], $0xffff;
	v37 =	vadd.s32 $0x8000, v11  }
0x402: {  	v20 =	vld.idx.msk [tilespmem:v20+s2+$0x0], $0xffff  }
0x403: {  	v3 =	vsub.f32 v3, v24;
	v14 =	vld.idx.msk [tilespmem:v14+s2+$0x0], $0xffff  }
0x404: {  	v31 =	vadd.f32 v50, v31;
	v2 =	vsub.f32 v2, v23;
	v8 =	vadd.s32 $0x10000, v8;
	v15 =	vld.idx.msk [tilespmem:v15+s2+$0x0], $0xffff  }
0x405: {  	v32 =	vadd.f32 v56, v32;
	v19 =	vadd.s32 $0x10000, v7;
	v24 =	vmul.f32 v3, v3;
	v3 =	vld [tilespmem:$0x1FEC0]  }
0x406: {  	v21 =	vadd.s32 $0x8000, v5;
	v23 =	vmul.f32 v2, v2;
	v35 =	vadd.f32 v4, v35;
	v2 =	vld.idx.msk [tilespmem:v37+s2+$0x0], $0xffff  }
0x407: {  	v6 =	vadd.s32 $0x10000, v5;
	v36 =	vadd.f32 v52, v36;
	v16 =	vld.idx.msk [tilespmem:v16+s2+$0x0], $0xffff;
	v30 =	vadd.f32 v53, v30  }
0x408: {  	v7 =	vadd.s32 $0x10000, v12;
	v17 =	vld.idx.msk [tilespmem:v17+s2+$0x0], $0xffff;
	v9 =	vsub.f32 v62, v9;
	v13 =	vsub.f32 v49, v13  }
0x409: {  	v11 =	vadd.s32 $0x10000, v11;
	v52 =	vsub.f32 v46, v57;
	v50 =	vld.idx.msk [tilespmem:v8+s2+$0x0], $0xffff;
	v8 =	vsub.f32 v47, v20  }
0x40a: {  	s28 =	sadd.s32 $0x4, s28;
	v51 =	vld.idx.msk [tilespmem:v22+s2+$0x0], $0xffff;
	v9 =	vmul.f32 v9, v9;
	v14 =	vsub.f32 v63, v14;
	v3 =	vadd.f32 v59, v3  }
0x40b: {  	p0 =	slt.u32 s28, $0xFC;
	v47 =	vmul.f32 v13, v13;
	v1 =	vsub.f32 v1, v15;
	v0 =	vsub.f32 v0, v2;
	v59 =	vld.idx.msk [tilespmem:v21+s2+$0x0], $0xffff  }
.Ltmp3:
0x40c: {  	v4 =	vld.idx.msk [tilespmem:v19+s2+$0x0], $0xffff;
	v61 =	vsub.f32 v58, v16;
	v34 =	vadd.f32 v3, v34;
	v3 =	vmul.f32 v14, v14;
	(pc) =	sbr.rel @p0 .LBB2_8-.Ltmp3, $4  }
0x40d: {  	v53 =	vld.idx.msk [tilespmem:v25+s2+$0x0], $0xffff;
	v62 =	vsub.f32 v60, v17;
	v1 =	vmul.f32 v1, v1;
	v0 =	vmul.f32 v0, v0  }
0x40e: {  	v37 =	vld [tilespmem:$0x1FFE0];
	v46 =	vmul.f32 v8, v8;
	v14 =	vmul.f32 v61, v61;
	v3 =	vadd.f32 v3, v23  }
0x40f: {  	v63 =	vlaneseq.u32;
	v2 =	vld.idx.msk [tilespmem:v5+s2+$0x0], $0xffff;
	v5 =	vadd.f32 v1, v24;
	v0 =	vadd.f32 v0, v18  }
0x410: {  	s1 =	sadd.s32 $0x40, s1;
	v49 =	vld.idx.msk [tilespmem:v11+s2+$0x0], $0xffff;
	v1 =	vmul.f32 v62, v62;
	v45 =	vadd.f32 v14, v9;
	v48 =	vsub.f32 v48, v59  }
0x411: {  	_ =	sdelay $0x2  }
0x412: {  	v4 =	vsub.f32 v42, v4  }
0x413: {  	v7 =	vld.idx.msk [tilespmem:v7+s2+$0x0], $0xffff;
	v8 =	vsub.f32 v43, v50;
	v9 =	vmul.f32 v52, v52;
	v12 =	vsub.f32 v38, v51  }
0x414: {  	v6 =	vld.idx.msk [tilespmem:v6+s2+$0x0], $0xffff;
	v13 =	vsub.f32 v39, v53;
	v1 =	vadd.f32 v1, v47  }
0x415: {  	v4 =	vmul.f32 v4, v4;
	v8 =	vmul.f32 v8, v8;
	v9 =	vadd.f32 v46, v9  }
0x416: {  	v12 =	vmul.f32 v12, v12;
	v2 =	vsub.f32 v55, v2;
	v10 =	vsub.f32 v44, v49  }
0x417: {  	v59 =	vmul.f32 v13, v13;
	v3 =	vadd.f32 v3, v4;
	v5 =	vadd.f32 v5, v8  }
0x418: {  	v11 =	vmul.f32 v48, v48;
	v60 =	vadd.f32 v12, v45;
	v7 =	vsub.f32 v40, v7  }
0x419: {  	v2 =	vmul.f32 v2, v2;
	v6 =	vsub.f32 v41, v6;
	v1 =	vadd.f32 v59, v1  }
0x41a: {  	v10 =	vmul.f32 v10, v10;
	v3 =	vadd.f32 v3, v30;
	v5 =	vadd.f32 v5, v31  }
0x41b: {  	v2 =	vadd.f32 v11, v2;
	v7 =	vmul.f32 v7, v7;
	v6 =	vmul.f32 v6, v6  }
0x41c: {  	v62 =	vadd.f32 v60, v33;
	v0 =	vadd.f32 v0, v10  }
0x41d: {  	v61 =	vadd.f32 v7, v9;
	v2 =	vadd.f32 v6, v2  }
0x41e: {  	v1 =	vadd.f32 v1, v34;
	v0 =	vadd.f32 v0, v32  }
0x41f: {  	v4 =	vadd.f32 v61, v35;
	v2 =	vadd.f32 v2, v36  }
0x420: {  	v3 =	vadd.f32 v5, v3;
	v0 =	vadd.f32 v0, v29  }
0x421: {  	v1 =	vadd.f32 v1, v62;
	v2 =	vadd.f32 v2, v4  }
0x422: {  	v0 =	vadd.f32 v0, v3  }
0x423: {  	v1 =	vadd.f32 v2, v1  }
0x424: {  	[tilespmem:$0x1E080] =	vst v0  }
0x425: {  	s1 =	simm.s32 $0x1E080;
	[tilespmem:$0x1E100] =	vst v1  }
0x426: {  	[hbm4b:s19+s2] =	stream.linear.scatter [tilespmem:s1], [sflag:$0x4], $0x10, $0x38;
	[tilespmem:$0x1E180] =	vst v63  }
0x427: {  	s26 =	sadd.s32 $0x1, s26;
	_ =	swait.ge [sflag:s24], $0x10  }
0x428: {  	p0 =	sne.s32 s26, s21;
	[sflag:s24] =	ssyncset.done $0x0  }
.Ltmp4:
0x429: {  	s28 =	simm.s32 $0x1E100;
	[sflag:s24] =	ssyncadd.s32 $0xFFFFFFF0;
	(pc) =	sbr.rel @p0 .LBB2_1-.Ltmp4, $4  }
0x42a: {  	[hbm4b:s20+s2] =	stream.linear.scatter [tilespmem:s28], [sflag:$0x4], $0x10, $0x38;
	[tilespmem:$0x1E180] =	vst v63  }
0x42b: {  	_ =	swait.ge [sflag:s24], $0x10  }
0x42c: {  	[sflag:s24] =	ssyncset.done $0x0  }
0x42d: {  	[sflag:s24] =	ssyncadd.s32 $0xFFFFFFF0  }
0x42e: {  	_ =	sfence.sel $0x180000  }
0x42f: {  	[bflag:$0x0] =	sbarrier.arrive $0xFFFF  }
0x430: {  	_ =	strace $0x90000047  }
0x431: {  	s0 =	stileid.u32;
	[bflag:$0x2] =	sbarrier.arrive $0xFFFF  }
0x432: {  	p0 =	sne.s32 s0, $0x0;
	s0 =	rddreg [dreg:$0x5]  }
0x433: {  	s0 =	sadd.s32 @!p0 $0x100000, s0  }
0x434: {  	[sflag:s0] =	ssyncadd.tile.s32 @!p0 $0x1;
	_ =	shalt  }
.Lfunc_end2:
_tile_overlayer_lowered:
.L_overlay_start_2:
0x435: {  	(tag) =	ssettag $0x2  }
0x436: {  	s0 =	rddreg [dreg:$0x0];
	s2 =	stileid.u32  }
0x437: {  	s1 =	rddreg [dreg:$0x1];
	p0 =	sne.s32 s2, $0x0  }
0x438: {  	s3 =	rddreg [dreg:$0x2];
	[bflag:$0x3] =	sbarrier.arrive $0xFFFF;
	s2 =	simm.s32 @!p0 $0x1C04  }
0x439: {  	[timem:s3], [sflag:s2] =	dma.local @!p0 [hbm:s0], s1  }
0x43a: {  	s0 =	simm.s32 @!p0 $0x4  }
0x43b: {  	_ =	swait.ge @!p0 [sflag:s0], s1  }
0x43c: {  	s1 =	ssub.s32 @!p0 $0x0, s1;
	[sflag:s0] =	ssyncset.done @!p0 $0x0  }
0x43d: {  	[sflag:s0] =	ssyncadd.s32 @!p0 s1  }
0x43e: {  	[bflag:$0x3] =	sbarrier.arrive $0xFFFF  }
0x43f: {  	_ =	shalt  }

</sc_bundles>
